<compile_context>
chip_gen: v7x
topology: tpu7x:2x2x1
jax: 0.10.2.dev20260603
libtpu: 0.0.44.dev20260713+nightly
codegen_flags: <defaults>
</compile_context>

<pallas_src>
import functools

import jax
import jax.numpy as jnp
from jax import lax
from jax.experimental import pallas as pl
from jax.experimental.pallas import tpu as pltpu
from jax.experimental.pallas import tpu_sc as plsc

N = 10000
M = 32
E = N * M
ORIG = 128
NBR = 16
AFL = 64
NC = 128
NA = 78

SC_CORES = 2
SC_SUB = 16
NW = SC_CORES * SC_SUB
EW = E // NW
IDXW = 40
NROW = EW // IDXW
GRP = 2
NOUT = NROW // GRP
CH = IDXW * GRP
NP = 10240
RPS = NP // SC_SUB

PIDXW = 104
PROWS = 3
PW = PIDXW * PROWS



def _mm(a, b):
    return _dot(a.astype(jnp.bfloat16), b.astype(jnp.bfloat16))


def _dot(a, b):
    return lax.dot_general(a, b, (((1,), (0,)), ((), ())),
                           preferred_element_type=jnp.float32)


def _mm3(a, bh, bl):
    del bl
    return _dot(a.astype(jnp.bfloat16), bh)


def _split(w):
    hi = w.astype(jnp.bfloat16)
    lo = (w - hi.astype(jnp.float32)).astype(jnp.bfloat16)
    return hi, lo


def _blkdiag(w, k):
    kk, jj = w.shape
    eye = jnp.eye(k, dtype=w.dtype)
    return (eye[:, None, :, None] * w[None, :, None, :]).reshape(k * kk, k * jj)


def _embed_body(a_ref, w_ref, b_ref, o_ref):
    af = _mm(a_ref[...], w_ref[...]) + b_ref[...]
    o_ref[...] = jnp.concatenate([af, jnp.zeros_like(af)], axis=1)


def _embed(atom_fea, w, b):
    return pl.pallas_call(
        _embed_body,
        grid=(10,),
        in_specs=[
            pl.BlockSpec((N // 10, ORIG), lambda i: (i, 0)),
            pl.BlockSpec((ORIG, AFL), lambda i: (0, 0)),
            pl.BlockSpec((1, AFL), lambda i: (0, 0)),
        ],
        out_specs=pl.BlockSpec((N // 10, 2 * AFL), lambda i: (i, 0)),
        out_shape=jax.ShapeDtypeStruct((N, 2 * AFL), jnp.float32),
    )(atom_fea, w, b.reshape(1, AFL))


_BE = 2560
_GA = _BE // M


def _edge_mlp_body(nbr_ref, w1, b1, w2, b2, w3, b3, t_ref, ezs_ref):
    h = jnp.maximum(_mm(nbr_ref[...], w1[...]) + b1[...], 0.0)
    h = jnp.maximum(_mm(h, w2[...]) + b2[...], 0.0)
    t = _mm(h, w3[...]) + b3[...]
    t_ref[...] = jnp.concatenate([t, jnp.zeros_like(t)], axis=1)
    ezs_ref[...] = jnp.sum(t.reshape(_GA, M, AFL), axis=1)


def _edge_mlp(nbr_flat, w1, b1, w2, b2, w3, b3):
    return pl.pallas_call(
        _edge_mlp_body,
        grid=(E // _BE,),
        in_specs=[
            pl.BlockSpec((_BE, NBR), lambda i: (i, 0)),
            pl.BlockSpec((NBR, 256), lambda i: (0, 0)),
            pl.BlockSpec((1, 256), lambda i: (0, 0)),
            pl.BlockSpec((256, 128), lambda i: (0, 0)),
            pl.BlockSpec((1, 128), lambda i: (0, 0)),
            pl.BlockSpec((128, AFL), lambda i: (0, 0)),
            pl.BlockSpec((1, AFL), lambda i: (0, 0)),
        ],
        out_specs=[
            pl.BlockSpec((_BE, 2 * AFL), lambda i: (i, 0)),
            pl.BlockSpec((_GA, AFL), lambda i: (i, 0)),
        ],
        out_shape=[
            jax.ShapeDtypeStruct((E, 2 * AFL), jnp.float32),
            jax.ShapeDtypeStruct((N, AFL), jnp.float32),
        ],
    )(nbr_flat, w1, b1.reshape(1, 256), w2, b2.reshape(1, 128), w3,
      b3.reshape(1, AFL))


def _bn_body(a_ref, x_ref):
    a = a_ref[...][:, :AFL]
    m = jnp.mean(a, axis=0, keepdims=True)
    v = jnp.mean((a - m) * (a - m), axis=0, keepdims=True)
    xn = (a - m) * lax.rsqrt(v + 1e-5)
    x_ref[...] = jnp.concatenate([xn, jnp.zeros_like(xn)], axis=1)


def _bn(a):
    return pl.pallas_call(
        _bn_body,
        out_shape=jax.ShapeDtypeStruct((N, 2 * AFL), jnp.float32),
    )(a)


def _comb_body(x_ref, ezs_ref, ezt_ref, o_ref):
    ezt = ezt_ref[...]
    o_ref[...] = (x_ref[...][:, :AFL] + ezs_ref[...]
                  + ezt[0, :N, :AFL] + ezt[1, :N, :AFL])


def _combine(x, ezs, ezt_p):
    return pl.pallas_call(
        _comb_body,
        out_shape=jax.ShapeDtypeStruct((N, AFL), jnp.float32),
    )(x, ezs, ezt_p)


def _msg_body(xi_ref, comb_ref, we1, be1, we2, be2, o_ref):
    xi = xi_ref[...][:, :AFL]
    xj = jnp.broadcast_to(comb_ref[...].reshape(_GA, 1, AFL),
                          (_GA, M, AFL)).reshape(_BE, AFL)
    cat = jnp.concatenate([xi, xj - xi], axis=1)
    h = jnp.maximum(_mm(cat, we1[...]) + be1[...], 0.0)
    msg = _mm(h, we2[...]) + be2[...]
    o_ref[...] = jnp.concatenate([msg, jnp.zeros_like(msg)], axis=1)


def _msg(xi, comb, we1, be1, we2, be2):
    return pl.pallas_call(
        _msg_body,
        grid=(E // _BE,),
        in_specs=[
            pl.BlockSpec((_BE, 2 * AFL), lambda i: (i, 0)),
            pl.BlockSpec((_GA, AFL), lambda i: (i, 0)),
            pl.BlockSpec((2 * AFL, 256), lambda i: (0, 0)),
            pl.BlockSpec((1, 256), lambda i: (0, 0)),
            pl.BlockSpec((256, AFL), lambda i: (0, 0)),
            pl.BlockSpec((1, AFL), lambda i: (0, 0)),
        ],
        out_specs=pl.BlockSpec((_BE, 2 * AFL), lambda i: (i, 0)),
        out_shape=jax.ShapeDtypeStruct((E, 2 * AFL), jnp.float32),
    )(xi, comb, we1, be1.reshape(1, 256), we2, be2.reshape(1, AFL))


def _tail_body(s_ref, cnt_ref, comb_ref, o_ref):
    cnt_p = cnt_ref[...]
    cnt = jnp.maximum(cnt_p[0, :N, :1] + cnt_p[1, :N, :1], 1.0)
    s_p = s_ref[...]
    agg = (s_p[0, :N, :AFL] + s_p[1, :N, :AFL]) / cnt
    m = jnp.mean(agg, axis=0, keepdims=True)
    v = jnp.mean((agg - m) * (agg - m), axis=0, keepdims=True)
    af = (agg - m) * lax.rsqrt(v + 1e-5) + comb_ref[...]
    o_ref[...] = jnp.concatenate([af, jnp.zeros_like(af)], axis=1)


def _tail(s_p, cnt_p, comb):
    return pl.pallas_call(
        _tail_body,
        out_shape=jax.ShapeDtypeStruct((N, 2 * AFL), jnp.float32),
    )(s_p, cnt_p, comb)


def _head_body(g_ref, wfc, bfc, wh1, bh1, wh2, bh2, wo, bo, o_ref):
    pooled = jnp.mean(g_ref[...][:, :, :AFL], axis=1)
    h = _mm(pooled, wfc[...]) + bfc[...]
    h = jnp.maximum(_mm(h, wh1[...]) + bh1[...], 0.0)
    h = jnp.maximum(_mm(h, wh2[...]) + bh2[...], 0.0)
    o_ref[...] = _mm(h, wo[...]) + bo[...]


def _head(gathered, p):
    return pl.pallas_call(
        _head_body,
        out_shape=jax.ShapeDtypeStruct((NC, 1), jnp.float32),
    )(gathered.reshape(NC, NA, 2 * AFL), p['W_fc'], p['b_fc'].reshape(1, 256),
      p['Wh1'], p['bh1'].reshape(1, 128), p['Wh2'], p['bh2'].reshape(1, 64),
      p['Wout'], p['bout'].reshape(1, 1))



@functools.cache
def _mesh():
    return plsc.VectorSubcoreMesh(core_axis_name="c", subcore_axis_name="s",
                                  num_cores=SC_CORES, num_subcores=SC_SUB)


def _zero_acc(z, acc, s):
    off = pl.multiple_of(s * RPS, 8)
    pltpu.sync_copy(z.at[pl.ds(off, RPS)], acc.at[pl.ds(off, RPS)])


def _dump_acc(acc, out, c, s):
    off = pl.multiple_of(s * RPS, 8)
    pltpu.sync_copy(acc.at[pl.ds(off, RPS)], out.at[c, pl.ds(off, RPS)])


def _sc_cnt_body(idx_hbm, z16, ones_hbm, cnt_out,
                 idx_v, ones_v, sems, acc16):
    c = lax.axis_index("c")
    s = lax.axis_index("s")
    w = c * SC_SUB + s
    pltpu.sync_copy(idx_hbm.at[w], idx_v)
    pltpu.sync_copy(ones_hbm, ones_v)
    _zero_acc(z16, acc16, s)
    plsc.subcore_barrier()

    def chunk(j, carry):
        sd = []
        for i in range(GRP):
            row = j * GRP + i
            sd.append(pltpu.async_copy(ones_v, acc16.at[idx_v.at[row]],
                                       sems, add=True))
        for d in sd:
            d.wait()
        return carry

    lax.fori_loop(0, NOUT, chunk, 0)
    plsc.subcore_barrier()
    _dump_acc(acc16, cnt_out, c, s)


def _sc_scatter_gather_body(t_hbm, x_hbm, idx_hbm, z64,
                            ezt_out, xi_out,
                            idx_v, tbuf, xbuf, semt, semg, sems,
                            acc64):
    c = lax.axis_index("c")
    s = lax.axis_index("s")
    w = c * SC_SUB + s
    pltpu.sync_copy(idx_hbm.at[w], idx_v)
    _zero_acc(z64, acc64, s)
    plsc.subcore_barrier()

    base0 = pl.multiple_of(w * EW, 8)
    pltpu.async_copy(t_hbm.at[pl.ds(base0, CH)], tbuf, semt)

    def chunk(j, carry):
        pltpu.make_async_copy(t_hbm.at[pl.ds(0, CH)], tbuf, semt).wait()
        gd = []
        sd = []
        for i in range(GRP):
            row = j * GRP + i
            gd.append(pltpu.async_copy(x_hbm.at[idx_v.at[row]],
                                      xbuf.at[pl.ds(i * IDXW, IDXW)], semg))
            sd.append(pltpu.async_copy(tbuf.at[pl.ds(i * IDXW, IDXW)],
                                       acc64.at[idx_v.at[row]], sems,
                                       add=True))
        for d in sd:
            d.wait()
        nxt = j + 1

        @pl.when(nxt < NOUT)
        def _():
            nb = pl.multiple_of(w * EW + nxt * CH, 8)
            pltpu.async_copy(t_hbm.at[pl.ds(nb, CH)], tbuf, semt)

        for d in gd:
            d.wait()
        base = pl.multiple_of(w * EW + j * CH, 8)
        pltpu.sync_copy(xbuf, xi_out.at[pl.ds(base, CH)])
        return carry

    lax.fori_loop(0, NOUT, chunk, 0)
    plsc.subcore_barrier()
    _dump_acc(acc64, ezt_out, c, s)


def _sc_scatter_body(v_hbm, idx_hbm, z64, s_out,
                     idx_v, vbuf0, vbuf1, semt0, semt1, sems, acc64):
    c = lax.axis_index("c")
    s = lax.axis_index("s")
    w = c * SC_SUB + s
    pltpu.sync_copy(idx_hbm.at[w], idx_v)
    _zero_acc(z64, acc64, s)
    plsc.subcore_barrier()

    vbufs = ((vbuf0, semt0), (vbuf1, semt1))
    base0 = pl.multiple_of(w * EW, 8)
    pltpu.async_copy(v_hbm.at[pl.ds(base0, CH)], vbuf0, semt0)
    pltpu.async_copy(v_hbm.at[pl.ds(base0 + CH, CH)], vbuf1, semt1)

    def do_chunk(j, b, prefetch):
        vb, st = vbufs[b]
        pltpu.make_async_copy(v_hbm.at[pl.ds(0, CH)], vb, st).wait()
        sd = []
        for i in range(GRP):
            row = j * GRP + i
            sd.append(pltpu.async_copy(vb.at[pl.ds(i * IDXW, IDXW)],
                                       acc64.at[idx_v.at[row]], sems,
                                       add=True))
        for d in sd:
            d.wait()
        if prefetch:
            nxt = j + 2

            @pl.when(nxt < NOUT)
            def _():
                nb = pl.multiple_of(w * EW + nxt * CH, 8)
                pltpu.async_copy(v_hbm.at[pl.ds(nb, CH)], vb, st)

    def outer(k, carry):
        do_chunk(2 * k, 0, True)
        do_chunk(2 * k + 1, 1, True)
        return carry

    lax.fori_loop(0, NOUT // 2, outer, 0)
    do_chunk(NOUT - 1, 0, False)
    plsc.subcore_barrier()
    _dump_acc(acc64, s_out, c, s)


def _sc_pool_body(af_hbm, cidx_hbm, g_out, cidx_v, gbuf, sem):
    c = lax.axis_index("c")
    s = lax.axis_index("s")
    w = c * SC_SUB + s
    pltpu.sync_copy(cidx_hbm.at[w], cidx_v)
    for i in range(PROWS):
        pltpu.async_copy(af_hbm.at[cidx_v.at[i]],
                         gbuf.at[pl.ds(i * PIDXW, PIDXW)], sem).wait()
    pltpu.sync_copy(gbuf, g_out.at[pl.ds(pl.multiple_of(w * PW, 8), PW)])


@functools.cache
def _get_sc_cnt():
  return pl.kernel(
    _sc_cnt_body,
    out_type=jax.ShapeDtypeStruct((SC_CORES, NP, 16), jnp.float32),
    mesh=_mesh(),
    compiler_params=pltpu.CompilerParams(use_tc_tiling_on_sc=False),
    scratch_types=[
        pltpu.VMEM((NROW, IDXW), jnp.int32),
        pltpu.VMEM((IDXW, 16), jnp.float32),
        pltpu.SemaphoreType.DMA,
        pltpu.VMEM_SHARED((NP, 16), jnp.float32),
    ],
)

@functools.cache
def _get_sc_scatter_gather():
  return pl.kernel(
    _sc_scatter_gather_body,
    out_type=(
        jax.ShapeDtypeStruct((SC_CORES, NP, 2 * AFL), jnp.float32),
        jax.ShapeDtypeStruct((E, 2 * AFL), jnp.float32),
    ),
    mesh=_mesh(),
    compiler_params=pltpu.CompilerParams(use_tc_tiling_on_sc=False),
    scratch_types=[
        pltpu.VMEM((NROW, IDXW), jnp.int32),
        pltpu.VMEM((CH, 2 * AFL), jnp.float32),
        pltpu.VMEM((CH, 2 * AFL), jnp.float32),
        pltpu.SemaphoreType.DMA,
        pltpu.SemaphoreType.DMA,
        pltpu.SemaphoreType.DMA,
        pltpu.VMEM_SHARED((NP, 2 * AFL), jnp.float32),
    ],
)

@functools.cache
def _get_sc_scatter():
  return pl.kernel(
    _sc_scatter_body,
    out_type=jax.ShapeDtypeStruct((SC_CORES, NP, 2 * AFL), jnp.float32),
    mesh=_mesh(),
    compiler_params=pltpu.CompilerParams(use_tc_tiling_on_sc=False),
    scratch_types=[
        pltpu.VMEM((NROW, IDXW), jnp.int32),
        pltpu.VMEM((CH, 2 * AFL), jnp.float32),
        pltpu.VMEM((CH, 2 * AFL), jnp.float32),
        pltpu.SemaphoreType.DMA,
        pltpu.SemaphoreType.DMA,
        pltpu.SemaphoreType.DMA,
        pltpu.VMEM_SHARED((NP, 2 * AFL), jnp.float32),
    ],
)

@functools.cache
def _get_sc_pool():
  return pl.kernel(
    _sc_pool_body,
    out_type=jax.ShapeDtypeStruct((NC * NA, 2 * AFL), jnp.float32),
    mesh=_mesh(),
    compiler_params=pltpu.CompilerParams(use_tc_tiling_on_sc=False),
    scratch_types=[
        pltpu.VMEM((PROWS, PIDXW), jnp.int32),
        pltpu.VMEM((PW, 2 * AFL), jnp.float32),
        pltpu.SemaphoreType.DMA,
    ],
)


def _sc_cnt(*args):
    return _get_sc_cnt()(*args)


def _sc_scatter_gather(*args):
    return _get_sc_scatter_gather()(*args)


def _sc_scatter(*args):
    return _get_sc_scatter()(*args)


def _sc_pool(*args):
    return _get_sc_pool()(*args)



def kernel(atom_fea, nbr_fea, nbr_fea_idx, crystal_atom_idx, params):
    p = params
    tgt3d = nbr_fea_idx.astype(jnp.int32).reshape(NW, NROW, IDXW)
    cidx3d = crystal_atom_idx.astype(jnp.int32).reshape(NW, PROWS, PIDXW)
    z64 = jnp.zeros((NP, 2 * AFL), jnp.float32)
    z16 = jnp.zeros((NP, 16), jnp.float32)
    ones16 = jnp.ones((IDXW, 16), jnp.float32)
    nbr_flat = nbr_fea.reshape(E, NBR)

    af = _embed(atom_fea, p['W_emb'], p['b_emb'])
    cnt_p = _sc_cnt(tgt3d, z16, ones16)
    for l in range(3):
        t, ezs = _edge_mlp(nbr_flat,
                           p['c%d_W1' % l], p['c%d_b1' % l],
                           p['c%d_W2' % l], p['c%d_b2' % l],
                           p['c%d_W3' % l], p['c%d_b3' % l])
        x = _bn(af)
        ezt_p, xi = _sc_scatter_gather(t, x, tgt3d, z64)
        comb = _combine(x, ezs, ezt_p)
        msg = _msg(xi, comb, p['c%d_We1' % l], p['c%d_be1' % l],
                   p['c%d_We2' % l], p['c%d_be2' % l])
        s_p = _sc_scatter(msg, tgt3d, z64)
        af = _tail(s_p, cnt_p, comb)

    gathered = _sc_pool(af, cidx3d)
    return _head(gathered, p)

# --- scband reference (transcript-rebuilt; emitter-appended) ---
"""Pipeline reference for scband-crystal-graph-conv-net-48430051230520 (READ-ONLY COPY).

The authoritative reference and input builder live on the scoring server;
editing this copy changes nothing except your own understanding.
"""

import jax, jax.numpy as jnp
import numpy as np

N, M = 10000, 32
ORIG, NBR, AFL = 128, 16, 64
NC, NA = 128, 78

def _p(key, shape):
    return jax.random.normal(key, shape, dtype=jnp.float32) * 0.05

def setup_inputs(seed: int = 0):
    key = jax.random.key(seed)
    ks = jax.random.split(key, 64)
    atom_fea = jax.random.normal(ks[0], (N, ORIG), dtype=jnp.float32)
    nbr_fea = jax.random.normal(ks[1], (N, M, NBR), dtype=jnp.float32)
    nbr_fea_idx = jax.random.randint(ks[2], (N, M), 0, N)
    crystal_atom_idx = jax.random.randint(ks[3], (NC, NA), 0, N)
    params = {}
    params['W_emb'] = _p(ks[4], (ORIG, AFL)); params['b_emb'] = jnp.zeros((AFL,), jnp.float32)
    for l in range(3):
        base = 5 + l * 5
        params['c%d_W1' % l] = _p(ks[base], (NBR, 256)); params['c%d_b1' % l] = jnp.zeros((256,), jnp.float32)
        params['c%d_W2' % l] = _p(ks[base + 1], (256, 128)); params['c%d_b2' % l] = jnp.zeros((128,), jnp.float32)
        params['c%d_W3' % l] = _p(ks[base + 2], (128, AFL)); params['c%d_b3' % l] = jnp.zeros((AFL,), jnp.float32)
        params['c%d_We1' % l] = _p(ks[base + 3], (2 * AFL, 256)); params['c%d_be1' % l] = jnp.zeros((256,), jnp.float32)
        params['c%d_We2' % l] = _p(ks[base + 4], (256, AFL)); params['c%d_be2' % l] = jnp.zeros((AFL,), jnp.float32)
    params['W_fc'] = _p(ks[20], (AFL, 256)); params['b_fc'] = jnp.zeros((256,), jnp.float32)
    params['Wh1'] = _p(ks[21], (256, 128)); params['bh1'] = jnp.zeros((128,), jnp.float32)
    params['Wh2'] = _p(ks[22], (128, 64)); params['bh2'] = jnp.zeros((64,), jnp.float32)
    params['Wout'] = _p(ks[23], (64, 1)); params['bout'] = jnp.zeros((1,), jnp.float32)
    return {'atom_fea': atom_fea, 'nbr_fea': nbr_fea, 'nbr_fea_idx': nbr_fea_idx, 'crystal_atom_idx': crystal_atom_idx, 'params': params}

def _bn(x):
    # BatchNorm1d in training mode, default affine (gamma=1, beta=0)
    m = jnp.mean(x, axis=0)
    v = jnp.var(x, axis=0)
    return (x - m) / jnp.sqrt(v + 1e-5)

def _conv_layer(af, nbr_fea, src, tgt, p, l):
    # edge_mlp: Linear-ReLU-Linear-ReLU-Linear-Dropout(identity in eval)
    h = jax.nn.relu(nbr_fea.reshape(-1, NBR) @ p['c%d_W1' % l] + p['c%d_b1' % l])
    h = jax.nn.relu(h @ p['c%d_W2' % l] + p['c%d_b2' % l])
    t = h @ p['c%d_W3' % l] + p['c%d_b3' % l]
    x = _bn(af)
    ezs = jnp.zeros_like(x).at[src].add(t)
    ezt = jnp.zeros_like(x).at[tgt].add(t)
    combined = x + ezs + ezt
    # EdgeConv with bipartite input (combined, x), aggr='mean'
    x_i = x[tgt]
    x_j = combined[src]
    msg = jnp.concatenate([x_i, x_j - x_i], axis=-1)
    msg = jax.nn.relu(msg @ p['c%d_We1' % l] + p['c%d_be1' % l])
    msg = msg @ p['c%d_We2' % l] + p['c%d_be2' % l]
    s = jax.ops.segment_sum(msg, tgt, num_segments=af.shape[0])
    cnt = jax.ops.segment_sum(jnp.ones((tgt.shape[0],), dtype=jnp.float32), tgt, num_segments=af.shape[0])
    agg = s / jnp.maximum(cnt, 1.0)[:, None]
    return _bn(agg) + combined

def reference(atom_fea, nbr_fea, nbr_fea_idx, crystal_atom_idx, params):
    p = params
    af = atom_fea @ p['W_emb'] + p['b_emb']
    src = jnp.repeat(jnp.arange(N), M)
    tgt = nbr_fea_idx.reshape(-1)
    for l in range(3):
        af = _conv_layer(af, nbr_fea, src, tgt, p, l)
    pooled = jnp.mean(af[crystal_atom_idx], axis=1)
    h = pooled @ p['W_fc'] + p['b_fc']
    h = jax.nn.relu(h @ p['Wh1'] + p['bh1'])
    h = jax.nn.relu(h @ p['Wh2'] + p['bh2'])
    return h @ p['Wout'] + p['bout']

if __name__ == "__main__":
    import jax
    _d = setup_inputs()
    print(jax.jit(kernel)(*tuple(_d.values())))

</pallas_src>

<mosaic_0001>
#map = affine_map<(d0, d1) -> (0, 0)>
#map1 = affine_map<(d0, d1) -> (0, 0, 0)>
module attributes {stable_mosaic.version = 14 : i64} {
  func.func @_sc_scatter_gather_body(%arg0: i32, %arg1: i32, %arg2: memref<320000x128xf32, #tpu.memory_space<hbm>>, %arg3: memref<10000x128xf32, #tpu.memory_space<hbm>>, %arg4: memref<32x250x40xi32, #tpu.memory_space<hbm>>, %arg5: memref<10240x128xf32, #tpu.memory_space<hbm>>, %arg6: memref<2x10240x128xf32, #tpu.memory_space<hbm>>, %arg7: memref<320000x128xf32, #tpu.memory_space<hbm>>, %arg8: memref<250x40xi32, #tpu.memory_space<vmem>>, %arg9: memref<80x128xf32, #tpu.memory_space<vmem>>, %arg10: memref<80x128xf32, #tpu.memory_space<vmem>>, %arg11: memref<!tpu.dma_semaphore, #tpu.memory_space<semaphore_mem>>, %arg12: memref<!tpu.dma_semaphore, #tpu.memory_space<semaphore_mem>>, %arg13: memref<!tpu.dma_semaphore, #tpu.memory_space<semaphore_mem>>, %arg14: memref<10240x128xf32, #tpu.memory_space<vmem_shared>>) attributes {dimension_semantics = [#tpu.dimension_semantics<core_parallel>, #tpu.dimension_semantics<subcore_parallel>], iteration_bounds = array<i64: 2, 16>, scalar_prefetch = 0 : i64, scratch_operands = 7 : i64, tpu.core_type = #tpu.core_type<sc_vector_subcore>, window_params = [{transform_indices = #map}, {transform_indices = #map}, {transform_indices = #map1}, {transform_indices = #map}, {transform_indices = #map1}, {transform_indices = #map}]} {
    %mul3A = arith.constant 16 : i32
    %mul3A_0 = arith.muli %arg0, %mul3A : i32
    %add3A = arith.addi %mul3A_0, %arg1 : i32
    "tpu.region"() ({
      %run_scoped3A = tpu.sem_alloc : memref<!tpu.dma_semaphore, #tpu.memory_space<semaphore_mem>>
      %dma_start3A_18 = arith.constant 0 : i32
      %dma_start3A_19 = arith.constant 0 : i32
      %dma_start3A_20 = tpu.memref_slice %arg4[%add3A, %dma_start3A_18, %dma_start3A_19] : memref<32x250x40xi32, #tpu.memory_space<hbm>> -> memref<1x250x40xi32, #tpu.memory_space<hbm>>
      %dma_start3A_21 = tpu.memref_squeeze %dma_start3A_20 : memref<1x250x40xi32, #tpu.memory_space<hbm>> -> memref<250x40xi32, #tpu.memory_space<hbm>>
      %dma_start3A_22 = arith.constant 0 : i32
      %dma_start3A_23 = arith.constant 0 : i32
      %dma_start3A_24 = tpu.memref_slice %arg4[%add3A, %dma_start3A_22, %dma_start3A_23] : memref<32x250x40xi32, #tpu.memory_space<hbm>> -> memref<1x250x40xi32, #tpu.memory_space<hbm>>
      %dma_start3A_25 = tpu.memref_squeeze %dma_start3A_24 : memref<1x250x40xi32, #tpu.memory_space<hbm>> -> memref<250x40xi32, #tpu.memory_space<hbm>>
      tpu.enqueue_dma source(%dma_start3A_25 : memref<250x40xi32, #tpu.memory_space<hbm>>) target(%arg8 : memref<250x40xi32, #tpu.memory_space<vmem>>) target_semaphore(%run_scoped3A : memref<!tpu.dma_semaphore, #tpu.memory_space<semaphore_mem>>)
      %dma_wait3A = arith.constant 0 : i32
      %dma_wait3A_26 = arith.constant 0 : i32
      %dma_wait3A_27 = tpu.memref_slice %arg4[%add3A, %dma_wait3A, %dma_wait3A_26] : memref<32x250x40xi32, #tpu.memory_space<hbm>> -> memref<1x250x40xi32, #tpu.memory_space<hbm>>
      %dma_wait3A_28 = tpu.memref_squeeze %dma_wait3A_27 : memref<1x250x40xi32, #tpu.memory_space<hbm>> -> memref<250x40xi32, #tpu.memory_space<hbm>>
      %dma_wait3A_29 = arith.constant 0 : i32
      %dma_wait3A_30 = arith.constant 0 : i32
      %dma_wait3A_31 = tpu.memref_slice %arg4[%add3A, %dma_wait3A_29, %dma_wait3A_30] : memref<32x250x40xi32, #tpu.memory_space<hbm>> -> memref<1x250x40xi32, #tpu.memory_space<hbm>>
      %dma_wait3A_32 = tpu.memref_squeeze %dma_wait3A_31 : memref<1x250x40xi32, #tpu.memory_space<hbm>> -> memref<250x40xi32, #tpu.memory_space<hbm>>
      tpu.wait_dma2 semaphore(%run_scoped3A : memref<!tpu.dma_semaphore, #tpu.memory_space<semaphore_mem>>) src(%dma_wait3A_32 : memref<250x40xi32, #tpu.memory_space<hbm>>) dst(%arg8 : memref<250x40xi32, #tpu.memory_space<vmem>>)
      tpu.yield
    }) : () -> ()
    %mul3A_1 = arith.constant 640 : i32
    %mul3A_2 = arith.muli %arg1, %mul3A_1 : i32
    %multiple_of3A = tpu.assume_multiple %mul3A_2, 8 : i32
    "tpu.region"() ({
      %run_scoped3A = tpu.sem_alloc : memref<!tpu.dma_semaphore, #tpu.memory_space<semaphore_mem>>
      %dma_start3A_18 = arith.constant 0 : i32
      %dma_start3A_19 = tpu.memref_slice %arg14[%multiple_of3A, %dma_start3A_18] : memref<10240x128xf32, #tpu.memory_space<vmem_shared>> -> memref<640x128xf32, #tpu.memory_space<vmem_shared>>
      %dma_start3A_20 = arith.constant 0 : i32
      %dma_start3A_21 = tpu.memref_slice %arg5[%multiple_of3A, %dma_start3A_20] : memref<10240x128xf32, #tpu.memory_space<hbm>> -> memref<640x128xf32, #tpu.memory_space<hbm>>
      tpu.enqueue_dma source(%dma_start3A_21 : memref<640x128xf32, #tpu.memory_space<hbm>>) target(%dma_start3A_19 : memref<640x128xf32, #tpu.memory_space<vmem_shared>>) target_semaphore(%run_scoped3A : memref<!tpu.dma_semaphore, #tpu.memory_space<semaphore_mem>>)
      %dma_wait3A = arith.constant 0 : i32
      %dma_wait3A_22 = tpu.memref_slice %arg14[%multiple_of3A, %dma_wait3A] : memref<10240x128xf32, #tpu.memory_space<vmem_shared>> -> memref<640x128xf32, #tpu.memory_space<vmem_shared>>
      %dma_wait3A_23 = arith.constant 0 : i32
      %dma_wait3A_24 = tpu.memref_slice %arg5[%multiple_of3A, %dma_wait3A_23] : memref<10240x128xf32, #tpu.memory_space<hbm>> -> memref<640x128xf32, #tpu.memory_space<hbm>>
      tpu.wait_dma2 semaphore(%run_scoped3A : memref<!tpu.dma_semaphore, #tpu.memory_space<semaphore_mem>>) src(%dma_wait3A_24 : memref<640x128xf32, #tpu.memory_space<hbm>>) dst(%dma_wait3A_22 : memref<640x128xf32, #tpu.memory_space<vmem_shared>>)
      tpu.yield
    }) : () -> ()
    %barrier3A = arith.constant 0 : index
    tpu.barrier barrier_id(%barrier3A)
    %mul3A_3 = arith.constant 10000 : i32
    %mul3A_4 = arith.muli %add3A, %mul3A_3 : i32
    %multiple_of3A_5 = tpu.assume_multiple %mul3A_4, 8 : i32
    %dma_start3A = arith.constant 0 : i32
    %dma_start3A_6 = tpu.memref_slice %arg2[%multiple_of3A_5, %dma_start3A] : memref<320000x128xf32, #tpu.memory_space<hbm>> -> memref<80x128xf32, #tpu.memory_space<hbm>>
    %dma_start3A_7 = arith.constant 0 : i32
    %dma_start3A_8 = tpu.memref_slice %arg2[%multiple_of3A_5, %dma_start3A_7] : memref<320000x128xf32, #tpu.memory_space<hbm>> -> memref<80x128xf32, #tpu.memory_space<hbm>>
    tpu.enqueue_dma source(%dma_start3A_8 : memref<80x128xf32, #tpu.memory_space<hbm>>) target(%arg9 : memref<80x128xf32, #tpu.memory_space<vmem>>) target_semaphore(%arg11 : memref<!tpu.dma_semaphore, #tpu.memory_space<semaphore_mem>>)
    %scan3A = arith.constant 0 : i32
    %scan3A_9 = arith.constant 0 : i32
    %scan3A_10 = arith.constant 125 : i32
    %scan3A_11 = arith.addi %scan3A_9, %scan3A_10 : i32
    %scan3A_12 = arith.constant 1 : i32
    scf.for %scan3A_18 = %scan3A_9 to %scan3A_11 step %scan3A_12  : i32 {
      %dma_wait3A = arith.constant 0 : i32
      %dma_wait3A_19 = arith.constant 0 : i32
      %dma_wait3A_20 = tpu.memref_slice %arg2[%dma_wait3A, %dma_wait3A_19] : memref<320000x128xf32, #tpu.memory_space<hbm>> -> memref<80x128xf32, #tpu.memory_space<hbm>>
      %dma_wait3A_21 = arith.constant 0 : i32
      %dma_wait3A_22 = arith.constant 0 : i32
      %dma_wait3A_23 = tpu.memref_slice %arg2[%dma_wait3A_21, %dma_wait3A_22] : memref<320000x128xf32, #tpu.memory_space<hbm>> -> memref<80x128xf32, #tpu.memory_space<hbm>>
      tpu.wait_dma2 semaphore(%arg11 : memref<!tpu.dma_semaphore, #tpu.memory_space<semaphore_mem>>) src(%dma_wait3A_23 : memref<80x128xf32, #tpu.memory_space<hbm>>) dst(%arg9 : memref<80x128xf32, #tpu.memory_space<vmem>>)
      %mul3A_24 = arith.constant 2 : i32
      %mul3A_25 = arith.muli %scan3A_18, %mul3A_24 : i32
      %add3A_26 = arith.constant 0 : i32
      %add3A_27 = arith.addi %mul3A_25, %add3A_26 : i32
      %dma_start3A_28 = arith.constant 0 : i32
      %dma_start3A_29 = arith.constant 0 : i32
      %dma_start3A_30 = tpu.memref_slice %arg10[%dma_start3A_28, %dma_start3A_29] : memref<80x128xf32, #tpu.memory_space<vmem>> -> memref<40x128xf32, #tpu.memory_space<vmem>>
      %dma_start3A_31 = arith.constant 0 : i32
      %dma_start3A_32 = tpu.memref_slice %arg8[%add3A_27, %dma_start3A_31] : memref<250x40xi32, #tpu.memory_space<vmem>> -> memref<1x40xi32, #tpu.memory_space<vmem>>
      %dma_start3A_33 = tpu.memref_squeeze %dma_start3A_32 : memref<1x40xi32, #tpu.memory_space<vmem>> -> memref<40xi32, #tpu.memory_space<vmem>>
      %dma_start3A_34 = arith.constant 0 : i32
      %dma_start3A_35 = arith.constant 0 : i32
      %dma_start3A_36 = tpu.memref_slice %arg3[%dma_start3A_34, %dma_start3A_35] : memref<10000x128xf32, #tpu.memory_space<hbm>> -> memref<10000x128xf32, #tpu.memory_space<hbm>>
      tpu.enqueue_indirect_dma source(%dma_start3A_36 : memref<10000x128xf32, #tpu.memory_space<hbm>>) target(%dma_start3A_30 : memref<40x128xf32, #tpu.memory_space<vmem>>) offsets(%dma_start3A_33 : memref<40xi32, #tpu.memory_space<vmem>>) semaphore(%arg12 : memref<!tpu.dma_semaphore, #tpu.memory_space<semaphore_mem>>)
      %dma_start3A_37 = arith.constant 0 : i32
      %dma_start3A_38 = arith.constant 0 : i32
      %dma_start3A_39 = tpu.memref_slice %arg9[%dma_start3A_37, %dma_start3A_38] : memref<80x128xf32, #tpu.memory_space<vmem>> -> memref<40x128xf32, #tpu.memory_space<vmem>>
      %dma_start3A_40 = arith.constant 0 : i32
      %dma_start3A_41 = tpu.memref_slice %arg8[%add3A_27, %dma_start3A_40] : memref<250x40xi32, #tpu.memory_space<vmem>> -> memref<1x40xi32, #tpu.memory_space<vmem>>
      %dma_start3A_42 = tpu.memref_squeeze %dma_start3A_41 : memref<1x40xi32, #tpu.memory_space<vmem>> -> memref<40xi32, #tpu.memory_space<vmem>>
      %dma_start3A_43 = arith.constant 0 : i32
      %dma_start3A_44 = arith.constant 0 : i32
      %dma_start3A_45 = tpu.memref_slice %arg14[%dma_start3A_43, %dma_start3A_44] : memref<10240x128xf32, #tpu.memory_space<vmem_shared>> -> memref<10240x128xf32, #tpu.memory_space<vmem_shared>>
      tpu.enqueue_indirect_dma source(%dma_start3A_39 : memref<40x128xf32, #tpu.memory_space<vmem>>) target(%dma_start3A_45 : memref<10240x128xf32, #tpu.memory_space<vmem_shared>>) offsets(%dma_start3A_42 : memref<40xi32, #tpu.memory_space<vmem>>) semaphore(%arg13 : memref<!tpu.dma_semaphore, #tpu.memory_space<semaphore_mem>>) {add = true}
      %mul3A_46 = arith.constant 2 : i32
      %mul3A_47 = arith.muli %scan3A_18, %mul3A_46 : i32
      %add3A_48 = arith.constant 1 : i32
      %add3A_49 = arith.addi %mul3A_47, %add3A_48 : i32
      %dma_start3A_50 = arith.constant 40 : i32
      %dma_start3A_51 = arith.constant 0 : i32
      %dma_start3A_52 = tpu.memref_slice %arg10[%dma_start3A_50, %dma_start3A_51] : memref<80x128xf32, #tpu.memory_space<vmem>> -> memref<40x128xf32, #tpu.memory_space<vmem>>
      %dma_start3A_53 = arith.constant 0 : i32
      %dma_start3A_54 = tpu.memref_slice %arg8[%add3A_49, %dma_start3A_53] : memref<250x40xi32, #tpu.memory_space<vmem>> -> memref<1x40xi32, #tpu.memory_space<vmem>>
      %dma_start3A_55 = tpu.memref_squeeze %dma_start3A_54 : memref<1x40xi32, #tpu.memory_space<vmem>> -> memref<40xi32, #tpu.memory_space<vmem>>
      %dma_start3A_56 = arith.constant 0 : i32
      %dma_start3A_57 = arith.constant 0 : i32
      %dma_start3A_58 = tpu.memref_slice %arg3[%dma_start3A_56, %dma_start3A_57] : memref<10000x128xf32, #tpu.memory_space<hbm>> -> memref<10000x128xf32, #tpu.memory_space<hbm>>
      tpu.enqueue_indirect_dma source(%dma_start3A_58 : memref<10000x128xf32, #tpu.memory_space<hbm>>) target(%dma_start3A_52 : memref<40x128xf32, #tpu.memory_space<vmem>>) offsets(%dma_start3A_55 : memref<40xi32, #tpu.memory_space<vmem>>) semaphore(%arg12 : memref<!tpu.dma_semaphore, #tpu.memory_space<semaphore_mem>>)
      %dma_start3A_59 = arith.constant 40 : i32
      %dma_start3A_60 = arith.constant 0 : i32
      %dma_start3A_61 = tpu.memref_slice %arg9[%dma_start3A_59, %dma_start3A_60] : memref<80x128xf32, #tpu.memory_space<vmem>> -> memref<40x128xf32, #tpu.memory_space<vmem>>
      %dma_start3A_62 = arith.constant 0 : i32
      %dma_start3A_63 = tpu.memref_slice %arg8[%add3A_49, %dma_start3A_62] : memref<250x40xi32, #tpu.memory_space<vmem>> -> memref<1x40xi32, #tpu.memory_space<vmem>>
      %dma_start3A_64 = tpu.memref_squeeze %dma_start3A_63 : memref<1x40xi32, #tpu.memory_space<vmem>> -> memref<40xi32, #tpu.memory_space<vmem>>
      %dma_start3A_65 = arith.constant 0 : i32
      %dma_start3A_66 = arith.constant 0 : i32
      %dma_start3A_67 = tpu.memref_slice %arg14[%dma_start3A_65, %dma_start3A_66] : memref<10240x128xf32, #tpu.memory_space<vmem_shared>> -> memref<10240x128xf32, #tpu.memory_space<vmem_shared>>
      tpu.enqueue_indirect_dma source(%dma_start3A_61 : memref<40x128xf32, #tpu.memory_space<vmem>>) target(%dma_start3A_67 : memref<10240x128xf32, #tpu.memory_space<vmem_shared>>) offsets(%dma_start3A_64 : memref<40xi32, #tpu.memory_space<vmem>>) semaphore(%arg13 : memref<!tpu.dma_semaphore, #tpu.memory_space<semaphore_mem>>) {add = true}
      %dma_wait3A_68 = arith.constant 0 : i32
      %dma_wait3A_69 = arith.constant 0 : i32
      %dma_wait3A_70 = tpu.memref_slice %arg9[%dma_wait3A_68, %dma_wait3A_69] : memref<80x128xf32, #tpu.memory_space<vmem>> -> memref<40x128xf32, #tpu.memory_space<vmem>>
      %dma_wait3A_71 = arith.constant 0 : i32
      %dma_wait3A_72 = tpu.memref_slice %arg8[%add3A_27, %dma_wait3A_71] : memref<250x40xi32, #tpu.memory_space<vmem>> -> memref<1x40xi32, #tpu.memory_space<vmem>>
      %dma_wait3A_73 = tpu.memref_squeeze %dma_wait3A_72 : memref<1x40xi32, #tpu.memory_space<vmem>> -> memref<40xi32, #tpu.memory_space<vmem>>
      %dma_wait3A_74 = arith.constant 0 : i32
      %dma_wait3A_75 = arith.constant 0 : i32
      %dma_wait3A_76 = tpu.memref_slice %arg14[%dma_wait3A_74, %dma_wait3A_75] : memref<10240x128xf32, #tpu.memory_space<vmem_shared>> -> memref<10240x128xf32, #tpu.memory_space<vmem_shared>>
      tpu.wait_indirect_dma semaphore(%arg13 : memref<!tpu.dma_semaphore, #tpu.memory_space<semaphore_mem>>) src(%dma_wait3A_70 : memref<40x128xf32, #tpu.memory_space<vmem>>) dst(%dma_wait3A_76 : memref<10240x128xf32, #tpu.memory_space<vmem_shared>>)
      %dma_wait3A_77 = arith.constant 40 : i32
      %dma_wait3A_78 = arith.constant 0 : i32
      %dma_wait3A_79 = tpu.memref_slice %arg9[%dma_wait3A_77, %dma_wait3A_78] : memref<80x128xf32, #tpu.memory_space<vmem>> -> memref<40x128xf32, #tpu.memory_space<vmem>>
      %dma_wait3A_80 = arith.constant 0 : i32
      %dma_wait3A_81 = tpu.memref_slice %arg8[%add3A_49, %dma_wait3A_80] : memref<250x40xi32, #tpu.memory_space<vmem>> -> memref<1x40xi32, #tpu.memory_space<vmem>>
      %dma_wait3A_82 = tpu.memref_squeeze %dma_wait3A_81 : memref<1x40xi32, #tpu.memory_space<vmem>> -> memref<40xi32, #tpu.memory_space<vmem>>
      %dma_wait3A_83 = arith.constant 0 : i32
      %dma_wait3A_84 = arith.constant 0 : i32
      %dma_wait3A_85 = tpu.memref_slice %arg14[%dma_wait3A_83, %dma_wait3A_84] : memref<10240x128xf32, #tpu.memory_space<vmem_shared>> -> memref<10240x128xf32, #tpu.memory_space<vmem_shared>>
      tpu.wait_indirect_dma semaphore(%arg13 : memref<!tpu.dma_semaphore, #tpu.memory_space<semaphore_mem>>) src(%dma_wait3A_79 : memref<40x128xf32, #tpu.memory_space<vmem>>) dst(%dma_wait3A_85 : memref<10240x128xf32, #tpu.memory_space<vmem_shared>>)
      %add3A_86 = arith.constant 1 : i32
      %add3A_87 = arith.addi %scan3A_18, %add3A_86 : i32
      %lt3A = arith.constant 125 : i32
      %lt3A_88 = arith.cmpi slt, %add3A_87, %lt3A : i32
      %convert_element_type3A = arith.extui %lt3A_88 : i1 to i32
      %cond3A = arith.constant 0 : i32
      %cond3A_89 = arith.cmpi ne, %convert_element_type3A, %cond3A : i32
      scf.if %cond3A_89 {
        %mul3A_114 = arith.constant 10000 : i32
        %mul3A_115 = arith.muli %add3A, %mul3A_114 : i32
        %mul3A_116 = arith.constant 80 : i32
        %mul3A_117 = arith.muli %add3A_87, %mul3A_116 : i32
        %add3A_118 = arith.addi %mul3A_115, %mul3A_117 : i32
        %multiple_of3A_119 = tpu.assume_multiple %add3A_118, 8 : i32
        %dma_start3A_120 = arith.constant 0 : i32
        %dma_start3A_121 = tpu.memref_slice %arg2[%multiple_of3A_119, %dma_start3A_120] : memref<320000x128xf32, #tpu.memory_space<hbm>> -> memref<80x128xf32, #tpu.memory_space<hbm>>
        %dma_start3A_122 = arith.constant 0 : i32
        %dma_start3A_123 = tpu.memref_slice %arg2[%multiple_of3A_119, %dma_start3A_122] : memref<320000x128xf32, #tpu.memory_space<hbm>> -> memref<80x128xf32, #tpu.memory_space<hbm>>
        tpu.enqueue_dma source(%dma_start3A_123 : memref<80x128xf32, #tpu.memory_space<hbm>>) target(%arg9 : memref<80x128xf32, #tpu.memory_space<vmem>>) target_semaphore(%arg11 : memref<!tpu.dma_semaphore, #tpu.memory_space<semaphore_mem>>)
      } else {
      }
      %dma_wait3A_90 = arith.constant 0 : i32
      %dma_wait3A_91 = arith.constant 0 : i32
      %dma_wait3A_92 = tpu.memref_slice %arg10[%dma_wait3A_90, %dma_wait3A_91] : memref<80x128xf32, #tpu.memory_space<vmem>> -> memref<40x128xf32, #tpu.memory_space<vmem>>
      %dma_wait3A_93 = arith.constant 0 : i32
      %dma_wait3A_94 = tpu.memref_slice %arg8[%add3A_27, %dma_wait3A_93] : memref<250x40xi32, #tpu.memory_space<vmem>> -> memref<1x40xi32, #tpu.memory_space<vmem>>
      %dma_wait3A_95 = tpu.memref_squeeze %dma_wait3A_94 : memref<1x40xi32, #tpu.memory_space<vmem>> -> memref<40xi32, #tpu.memory_space<vmem>>
      %dma_wait3A_96 = arith.constant 0 : i32
      %dma_wait3A_97 = arith.constant 0 : i32
      %dma_wait3A_98 = tpu.memref_slice %arg3[%dma_wait3A_96, %dma_wait3A_97] : memref<10000x128xf32, #tpu.memory_space<hbm>> -> memref<10000x128xf32, #tpu.memory_space<hbm>>
      tpu.wait_indirect_dma semaphore(%arg12 : memref<!tpu.dma_semaphore, #tpu.memory_space<semaphore_mem>>) src(%dma_wait3A_98 : memref<10000x128xf32, #tpu.memory_space<hbm>>) dst(%dma_wait3A_92 : memref<40x128xf32, #tpu.memory_space<vmem>>)
      %dma_wait3A_99 = arith.constant 40 : i32
      %dma_wait3A_100 = arith.constant 0 : i32
      %dma_wait3A_101 = tpu.memref_slice %arg10[%dma_wait3A_99, %dma_wait3A_100] : memref<80x128xf32, #tpu.memory_space<vmem>> -> memref<40x128xf32, #tpu.memory_space<vmem>>
      %dma_wait3A_102 = arith.constant 0 : i32
      %dma_wait3A_103 = tpu.memref_slice %arg8[%add3A_49, %dma_wait3A_102] : memref<250x40xi32, #tpu.memory_space<vmem>> -> memref<1x40xi32, #tpu.memory_space<vmem>>
      %dma_wait3A_104 = tpu.memref_squeeze %dma_wait3A_103 : memref<1x40xi32, #tpu.memory_space<vmem>> -> memref<40xi32, #tpu.memory_space<vmem>>
      %dma_wait3A_105 = arith.constant 0 : i32
      %dma_wait3A_106 = arith.constant 0 : i32
      %dma_wait3A_107 = tpu.memref_slice %arg3[%dma_wait3A_105, %dma_wait3A_106] : memref<10000x128xf32, #tpu.memory_space<hbm>> -> memref<10000x128xf32, #tpu.memory_space<hbm>>
      tpu.wait_indirect_dma semaphore(%arg12 : memref<!tpu.dma_semaphore, #tpu.memory_space<semaphore_mem>>) src(%dma_wait3A_107 : memref<10000x128xf32, #tpu.memory_space<hbm>>) dst(%dma_wait3A_101 : memref<40x128xf32, #tpu.memory_space<vmem>>)
      %mul3A_108 = arith.constant 10000 : i32
      %mul3A_109 = arith.muli %add3A, %mul3A_108 : i32
      %mul3A_110 = arith.constant 80 : i32
      %mul3A_111 = arith.muli %scan3A_18, %mul3A_110 : i32
      %add3A_112 = arith.addi %mul3A_109, %mul3A_111 : i32
      %multiple_of3A_113 = tpu.assume_multiple %add3A_112, 8 : i32
      "tpu.region"() ({
        %run_scoped3A = tpu.sem_alloc : memref<!tpu.dma_semaphore, #tpu.memory_space<semaphore_mem>>
        %dma_start3A_114 = arith.constant 0 : i32
        %dma_start3A_115 = tpu.memref_slice %arg7[%multiple_of3A_113, %dma_start3A_114] : memref<320000x128xf32, #tpu.memory_space<hbm>> -> memref<80x128xf32, #tpu.memory_space<hbm>>
        %dma_start3A_116 = arith.constant 0 : i32
        %dma_start3A_117 = tpu.memref_slice %arg7[%multiple_of3A_113, %dma_start3A_116] : memref<320000x128xf32, #tpu.memory_space<hbm>> -> memref<80x128xf32, #tpu.memory_space<hbm>>
        tpu.enqueue_dma source(%arg10 : memref<80x128xf32, #tpu.memory_space<vmem>>) target(%dma_start3A_117 : memref<80x128xf32, #tpu.memory_space<hbm>>) target_semaphore(%run_scoped3A : memref<!tpu.dma_semaphore, #tpu.memory_space<semaphore_mem>>)
        %dma_wait3A_118 = arith.constant 0 : i32
        %dma_wait3A_119 = tpu.memref_slice %arg7[%multiple_of3A_113, %dma_wait3A_118] : memref<320000x128xf32, #tpu.memory_space<hbm>> -> memref<80x128xf32, #tpu.memory_space<hbm>>
        %dma_wait3A_120 = arith.constant 0 : i32
        %dma_wait3A_121 = tpu.memref_slice %arg7[%multiple_of3A_113, %dma_wait3A_120] : memref<320000x128xf32, #tpu.memory_space<hbm>> -> memref<80x128xf32, #tpu.memory_space<hbm>>
        tpu.wait_dma2 semaphore(%run_scoped3A : memref<!tpu.dma_semaphore, #tpu.memory_space<semaphore_mem>>) src(%arg10 : memref<80x128xf32, #tpu.memory_space<vmem>>) dst(%dma_wait3A_121 : memref<80x128xf32, #tpu.memory_space<hbm>>)
        tpu.yield
      }) : () -> ()
    }
    %scan3A_13 = arith.constant 125 : i32
    %barrier3A_14 = arith.constant 0 : index
    tpu.barrier barrier_id(%barrier3A_14)
    %mul3A_15 = arith.constant 640 : i32
    %mul3A_16 = arith.muli %arg1, %mul3A_15 : i32
    %multiple_of3A_17 = tpu.assume_multiple %mul3A_16, 8 : i32
    "tpu.region"() ({
      %run_scoped3A = tpu.sem_alloc : memref<!tpu.dma_semaphore, #tpu.memory_space<semaphore_mem>>
      %dma_start3A_18 = arith.constant 0 : i32
      %dma_start3A_19 = tpu.memref_slice %arg6[%arg0, %multiple_of3A_17, %dma_start3A_18] : memref<2x10240x128xf32, #tpu.memory_space<hbm>> -> memref<1x640x128xf32, #tpu.memory_space<hbm>>
      %dma_start3A_20 = tpu.memref_squeeze %dma_start3A_19 : memref<1x640x128xf32, #tpu.memory_space<hbm>> -> memref<640x128xf32, #tpu.memory_space<hbm>>
      %dma_start3A_21 = arith.constant 0 : i32
      %dma_start3A_22 = tpu.memref_slice %arg14[%multiple_of3A_17, %dma_start3A_21] : memref<10240x128xf32, #tpu.memory_space<vmem_shared>> -> memref<640x128xf32, #tpu.memory_space<vmem_shared>>
      tpu.enqueue_dma source(%dma_start3A_22 : memref<640x128xf32, #tpu.memory_space<vmem_shared>>) target(%dma_start3A_20 : memref<640x128xf32, #tpu.memory_space<hbm>>) target_semaphore(%run_scoped3A : memref<!tpu.dma_semaphore, #tpu.memory_space<semaphore_mem>>)
      %dma_wait3A = arith.constant 0 : i32
      %dma_wait3A_23 = tpu.memref_slice %arg6[%arg0, %multiple_of3A_17, %dma_wait3A] : memref<2x10240x128xf32, #tpu.memory_space<hbm>> -> memref<1x640x128xf32, #tpu.memory_space<hbm>>
      %dma_wait3A_24 = tpu.memref_squeeze %dma_wait3A_23 : memref<1x640x128xf32, #tpu.memory_space<hbm>> -> memref<640x128xf32, #tpu.memory_space<hbm>>
      %dma_wait3A_25 = arith.constant 0 : i32
      %dma_wait3A_26 = tpu.memref_slice %arg14[%multiple_of3A_17, %dma_wait3A_25] : memref<10240x128xf32, #tpu.memory_space<vmem_shared>> -> memref<640x128xf32, #tpu.memory_space<vmem_shared>>
      tpu.wait_dma2 semaphore(%run_scoped3A : memref<!tpu.dma_semaphore, #tpu.memory_space<semaphore_mem>>) src(%dma_wait3A_26 : memref<640x128xf32, #tpu.memory_space<vmem_shared>>) dst(%dma_wait3A_24 : memref<640x128xf32, #tpu.memory_space<hbm>>)
      tpu.yield
    }) : () -> ()
    return
  }
}

#map = affine_map<(d0, d1) -> (0, 0, 0)>
#map1 = affine_map<(d0, d1) -> (0, 0)>
module attributes {stable_mosaic.version = 14 : i64} {
  func.func @_sc_cnt_body(%arg0: i32, %arg1: i32, %arg2: memref<32x250x40xi32, #tpu.memory_space<hbm>>, %arg3: memref<10240x16xf32, #tpu.memory_space<hbm>>, %arg4: memref<40x16xf32, #tpu.memory_space<hbm>>, %arg5: memref<2x10240x16xf32, #tpu.memory_space<hbm>>, %arg6: memref<250x40xi32, #tpu.memory_space<vmem>>, %arg7: memref<40x16xf32, #tpu.memory_space<vmem>>, %arg8: memref<!tpu.dma_semaphore, #tpu.memory_space<semaphore_mem>>, %arg9: memref<10240x16xf32, #tpu.memory_space<vmem_shared>>) attributes {dimension_semantics = [#tpu.dimension_semantics<core_parallel>, #tpu.dimension_semantics<subcore_parallel>], iteration_bounds = array<i64: 2, 16>, scalar_prefetch = 0 : i64, scratch_operands = 4 : i64, tpu.core_type = #tpu.core_type<sc_vector_subcore>, window_params = [{transform_indices = #map}, {transform_indices = #map1}, {transform_indices = #map1}, {transform_indices = #map}]} {
    %mul3A = arith.constant 16 : i32
    %mul3A_0 = arith.muli %arg0, %mul3A : i32
    %add3A = arith.addi %mul3A_0, %arg1 : i32
    "tpu.region"() ({
      %run_scoped3A = tpu.sem_alloc : memref<!tpu.dma_semaphore, #tpu.memory_space<semaphore_mem>>
      %dma_start3A = arith.constant 0 : i32
      %dma_start3A_12 = arith.constant 0 : i32
      %dma_start3A_13 = tpu.memref_slice %arg2[%add3A, %dma_start3A, %dma_start3A_12] : memref<32x250x40xi32, #tpu.memory_space<hbm>> -> memref<1x250x40xi32, #tpu.memory_space<hbm>>
      %dma_start3A_14 = tpu.memref_squeeze %dma_start3A_13 : memref<1x250x40xi32, #tpu.memory_space<hbm>> -> memref<250x40xi32, #tpu.memory_space<hbm>>
      %dma_start3A_15 = arith.constant 0 : i32
      %dma_start3A_16 = arith.constant 0 : i32
      %dma_start3A_17 = tpu.memref_slice %arg2[%add3A, %dma_start3A_15, %dma_start3A_16] : memref<32x250x40xi32, #tpu.memory_space<hbm>> -> memref<1x250x40xi32, #tpu.memory_space<hbm>>
      %dma_start3A_18 = tpu.memref_squeeze %dma_start3A_17 : memref<1x250x40xi32, #tpu.memory_space<hbm>> -> memref<250x40xi32, #tpu.memory_space<hbm>>
      tpu.enqueue_dma source(%dma_start3A_18 : memref<250x40xi32, #tpu.memory_space<hbm>>) target(%arg6 : memref<250x40xi32, #tpu.memory_space<vmem>>) target_semaphore(%run_scoped3A : memref<!tpu.dma_semaphore, #tpu.memory_space<semaphore_mem>>)
      %dma_wait3A = arith.constant 0 : i32
      %dma_wait3A_19 = arith.constant 0 : i32
      %dma_wait3A_20 = tpu.memref_slice %arg2[%add3A, %dma_wait3A, %dma_wait3A_19] : memref<32x250x40xi32, #tpu.memory_space<hbm>> -> memref<1x250x40xi32, #tpu.memory_space<hbm>>
      %dma_wait3A_21 = tpu.memref_squeeze %dma_wait3A_20 : memref<1x250x40xi32, #tpu.memory_space<hbm>> -> memref<250x40xi32, #tpu.memory_space<hbm>>
      %dma_wait3A_22 = arith.constant 0 : i32
      %dma_wait3A_23 = arith.constant 0 : i32
      %dma_wait3A_24 = tpu.memref_slice %arg2[%add3A, %dma_wait3A_22, %dma_wait3A_23] : memref<32x250x40xi32, #tpu.memory_space<hbm>> -> memref<1x250x40xi32, #tpu.memory_space<hbm>>
      %dma_wait3A_25 = tpu.memref_squeeze %dma_wait3A_24 : memref<1x250x40xi32, #tpu.memory_space<hbm>> -> memref<250x40xi32, #tpu.memory_space<hbm>>
      tpu.wait_dma2 semaphore(%run_scoped3A : memref<!tpu.dma_semaphore, #tpu.memory_space<semaphore_mem>>) src(%dma_wait3A_25 : memref<250x40xi32, #tpu.memory_space<hbm>>) dst(%arg6 : memref<250x40xi32, #tpu.memory_space<vmem>>)
      tpu.yield
    }) : () -> ()
    "tpu.region"() ({
      %run_scoped3A = tpu.sem_alloc : memref<!tpu.dma_semaphore, #tpu.memory_space<semaphore_mem>>
      tpu.enqueue_dma source(%arg4 : memref<40x16xf32, #tpu.memory_space<hbm>>) target(%arg7 : memref<40x16xf32, #tpu.memory_space<vmem>>) target_semaphore(%run_scoped3A : memref<!tpu.dma_semaphore, #tpu.memory_space<semaphore_mem>>)
      tpu.wait_dma2 semaphore(%run_scoped3A : memref<!tpu.dma_semaphore, #tpu.memory_space<semaphore_mem>>) src(%arg4 : memref<40x16xf32, #tpu.memory_space<hbm>>) dst(%arg7 : memref<40x16xf32, #tpu.memory_space<vmem>>)
      tpu.yield
    }) : () -> ()
    %mul3A_1 = arith.constant 640 : i32
    %mul3A_2 = arith.muli %arg1, %mul3A_1 : i32
    %multiple_of3A = tpu.assume_multiple %mul3A_2, 8 : i32
    "tpu.region"() ({
      %run_scoped3A = tpu.sem_alloc : memref<!tpu.dma_semaphore, #tpu.memory_space<semaphore_mem>>
      %dma_start3A = arith.constant 0 : i32
      %dma_start3A_12 = tpu.memref_slice %arg9[%multiple_of3A, %dma_start3A] : memref<10240x16xf32, #tpu.memory_space<vmem_shared>> -> memref<640x16xf32, #tpu.memory_space<vmem_shared>>
      %dma_start3A_13 = arith.constant 0 : i32
      %dma_start3A_14 = tpu.memref_slice %arg3[%multiple_of3A, %dma_start3A_13] : memref<10240x16xf32, #tpu.memory_space<hbm>> -> memref<640x16xf32, #tpu.memory_space<hbm>>
      tpu.enqueue_dma source(%dma_start3A_14 : memref<640x16xf32, #tpu.memory_space<hbm>>) target(%dma_start3A_12 : memref<640x16xf32, #tpu.memory_space<vmem_shared>>) target_semaphore(%run_scoped3A : memref<!tpu.dma_semaphore, #tpu.memory_space<semaphore_mem>>)
      %dma_wait3A = arith.constant 0 : i32
      %dma_wait3A_15 = tpu.memref_slice %arg9[%multiple_of3A, %dma_wait3A] : memref<10240x16xf32, #tpu.memory_space<vmem_shared>> -> memref<640x16xf32, #tpu.memory_space<vmem_shared>>
      %dma_wait3A_16 = arith.constant 0 : i32
      %dma_wait3A_17 = tpu.memref_slice %arg3[%multiple_of3A, %dma_wait3A_16] : memref<10240x16xf32, #tpu.memory_space<hbm>> -> memref<640x16xf32, #tpu.memory_space<hbm>>
      tpu.wait_dma2 semaphore(%run_scoped3A : memref<!tpu.dma_semaphore, #tpu.memory_space<semaphore_mem>>) src(%dma_wait3A_17 : memref<640x16xf32, #tpu.memory_space<hbm>>) dst(%dma_wait3A_15 : memref<640x16xf32, #tpu.memory_space<vmem_shared>>)
      tpu.yield
    }) : () -> ()
    %barrier3A = arith.constant 0 : index
    tpu.barrier barrier_id(%barrier3A)
    %scan3A = arith.constant 0 : i32
    %scan3A_3 = arith.constant 0 : i32
    %scan3A_4 = arith.constant 125 : i32
    %scan3A_5 = arith.addi %scan3A_3, %scan3A_4 : i32
    %scan3A_6 = arith.constant 1 : i32
    scf.for %scan3A_12 = %scan3A_3 to %scan3A_5 step %scan3A_6  : i32 {
      %mul3A_13 = arith.constant 2 : i32
      %mul3A_14 = arith.muli %scan3A_12, %mul3A_13 : i32
      %add3A_15 = arith.constant 0 : i32
      %add3A_16 = arith.addi %mul3A_14, %add3A_15 : i32
      %dma_start3A = arith.constant 0 : i32
      %dma_start3A_17 = tpu.memref_slice %arg6[%add3A_16, %dma_start3A] : memref<250x40xi32, #tpu.memory_space<vmem>> -> memref<1x40xi32, #tpu.memory_space<vmem>>
      %dma_start3A_18 = tpu.memref_squeeze %dma_start3A_17 : memref<1x40xi32, #tpu.memory_space<vmem>> -> memref<40xi32, #tpu.memory_space<vmem>>
      %dma_start3A_19 = arith.constant 0 : i32
      %dma_start3A_20 = arith.constant 0 : i32
      %dma_start3A_21 = tpu.memref_slice %arg9[%dma_start3A_19, %dma_start3A_20] : memref<10240x16xf32, #tpu.memory_space<vmem_shared>> -> memref<10240x16xf32, #tpu.memory_space<vmem_shared>>
      tpu.enqueue_indirect_dma source(%arg7 : memref<40x16xf32, #tpu.memory_space<vmem>>) target(%dma_start3A_21 : memref<10240x16xf32, #tpu.memory_space<vmem_shared>>) offsets(%dma_start3A_18 : memref<40xi32, #tpu.memory_space<vmem>>) semaphore(%arg8 : memref<!tpu.dma_semaphore, #tpu.memory_space<semaphore_mem>>) {add = true}
      %mul3A_22 = arith.constant 2 : i32
      %mul3A_23 = arith.muli %scan3A_12, %mul3A_22 : i32
      %add3A_24 = arith.constant 1 : i32
      %add3A_25 = arith.addi %mul3A_23, %add3A_24 : i32
      %dma_start3A_26 = arith.constant 0 : i32
      %dma_start3A_27 = tpu.memref_slice %arg6[%add3A_25, %dma_start3A_26] : memref<250x40xi32, #tpu.memory_space<vmem>> -> memref<1x40xi32, #tpu.memory_space<vmem>>
      %dma_start3A_28 = tpu.memref_squeeze %dma_start3A_27 : memref<1x40xi32, #tpu.memory_space<vmem>> -> memref<40xi32, #tpu.memory_space<vmem>>
      %dma_start3A_29 = arith.constant 0 : i32
      %dma_start3A_30 = arith.constant 0 : i32
      %dma_start3A_31 = tpu.memref_slice %arg9[%dma_start3A_29, %dma_start3A_30] : memref<10240x16xf32, #tpu.memory_space<vmem_shared>> -> memref<10240x16xf32, #tpu.memory_space<vmem_shared>>
      tpu.enqueue_indirect_dma source(%arg7 : memref<40x16xf32, #tpu.memory_space<vmem>>) target(%dma_start3A_31 : memref<10240x16xf32, #tpu.memory_space<vmem_shared>>) offsets(%dma_start3A_28 : memref<40xi32, #tpu.memory_space<vmem>>) semaphore(%arg8 : memref<!tpu.dma_semaphore, #tpu.memory_space<semaphore_mem>>) {add = true}
      %dma_wait3A = arith.constant 0 : i32
      %dma_wait3A_32 = tpu.memref_slice %arg6[%add3A_16, %dma_wait3A] : memref<250x40xi32, #tpu.memory_space<vmem>> -> memref<1x40xi32, #tpu.memory_space<vmem>>
      %dma_wait3A_33 = tpu.memref_squeeze %dma_wait3A_32 : memref<1x40xi32, #tpu.memory_space<vmem>> -> memref<40xi32, #tpu.memory_space<vmem>>
      %dma_wait3A_34 = arith.constant 0 : i32
      %dma_wait3A_35 = arith.constant 0 : i32
      %dma_wait3A_36 = tpu.memref_slice %arg9[%dma_wait3A_34, %dma_wait3A_35] : memref<10240x16xf32, #tpu.memory_space<vmem_shared>> -> memref<10240x16xf32, #tpu.memory_space<vmem_shared>>
      tpu.wait_indirect_dma semaphore(%arg8 : memref<!tpu.dma_semaphore, #tpu.memory_space<semaphore_mem>>) src(%arg7 : memref<40x16xf32, #tpu.memory_space<vmem>>) dst(%dma_wait3A_36 : memref<10240x16xf32, #tpu.memory_space<vmem_shared>>)
      %dma_wait3A_37 = arith.constant 0 : i32
      %dma_wait3A_38 = tpu.memref_slice %arg6[%add3A_25, %dma_wait3A_37] : memref<250x40xi32, #tpu.memory_space<vmem>> -> memref<1x40xi32, #tpu.memory_space<vmem>>
      %dma_wait3A_39 = tpu.memref_squeeze %dma_wait3A_38 : memref<1x40xi32, #tpu.memory_space<vmem>> -> memref<40xi32, #tpu.memory_space<vmem>>
      %dma_wait3A_40 = arith.constant 0 : i32
      %dma_wait3A_41 = arith.constant 0 : i32
      %dma_wait3A_42 = tpu.memref_slice %arg9[%dma_wait3A_40, %dma_wait3A_41] : memref<10240x16xf32, #tpu.memory_space<vmem_shared>> -> memref<10240x16xf32, #tpu.memory_space<vmem_shared>>
      tpu.wait_indirect_dma semaphore(%arg8 : memref<!tpu.dma_semaphore, #tpu.memory_space<semaphore_mem>>) src(%arg7 : memref<40x16xf32, #tpu.memory_space<vmem>>) dst(%dma_wait3A_42 : memref<10240x16xf32, #tpu.memory_space<vmem_shared>>)
    }
    %scan3A_7 = arith.constant 125 : i32
    %barrier3A_8 = arith.constant 0 : index
    tpu.barrier barrier_id(%barrier3A_8)
    %mul3A_9 = arith.constant 640 : i32
    %mul3A_10 = arith.muli %arg1, %mul3A_9 : i32
    %multiple_of3A_11 = tpu.assume_multiple %mul3A_10, 8 : i32
    "tpu.region"() ({
      %run_scoped3A = tpu.sem_alloc : memref<!tpu.dma_semaphore, #tpu.memory_space<semaphore_mem>>
      %dma_start3A = arith.constant 0 : i32
      %dma_start3A_12 = tpu.memref_slice %arg5[%arg0, %multiple_of3A_11, %dma_start3A] : memref<2x10240x16xf32, #tpu.memory_space<hbm>> -> memref<1x640x16xf32, #tpu.memory_space<hbm>>
      %dma_start3A_13 = tpu.memref_squeeze %dma_start3A_12 : memref<1x640x16xf32, #tpu.memory_space<hbm>> -> memref<640x16xf32, #tpu.memory_space<hbm>>
      %dma_start3A_14 = arith.constant 0 : i32
      %dma_start3A_15 = tpu.memref_slice %arg9[%multiple_of3A_11, %dma_start3A_14] : memref<10240x16xf32, #tpu.memory_space<vmem_shared>> -> memref<640x16xf32, #tpu.memory_space<vmem_shared>>
      tpu.enqueue_dma source(%dma_start3A_15 : memref<640x16xf32, #tpu.memory_space<vmem_shared>>) target(%dma_start3A_13 : memref<640x16xf32, #tpu.memory_space<hbm>>) target_semaphore(%run_scoped3A : memref<!tpu.dma_semaphore, #tpu.memory_space<semaphore_mem>>)
      %dma_wait3A = arith.constant 0 : i32
      %dma_wait3A_16 = tpu.memref_slice %arg5[%arg0, %multiple_of3A_11, %dma_wait3A] : memref<2x10240x16xf32, #tpu.memory_space<hbm>> -> memref<1x640x16xf32, #tpu.memory_space<hbm>>
      %dma_wait3A_17 = tpu.memref_squeeze %dma_wait3A_16 : memref<1x640x16xf32, #tpu.memory_space<hbm>> -> memref<640x16xf32, #tpu.memory_space<hbm>>
      %dma_wait3A_18 = arith.constant 0 : i32
      %dma_wait3A_19 = tpu.memref_slice %arg9[%multiple_of3A_11, %dma_wait3A_18] : memref<10240x16xf32, #tpu.memory_space<vmem_shared>> -> memref<640x16xf32, #tpu.memory_space<vmem_shared>>
      tpu.wait_dma2 semaphore(%run_scoped3A : memref<!tpu.dma_semaphore, #tpu.memory_space<semaphore_mem>>) src(%dma_wait3A_19 : memref<640x16xf32, #tpu.memory_space<vmem_shared>>) dst(%dma_wait3A_17 : memref<640x16xf32, #tpu.memory_space<hbm>>)
      tpu.yield
    }) : () -> ()
    return
  }
}

#map = affine_map<(d0, d1) -> (0, 0)>
#map1 = affine_map<(d0, d1) -> (0, 0, 0)>
module attributes {stable_mosaic.version = 14 : i64} {
  func.func @_sc_scatter_gather_body(%arg0: i32, %arg1: i32, %arg2: memref<320000x128xf32, #tpu.memory_space<hbm>>, %arg3: memref<10000x128xf32, #tpu.memory_space<hbm>>, %arg4: memref<32x250x40xi32, #tpu.memory_space<hbm>>, %arg5: memref<10240x128xf32, #tpu.memory_space<hbm>>, %arg6: memref<2x10240x128xf32, #tpu.memory_space<hbm>>, %arg7: memref<320000x128xf32, #tpu.memory_space<hbm>>, %arg8: memref<250x40xi32, #tpu.memory_space<vmem>>, %arg9: memref<80x128xf32, #tpu.memory_space<vmem>>, %arg10: memref<80x128xf32, #tpu.memory_space<vmem>>, %arg11: memref<!tpu.dma_semaphore, #tpu.memory_space<semaphore_mem>>, %arg12: memref<!tpu.dma_semaphore, #tpu.memory_space<semaphore_mem>>, %arg13: memref<!tpu.dma_semaphore, #tpu.memory_space<semaphore_mem>>, %arg14: memref<10240x128xf32, #tpu.memory_space<vmem_shared>>) attributes {dimension_semantics = [#tpu.dimension_semantics<core_parallel>, #tpu.dimension_semantics<subcore_parallel>], iteration_bounds = array<i64: 2, 16>, scalar_prefetch = 0 : i64, scratch_operands = 7 : i64, tpu.core_type = #tpu.core_type<sc_vector_subcore>, window_params = [{transform_indices = #map}, {transform_indices = #map}, {transform_indices = #map1}, {transform_indices = #map}, {transform_indices = #map1}, {transform_indices = #map}]} {
    %mul3A = arith.constant 16 : i32
    %mul3A_0 = arith.muli %arg0, %mul3A : i32
    %add3A = arith.addi %mul3A_0, %arg1 : i32
    "tpu.region"() ({
      %run_scoped3A = tpu.sem_alloc : memref<!tpu.dma_semaphore, #tpu.memory_space<semaphore_mem>>
      %dma_start3A_18 = arith.constant 0 : i32
      %dma_start3A_19 = arith.constant 0 : i32
      %dma_start3A_20 = tpu.memref_slice %arg4[%add3A, %dma_start3A_18, %dma_start3A_19] : memref<32x250x40xi32, #tpu.memory_space<hbm>> -> memref<1x250x40xi32, #tpu.memory_space<hbm>>
      %dma_start3A_21 = tpu.memref_squeeze %dma_start3A_20 : memref<1x250x40xi32, #tpu.memory_space<hbm>> -> memref<250x40xi32, #tpu.memory_space<hbm>>
      %dma_start3A_22 = arith.constant 0 : i32
      %dma_start3A_23 = arith.constant 0 : i32
      %dma_start3A_24 = tpu.memref_slice %arg4[%add3A, %dma_start3A_22, %dma_start3A_23] : memref<32x250x40xi32, #tpu.memory_space<hbm>> -> memref<1x250x40xi32, #tpu.memory_space<hbm>>
      %dma_start3A_25 = tpu.memref_squeeze %dma_start3A_24 : memref<1x250x40xi32, #tpu.memory_space<hbm>> -> memref<250x40xi32, #tpu.memory_space<hbm>>
      tpu.enqueue_dma source(%dma_start3A_25 : memref<250x40xi32, #tpu.memory_space<hbm>>) target(%arg8 : memref<250x40xi32, #tpu.memory_space<vmem>>) target_semaphore(%run_scoped3A : memref<!tpu.dma_semaphore, #tpu.memory_space<semaphore_mem>>)
      %dma_wait3A = arith.constant 0 : i32
      %dma_wait3A_26 = arith.constant 0 : i32
      %dma_wait3A_27 = tpu.memref_slice %arg4[%add3A, %dma_wait3A, %dma_wait3A_26] : memref<32x250x40xi32, #tpu.memory_space<hbm>> -> memref<1x250x40xi32, #tpu.memory_space<hbm>>
      %dma_wait3A_28 = tpu.memref_squeeze %dma_wait3A_27 : memref<1x250x40xi32, #tpu.memory_space<hbm>> -> memref<250x40xi32, #tpu.memory_space<hbm>>
      %dma_wait3A_29 = arith.constant 0 : i32
      %dma_wait3A_30 = arith.constant 0 : i32
      %dma_wait3A_31 = tpu.memref_slice %arg4[%add3A, %dma_wait3A_29, %dma_wait3A_30] : memref<32x250x40xi32, #tpu.memory_space<hbm>> -> memref<1x250x40xi32, #tpu.memory_space<hbm>>
      %dma_wait3A_32 = tpu.memref_squeeze %dma_wait3A_31 : memref<1x250x40xi32, #tpu.memory_space<hbm>> -> memref<250x40xi32, #tpu.memory_space<hbm>>
      tpu.wait_dma2 semaphore(%run_scoped3A : memref<!tpu.dma_semaphore, #tpu.memory_space<semaphore_mem>>) src(%dma_wait3A_32 : memref<250x40xi32, #tpu.memory_space<hbm>>) dst(%arg8 : memref<250x40xi32, #tpu.memory_space<vmem>>)
      tpu.yield
    }) : () -> ()
    %mul3A_1 = arith.constant 640 : i32
    %mul3A_2 = arith.muli %arg1, %mul3A_1 : i32
    %multiple_of3A = tpu.assume_multiple %mul3A_2, 8 : i32
    "tpu.region"() ({
      %run_scoped3A = tpu.sem_alloc : memref<!tpu.dma_semaphore, #tpu.memory_space<semaphore_mem>>
      %dma_start3A_18 = arith.constant 0 : i32
      %dma_start3A_19 = tpu.memref_slice %arg14[%multiple_of3A, %dma_start3A_18] : memref<10240x128xf32, #tpu.memory_space<vmem_shared>> -> memref<640x128xf32, #tpu.memory_space<vmem_shared>>
      %dma_start3A_20 = arith.constant 0 : i32
      %dma_start3A_21 = tpu.memref_slice %arg5[%multiple_of3A, %dma_start3A_20] : memref<10240x128xf32, #tpu.memory_space<hbm>> -> memref<640x128xf32, #tpu.memory_space<hbm>>
      tpu.enqueue_dma source(%dma_start3A_21 : memref<640x128xf32, #tpu.memory_space<hbm>>) target(%dma_start3A_19 : memref<640x128xf32, #tpu.memory_space<vmem_shared>>) target_semaphore(%run_scoped3A : memref<!tpu.dma_semaphore, #tpu.memory_space<semaphore_mem>>)
      %dma_wait3A = arith.constant 0 : i32
      %dma_wait3A_22 = tpu.memref_slice %arg14[%multiple_of3A, %dma_wait3A] : memref<10240x128xf32, #tpu.memory_space<vmem_shared>> -> memref<640x128xf32, #tpu.memory_space<vmem_shared>>
      %dma_wait3A_23 = arith.constant 0 : i32
      %dma_wait3A_24 = tpu.memref_slice %arg5[%multiple_of3A, %dma_wait3A_23] : memref<10240x128xf32, #tpu.memory_space<hbm>> -> memref<640x128xf32, #tpu.memory_space<hbm>>
      tpu.wait_dma2 semaphore(%run_scoped3A : memref<!tpu.dma_semaphore, #tpu.memory_space<semaphore_mem>>) src(%dma_wait3A_24 : memref<640x128xf32, #tpu.memory_space<hbm>>) dst(%dma_wait3A_22 : memref<640x128xf32, #tpu.memory_space<vmem_shared>>)
      tpu.yield
    }) : () -> ()
    %barrier3A = arith.constant 0 : index
    tpu.barrier barrier_id(%barrier3A)
    %mul3A_3 = arith.constant 10000 : i32
    %mul3A_4 = arith.muli %add3A, %mul3A_3 : i32
    %multiple_of3A_5 = tpu.assume_multiple %mul3A_4, 8 : i32
    %dma_start3A = arith.constant 0 : i32
    %dma_start3A_6 = tpu.memref_slice %arg2[%multiple_of3A_5, %dma_start3A] : memref<320000x128xf32, #tpu.memory_space<hbm>> -> memref<80x128xf32, #tpu.memory_space<hbm>>
    %dma_start3A_7 = arith.constant 0 : i32
    %dma_start3A_8 = tpu.memref_slice %arg2[%multiple_of3A_5, %dma_start3A_7] : memref<320000x128xf32, #tpu.memory_space<hbm>> -> memref<80x128xf32, #tpu.memory_space<hbm>>
    tpu.enqueue_dma source(%dma_start3A_8 : memref<80x128xf32, #tpu.memory_space<hbm>>) target(%arg9 : memref<80x128xf32, #tpu.memory_space<vmem>>) target_semaphore(%arg11 : memref<!tpu.dma_semaphore, #tpu.memory_space<semaphore_mem>>)
    %scan3A = arith.constant 0 : i32
    %scan3A_9 = arith.constant 0 : i32
    %scan3A_10 = arith.constant 125 : i32
    %scan3A_11 = arith.addi %scan3A_9, %scan3A_10 : i32
    %scan3A_12 = arith.constant 1 : i32
    scf.for %scan3A_18 = %scan3A_9 to %scan3A_11 step %scan3A_12  : i32 {
      %dma_wait3A = arith.constant 0 : i32
      %dma_wait3A_19 = arith.constant 0 : i32
      %dma_wait3A_20 = tpu.memref_slice %arg2[%dma_wait3A, %dma_wait3A_19] : memref<320000x128xf32, #tpu.memory_space<hbm>> -> memref<80x128xf32, #tpu.memory_space<hbm>>
      %dma_wait3A_21 = arith.constant 0 : i32
      %dma_wait3A_22 = arith.constant 0 : i32
      %dma_wait3A_23 = tpu.memref_slice %arg2[%dma_wait3A_21, %dma_wait3A_22] : memref<320000x128xf32, #tpu.memory_space<hbm>> -> memref<80x128xf32, #tpu.memory_space<hbm>>
      tpu.wait_dma2 semaphore(%arg11 : memref<!tpu.dma_semaphore, #tpu.memory_space<semaphore_mem>>) src(%dma_wait3A_23 : memref<80x128xf32, #tpu.memory_space<hbm>>) dst(%arg9 : memref<80x128xf32, #tpu.memory_space<vmem>>)
      %mul3A_24 = arith.constant 2 : i32
      %mul3A_25 = arith.muli %scan3A_18, %mul3A_24 : i32
      %add3A_26 = arith.constant 0 : i32
      %add3A_27 = arith.addi %mul3A_25, %add3A_26 : i32
      %dma_start3A_28 = arith.constant 0 : i32
      %dma_start3A_29 = arith.constant 0 : i32
      %dma_start3A_30 = tpu.memref_slice %arg10[%dma_start3A_28, %dma_start3A_29] : memref<80x128xf32, #tpu.memory_space<vmem>> -> memref<40x128xf32, #tpu.memory_space<vmem>>
      %dma_start3A_31 = arith.constant 0 : i32
      %dma_start3A_32 = tpu.memref_slice %arg8[%add3A_27, %dma_start3A_31] : memref<250x40xi32, #tpu.memory_space<vmem>> -> memref<1x40xi32, #tpu.memory_space<vmem>>
      %dma_start3A_33 = tpu.memref_squeeze %dma_start3A_32 : memref<1x40xi32, #tpu.memory_space<vmem>> -> memref<40xi32, #tpu.memory_space<vmem>>
      %dma_start3A_34 = arith.constant 0 : i32
      %dma_start3A_35 = arith.constant 0 : i32
      %dma_start3A_36 = tpu.memref_slice %arg3[%dma_start3A_34, %dma_start3A_35] : memref<10000x128xf32, #tpu.memory_space<hbm>> -> memref<10000x128xf32, #tpu.memory_space<hbm>>
      tpu.enqueue_indirect_dma source(%dma_start3A_36 : memref<10000x128xf32, #tpu.memory_space<hbm>>) target(%dma_start3A_30 : memref<40x128xf32, #tpu.memory_space<vmem>>) offsets(%dma_start3A_33 : memref<40xi32, #tpu.memory_space<vmem>>) semaphore(%arg12 : memref<!tpu.dma_semaphore, #tpu.memory_space<semaphore_mem>>)
      %dma_start3A_37 = arith.constant 0 : i32
      %dma_start3A_38 = arith.constant 0 : i32
      %dma_start3A_39 = tpu.memref_slice %arg9[%dma_start3A_37, %dma_start3A_38] : memref<80x128xf32, #tpu.memory_space<vmem>> -> memref<40x128xf32, #tpu.memory_space<vmem>>
      %dma_start3A_40 = arith.constant 0 : i32
      %dma_start3A_41 = tpu.memref_slice %arg8[%add3A_27, %dma_start3A_40] : memref<250x40xi32, #tpu.memory_space<vmem>> -> memref<1x40xi32, #tpu.memory_space<vmem>>
      %dma_start3A_42 = tpu.memref_squeeze %dma_start3A_41 : memref<1x40xi32, #tpu.memory_space<vmem>> -> memref<40xi32, #tpu.memory_space<vmem>>
      %dma_start3A_43 = arith.constant 0 : i32
      %dma_start3A_44 = arith.constant 0 : i32
      %dma_start3A_45 = tpu.memref_slice %arg14[%dma_start3A_43, %dma_start3A_44] : memref<10240x128xf32, #tpu.memory_space<vmem_shared>> -> memref<10240x128xf32, #tpu.memory_space<vmem_shared>>
      tpu.enqueue_indirect_dma source(%dma_start3A_39 : memref<40x128xf32, #tpu.memory_space<vmem>>) target(%dma_start3A_45 : memref<10240x128xf32, #tpu.memory_space<vmem_shared>>) offsets(%dma_start3A_42 : memref<40xi32, #tpu.memory_space<vmem>>) semaphore(%arg13 : memref<!tpu.dma_semaphore, #tpu.memory_space<semaphore_mem>>) {add = true}
      %mul3A_46 = arith.constant 2 : i32
      %mul3A_47 = arith.muli %scan3A_18, %mul3A_46 : i32
      %add3A_48 = arith.constant 1 : i32
      %add3A_49 = arith.addi %mul3A_47, %add3A_48 : i32
      %dma_start3A_50 = arith.constant 40 : i32
      %dma_start3A_51 = arith.constant 0 : i32
      %dma_start3A_52 = tpu.memref_slice %arg10[%dma_start3A_50, %dma_start3A_51] : memref<80x128xf32, #tpu.memory_space<vmem>> -> memref<40x128xf32, #tpu.memory_space<vmem>>
      %dma_start3A_53 = arith.constant 0 : i32
      %dma_start3A_54 = tpu.memref_slice %arg8[%add3A_49, %dma_start3A_53] : memref<250x40xi32, #tpu.memory_space<vmem>> -> memref<1x40xi32, #tpu.memory_space<vmem>>
      %dma_start3A_55 = tpu.memref_squeeze %dma_start3A_54 : memref<1x40xi32, #tpu.memory_space<vmem>> -> memref<40xi32, #tpu.memory_space<vmem>>
      %dma_start3A_56 = arith.constant 0 : i32
      %dma_start3A_57 = arith.constant 0 : i32
      %dma_start3A_58 = tpu.memref_slice %arg3[%dma_start3A_56, %dma_start3A_57] : memref<10000x128xf32, #tpu.memory_space<hbm>> -> memref<10000x128xf32, #tpu.memory_space<hbm>>
      tpu.enqueue_indirect_dma source(%dma_start3A_58 : memref<10000x128xf32, #tpu.memory_space<hbm>>) target(%dma_start3A_52 : memref<40x128xf32, #tpu.memory_space<vmem>>) offsets(%dma_start3A_55 : memref<40xi32, #tpu.memory_space<vmem>>) semaphore(%arg12 : memref<!tpu.dma_semaphore, #tpu.memory_space<semaphore_mem>>)
      %dma_start3A_59 = arith.constant 40 : i32
      %dma_start3A_60 = arith.constant 0 : i32
      %dma_start3A_61 = tpu.memref_slice %arg9[%dma_start3A_59, %dma_start3A_60] : memref<80x128xf32, #tpu.memory_space<vmem>> -> memref<40x128xf32, #tpu.memory_space<vmem>>
      %dma_start3A_62 = arith.constant 0 : i32
      %dma_start3A_63 = tpu.memref_slice %arg8[%add3A_49, %dma_start3A_62] : memref<250x40xi32, #tpu.memory_space<vmem>> -> memref<1x40xi32, #tpu.memory_space<vmem>>
      %dma_start3A_64 = tpu.memref_squeeze %dma_start3A_63 : memref<1x40xi32, #tpu.memory_space<vmem>> -> memref<40xi32, #tpu.memory_space<vmem>>
      %dma_start3A_65 = arith.constant 0 : i32
      %dma_start3A_66 = arith.constant 0 : i32
      %dma_start3A_67 = tpu.memref_slice %arg14[%dma_start3A_65, %dma_start3A_66] : memref<10240x128xf32, #tpu.memory_space<vmem_shared>> -> memref<10240x128xf32, #tpu.memory_space<vmem_shared>>
      tpu.enqueue_indirect_dma source(%dma_start3A_61 : memref<40x128xf32, #tpu.memory_space<vmem>>) target(%dma_start3A_67 : memref<10240x128xf32, #tpu.memory_space<vmem_shared>>) offsets(%dma_start3A_64 : memref<40xi32, #tpu.memory_space<vmem>>) semaphore(%arg13 : memref<!tpu.dma_semaphore, #tpu.memory_space<semaphore_mem>>) {add = true}
      %dma_wait3A_68 = arith.constant 0 : i32
      %dma_wait3A_69 = arith.constant 0 : i32
      %dma_wait3A_70 = tpu.memref_slice %arg9[%dma_wait3A_68, %dma_wait3A_69] : memref<80x128xf32, #tpu.memory_space<vmem>> -> memref<40x128xf32, #tpu.memory_space<vmem>>
      %dma_wait3A_71 = arith.constant 0 : i32
      %dma_wait3A_72 = tpu.memref_slice %arg8[%add3A_27, %dma_wait3A_71] : memref<250x40xi32, #tpu.memory_space<vmem>> -> memref<1x40xi32, #tpu.memory_space<vmem>>
      %dma_wait3A_73 = tpu.memref_squeeze %dma_wait3A_72 : memref<1x40xi32, #tpu.memory_space<vmem>> -> memref<40xi32, #tpu.memory_space<vmem>>
      %dma_wait3A_74 = arith.constant 0 : i32
      %dma_wait3A_75 = arith.constant 0 : i32
      %dma_wait3A_76 = tpu.memref_slice %arg14[%dma_wait3A_74, %dma_wait3A_75] : memref<10240x128xf32, #tpu.memory_space<vmem_shared>> -> memref<10240x128xf32, #tpu.memory_space<vmem_shared>>
      tpu.wait_indirect_dma semaphore(%arg13 : memref<!tpu.dma_semaphore, #tpu.memory_space<semaphore_mem>>) src(%dma_wait3A_70 : memref<40x128xf32, #tpu.memory_space<vmem>>) dst(%dma_wait3A_76 : memref<10240x128xf32, #tpu.memory_space<vmem_shared>>)
      %dma_wait3A_77 = arith.constant 40 : i32
      %dma_wait3A_78 = arith.constant 0 : i32
      %dma_wait3A_79 = tpu.memref_slice %arg9[%dma_wait3A_77, %dma_wait3A_78] : memref<80x128xf32, #tpu.memory_space<vmem>> -> memref<40x128xf32, #tpu.memory_space<vmem>>
      %dma_wait3A_80 = arith.constant 0 : i32
      %dma_wait3A_81 = tpu.memref_slice %arg8[%add3A_49, %dma_wait3A_80] : memref<250x40xi32, #tpu.memory_space<vmem>> -> memref<1x40xi32, #tpu.memory_space<vmem>>
      %dma_wait3A_82 = tpu.memref_squeeze %dma_wait3A_81 : memref<1x40xi32, #tpu.memory_space<vmem>> -> memref<40xi32, #tpu.memory_space<vmem>>
      %dma_wait3A_83 = arith.constant 0 : i32
      %dma_wait3A_84 = arith.constant 0 : i32
      %dma_wait3A_85 = tpu.memref_slice %arg14[%dma_wait3A_83, %dma_wait3A_84] : memref<10240x128xf32, #tpu.memory_space<vmem_shared>> -> memref<10240x128xf32, #tpu.memory_space<vmem_shared>>
      tpu.wait_indirect_dma semaphore(%arg13 : memref<!tpu.dma_semaphore, #tpu.memory_space<semaphore_mem>>) src(%dma_wait3A_79 : memref<40x128xf32, #tpu.memory_space<vmem>>) dst(%dma_wait3A_85 : memref<10240x128xf32, #tpu.memory_space<vmem_shared>>)
      %add3A_86 = arith.constant 1 : i32
      %add3A_87 = arith.addi %scan3A_18, %add3A_86 : i32
      %lt3A = arith.constant 125 : i32
      %lt3A_88 = arith.cmpi slt, %add3A_87, %lt3A : i32
      %convert_element_type3A = arith.extui %lt3A_88 : i1 to i32
      %cond3A = arith.constant 0 : i32
      %cond3A_89 = arith.cmpi ne, %convert_element_type3A, %cond3A : i32
      scf.if %cond3A_89 {
        %mul3A_114 = arith.constant 10000 : i32
        %mul3A_115 = arith.muli %add3A, %mul3A_114 : i32
        %mul3A_116 = arith.constant 80 : i32
        %mul3A_117 = arith.muli %add3A_87, %mul3A_116 : i32
        %add3A_118 = arith.addi %mul3A_115, %mul3A_117 : i32
        %multiple_of3A_119 = tpu.assume_multiple %add3A_118, 8 : i32
        %dma_start3A_120 = arith.constant 0 : i32
        %dma_start3A_121 = tpu.memref_slice %arg2[%multiple_of3A_119, %dma_start3A_120] : memref<320000x128xf32, #tpu.memory_space<hbm>> -> memref<80x128xf32, #tpu.memory_space<hbm>>
        %dma_start3A_122 = arith.constant 0 : i32
        %dma_start3A_123 = tpu.memref_slice %arg2[%multiple_of3A_119, %dma_start3A_122] : memref<320000x128xf32, #tpu.memory_space<hbm>> -> memref<80x128xf32, #tpu.memory_space<hbm>>
        tpu.enqueue_dma source(%dma_start3A_123 : memref<80x128xf32, #tpu.memory_space<hbm>>) target(%arg9 : memref<80x128xf32, #tpu.memory_space<vmem>>) target_semaphore(%arg11 : memref<!tpu.dma_semaphore, #tpu.memory_space<semaphore_mem>>)
      } else {
      }
      %dma_wait3A_90 = arith.constant 0 : i32
      %dma_wait3A_91 = arith.constant 0 : i32
      %dma_wait3A_92 = tpu.memref_slice %arg10[%dma_wait3A_90, %dma_wait3A_91] : memref<80x128xf32, #tpu.memory_space<vmem>> -> memref<40x128xf32, #tpu.memory_space<vmem>>
      %dma_wait3A_93 = arith.constant 0 : i32
      %dma_wait3A_94 = tpu.memref_slice %arg8[%add3A_27, %dma_wait3A_93] : memref<250x40xi32, #tpu.memory_space<vmem>> -> memref<1x40xi32, #tpu.memory_space<vmem>>
      %dma_wait3A_95 = tpu.memref_squeeze %dma_wait3A_94 : memref<1x40xi32, #tpu.memory_space<vmem>> -> memref<40xi32, #tpu.memory_space<vmem>>
      %dma_wait3A_96 = arith.constant 0 : i32
      %dma_wait3A_97 = arith.constant 0 : i32
      %dma_wait3A_98 = tpu.memref_slice %arg3[%dma_wait3A_96, %dma_wait3A_97] : memref<10000x128xf32, #tpu.memory_space<hbm>> -> memref<10000x128xf32, #tpu.memory_space<hbm>>
      tpu.wait_indirect_dma semaphore(%arg12 : memref<!tpu.dma_semaphore, #tpu.memory_space<semaphore_mem>>) src(%dma_wait3A_98 : memref<10000x128xf32, #tpu.memory_space<hbm>>) dst(%dma_wait3A_92 : memref<40x128xf32, #tpu.memory_space<vmem>>)
      %dma_wait3A_99 = arith.constant 40 : i32
      %dma_wait3A_100 = arith.constant 0 : i32
      %dma_wait3A_101 = tpu.memref_slice %arg10[%dma_wait3A_99, %dma_wait3A_100] : memref<80x128xf32, #tpu.memory_space<vmem>> -> memref<40x128xf32, #tpu.memory_space<vmem>>
      %dma_wait3A_102 = arith.constant 0 : i32
      %dma_wait3A_103 = tpu.memref_slice %arg8[%add3A_49, %dma_wait3A_102] : memref<250x40xi32, #tpu.memory_space<vmem>> -> memref<1x40xi32, #tpu.memory_space<vmem>>
      %dma_wait3A_104 = tpu.memref_squeeze %dma_wait3A_103 : memref<1x40xi32, #tpu.memory_space<vmem>> -> memref<40xi32, #tpu.memory_space<vmem>>
      %dma_wait3A_105 = arith.constant 0 : i32
      %dma_wait3A_106 = arith.constant 0 : i32
      %dma_wait3A_107 = tpu.memref_slice %arg3[%dma_wait3A_105, %dma_wait3A_106] : memref<10000x128xf32, #tpu.memory_space<hbm>> -> memref<10000x128xf32, #tpu.memory_space<hbm>>
      tpu.wait_indirect_dma semaphore(%arg12 : memref<!tpu.dma_semaphore, #tpu.memory_space<semaphore_mem>>) src(%dma_wait3A_107 : memref<10000x128xf32, #tpu.memory_space<hbm>>) dst(%dma_wait3A_101 : memref<40x128xf32, #tpu.memory_space<vmem>>)
      %mul3A_108 = arith.constant 10000 : i32
      %mul3A_109 = arith.muli %add3A, %mul3A_108 : i32
      %mul3A_110 = arith.constant 80 : i32
      %mul3A_111 = arith.muli %scan3A_18, %mul3A_110 : i32
      %add3A_112 = arith.addi %mul3A_109, %mul3A_111 : i32
      %multiple_of3A_113 = tpu.assume_multiple %add3A_112, 8 : i32
      "tpu.region"() ({
        %run_scoped3A = tpu.sem_alloc : memref<!tpu.dma_semaphore, #tpu.memory_space<semaphore_mem>>
        %dma_start3A_114 = arith.constant 0 : i32
        %dma_start3A_115 = tpu.memref_slice %arg7[%multiple_of3A_113, %dma_start3A_114] : memref<320000x128xf32, #tpu.memory_space<hbm>> -> memref<80x128xf32, #tpu.memory_space<hbm>>
        %dma_start3A_116 = arith.constant 0 : i32
        %dma_start3A_117 = tpu.memref_slice %arg7[%multiple_of3A_113, %dma_start3A_116] : memref<320000x128xf32, #tpu.memory_space<hbm>> -> memref<80x128xf32, #tpu.memory_space<hbm>>
        tpu.enqueue_dma source(%arg10 : memref<80x128xf32, #tpu.memory_space<vmem>>) target(%dma_start3A_117 : memref<80x128xf32, #tpu.memory_space<hbm>>) target_semaphore(%run_scoped3A : memref<!tpu.dma_semaphore, #tpu.memory_space<semaphore_mem>>)
        %dma_wait3A_118 = arith.constant 0 : i32
        %dma_wait3A_119 = tpu.memref_slice %arg7[%multiple_of3A_113, %dma_wait3A_118] : memref<320000x128xf32, #tpu.memory_space<hbm>> -> memref<80x128xf32, #tpu.memory_space<hbm>>
        %dma_wait3A_120 = arith.constant 0 : i32
        %dma_wait3A_121 = tpu.memref_slice %arg7[%multiple_of3A_113, %dma_wait3A_120] : memref<320000x128xf32, #tpu.memory_space<hbm>> -> memref<80x128xf32, #tpu.memory_space<hbm>>
        tpu.wait_dma2 semaphore(%run_scoped3A : memref<!tpu.dma_semaphore, #tpu.memory_space<semaphore_mem>>) src(%arg10 : memref<80x128xf32, #tpu.memory_space<vmem>>) dst(%dma_wait3A_121 : memref<80x128xf32, #tpu.memory_space<hbm>>)
        tpu.yield
      }) : () -> ()
    }
    %scan3A_13 = arith.constant 125 : i32
    %barrier3A_14 = arith.constant 0 : index
    tpu.barrier barrier_id(%barrier3A_14)
    %mul3A_15 = arith.constant 640 : i32
    %mul3A_16 = arith.muli %arg1, %mul3A_15 : i32
    %multiple_of3A_17 = tpu.assume_multiple %mul3A_16, 8 : i32
    "tpu.region"() ({
      %run_scoped3A = tpu.sem_alloc : memref<!tpu.dma_semaphore, #tpu.memory_space<semaphore_mem>>
      %dma_start3A_18 = arith.constant 0 : i32
      %dma_start3A_19 = tpu.memref_slice %arg6[%arg0, %multiple_of3A_17, %dma_start3A_18] : memref<2x10240x128xf32, #tpu.memory_space<hbm>> -> memref<1x640x128xf32, #tpu.memory_space<hbm>>
      %dma_start3A_20 = tpu.memref_squeeze %dma_start3A_19 : memref<1x640x128xf32, #tpu.memory_space<hbm>> -> memref<640x128xf32, #tpu.memory_space<hbm>>
      %dma_start3A_21 = arith.constant 0 : i32
      %dma_start3A_22 = tpu.memref_slice %arg14[%multiple_of3A_17, %dma_start3A_21] : memref<10240x128xf32, #tpu.memory_space<vmem_shared>> -> memref<640x128xf32, #tpu.memory_space<vmem_shared>>
      tpu.enqueue_dma source(%dma_start3A_22 : memref<640x128xf32, #tpu.memory_space<vmem_shared>>) target(%dma_start3A_20 : memref<640x128xf32, #tpu.memory_space<hbm>>) target_semaphore(%run_scoped3A : memref<!tpu.dma_semaphore, #tpu.memory_space<semaphore_mem>>)
      %dma_wait3A = arith.constant 0 : i32
      %dma_wait3A_23 = tpu.memref_slice %arg6[%arg0, %multiple_of3A_17, %dma_wait3A] : memref<2x10240x128xf32, #tpu.memory_space<hbm>> -> memref<1x640x128xf32, #tpu.memory_space<hbm>>
      %dma_wait3A_24 = tpu.memref_squeeze %dma_wait3A_23 : memref<1x640x128xf32, #tpu.memory_space<hbm>> -> memref<640x128xf32, #tpu.memory_space<hbm>>
      %dma_wait3A_25 = arith.constant 0 : i32
      %dma_wait3A_26 = tpu.memref_slice %arg14[%multiple_of3A_17, %dma_wait3A_25] : memref<10240x128xf32, #tpu.memory_space<vmem_shared>> -> memref<640x128xf32, #tpu.memory_space<vmem_shared>>
      tpu.wait_dma2 semaphore(%run_scoped3A : memref<!tpu.dma_semaphore, #tpu.memory_space<semaphore_mem>>) src(%dma_wait3A_26 : memref<640x128xf32, #tpu.memory_space<vmem_shared>>) dst(%dma_wait3A_24 : memref<640x128xf32, #tpu.memory_space<hbm>>)
      tpu.yield
    }) : () -> ()
    return
  }
}

#map = affine_map<(d0, d1) -> (0, 0)>
#map1 = affine_map<(d0, d1) -> (0, 0, 0)>
module attributes {stable_mosaic.version = 14 : i64} {
  func.func @_sc_scatter_body(%arg0: i32, %arg1: i32, %arg2: memref<320000x128xf32, #tpu.memory_space<hbm>>, %arg3: memref<32x250x40xi32, #tpu.memory_space<hbm>>, %arg4: memref<10240x128xf32, #tpu.memory_space<hbm>>, %arg5: memref<2x10240x128xf32, #tpu.memory_space<hbm>>, %arg6: memref<250x40xi32, #tpu.memory_space<vmem>>, %arg7: memref<80x128xf32, #tpu.memory_space<vmem>>, %arg8: memref<80x128xf32, #tpu.memory_space<vmem>>, %arg9: memref<!tpu.dma_semaphore, #tpu.memory_space<semaphore_mem>>, %arg10: memref<!tpu.dma_semaphore, #tpu.memory_space<semaphore_mem>>, %arg11: memref<!tpu.dma_semaphore, #tpu.memory_space<semaphore_mem>>, %arg12: memref<10240x128xf32, #tpu.memory_space<vmem_shared>>) attributes {dimension_semantics = [#tpu.dimension_semantics<core_parallel>, #tpu.dimension_semantics<subcore_parallel>], iteration_bounds = array<i64: 2, 16>, scalar_prefetch = 0 : i64, scratch_operands = 7 : i64, tpu.core_type = #tpu.core_type<sc_vector_subcore>, window_params = [{transform_indices = #map}, {transform_indices = #map1}, {transform_indices = #map}, {transform_indices = #map1}]} {
    %mul3A = arith.constant 16 : i32
    %mul3A_0 = arith.muli %arg0, %mul3A : i32
    %add3A = arith.addi %mul3A_0, %arg1 : i32
    "tpu.region"() ({
      %run_scoped3A = tpu.sem_alloc : memref<!tpu.dma_semaphore, #tpu.memory_space<semaphore_mem>>
      %dma_start3A_69 = arith.constant 0 : i32
      %dma_start3A_70 = arith.constant 0 : i32
      %dma_start3A_71 = tpu.memref_slice %arg3[%add3A, %dma_start3A_69, %dma_start3A_70] : memref<32x250x40xi32, #tpu.memory_space<hbm>> -> memref<1x250x40xi32, #tpu.memory_space<hbm>>
      %dma_start3A_72 = tpu.memref_squeeze %dma_start3A_71 : memref<1x250x40xi32, #tpu.memory_space<hbm>> -> memref<250x40xi32, #tpu.memory_space<hbm>>
      %dma_start3A_73 = arith.constant 0 : i32
      %dma_start3A_74 = arith.constant 0 : i32
      %dma_start3A_75 = tpu.memref_slice %arg3[%add3A, %dma_start3A_73, %dma_start3A_74] : memref<32x250x40xi32, #tpu.memory_space<hbm>> -> memref<1x250x40xi32, #tpu.memory_space<hbm>>
      %dma_start3A_76 = tpu.memref_squeeze %dma_start3A_75 : memref<1x250x40xi32, #tpu.memory_space<hbm>> -> memref<250x40xi32, #tpu.memory_space<hbm>>
      tpu.enqueue_dma source(%dma_start3A_76 : memref<250x40xi32, #tpu.memory_space<hbm>>) target(%arg6 : memref<250x40xi32, #tpu.memory_space<vmem>>) target_semaphore(%run_scoped3A : memref<!tpu.dma_semaphore, #tpu.memory_space<semaphore_mem>>)
      %dma_wait3A_77 = arith.constant 0 : i32
      %dma_wait3A_78 = arith.constant 0 : i32
      %dma_wait3A_79 = tpu.memref_slice %arg3[%add3A, %dma_wait3A_77, %dma_wait3A_78] : memref<32x250x40xi32, #tpu.memory_space<hbm>> -> memref<1x250x40xi32, #tpu.memory_space<hbm>>
      %dma_wait3A_80 = tpu.memref_squeeze %dma_wait3A_79 : memref<1x250x40xi32, #tpu.memory_space<hbm>> -> memref<250x40xi32, #tpu.memory_space<hbm>>
      %dma_wait3A_81 = arith.constant 0 : i32
      %dma_wait3A_82 = arith.constant 0 : i32
      %dma_wait3A_83 = tpu.memref_slice %arg3[%add3A, %dma_wait3A_81, %dma_wait3A_82] : memref<32x250x40xi32, #tpu.memory_space<hbm>> -> memref<1x250x40xi32, #tpu.memory_space<hbm>>
      %dma_wait3A_84 = tpu.memref_squeeze %dma_wait3A_83 : memref<1x250x40xi32, #tpu.memory_space<hbm>> -> memref<250x40xi32, #tpu.memory_space<hbm>>
      tpu.wait_dma2 semaphore(%run_scoped3A : memref<!tpu.dma_semaphore, #tpu.memory_space<semaphore_mem>>) src(%dma_wait3A_84 : memref<250x40xi32, #tpu.memory_space<hbm>>) dst(%arg6 : memref<250x40xi32, #tpu.memory_space<vmem>>)
      tpu.yield
    }) : () -> ()
    %mul3A_1 = arith.constant 640 : i32
    %mul3A_2 = arith.muli %arg1, %mul3A_1 : i32
    %multiple_of3A = tpu.assume_multiple %mul3A_2, 8 : i32
    "tpu.region"() ({
      %run_scoped3A = tpu.sem_alloc : memref<!tpu.dma_semaphore, #tpu.memory_space<semaphore_mem>>
      %dma_start3A_69 = arith.constant 0 : i32
      %dma_start3A_70 = tpu.memref_slice %arg12[%multiple_of3A, %dma_start3A_69] : memref<10240x128xf32, #tpu.memory_space<vmem_shared>> -> memref<640x128xf32, #tpu.memory_space<vmem_shared>>
      %dma_start3A_71 = arith.constant 0 : i32
      %dma_start3A_72 = tpu.memref_slice %arg4[%multiple_of3A, %dma_start3A_71] : memref<10240x128xf32, #tpu.memory_space<hbm>> -> memref<640x128xf32, #tpu.memory_space<hbm>>
      tpu.enqueue_dma source(%dma_start3A_72 : memref<640x128xf32, #tpu.memory_space<hbm>>) target(%dma_start3A_70 : memref<640x128xf32, #tpu.memory_space<vmem_shared>>) target_semaphore(%run_scoped3A : memref<!tpu.dma_semaphore, #tpu.memory_space<semaphore_mem>>)
      %dma_wait3A_73 = arith.constant 0 : i32
      %dma_wait3A_74 = tpu.memref_slice %arg12[%multiple_of3A, %dma_wait3A_73] : memref<10240x128xf32, #tpu.memory_space<vmem_shared>> -> memref<640x128xf32, #tpu.memory_space<vmem_shared>>
      %dma_wait3A_75 = arith.constant 0 : i32
      %dma_wait3A_76 = tpu.memref_slice %arg4[%multiple_of3A, %dma_wait3A_75] : memref<10240x128xf32, #tpu.memory_space<hbm>> -> memref<640x128xf32, #tpu.memory_space<hbm>>
      tpu.wait_dma2 semaphore(%run_scoped3A : memref<!tpu.dma_semaphore, #tpu.memory_space<semaphore_mem>>) src(%dma_wait3A_76 : memref<640x128xf32, #tpu.memory_space<hbm>>) dst(%dma_wait3A_74 : memref<640x128xf32, #tpu.memory_space<vmem_shared>>)
      tpu.yield
    }) : () -> ()
    %barrier3A = arith.constant 0 : index
    tpu.barrier barrier_id(%barrier3A)
    %mul3A_3 = arith.constant 10000 : i32
    %mul3A_4 = arith.muli %add3A, %mul3A_3 : i32
    %multiple_of3A_5 = tpu.assume_multiple %mul3A_4, 8 : i32
    %dma_start3A = arith.constant 0 : i32
    %dma_start3A_6 = tpu.memref_slice %arg2[%multiple_of3A_5, %dma_start3A] : memref<320000x128xf32, #tpu.memory_space<hbm>> -> memref<80x128xf32, #tpu.memory_space<hbm>>
    %dma_start3A_7 = arith.constant 0 : i32
    %dma_start3A_8 = tpu.memref_slice %arg2[%multiple_of3A_5, %dma_start3A_7] : memref<320000x128xf32, #tpu.memory_space<hbm>> -> memref<80x128xf32, #tpu.memory_space<hbm>>
    tpu.enqueue_dma source(%dma_start3A_8 : memref<80x128xf32, #tpu.memory_space<hbm>>) target(%arg7 : memref<80x128xf32, #tpu.memory_space<vmem>>) target_semaphore(%arg9 : memref<!tpu.dma_semaphore, #tpu.memory_space<semaphore_mem>>)
    %add3A_9 = arith.constant 80 : i32
    %add3A_10 = arith.addi %multiple_of3A_5, %add3A_9 : i32
    %dma_start3A_11 = arith.constant 0 : i32
    %dma_start3A_12 = tpu.memref_slice %arg2[%add3A_10, %dma_start3A_11] : memref<320000x128xf32, #tpu.memory_space<hbm>> -> memref<80x128xf32, #tpu.memory_space<hbm>>
    %dma_start3A_13 = arith.constant 0 : i32
    %dma_start3A_14 = tpu.memref_slice %arg2[%add3A_10, %dma_start3A_13] : memref<320000x128xf32, #tpu.memory_space<hbm>> -> memref<80x128xf32, #tpu.memory_space<hbm>>
    tpu.enqueue_dma source(%dma_start3A_14 : memref<80x128xf32, #tpu.memory_space<hbm>>) target(%arg8 : memref<80x128xf32, #tpu.memory_space<vmem>>) target_semaphore(%arg10 : memref<!tpu.dma_semaphore, #tpu.memory_space<semaphore_mem>>)
    %scan3A = arith.constant 0 : i32
    %scan3A_15 = arith.constant 0 : i32
    %scan3A_16 = arith.constant 62 : i32
    %scan3A_17 = arith.addi %scan3A_15, %scan3A_16 : i32
    %scan3A_18 = arith.constant 1 : i32
    scf.for %scan3A_69 = %scan3A_15 to %scan3A_17 step %scan3A_18  : i32 {
      %mul3A_70 = arith.constant 2 : i32
      %mul3A_71 = arith.muli %mul3A_70, %scan3A_69 : i32
      %dma_wait3A_72 = arith.constant 0 : i32
      %dma_wait3A_73 = arith.constant 0 : i32
      %dma_wait3A_74 = tpu.memref_slice %arg2[%dma_wait3A_72, %dma_wait3A_73] : memref<320000x128xf32, #tpu.memory_space<hbm>> -> memref<80x128xf32, #tpu.memory_space<hbm>>
      %dma_wait3A_75 = arith.constant 0 : i32
      %dma_wait3A_76 = arith.constant 0 : i32
      %dma_wait3A_77 = tpu.memref_slice %arg2[%dma_wait3A_75, %dma_wait3A_76] : memref<320000x128xf32, #tpu.memory_space<hbm>> -> memref<80x128xf32, #tpu.memory_space<hbm>>
      tpu.wait_dma2 semaphore(%arg9 : memref<!tpu.dma_semaphore, #tpu.memory_space<semaphore_mem>>) src(%dma_wait3A_77 : memref<80x128xf32, #tpu.memory_space<hbm>>) dst(%arg7 : memref<80x128xf32, #tpu.memory_space<vmem>>)
      %mul3A_78 = arith.constant 2 : i32
      %mul3A_79 = arith.muli %mul3A_71, %mul3A_78 : i32
      %add3A_80 = arith.constant 0 : i32
      %add3A_81 = arith.addi %mul3A_79, %add3A_80 : i32
      %dma_start3A_82 = arith.constant 0 : i32
      %dma_start3A_83 = arith.constant 0 : i32
      %dma_start3A_84 = tpu.memref_slice %arg7[%dma_start3A_82, %dma_start3A_83] : memref<80x128xf32, #tpu.memory_space<vmem>> -> memref<40x128xf32, #tpu.memory_space<vmem>>
      %dma_start3A_85 = arith.constant 0 : i32
      %dma_start3A_86 = tpu.memref_slice %arg6[%add3A_81, %dma_start3A_85] : memref<250x40xi32, #tpu.memory_space<vmem>> -> memref<1x40xi32, #tpu.memory_space<vmem>>
      %dma_start3A_87 = tpu.memref_squeeze %dma_start3A_86 : memref<1x40xi32, #tpu.memory_space<vmem>> -> memref<40xi32, #tpu.memory_space<vmem>>
      %dma_start3A_88 = arith.constant 0 : i32
      %dma_start3A_89 = arith.constant 0 : i32
      %dma_start3A_90 = tpu.memref_slice %arg12[%dma_start3A_88, %dma_start3A_89] : memref<10240x128xf32, #tpu.memory_space<vmem_shared>> -> memref<10240x128xf32, #tpu.memory_space<vmem_shared>>
      tpu.enqueue_indirect_dma source(%dma_start3A_84 : memref<40x128xf32, #tpu.memory_space<vmem>>) target(%dma_start3A_90 : memref<10240x128xf32, #tpu.memory_space<vmem_shared>>) offsets(%dma_start3A_87 : memref<40xi32, #tpu.memory_space<vmem>>) semaphore(%arg11 : memref<!tpu.dma_semaphore, #tpu.memory_space<semaphore_mem>>) {add = true}
      %mul3A_91 = arith.constant 2 : i32
      %mul3A_92 = arith.muli %mul3A_71, %mul3A_91 : i32
      %add3A_93 = arith.constant 1 : i32
      %add3A_94 = arith.addi %mul3A_92, %add3A_93 : i32
      %dma_start3A_95 = arith.constant 40 : i32
      %dma_start3A_96 = arith.constant 0 : i32
      %dma_start3A_97 = tpu.memref_slice %arg7[%dma_start3A_95, %dma_start3A_96] : memref<80x128xf32, #tpu.memory_space<vmem>> -> memref<40x128xf32, #tpu.memory_space<vmem>>
      %dma_start3A_98 = arith.constant 0 : i32
      %dma_start3A_99 = tpu.memref_slice %arg6[%add3A_94, %dma_start3A_98] : memref<250x40xi32, #tpu.memory_space<vmem>> -> memref<1x40xi32, #tpu.memory_space<vmem>>
      %dma_start3A_100 = tpu.memref_squeeze %dma_start3A_99 : memref<1x40xi32, #tpu.memory_space<vmem>> -> memref<40xi32, #tpu.memory_space<vmem>>
      %dma_start3A_101 = arith.constant 0 : i32
      %dma_start3A_102 = arith.constant 0 : i32
      %dma_start3A_103 = tpu.memref_slice %arg12[%dma_start3A_101, %dma_start3A_102] : memref<10240x128xf32, #tpu.memory_space<vmem_shared>> -> memref<10240x128xf32, #tpu.memory_space<vmem_shared>>
      tpu.enqueue_indirect_dma source(%dma_start3A_97 : memref<40x128xf32, #tpu.memory_space<vmem>>) target(%dma_start3A_103 : memref<10240x128xf32, #tpu.memory_space<vmem_shared>>) offsets(%dma_start3A_100 : memref<40xi32, #tpu.memory_space<vmem>>) semaphore(%arg11 : memref<!tpu.dma_semaphore, #tpu.memory_space<semaphore_mem>>) {add = true}
      %dma_wait3A_104 = arith.constant 0 : i32
      %dma_wait3A_105 = arith.constant 0 : i32
      %dma_wait3A_106 = tpu.memref_slice %arg7[%dma_wait3A_104, %dma_wait3A_105] : memref<80x128xf32, #tpu.memory_space<vmem>> -> memref<40x128xf32, #tpu.memory_space<vmem>>
      %dma_wait3A_107 = arith.constant 0 : i32
      %dma_wait3A_108 = tpu.memref_slice %arg6[%add3A_81, %dma_wait3A_107] : memref<250x40xi32, #tpu.memory_space<vmem>> -> memref<1x40xi32, #tpu.memory_space<vmem>>
      %dma_wait3A_109 = tpu.memref_squeeze %dma_wait3A_108 : memref<1x40xi32, #tpu.memory_space<vmem>> -> memref<40xi32, #tpu.memory_space<vmem>>
      %dma_wait3A_110 = arith.constant 0 : i32
      %dma_wait3A_111 = arith.constant 0 : i32
      %dma_wait3A_112 = tpu.memref_slice %arg12[%dma_wait3A_110, %dma_wait3A_111] : memref<10240x128xf32, #tpu.memory_space<vmem_shared>> -> memref<10240x128xf32, #tpu.memory_space<vmem_shared>>
      tpu.wait_indirect_dma semaphore(%arg11 : memref<!tpu.dma_semaphore, #tpu.memory_space<semaphore_mem>>) src(%dma_wait3A_106 : memref<40x128xf32, #tpu.memory_space<vmem>>) dst(%dma_wait3A_112 : memref<10240x128xf32, #tpu.memory_space<vmem_shared>>)
      %dma_wait3A_113 = arith.constant 40 : i32
      %dma_wait3A_114 = arith.constant 0 : i32
      %dma_wait3A_115 = tpu.memref_slice %arg7[%dma_wait3A_113, %dma_wait3A_114] : memref<80x128xf32, #tpu.memory_space<vmem>> -> memref<40x128xf32, #tpu.memory_space<vmem>>
      %dma_wait3A_116 = arith.constant 0 : i32
      %dma_wait3A_117 = tpu.memref_slice %arg6[%add3A_94, %dma_wait3A_116] : memref<250x40xi32, #tpu.memory_space<vmem>> -> memref<1x40xi32, #tpu.memory_space<vmem>>
      %dma_wait3A_118 = tpu.memref_squeeze %dma_wait3A_117 : memref<1x40xi32, #tpu.memory_space<vmem>> -> memref<40xi32, #tpu.memory_space<vmem>>
      %dma_wait3A_119 = arith.constant 0 : i32
      %dma_wait3A_120 = arith.constant 0 : i32
      %dma_wait3A_121 = tpu.memref_slice %arg12[%dma_wait3A_119, %dma_wait3A_120] : memref<10240x128xf32, #tpu.memory_space<vmem_shared>> -> memref<10240x128xf32, #tpu.memory_space<vmem_shared>>
      tpu.wait_indirect_dma semaphore(%arg11 : memref<!tpu.dma_semaphore, #tpu.memory_space<semaphore_mem>>) src(%dma_wait3A_115 : memref<40x128xf32, #tpu.memory_space<vmem>>) dst(%dma_wait3A_121 : memref<10240x128xf32, #tpu.memory_space<vmem_shared>>)
      %add3A_122 = arith.constant 2 : i32
      %add3A_123 = arith.addi %mul3A_71, %add3A_122 : i32
      %lt3A = arith.constant 125 : i32
      %lt3A_124 = arith.cmpi slt, %add3A_123, %lt3A : i32
      %convert_element_type3A = arith.extui %lt3A_124 : i1 to i32
      %cond3A = arith.constant 0 : i32
      %cond3A_125 = arith.cmpi ne, %convert_element_type3A, %cond3A : i32
      scf.if %cond3A_125 {
        %mul3A_187 = arith.constant 10000 : i32
        %mul3A_188 = arith.muli %add3A, %mul3A_187 : i32
        %mul3A_189 = arith.constant 80 : i32
        %mul3A_190 = arith.muli %add3A_123, %mul3A_189 : i32
        %add3A_191 = arith.addi %mul3A_188, %mul3A_190 : i32
        %multiple_of3A_192 = tpu.assume_multiple %add3A_191, 8 : i32
        %dma_start3A_193 = arith.constant 0 : i32
        %dma_start3A_194 = tpu.memref_slice %arg2[%multiple_of3A_192, %dma_start3A_193] : memref<320000x128xf32, #tpu.memory_space<hbm>> -> memref<80x128xf32, #tpu.memory_space<hbm>>
        %dma_start3A_195 = arith.constant 0 : i32
        %dma_start3A_196 = tpu.memref_slice %arg2[%multiple_of3A_192, %dma_start3A_195] : memref<320000x128xf32, #tpu.memory_space<hbm>> -> memref<80x128xf32, #tpu.memory_space<hbm>>
        tpu.enqueue_dma source(%dma_start3A_196 : memref<80x128xf32, #tpu.memory_space<hbm>>) target(%arg7 : memref<80x128xf32, #tpu.memory_space<vmem>>) target_semaphore(%arg9 : memref<!tpu.dma_semaphore, #tpu.memory_space<semaphore_mem>>)
      } else {
      }
      %mul3A_126 = arith.constant 2 : i32
      %mul3A_127 = arith.muli %mul3A_126, %scan3A_69 : i32
      %add3A_128 = arith.constant 1 : i32
      %add3A_129 = arith.addi %mul3A_127, %add3A_128 : i32
      %dma_wait3A_130 = arith.constant 0 : i32
      %dma_wait3A_131 = arith.constant 0 : i32
      %dma_wait3A_132 = tpu.memref_slice %arg2[%dma_wait3A_130, %dma_wait3A_131] : memref<320000x128xf32, #tpu.memory_space<hbm>> -> memref<80x128xf32, #tpu.memory_space<hbm>>
      %dma_wait3A_133 = arith.constant 0 : i32
      %dma_wait3A_134 = arith.constant 0 : i32
      %dma_wait3A_135 = tpu.memref_slice %arg2[%dma_wait3A_133, %dma_wait3A_134] : memref<320000x128xf32, #tpu.memory_space<hbm>> -> memref<80x128xf32, #tpu.memory_space<hbm>>
      tpu.wait_dma2 semaphore(%arg10 : memref<!tpu.dma_semaphore, #tpu.memory_space<semaphore_mem>>) src(%dma_wait3A_135 : memref<80x128xf32, #tpu.memory_space<hbm>>) dst(%arg8 : memref<80x128xf32, #tpu.memory_space<vmem>>)
      %mul3A_136 = arith.constant 2 : i32
      %mul3A_137 = arith.muli %add3A_129, %mul3A_136 : i32
      %add3A_138 = arith.constant 0 : i32
      %add3A_139 = arith.addi %mul3A_137, %add3A_138 : i32
      %dma_start3A_140 = arith.constant 0 : i32
      %dma_start3A_141 = arith.constant 0 : i32
      %dma_start3A_142 = tpu.memref_slice %arg8[%dma_start3A_140, %dma_start3A_141] : memref<80x128xf32, #tpu.memory_space<vmem>> -> memref<40x128xf32, #tpu.memory_space<vmem>>
      %dma_start3A_143 = arith.constant 0 : i32
      %dma_start3A_144 = tpu.memref_slice %arg6[%add3A_139, %dma_start3A_143] : memref<250x40xi32, #tpu.memory_space<vmem>> -> memref<1x40xi32, #tpu.memory_space<vmem>>
      %dma_start3A_145 = tpu.memref_squeeze %dma_start3A_144 : memref<1x40xi32, #tpu.memory_space<vmem>> -> memref<40xi32, #tpu.memory_space<vmem>>
      %dma_start3A_146 = arith.constant 0 : i32
      %dma_start3A_147 = arith.constant 0 : i32
      %dma_start3A_148 = tpu.memref_slice %arg12[%dma_start3A_146, %dma_start3A_147] : memref<10240x128xf32, #tpu.memory_space<vmem_shared>> -> memref<10240x128xf32, #tpu.memory_space<vmem_shared>>
      tpu.enqueue_indirect_dma source(%dma_start3A_142 : memref<40x128xf32, #tpu.memory_space<vmem>>) target(%dma_start3A_148 : memref<10240x128xf32, #tpu.memory_space<vmem_shared>>) offsets(%dma_start3A_145 : memref<40xi32, #tpu.memory_space<vmem>>) semaphore(%arg11 : memref<!tpu.dma_semaphore, #tpu.memory_space<semaphore_mem>>) {add = true}
      %mul3A_149 = arith.constant 2 : i32
      %mul3A_150 = arith.muli %add3A_129, %mul3A_149 : i32
      %add3A_151 = arith.constant 1 : i32
      %add3A_152 = arith.addi %mul3A_150, %add3A_151 : i32
      %dma_start3A_153 = arith.constant 40 : i32
      %dma_start3A_154 = arith.constant 0 : i32
      %dma_start3A_155 = tpu.memref_slice %arg8[%dma_start3A_153, %dma_start3A_154] : memref<80x128xf32, #tpu.memory_space<vmem>> -> memref<40x128xf32, #tpu.memory_space<vmem>>
      %dma_start3A_156 = arith.constant 0 : i32
      %dma_start3A_157 = tpu.memref_slice %arg6[%add3A_152, %dma_start3A_156] : memref<250x40xi32, #tpu.memory_space<vmem>> -> memref<1x40xi32, #tpu.memory_space<vmem>>
      %dma_start3A_158 = tpu.memref_squeeze %dma_start3A_157 : memref<1x40xi32, #tpu.memory_space<vmem>> -> memref<40xi32, #tpu.memory_space<vmem>>
      %dma_start3A_159 = arith.constant 0 : i32
      %dma_start3A_160 = arith.constant 0 : i32
      %dma_start3A_161 = tpu.memref_slice %arg12[%dma_start3A_159, %dma_start3A_160] : memref<10240x128xf32, #tpu.memory_space<vmem_shared>> -> memref<10240x128xf32, #tpu.memory_space<vmem_shared>>
      tpu.enqueue_indirect_dma source(%dma_start3A_155 : memref<40x128xf32, #tpu.memory_space<vmem>>) target(%dma_start3A_161 : memref<10240x128xf32, #tpu.memory_space<vmem_shared>>) offsets(%dma_start3A_158 : memref<40xi32, #tpu.memory_space<vmem>>) semaphore(%arg11 : memref<!tpu.dma_semaphore, #tpu.memory_space<semaphore_mem>>) {add = true}
      %dma_wait3A_162 = arith.constant 0 : i32
      %dma_wait3A_163 = arith.constant 0 : i32
      %dma_wait3A_164 = tpu.memref_slice %arg8[%dma_wait3A_162, %dma_wait3A_163] : memref<80x128xf32, #tpu.memory_space<vmem>> -> memref<40x128xf32, #tpu.memory_space<vmem>>
      %dma_wait3A_165 = arith.constant 0 : i32
      %dma_wait3A_166 = tpu.memref_slice %arg6[%add3A_139, %dma_wait3A_165] : memref<250x40xi32, #tpu.memory_space<vmem>> -> memref<1x40xi32, #tpu.memory_space<vmem>>
      %dma_wait3A_167 = tpu.memref_squeeze %dma_wait3A_166 : memref<1x40xi32, #tpu.memory_space<vmem>> -> memref<40xi32, #tpu.memory_space<vmem>>
      %dma_wait3A_168 = arith.constant 0 : i32
      %dma_wait3A_169 = arith.constant 0 : i32
      %dma_wait3A_170 = tpu.memref_slice %arg12[%dma_wait3A_168, %dma_wait3A_169] : memref<10240x128xf32, #tpu.memory_space<vmem_shared>> -> memref<10240x128xf32, #tpu.memory_space<vmem_shared>>
      tpu.wait_indirect_dma semaphore(%arg11 : memref<!tpu.dma_semaphore, #tpu.memory_space<semaphore_mem>>) src(%dma_wait3A_164 : memref<40x128xf32, #tpu.memory_space<vmem>>) dst(%dma_wait3A_170 : memref<10240x128xf32, #tpu.memory_space<vmem_shared>>)
      %dma_wait3A_171 = arith.constant 40 : i32
      %dma_wait3A_172 = arith.constant 0 : i32
      %dma_wait3A_173 = tpu.memref_slice %arg8[%dma_wait3A_171, %dma_wait3A_172] : memref<80x128xf32, #tpu.memory_space<vmem>> -> memref<40x128xf32, #tpu.memory_space<vmem>>
      %dma_wait3A_174 = arith.constant 0 : i32
      %dma_wait3A_175 = tpu.memref_slice %arg6[%add3A_152, %dma_wait3A_174] : memref<250x40xi32, #tpu.memory_space<vmem>> -> memref<1x40xi32, #tpu.memory_space<vmem>>
      %dma_wait3A_176 = tpu.memref_squeeze %dma_wait3A_175 : memref<1x40xi32, #tpu.memory_space<vmem>> -> memref<40xi32, #tpu.memory_space<vmem>>
      %dma_wait3A_177 = arith.constant 0 : i32
      %dma_wait3A_178 = arith.constant 0 : i32
      %dma_wait3A_179 = tpu.memref_slice %arg12[%dma_wait3A_177, %dma_wait3A_178] : memref<10240x128xf32, #tpu.memory_space<vmem_shared>> -> memref<10240x128xf32, #tpu.memory_space<vmem_shared>>
      tpu.wait_indirect_dma semaphore(%arg11 : memref<!tpu.dma_semaphore, #tpu.memory_space<semaphore_mem>>) src(%dma_wait3A_173 : memref<40x128xf32, #tpu.memory_space<vmem>>) dst(%dma_wait3A_179 : memref<10240x128xf32, #tpu.memory_space<vmem_shared>>)
      %add3A_180 = arith.constant 2 : i32
      %add3A_181 = arith.addi %add3A_129, %add3A_180 : i32
      %lt3A_182 = arith.constant 125 : i32
      %lt3A_183 = arith.cmpi slt, %add3A_181, %lt3A_182 : i32
      %convert_element_type3A_184 = arith.extui %lt3A_183 : i1 to i32
      %cond3A_185 = arith.constant 0 : i32
      %cond3A_186 = arith.cmpi ne, %convert_element_type3A_184, %cond3A_185 : i32
      scf.if %cond3A_186 {
        %mul3A_187 = arith.constant 10000 : i32
        %mul3A_188 = arith.muli %add3A, %mul3A_187 : i32
        %mul3A_189 = arith.constant 80 : i32
        %mul3A_190 = arith.muli %add3A_181, %mul3A_189 : i32
        %add3A_191 = arith.addi %mul3A_188, %mul3A_190 : i32
        %multiple_of3A_192 = tpu.assume_multiple %add3A_191, 8 : i32
        %dma_start3A_193 = arith.constant 0 : i32
        %dma_start3A_194 = tpu.memref_slice %arg2[%multiple_of3A_192, %dma_start3A_193] : memref<320000x128xf32, #tpu.memory_space<hbm>> -> memref<80x128xf32, #tpu.memory_space<hbm>>
        %dma_start3A_195 = arith.constant 0 : i32
        %dma_start3A_196 = tpu.memref_slice %arg2[%multiple_of3A_192, %dma_start3A_195] : memref<320000x128xf32, #tpu.memory_space<hbm>> -> memref<80x128xf32, #tpu.memory_space<hbm>>
        tpu.enqueue_dma source(%dma_start3A_196 : memref<80x128xf32, #tpu.memory_space<hbm>>) target(%arg8 : memref<80x128xf32, #tpu.memory_space<vmem>>) target_semaphore(%arg10 : memref<!tpu.dma_semaphore, #tpu.memory_space<semaphore_mem>>)
      } else {
      }
    }
    %scan3A_19 = arith.constant 62 : i32
    %dma_wait3A = arith.constant 0 : i32
    %dma_wait3A_20 = arith.constant 0 : i32
    %dma_wait3A_21 = tpu.memref_slice %arg2[%dma_wait3A, %dma_wait3A_20] : memref<320000x128xf32, #tpu.memory_space<hbm>> -> memref<80x128xf32, #tpu.memory_space<hbm>>
    %dma_wait3A_22 = arith.constant 0 : i32
    %dma_wait3A_23 = arith.constant 0 : i32
    %dma_wait3A_24 = tpu.memref_slice %arg2[%dma_wait3A_22, %dma_wait3A_23] : memref<320000x128xf32, #tpu.memory_space<hbm>> -> memref<80x128xf32, #tpu.memory_space<hbm>>
    tpu.wait_dma2 semaphore(%arg9 : memref<!tpu.dma_semaphore, #tpu.memory_space<semaphore_mem>>) src(%dma_wait3A_24 : memref<80x128xf32, #tpu.memory_space<hbm>>) dst(%arg7 : memref<80x128xf32, #tpu.memory_space<vmem>>)
    %dma_start3A_25 = arith.constant 248 : i32
    %dma_start3A_26 = arith.constant 0 : i32
    %dma_start3A_27 = arith.constant 0 : i32
    %dma_start3A_28 = tpu.memref_slice %arg7[%dma_start3A_26, %dma_start3A_27] : memref<80x128xf32, #tpu.memory_space<vmem>> -> memref<40x128xf32, #tpu.memory_space<vmem>>
    %dma_start3A_29 = arith.constant 0 : i32
    %dma_start3A_30 = tpu.memref_slice %arg6[%dma_start3A_25, %dma_start3A_29] : memref<250x40xi32, #tpu.memory_space<vmem>> -> memref<1x40xi32, #tpu.memory_space<vmem>>
    %dma_start3A_31 = tpu.memref_squeeze %dma_start3A_30 : memref<1x40xi32, #tpu.memory_space<vmem>> -> memref<40xi32, #tpu.memory_space<vmem>>
    %dma_start3A_32 = arith.constant 0 : i32
    %dma_start3A_33 = arith.constant 0 : i32
    %dma_start3A_34 = tpu.memref_slice %arg12[%dma_start3A_32, %dma_start3A_33] : memref<10240x128xf32, #tpu.memory_space<vmem_shared>> -> memref<10240x128xf32, #tpu.memory_space<vmem_shared>>
    tpu.enqueue_indirect_dma source(%dma_start3A_28 : memref<40x128xf32, #tpu.memory_space<vmem>>) target(%dma_start3A_34 : memref<10240x128xf32, #tpu.memory_space<vmem_shared>>) offsets(%dma_start3A_31 : memref<40xi32, #tpu.memory_space<vmem>>) semaphore(%arg11 : memref<!tpu.dma_semaphore, #tpu.memory_space<semaphore_mem>>) {add = true}
    %dma_start3A_35 = arith.constant 249 : i32
    %dma_start3A_36 = arith.constant 40 : i32
    %dma_start3A_37 = arith.constant 0 : i32
    %dma_start3A_38 = tpu.memref_slice %arg7[%dma_start3A_36, %dma_start3A_37] : memref<80x128xf32, #tpu.memory_space<vmem>> -> memref<40x128xf32, #tpu.memory_space<vmem>>
    %dma_start3A_39 = arith.constant 0 : i32
    %dma_start3A_40 = tpu.memref_slice %arg6[%dma_start3A_35, %dma_start3A_39] : memref<250x40xi32, #tpu.memory_space<vmem>> -> memref<1x40xi32, #tpu.memory_space<vmem>>
    %dma_start3A_41 = tpu.memref_squeeze %dma_start3A_40 : memref<1x40xi32, #tpu.memory_space<vmem>> -> memref<40xi32, #tpu.memory_space<vmem>>
    %dma_start3A_42 = arith.constant 0 : i32
    %dma_start3A_43 = arith.constant 0 : i32
    %dma_start3A_44 = tpu.memref_slice %arg12[%dma_start3A_42, %dma_start3A_43] : memref<10240x128xf32, #tpu.memory_space<vmem_shared>> -> memref<10240x128xf32, #tpu.memory_space<vmem_shared>>
    tpu.enqueue_indirect_dma source(%dma_start3A_38 : memref<40x128xf32, #tpu.memory_space<vmem>>) target(%dma_start3A_44 : memref<10240x128xf32, #tpu.memory_space<vmem_shared>>) offsets(%dma_start3A_41 : memref<40xi32, #tpu.memory_space<vmem>>) semaphore(%arg11 : memref<!tpu.dma_semaphore, #tpu.memory_space<semaphore_mem>>) {add = true}
    %dma_wait3A_45 = arith.constant 248 : i32
    %dma_wait3A_46 = arith.constant 0 : i32
    %dma_wait3A_47 = arith.constant 0 : i32
    %dma_wait3A_48 = tpu.memref_slice %arg7[%dma_wait3A_46, %dma_wait3A_47] : memref<80x128xf32, #tpu.memory_space<vmem>> -> memref<40x128xf32, #tpu.memory_space<vmem>>
    %dma_wait3A_49 = arith.constant 0 : i32
    %dma_wait3A_50 = tpu.memref_slice %arg6[%dma_wait3A_45, %dma_wait3A_49] : memref<250x40xi32, #tpu.memory_space<vmem>> -> memref<1x40xi32, #tpu.memory_space<vmem>>
    %dma_wait3A_51 = tpu.memref_squeeze %dma_wait3A_50 : memref<1x40xi32, #tpu.memory_space<vmem>> -> memref<40xi32, #tpu.memory_space<vmem>>
    %dma_wait3A_52 = arith.constant 0 : i32
    %dma_wait3A_53 = arith.constant 0 : i32
    %dma_wait3A_54 = tpu.memref_slice %arg12[%dma_wait3A_52, %dma_wait3A_53] : memref<10240x128xf32, #tpu.memory_space<vmem_shared>> -> memref<10240x128xf32, #tpu.memory_space<vmem_shared>>
    tpu.wait_indirect_dma semaphore(%arg11 : memref<!tpu.dma_semaphore, #tpu.memory_space<semaphore_mem>>) src(%dma_wait3A_48 : memref<40x128xf32, #tpu.memory_space<vmem>>) dst(%dma_wait3A_54 : memref<10240x128xf32, #tpu.memory_space<vmem_shared>>)
    %dma_wait3A_55 = arith.constant 249 : i32
    %dma_wait3A_56 = arith.constant 40 : i32
    %dma_wait3A_57 = arith.constant 0 : i32
    %dma_wait3A_58 = tpu.memref_slice %arg7[%dma_wait3A_56, %dma_wait3A_57] : memref<80x128xf32, #tpu.memory_space<vmem>> -> memref<40x128xf32, #tpu.memory_space<vmem>>
    %dma_wait3A_59 = arith.constant 0 : i32
    %dma_wait3A_60 = tpu.memref_slice %arg6[%dma_wait3A_55, %dma_wait3A_59] : memref<250x40xi32, #tpu.memory_space<vmem>> -> memref<1x40xi32, #tpu.memory_space<vmem>>
    %dma_wait3A_61 = tpu.memref_squeeze %dma_wait3A_60 : memref<1x40xi32, #tpu.memory_space<vmem>> -> memref<40xi32, #tpu.memory_space<vmem>>
    %dma_wait3A_62 = arith.constant 0 : i32
    %dma_wait3A_63 = arith.constant 0 : i32
    %dma_wait3A_64 = tpu.memref_slice %arg12[%dma_wait3A_62, %dma_wait3A_63] : memref<10240x128xf32, #tpu.memory_space<vmem_shared>> -> memref<10240x128xf32, #tpu.memory_space<vmem_shared>>
    tpu.wait_indirect_dma semaphore(%arg11 : memref<!tpu.dma_semaphore, #tpu.memory_space<semaphore_mem>>) src(%dma_wait3A_58 : memref<40x128xf32, #tpu.memory_space<vmem>>) dst(%dma_wait3A_64 : memref<10240x128xf32, #tpu.memory_space<vmem_shared>>)
    %barrier3A_65 = arith.constant 0 : index
    tpu.barrier barrier_id(%barrier3A_65)
    %mul3A_66 = arith.constant 640 : i32
    %mul3A_67 = arith.muli %arg1, %mul3A_66 : i32
    %multiple_of3A_68 = tpu.assume_multiple %mul3A_67, 8 : i32
    "tpu.region"() ({
      %run_scoped3A = tpu.sem_alloc : memref<!tpu.dma_semaphore, #tpu.memory_space<semaphore_mem>>
      %dma_start3A_69 = arith.constant 0 : i32
      %dma_start3A_70 = tpu.memref_slice %arg5[%arg0, %multiple_of3A_68, %dma_start3A_69] : memref<2x10240x128xf32, #tpu.memory_space<hbm>> -> memref<1x640x128xf32, #tpu.memory_space<hbm>>
      %dma_start3A_71 = tpu.memref_squeeze %dma_start3A_70 : memref<1x640x128xf32, #tpu.memory_space<hbm>> -> memref<640x128xf32, #tpu.memory_space<hbm>>
      %dma_start3A_72 = arith.constant 0 : i32
      %dma_start3A_73 = tpu.memref_slice %arg12[%multiple_of3A_68, %dma_start3A_72] : memref<10240x128xf32, #tpu.memory_space<vmem_shared>> -> memref<640x128xf32, #tpu.memory_space<vmem_shared>>
      tpu.enqueue_dma source(%dma_start3A_73 : memref<640x128xf32, #tpu.memory_space<vmem_shared>>) target(%dma_start3A_71 : memref<640x128xf32, #tpu.memory_space<hbm>>) target_semaphore(%run_scoped3A : memref<!tpu.dma_semaphore, #tpu.memory_space<semaphore_mem>>)
      %dma_wait3A_74 = arith.constant 0 : i32
      %dma_wait3A_75 = tpu.memref_slice %arg5[%arg0, %multiple_of3A_68, %dma_wait3A_74] : memref<2x10240x128xf32, #tpu.memory_space<hbm>> -> memref<1x640x128xf32, #tpu.memory_space<hbm>>
      %dma_wait3A_76 = tpu.memref_squeeze %dma_wait3A_75 : memref<1x640x128xf32, #tpu.memory_space<hbm>> -> memref<640x128xf32, #tpu.memory_space<hbm>>
      %dma_wait3A_77 = arith.constant 0 : i32
      %dma_wait3A_78 = tpu.memref_slice %arg12[%multiple_of3A_68, %dma_wait3A_77] : memref<10240x128xf32, #tpu.memory_space<vmem_shared>> -> memref<640x128xf32, #tpu.memory_space<vmem_shared>>
      tpu.wait_dma2 semaphore(%run_scoped3A : memref<!tpu.dma_semaphore, #tpu.memory_space<semaphore_mem>>) src(%dma_wait3A_78 : memref<640x128xf32, #tpu.memory_space<vmem_shared>>) dst(%dma_wait3A_76 : memref<640x128xf32, #tpu.memory_space<hbm>>)
      tpu.yield
    }) : () -> ()
    return
  }
}

#map = affine_map<(d0, d1) -> (0, 0)>
#map1 = affine_map<(d0, d1) -> (0, 0, 0)>
module attributes {stable_mosaic.version = 14 : i64} {
  func.func @_sc_scatter_body(%arg0: i32, %arg1: i32, %arg2: memref<320000x128xf32, #tpu.memory_space<hbm>>, %arg3: memref<32x250x40xi32, #tpu.memory_space<hbm>>, %arg4: memref<10240x128xf32, #tpu.memory_space<hbm>>, %arg5: memref<2x10240x128xf32, #tpu.memory_space<hbm>>, %arg6: memref<250x40xi32, #tpu.memory_space<vmem>>, %arg7: memref<80x128xf32, #tpu.memory_space<vmem>>, %arg8: memref<80x128xf32, #tpu.memory_space<vmem>>, %arg9: memref<!tpu.dma_semaphore, #tpu.memory_space<semaphore_mem>>, %arg10: memref<!tpu.dma_semaphore, #tpu.memory_space<semaphore_mem>>, %arg11: memref<!tpu.dma_semaphore, #tpu.memory_space<semaphore_mem>>, %arg12: memref<10240x128xf32, #tpu.memory_space<vmem_shared>>) attributes {dimension_semantics = [#tpu.dimension_semantics<core_parallel>, #tpu.dimension_semantics<subcore_parallel>], iteration_bounds = array<i64: 2, 16>, scalar_prefetch = 0 : i64, scratch_operands = 7 : i64, tpu.core_type = #tpu.core_type<sc_vector_subcore>, window_params = [{transform_indices = #map}, {transform_indices = #map1}, {transform_indices = #map}, {transform_indices = #map1}]} {
    %mul3A = arith.constant 16 : i32
    %mul3A_0 = arith.muli %arg0, %mul3A : i32
    %add3A = arith.addi %mul3A_0, %arg1 : i32
    "tpu.region"() ({
      %run_scoped3A = tpu.sem_alloc : memref<!tpu.dma_semaphore, #tpu.memory_space<semaphore_mem>>
      %dma_start3A_69 = arith.constant 0 : i32
      %dma_start3A_70 = arith.constant 0 : i32
      %dma_start3A_71 = tpu.memref_slice %arg3[%add3A, %dma_start3A_69, %dma_start3A_70] : memref<32x250x40xi32, #tpu.memory_space<hbm>> -> memref<1x250x40xi32, #tpu.memory_space<hbm>>
      %dma_start3A_72 = tpu.memref_squeeze %dma_start3A_71 : memref<1x250x40xi32, #tpu.memory_space<hbm>> -> memref<250x40xi32, #tpu.memory_space<hbm>>
      %dma_start3A_73 = arith.constant 0 : i32
      %dma_start3A_74 = arith.constant 0 : i32
      %dma_start3A_75 = tpu.memref_slice %arg3[%add3A, %dma_start3A_73, %dma_start3A_74] : memref<32x250x40xi32, #tpu.memory_space<hbm>> -> memref<1x250x40xi32, #tpu.memory_space<hbm>>
      %dma_start3A_76 = tpu.memref_squeeze %dma_start3A_75 : memref<1x250x40xi32, #tpu.memory_space<hbm>> -> memref<250x40xi32, #tpu.memory_space<hbm>>
      tpu.enqueue_dma source(%dma_start3A_76 : memref<250x40xi32, #tpu.memory_space<hbm>>) target(%arg6 : memref<250x40xi32, #tpu.memory_space<vmem>>) target_semaphore(%run_scoped3A : memref<!tpu.dma_semaphore, #tpu.memory_space<semaphore_mem>>)
      %dma_wait3A_77 = arith.constant 0 : i32
      %dma_wait3A_78 = arith.constant 0 : i32
      %dma_wait3A_79 = tpu.memref_slice %arg3[%add3A, %dma_wait3A_77, %dma_wait3A_78] : memref<32x250x40xi32, #tpu.memory_space<hbm>> -> memref<1x250x40xi32, #tpu.memory_space<hbm>>
      %dma_wait3A_80 = tpu.memref_squeeze %dma_wait3A_79 : memref<1x250x40xi32, #tpu.memory_space<hbm>> -> memref<250x40xi32, #tpu.memory_space<hbm>>
      %dma_wait3A_81 = arith.constant 0 : i32
      %dma_wait3A_82 = arith.constant 0 : i32
      %dma_wait3A_83 = tpu.memref_slice %arg3[%add3A, %dma_wait3A_81, %dma_wait3A_82] : memref<32x250x40xi32, #tpu.memory_space<hbm>> -> memref<1x250x40xi32, #tpu.memory_space<hbm>>
      %dma_wait3A_84 = tpu.memref_squeeze %dma_wait3A_83 : memref<1x250x40xi32, #tpu.memory_space<hbm>> -> memref<250x40xi32, #tpu.memory_space<hbm>>
      tpu.wait_dma2 semaphore(%run_scoped3A : memref<!tpu.dma_semaphore, #tpu.memory_space<semaphore_mem>>) src(%dma_wait3A_84 : memref<250x40xi32, #tpu.memory_space<hbm>>) dst(%arg6 : memref<250x40xi32, #tpu.memory_space<vmem>>)
      tpu.yield
    }) : () -> ()
    %mul3A_1 = arith.constant 640 : i32
    %mul3A_2 = arith.muli %arg1, %mul3A_1 : i32
    %multiple_of3A = tpu.assume_multiple %mul3A_2, 8 : i32
    "tpu.region"() ({
      %run_scoped3A = tpu.sem_alloc : memref<!tpu.dma_semaphore, #tpu.memory_space<semaphore_mem>>
      %dma_start3A_69 = arith.constant 0 : i32
      %dma_start3A_70 = tpu.memref_slice %arg12[%multiple_of3A, %dma_start3A_69] : memref<10240x128xf32, #tpu.memory_space<vmem_shared>> -> memref<640x128xf32, #tpu.memory_space<vmem_shared>>
      %dma_start3A_71 = arith.constant 0 : i32
      %dma_start3A_72 = tpu.memref_slice %arg4[%multiple_of3A, %dma_start3A_71] : memref<10240x128xf32, #tpu.memory_space<hbm>> -> memref<640x128xf32, #tpu.memory_space<hbm>>
      tpu.enqueue_dma source(%dma_start3A_72 : memref<640x128xf32, #tpu.memory_space<hbm>>) target(%dma_start3A_70 : memref<640x128xf32, #tpu.memory_space<vmem_shared>>) target_semaphore(%run_scoped3A : memref<!tpu.dma_semaphore, #tpu.memory_space<semaphore_mem>>)
      %dma_wait3A_73 = arith.constant 0 : i32
      %dma_wait3A_74 = tpu.memref_slice %arg12[%multiple_of3A, %dma_wait3A_73] : memref<10240x128xf32, #tpu.memory_space<vmem_shared>> -> memref<640x128xf32, #tpu.memory_space<vmem_shared>>
      %dma_wait3A_75 = arith.constant 0 : i32
      %dma_wait3A_76 = tpu.memref_slice %arg4[%multiple_of3A, %dma_wait3A_75] : memref<10240x128xf32, #tpu.memory_space<hbm>> -> memref<640x128xf32, #tpu.memory_space<hbm>>
      tpu.wait_dma2 semaphore(%run_scoped3A : memref<!tpu.dma_semaphore, #tpu.memory_space<semaphore_mem>>) src(%dma_wait3A_76 : memref<640x128xf32, #tpu.memory_space<hbm>>) dst(%dma_wait3A_74 : memref<640x128xf32, #tpu.memory_space<vmem_shared>>)
      tpu.yield
    }) : () -> ()
    %barrier3A = arith.constant 0 : index
    tpu.barrier barrier_id(%barrier3A)
    %mul3A_3 = arith.constant 10000 : i32
    %mul3A_4 = arith.muli %add3A, %mul3A_3 : i32
    %multiple_of3A_5 = tpu.assume_multiple %mul3A_4, 8 : i32
    %dma_start3A = arith.constant 0 : i32
    %dma_start3A_6 = tpu.memref_slice %arg2[%multiple_of3A_5, %dma_start3A] : memref<320000x128xf32, #tpu.memory_space<hbm>> -> memref<80x128xf32, #tpu.memory_space<hbm>>
    %dma_start3A_7 = arith.constant 0 : i32
    %dma_start3A_8 = tpu.memref_slice %arg2[%multiple_of3A_5, %dma_start3A_7] : memref<320000x128xf32, #tpu.memory_space<hbm>> -> memref<80x128xf32, #tpu.memory_space<hbm>>
    tpu.enqueue_dma source(%dma_start3A_8 : memref<80x128xf32, #tpu.memory_space<hbm>>) target(%arg7 : memref<80x128xf32, #tpu.memory_space<vmem>>) target_semaphore(%arg9 : memref<!tpu.dma_semaphore, #tpu.memory_space<semaphore_mem>>)
    %add3A_9 = arith.constant 80 : i32
    %add3A_10 = arith.addi %multiple_of3A_5, %add3A_9 : i32
    %dma_start3A_11 = arith.constant 0 : i32
    %dma_start3A_12 = tpu.memref_slice %arg2[%add3A_10, %dma_start3A_11] : memref<320000x128xf32, #tpu.memory_space<hbm>> -> memref<80x128xf32, #tpu.memory_space<hbm>>
    %dma_start3A_13 = arith.constant 0 : i32
    %dma_start3A_14 = tpu.memref_slice %arg2[%add3A_10, %dma_start3A_13] : memref<320000x128xf32, #tpu.memory_space<hbm>> -> memref<80x128xf32, #tpu.memory_space<hbm>>
    tpu.enqueue_dma source(%dma_start3A_14 : memref<80x128xf32, #tpu.memory_space<hbm>>) target(%arg8 : memref<80x128xf32, #tpu.memory_space<vmem>>) target_semaphore(%arg10 : memref<!tpu.dma_semaphore, #tpu.memory_space<semaphore_mem>>)
    %scan3A = arith.constant 0 : i32
    %scan3A_15 = arith.constant 0 : i32
    %scan3A_16 = arith.constant 62 : i32
    %scan3A_17 = arith.addi %scan3A_15, %scan3A_16 : i32
    %scan3A_18 = arith.constant 1 : i32
    scf.for %scan3A_69 = %scan3A_15 to %scan3A_17 step %scan3A_18  : i32 {
      %mul3A_70 = arith.constant 2 : i32
      %mul3A_71 = arith.muli %mul3A_70, %scan3A_69 : i32
      %dma_wait3A_72 = arith.constant 0 : i32
      %dma_wait3A_73 = arith.constant 0 : i32
      %dma_wait3A_74 = tpu.memref_slice %arg2[%dma_wait3A_72, %dma_wait3A_73] : memref<320000x128xf32, #tpu.memory_space<hbm>> -> memref<80x128xf32, #tpu.memory_space<hbm>>
      %dma_wait3A_75 = arith.constant 0 : i32
      %dma_wait3A_76 = arith.constant 0 : i32
      %dma_wait3A_77 = tpu.memref_slice %arg2[%dma_wait3A_75, %dma_wait3A_76] : memref<320000x128xf32, #tpu.memory_space<hbm>> -> memref<80x128xf32, #tpu.memory_space<hbm>>
      tpu.wait_dma2 semaphore(%arg9 : memref<!tpu.dma_semaphore, #tpu.memory_space<semaphore_mem>>) src(%dma_wait3A_77 : memref<80x128xf32, #tpu.memory_space<hbm>>) dst(%arg7 : memref<80x128xf32, #tpu.memory_space<vmem>>)
      %mul3A_78 = arith.constant 2 : i32
      %mul3A_79 = arith.muli %mul3A_71, %mul3A_78 : i32
      %add3A_80 = arith.constant 0 : i32
      %add3A_81 = arith.addi %mul3A_79, %add3A_80 : i32
      %dma_start3A_82 = arith.constant 0 : i32
      %dma_start3A_83 = arith.constant 0 : i32
      %dma_start3A_84 = tpu.memref_slice %arg7[%dma_start3A_82, %dma_start3A_83] : memref<80x128xf32, #tpu.memory_space<vmem>> -> memref<40x128xf32, #tpu.memory_space<vmem>>
      %dma_start3A_85 = arith.constant 0 : i32
      %dma_start3A_86 = tpu.memref_slice %arg6[%add3A_81, %dma_start3A_85] : memref<250x40xi32, #tpu.memory_space<vmem>> -> memref<1x40xi32, #tpu.memory_space<vmem>>
      %dma_start3A_87 = tpu.memref_squeeze %dma_start3A_86 : memref<1x40xi32, #tpu.memory_space<vmem>> -> memref<40xi32, #tpu.memory_space<vmem>>
      %dma_start3A_88 = arith.constant 0 : i32
      %dma_start3A_89 = arith.constant 0 : i32
      %dma_start3A_90 = tpu.memref_slice %arg12[%dma_start3A_88, %dma_start3A_89] : memref<10240x128xf32, #tpu.memory_space<vmem_shared>> -> memref<10240x128xf32, #tpu.memory_space<vmem_shared>>
      tpu.enqueue_indirect_dma source(%dma_start3A_84 : memref<40x128xf32, #tpu.memory_space<vmem>>) target(%dma_start3A_90 : memref<10240x128xf32, #tpu.memory_space<vmem_shared>>) offsets(%dma_start3A_87 : memref<40xi32, #tpu.memory_space<vmem>>) semaphore(%arg11 : memref<!tpu.dma_semaphore, #tpu.memory_space<semaphore_mem>>) {add = true}
      %mul3A_91 = arith.constant 2 : i32
      %mul3A_92 = arith.muli %mul3A_71, %mul3A_91 : i32
      %add3A_93 = arith.constant 1 : i32
      %add3A_94 = arith.addi %mul3A_92, %add3A_93 : i32
      %dma_start3A_95 = arith.constant 40 : i32
      %dma_start3A_96 = arith.constant 0 : i32
      %dma_start3A_97 = tpu.memref_slice %arg7[%dma_start3A_95, %dma_start3A_96] : memref<80x128xf32, #tpu.memory_space<vmem>> -> memref<40x128xf32, #tpu.memory_space<vmem>>
      %dma_start3A_98 = arith.constant 0 : i32
      %dma_start3A_99 = tpu.memref_slice %arg6[%add3A_94, %dma_start3A_98] : memref<250x40xi32, #tpu.memory_space<vmem>> -> memref<1x40xi32, #tpu.memory_space<vmem>>
      %dma_start3A_100 = tpu.memref_squeeze %dma_start3A_99 : memref<1x40xi32, #tpu.memory_space<vmem>> -> memref<40xi32, #tpu.memory_space<vmem>>
      %dma_start3A_101 = arith.constant 0 : i32
      %dma_start3A_102 = arith.constant 0 : i32
      %dma_start3A_103 = tpu.memref_slice %arg12[%dma_start3A_101, %dma_start3A_102] : memref<10240x128xf32, #tpu.memory_space<vmem_shared>> -> memref<10240x128xf32, #tpu.memory_space<vmem_shared>>
      tpu.enqueue_indirect_dma source(%dma_start3A_97 : memref<40x128xf32, #tpu.memory_space<vmem>>) target(%dma_start3A_103 : memref<10240x128xf32, #tpu.memory_space<vmem_shared>>) offsets(%dma_start3A_100 : memref<40xi32, #tpu.memory_space<vmem>>) semaphore(%arg11 : memref<!tpu.dma_semaphore, #tpu.memory_space<semaphore_mem>>) {add = true}
      %dma_wait3A_104 = arith.constant 0 : i32
      %dma_wait3A_105 = arith.constant 0 : i32
      %dma_wait3A_106 = tpu.memref_slice %arg7[%dma_wait3A_104, %dma_wait3A_105] : memref<80x128xf32, #tpu.memory_space<vmem>> -> memref<40x128xf32, #tpu.memory_space<vmem>>
      %dma_wait3A_107 = arith.constant 0 : i32
      %dma_wait3A_108 = tpu.memref_slice %arg6[%add3A_81, %dma_wait3A_107] : memref<250x40xi32, #tpu.memory_space<vmem>> -> memref<1x40xi32, #tpu.memory_space<vmem>>
      %dma_wait3A_109 = tpu.memref_squeeze %dma_wait3A_108 : memref<1x40xi32, #tpu.memory_space<vmem>> -> memref<40xi32, #tpu.memory_space<vmem>>
      %dma_wait3A_110 = arith.constant 0 : i32
      %dma_wait3A_111 = arith.constant 0 : i32
      %dma_wait3A_112 = tpu.memref_slice %arg12[%dma_wait3A_110, %dma_wait3A_111] : memref<10240x128xf32, #tpu.memory_space<vmem_shared>> -> memref<10240x128xf32, #tpu.memory_space<vmem_shared>>
      tpu.wait_indirect_dma semaphore(%arg11 : memref<!tpu.dma_semaphore, #tpu.memory_space<semaphore_mem>>) src(%dma_wait3A_106 : memref<40x128xf32, #tpu.memory_space<vmem>>) dst(%dma_wait3A_112 : memref<10240x128xf32, #tpu.memory_space<vmem_shared>>)
      %dma_wait3A_113 = arith.constant 40 : i32
      %dma_wait3A_114 = arith.constant 0 : i32
      %dma_wait3A_115 = tpu.memref_slice %arg7[%dma_wait3A_113, %dma_wait3A_114] : memref<80x128xf32, #tpu.memory_space<vmem>> -> memref<40x128xf32, #tpu.memory_space<vmem>>
      %dma_wait3A_116 = arith.constant 0 : i32
      %dma_wait3A_117 = tpu.memref_slice %arg6[%add3A_94, %dma_wait3A_116] : memref<250x40xi32, #tpu.memory_space<vmem>> -> memref<1x40xi32, #tpu.memory_space<vmem>>
      %dma_wait3A_118 = tpu.memref_squeeze %dma_wait3A_117 : memref<1x40xi32, #tpu.memory_space<vmem>> -> memref<40xi32, #tpu.memory_space<vmem>>
      %dma_wait3A_119 = arith.constant 0 : i32
      %dma_wait3A_120 = arith.constant 0 : i32
      %dma_wait3A_121 = tpu.memref_slice %arg12[%dma_wait3A_119, %dma_wait3A_120] : memref<10240x128xf32, #tpu.memory_space<vmem_shared>> -> memref<10240x128xf32, #tpu.memory_space<vmem_shared>>
      tpu.wait_indirect_dma semaphore(%arg11 : memref<!tpu.dma_semaphore, #tpu.memory_space<semaphore_mem>>) src(%dma_wait3A_115 : memref<40x128xf32, #tpu.memory_space<vmem>>) dst(%dma_wait3A_121 : memref<10240x128xf32, #tpu.memory_space<vmem_shared>>)
      %add3A_122 = arith.constant 2 : i32
      %add3A_123 = arith.addi %mul3A_71, %add3A_122 : i32
      %lt3A = arith.constant 125 : i32
      %lt3A_124 = arith.cmpi slt, %add3A_123, %lt3A : i32
      %convert_element_type3A = arith.extui %lt3A_124 : i1 to i32
      %cond3A = arith.constant 0 : i32
      %cond3A_125 = arith.cmpi ne, %convert_element_type3A, %cond3A : i32
      scf.if %cond3A_125 {
        %mul3A_187 = arith.constant 10000 : i32
        %mul3A_188 = arith.muli %add3A, %mul3A_187 : i32
        %mul3A_189 = arith.constant 80 : i32
        %mul3A_190 = arith.muli %add3A_123, %mul3A_189 : i32
        %add3A_191 = arith.addi %mul3A_188, %mul3A_190 : i32
        %multiple_of3A_192 = tpu.assume_multiple %add3A_191, 8 : i32
        %dma_start3A_193 = arith.constant 0 : i32
        %dma_start3A_194 = tpu.memref_slice %arg2[%multiple_of3A_192, %dma_start3A_193] : memref<320000x128xf32, #tpu.memory_space<hbm>> -> memref<80x128xf32, #tpu.memory_space<hbm>>
        %dma_start3A_195 = arith.constant 0 : i32
        %dma_start3A_196 = tpu.memref_slice %arg2[%multiple_of3A_192, %dma_start3A_195] : memref<320000x128xf32, #tpu.memory_space<hbm>> -> memref<80x128xf32, #tpu.memory_space<hbm>>
        tpu.enqueue_dma source(%dma_start3A_196 : memref<80x128xf32, #tpu.memory_space<hbm>>) target(%arg7 : memref<80x128xf32, #tpu.memory_space<vmem>>) target_semaphore(%arg9 : memref<!tpu.dma_semaphore, #tpu.memory_space<semaphore_mem>>)
      } else {
      }
      %mul3A_126 = arith.constant 2 : i32
      %mul3A_127 = arith.muli %mul3A_126, %scan3A_69 : i32
      %add3A_128 = arith.constant 1 : i32
      %add3A_129 = arith.addi %mul3A_127, %add3A_128 : i32
      %dma_wait3A_130 = arith.constant 0 : i32
      %dma_wait3A_131 = arith.constant 0 : i32
      %dma_wait3A_132 = tpu.memref_slice %arg2[%dma_wait3A_130, %dma_wait3A_131] : memref<320000x128xf32, #tpu.memory_space<hbm>> -> memref<80x128xf32, #tpu.memory_space<hbm>>
      %dma_wait3A_133 = arith.constant 0 : i32
      %dma_wait3A_134 = arith.constant 0 : i32
      %dma_wait3A_135 = tpu.memref_slice %arg2[%dma_wait3A_133, %dma_wait3A_134] : memref<320000x128xf32, #tpu.memory_space<hbm>> -> memref<80x128xf32, #tpu.memory_space<hbm>>
      tpu.wait_dma2 semaphore(%arg10 : memref<!tpu.dma_semaphore, #tpu.memory_space<semaphore_mem>>) src(%dma_wait3A_135 : memref<80x128xf32, #tpu.memory_space<hbm>>) dst(%arg8 : memref<80x128xf32, #tpu.memory_space<vmem>>)
      %mul3A_136 = arith.constant 2 : i32
      %mul3A_137 = arith.muli %add3A_129, %mul3A_136 : i32
      %add3A_138 = arith.constant 0 : i32
      %add3A_139 = arith.addi %mul3A_137, %add3A_138 : i32
      %dma_start3A_140 = arith.constant 0 : i32
      %dma_start3A_141 = arith.constant 0 : i32
      %dma_start3A_142 = tpu.memref_slice %arg8[%dma_start3A_140, %dma_start3A_141] : memref<80x128xf32, #tpu.memory_space<vmem>> -> memref<40x128xf32, #tpu.memory_space<vmem>>
      %dma_start3A_143 = arith.constant 0 : i32
      %dma_start3A_144 = tpu.memref_slice %arg6[%add3A_139, %dma_start3A_143] : memref<250x40xi32, #tpu.memory_space<vmem>> -> memref<1x40xi32, #tpu.memory_space<vmem>>
      %dma_start3A_145 = tpu.memref_squeeze %dma_start3A_144 : memref<1x40xi32, #tpu.memory_space<vmem>> -> memref<40xi32, #tpu.memory_space<vmem>>
      %dma_start3A_146 = arith.constant 0 : i32
      %dma_start3A_147 = arith.constant 0 : i32
      %dma_start3A_148 = tpu.memref_slice %arg12[%dma_start3A_146, %dma_start3A_147] : memref<10240x128xf32, #tpu.memory_space<vmem_shared>> -> memref<10240x128xf32, #tpu.memory_space<vmem_shared>>
      tpu.enqueue_indirect_dma source(%dma_start3A_142 : memref<40x128xf32, #tpu.memory_space<vmem>>) target(%dma_start3A_148 : memref<10240x128xf32, #tpu.memory_space<vmem_shared>>) offsets(%dma_start3A_145 : memref<40xi32, #tpu.memory_space<vmem>>) semaphore(%arg11 : memref<!tpu.dma_semaphore, #tpu.memory_space<semaphore_mem>>) {add = true}
      %mul3A_149 = arith.constant 2 : i32
      %mul3A_150 = arith.muli %add3A_129, %mul3A_149 : i32
      %add3A_151 = arith.constant 1 : i32
      %add3A_152 = arith.addi %mul3A_150, %add3A_151 : i32
      %dma_start3A_153 = arith.constant 40 : i32
      %dma_start3A_154 = arith.constant 0 : i32
      %dma_start3A_155 = tpu.memref_slice %arg8[%dma_start3A_153, %dma_start3A_154] : memref<80x128xf32, #tpu.memory_space<vmem>> -> memref<40x128xf32, #tpu.memory_space<vmem>>
      %dma_start3A_156 = arith.constant 0 : i32
      %dma_start3A_157 = tpu.memref_slice %arg6[%add3A_152, %dma_start3A_156] : memref<250x40xi32, #tpu.memory_space<vmem>> -> memref<1x40xi32, #tpu.memory_space<vmem>>
      %dma_start3A_158 = tpu.memref_squeeze %dma_start3A_157 : memref<1x40xi32, #tpu.memory_space<vmem>> -> memref<40xi32, #tpu.memory_space<vmem>>
      %dma_start3A_159 = arith.constant 0 : i32
      %dma_start3A_160 = arith.constant 0 : i32
      %dma_start3A_161 = tpu.memref_slice %arg12[%dma_start3A_159, %dma_start3A_160] : memref<10240x128xf32, #tpu.memory_space<vmem_shared>> -> memref<10240x128xf32, #tpu.memory_space<vmem_shared>>
      tpu.enqueue_indirect_dma source(%dma_start3A_155 : memref<40x128xf32, #tpu.memory_space<vmem>>) target(%dma_start3A_161 : memref<10240x128xf32, #tpu.memory_space<vmem_shared>>) offsets(%dma_start3A_158 : memref<40xi32, #tpu.memory_space<vmem>>) semaphore(%arg11 : memref<!tpu.dma_semaphore, #tpu.memory_space<semaphore_mem>>) {add = true}
      %dma_wait3A_162 = arith.constant 0 : i32
      %dma_wait3A_163 = arith.constant 0 : i32
      %dma_wait3A_164 = tpu.memref_slice %arg8[%dma_wait3A_162, %dma_wait3A_163] : memref<80x128xf32, #tpu.memory_space<vmem>> -> memref<40x128xf32, #tpu.memory_space<vmem>>
      %dma_wait3A_165 = arith.constant 0 : i32
      %dma_wait3A_166 = tpu.memref_slice %arg6[%add3A_139, %dma_wait3A_165] : memref<250x40xi32, #tpu.memory_space<vmem>> -> memref<1x40xi32, #tpu.memory_space<vmem>>
      %dma_wait3A_167 = tpu.memref_squeeze %dma_wait3A_166 : memref<1x40xi32, #tpu.memory_space<vmem>> -> memref<40xi32, #tpu.memory_space<vmem>>
      %dma_wait3A_168 = arith.constant 0 : i32
      %dma_wait3A_169 = arith.constant 0 : i32
      %dma_wait3A_170 = tpu.memref_slice %arg12[%dma_wait3A_168, %dma_wait3A_169] : memref<10240x128xf32, #tpu.memory_space<vmem_shared>> -> memref<10240x128xf32, #tpu.memory_space<vmem_shared>>
      tpu.wait_indirect_dma semaphore(%arg11 : memref<!tpu.dma_semaphore, #tpu.memory_space<semaphore_mem>>) src(%dma_wait3A_164 : memref<40x128xf32, #tpu.memory_space<vmem>>) dst(%dma_wait3A_170 : memref<10240x128xf32, #tpu.memory_space<vmem_shared>>)
      %dma_wait3A_171 = arith.constant 40 : i32
      %dma_wait3A_172 = arith.constant 0 : i32
      %dma_wait3A_173 = tpu.memref_slice %arg8[%dma_wait3A_171, %dma_wait3A_172] : memref<80x128xf32, #tpu.memory_space<vmem>> -> memref<40x128xf32, #tpu.memory_space<vmem>>
      %dma_wait3A_174 = arith.constant 0 : i32
      %dma_wait3A_175 = tpu.memref_slice %arg6[%add3A_152, %dma_wait3A_174] : memref<250x40xi32, #tpu.memory_space<vmem>> -> memref<1x40xi32, #tpu.memory_space<vmem>>
      %dma_wait3A_176 = tpu.memref_squeeze %dma_wait3A_175 : memref<1x40xi32, #tpu.memory_space<vmem>> -> memref<40xi32, #tpu.memory_space<vmem>>
      %dma_wait3A_177 = arith.constant 0 : i32
      %dma_wait3A_178 = arith.constant 0 : i32
      %dma_wait3A_179 = tpu.memref_slice %arg12[%dma_wait3A_177, %dma_wait3A_178] : memref<10240x128xf32, #tpu.memory_space<vmem_shared>> -> memref<10240x128xf32, #tpu.memory_space<vmem_shared>>
      tpu.wait_indirect_dma semaphore(%arg11 : memref<!tpu.dma_semaphore, #tpu.memory_space<semaphore_mem>>) src(%dma_wait3A_173 : memref<40x128xf32, #tpu.memory_space<vmem>>) dst(%dma_wait3A_179 : memref<10240x128xf32, #tpu.memory_space<vmem_shared>>)
      %add3A_180 = arith.constant 2 : i32
      %add3A_181 = arith.addi %add3A_129, %add3A_180 : i32
      %lt3A_182 = arith.constant 125 : i32
      %lt3A_183 = arith.cmpi slt, %add3A_181, %lt3A_182 : i32
      %convert_element_type3A_184 = arith.extui %lt3A_183 : i1 to i32
      %cond3A_185 = arith.constant 0 : i32
      %cond3A_186 = arith.cmpi ne, %convert_element_type3A_184, %cond3A_185 : i32
      scf.if %cond3A_186 {
        %mul3A_187 = arith.constant 10000 : i32
        %mul3A_188 = arith.muli %add3A, %mul3A_187 : i32
        %mul3A_189 = arith.constant 80 : i32
        %mul3A_190 = arith.muli %add3A_181, %mul3A_189 : i32
        %add3A_191 = arith.addi %mul3A_188, %mul3A_190 : i32
        %multiple_of3A_192 = tpu.assume_multiple %add3A_191, 8 : i32
        %dma_start3A_193 = arith.constant 0 : i32
        %dma_start3A_194 = tpu.memref_slice %arg2[%multiple_of3A_192, %dma_start3A_193] : memref<320000x128xf32, #tpu.memory_space<hbm>> -> memref<80x128xf32, #tpu.memory_space<hbm>>
        %dma_start3A_195 = arith.constant 0 : i32
        %dma_start3A_196 = tpu.memref_slice %arg2[%multiple_of3A_192, %dma_start3A_195] : memref<320000x128xf32, #tpu.memory_space<hbm>> -> memref<80x128xf32, #tpu.memory_space<hbm>>
        tpu.enqueue_dma source(%dma_start3A_196 : memref<80x128xf32, #tpu.memory_space<hbm>>) target(%arg8 : memref<80x128xf32, #tpu.memory_space<vmem>>) target_semaphore(%arg10 : memref<!tpu.dma_semaphore, #tpu.memory_space<semaphore_mem>>)
      } else {
      }
    }
    %scan3A_19 = arith.constant 62 : i32
    %dma_wait3A = arith.constant 0 : i32
    %dma_wait3A_20 = arith.constant 0 : i32
    %dma_wait3A_21 = tpu.memref_slice %arg2[%dma_wait3A, %dma_wait3A_20] : memref<320000x128xf32, #tpu.memory_space<hbm>> -> memref<80x128xf32, #tpu.memory_space<hbm>>
    %dma_wait3A_22 = arith.constant 0 : i32
    %dma_wait3A_23 = arith.constant 0 : i32
    %dma_wait3A_24 = tpu.memref_slice %arg2[%dma_wait3A_22, %dma_wait3A_23] : memref<320000x128xf32, #tpu.memory_space<hbm>> -> memref<80x128xf32, #tpu.memory_space<hbm>>
    tpu.wait_dma2 semaphore(%arg9 : memref<!tpu.dma_semaphore, #tpu.memory_space<semaphore_mem>>) src(%dma_wait3A_24 : memref<80x128xf32, #tpu.memory_space<hbm>>) dst(%arg7 : memref<80x128xf32, #tpu.memory_space<vmem>>)
    %dma_start3A_25 = arith.constant 248 : i32
    %dma_start3A_26 = arith.constant 0 : i32
    %dma_start3A_27 = arith.constant 0 : i32
    %dma_start3A_28 = tpu.memref_slice %arg7[%dma_start3A_26, %dma_start3A_27] : memref<80x128xf32, #tpu.memory_space<vmem>> -> memref<40x128xf32, #tpu.memory_space<vmem>>
    %dma_start3A_29 = arith.constant 0 : i32
    %dma_start3A_30 = tpu.memref_slice %arg6[%dma_start3A_25, %dma_start3A_29] : memref<250x40xi32, #tpu.memory_space<vmem>> -> memref<1x40xi32, #tpu.memory_space<vmem>>
    %dma_start3A_31 = tpu.memref_squeeze %dma_start3A_30 : memref<1x40xi32, #tpu.memory_space<vmem>> -> memref<40xi32, #tpu.memory_space<vmem>>
    %dma_start3A_32 = arith.constant 0 : i32
    %dma_start3A_33 = arith.constant 0 : i32
    %dma_start3A_34 = tpu.memref_slice %arg12[%dma_start3A_32, %dma_start3A_33] : memref<10240x128xf32, #tpu.memory_space<vmem_shared>> -> memref<10240x128xf32, #tpu.memory_space<vmem_shared>>
    tpu.enqueue_indirect_dma source(%dma_start3A_28 : memref<40x128xf32, #tpu.memory_space<vmem>>) target(%dma_start3A_34 : memref<10240x128xf32, #tpu.memory_space<vmem_shared>>) offsets(%dma_start3A_31 : memref<40xi32, #tpu.memory_space<vmem>>) semaphore(%arg11 : memref<!tpu.dma_semaphore, #tpu.memory_space<semaphore_mem>>) {add = true}
    %dma_start3A_35 = arith.constant 249 : i32
    %dma_start3A_36 = arith.constant 40 : i32
    %dma_start3A_37 = arith.constant 0 : i32
    %dma_start3A_38 = tpu.memref_slice %arg7[%dma_start3A_36, %dma_start3A_37] : memref<80x128xf32, #tpu.memory_space<vmem>> -> memref<40x128xf32, #tpu.memory_space<vmem>>
    %dma_start3A_39 = arith.constant 0 : i32
    %dma_start3A_40 = tpu.memref_slice %arg6[%dma_start3A_35, %dma_start3A_39] : memref<250x40xi32, #tpu.memory_space<vmem>> -> memref<1x40xi32, #tpu.memory_space<vmem>>
    %dma_start3A_41 = tpu.memref_squeeze %dma_start3A_40 : memref<1x40xi32, #tpu.memory_space<vmem>> -> memref<40xi32, #tpu.memory_space<vmem>>
    %dma_start3A_42 = arith.constant 0 : i32
    %dma_start3A_43 = arith.constant 0 : i32
    %dma_start3A_44 = tpu.memref_slice %arg12[%dma_start3A_42, %dma_start3A_43] : memref<10240x128xf32, #tpu.memory_space<vmem_shared>> -> memref<10240x128xf32, #tpu.memory_space<vmem_shared>>
    tpu.enqueue_indirect_dma source(%dma_start3A_38 : memref<40x128xf32, #tpu.memory_space<vmem>>) target(%dma_start3A_44 : memref<10240x128xf32, #tpu.memory_space<vmem_shared>>) offsets(%dma_start3A_41 : memref<40xi32, #tpu.memory_space<vmem>>) semaphore(%arg11 : memref<!tpu.dma_semaphore, #tpu.memory_space<semaphore_mem>>) {add = true}
    %dma_wait3A_45 = arith.constant 248 : i32
    %dma_wait3A_46 = arith.constant 0 : i32
    %dma_wait3A_47 = arith.constant 0 : i32
    %dma_wait3A_48 = tpu.memref_slice %arg7[%dma_wait3A_46, %dma_wait3A_47] : memref<80x128xf32, #tpu.memory_space<vmem>> -> memref<40x128xf32, #tpu.memory_space<vmem>>
    %dma_wait3A_49 = arith.constant 0 : i32
    %dma_wait3A_50 = tpu.memref_slice %arg6[%dma_wait3A_45, %dma_wait3A_49] : memref<250x40xi32, #tpu.memory_space<vmem>> -> memref<1x40xi32, #tpu.memory_space<vmem>>
    %dma_wait3A_51 = tpu.memref_squeeze %dma_wait3A_50 : memref<1x40xi32, #tpu.memory_space<vmem>> -> memref<40xi32, #tpu.memory_space<vmem>>
    %dma_wait3A_52 = arith.constant 0 : i32
    %dma_wait3A_53 = arith.constant 0 : i32
    %dma_wait3A_54 = tpu.memref_slice %arg12[%dma_wait3A_52, %dma_wait3A_53] : memref<10240x128xf32, #tpu.memory_space<vmem_shared>> -> memref<10240x128xf32, #tpu.memory_space<vmem_shared>>
    tpu.wait_indirect_dma semaphore(%arg11 : memref<!tpu.dma_semaphore, #tpu.memory_space<semaphore_mem>>) src(%dma_wait3A_48 : memref<40x128xf32, #tpu.memory_space<vmem>>) dst(%dma_wait3A_54 : memref<10240x128xf32, #tpu.memory_space<vmem_shared>>)
    %dma_wait3A_55 = arith.constant 249 : i32
    %dma_wait3A_56 = arith.constant 40 : i32
    %dma_wait3A_57 = arith.constant 0 : i32
    %dma_wait3A_58 = tpu.memref_slice %arg7[%dma_wait3A_56, %dma_wait3A_57] : memref<80x128xf32, #tpu.memory_space<vmem>> -> memref<40x128xf32, #tpu.memory_space<vmem>>
    %dma_wait3A_59 = arith.constant 0 : i32
    %dma_wait3A_60 = tpu.memref_slice %arg6[%dma_wait3A_55, %dma_wait3A_59] : memref<250x40xi32, #tpu.memory_space<vmem>> -> memref<1x40xi32, #tpu.memory_space<vmem>>
    %dma_wait3A_61 = tpu.memref_squeeze %dma_wait3A_60 : memref<1x40xi32, #tpu.memory_space<vmem>> -> memref<40xi32, #tpu.memory_space<vmem>>
    %dma_wait3A_62 = arith.constant 0 : i32
    %dma_wait3A_63 = arith.constant 0 : i32
    %dma_wait3A_64 = tpu.memref_slice %arg12[%dma_wait3A_62, %dma_wait3A_63] : memref<10240x128xf32, #tpu.memory_space<vmem_shared>> -> memref<10240x128xf32, #tpu.memory_space<vmem_shared>>
    tpu.wait_indirect_dma semaphore(%arg11 : memref<!tpu.dma_semaphore, #tpu.memory_space<semaphore_mem>>) src(%dma_wait3A_58 : memref<40x128xf32, #tpu.memory_space<vmem>>) dst(%dma_wait3A_64 : memref<10240x128xf32, #tpu.memory_space<vmem_shared>>)
    %barrier3A_65 = arith.constant 0 : index
    tpu.barrier barrier_id(%barrier3A_65)
    %mul3A_66 = arith.constant 640 : i32
    %mul3A_67 = arith.muli %arg1, %mul3A_66 : i32
    %multiple_of3A_68 = tpu.assume_multiple %mul3A_67, 8 : i32
    "tpu.region"() ({
      %run_scoped3A = tpu.sem_alloc : memref<!tpu.dma_semaphore, #tpu.memory_space<semaphore_mem>>
      %dma_start3A_69 = arith.constant 0 : i32
      %dma_start3A_70 = tpu.memref_slice %arg5[%arg0, %multiple_of3A_68, %dma_start3A_69] : memref<2x10240x128xf32, #tpu.memory_space<hbm>> -> memref<1x640x128xf32, #tpu.memory_space<hbm>>
      %dma_start3A_71 = tpu.memref_squeeze %dma_start3A_70 : memref<1x640x128xf32, #tpu.memory_space<hbm>> -> memref<640x128xf32, #tpu.memory_space<hbm>>
      %dma_start3A_72 = arith.constant 0 : i32
      %dma_start3A_73 = tpu.memref_slice %arg12[%multiple_of3A_68, %dma_start3A_72] : memref<10240x128xf32, #tpu.memory_space<vmem_shared>> -> memref<640x128xf32, #tpu.memory_space<vmem_shared>>
      tpu.enqueue_dma source(%dma_start3A_73 : memref<640x128xf32, #tpu.memory_space<vmem_shared>>) target(%dma_start3A_71 : memref<640x128xf32, #tpu.memory_space<hbm>>) target_semaphore(%run_scoped3A : memref<!tpu.dma_semaphore, #tpu.memory_space<semaphore_mem>>)
      %dma_wait3A_74 = arith.constant 0 : i32
      %dma_wait3A_75 = tpu.memref_slice %arg5[%arg0, %multiple_of3A_68, %dma_wait3A_74] : memref<2x10240x128xf32, #tpu.memory_space<hbm>> -> memref<1x640x128xf32, #tpu.memory_space<hbm>>
      %dma_wait3A_76 = tpu.memref_squeeze %dma_wait3A_75 : memref<1x640x128xf32, #tpu.memory_space<hbm>> -> memref<640x128xf32, #tpu.memory_space<hbm>>
      %dma_wait3A_77 = arith.constant 0 : i32
      %dma_wait3A_78 = tpu.memref_slice %arg12[%multiple_of3A_68, %dma_wait3A_77] : memref<10240x128xf32, #tpu.memory_space<vmem_shared>> -> memref<640x128xf32, #tpu.memory_space<vmem_shared>>
      tpu.wait_dma2 semaphore(%run_scoped3A : memref<!tpu.dma_semaphore, #tpu.memory_space<semaphore_mem>>) src(%dma_wait3A_78 : memref<640x128xf32, #tpu.memory_space<vmem_shared>>) dst(%dma_wait3A_76 : memref<640x128xf32, #tpu.memory_space<hbm>>)
      tpu.yield
    }) : () -> ()
    return
  }
}

#map = affine_map<(d0, d1) -> (0, 0)>
#map1 = affine_map<(d0, d1) -> (0, 0, 0)>
module attributes {stable_mosaic.version = 14 : i64} {
  func.func @_sc_scatter_gather_body(%arg0: i32, %arg1: i32, %arg2: memref<320000x128xf32, #tpu.memory_space<hbm>>, %arg3: memref<10000x128xf32, #tpu.memory_space<hbm>>, %arg4: memref<32x250x40xi32, #tpu.memory_space<hbm>>, %arg5: memref<10240x128xf32, #tpu.memory_space<hbm>>, %arg6: memref<2x10240x128xf32, #tpu.memory_space<hbm>>, %arg7: memref<320000x128xf32, #tpu.memory_space<hbm>>, %arg8: memref<250x40xi32, #tpu.memory_space<vmem>>, %arg9: memref<80x128xf32, #tpu.memory_space<vmem>>, %arg10: memref<80x128xf32, #tpu.memory_space<vmem>>, %arg11: memref<!tpu.dma_semaphore, #tpu.memory_space<semaphore_mem>>, %arg12: memref<!tpu.dma_semaphore, #tpu.memory_space<semaphore_mem>>, %arg13: memref<!tpu.dma_semaphore, #tpu.memory_space<semaphore_mem>>, %arg14: memref<10240x128xf32, #tpu.memory_space<vmem_shared>>) attributes {dimension_semantics = [#tpu.dimension_semantics<core_parallel>, #tpu.dimension_semantics<subcore_parallel>], iteration_bounds = array<i64: 2, 16>, scalar_prefetch = 0 : i64, scratch_operands = 7 : i64, tpu.core_type = #tpu.core_type<sc_vector_subcore>, window_params = [{transform_indices = #map}, {transform_indices = #map}, {transform_indices = #map1}, {transform_indices = #map}, {transform_indices = #map1}, {transform_indices = #map}]} {
    %mul3A = arith.constant 16 : i32
    %mul3A_0 = arith.muli %arg0, %mul3A : i32
    %add3A = arith.addi %mul3A_0, %arg1 : i32
    "tpu.region"() ({
      %run_scoped3A = tpu.sem_alloc : memref<!tpu.dma_semaphore, #tpu.memory_space<semaphore_mem>>
      %dma_start3A_18 = arith.constant 0 : i32
      %dma_start3A_19 = arith.constant 0 : i32
      %dma_start3A_20 = tpu.memref_slice %arg4[%add3A, %dma_start3A_18, %dma_start3A_19] : memref<32x250x40xi32, #tpu.memory_space<hbm>> -> memref<1x250x40xi32, #tpu.memory_space<hbm>>
      %dma_start3A_21 = tpu.memref_squeeze %dma_start3A_20 : memref<1x250x40xi32, #tpu.memory_space<hbm>> -> memref<250x40xi32, #tpu.memory_space<hbm>>
      %dma_start3A_22 = arith.constant 0 : i32
      %dma_start3A_23 = arith.constant 0 : i32
      %dma_start3A_24 = tpu.memref_slice %arg4[%add3A, %dma_start3A_22, %dma_start3A_23] : memref<32x250x40xi32, #tpu.memory_space<hbm>> -> memref<1x250x40xi32, #tpu.memory_space<hbm>>
      %dma_start3A_25 = tpu.memref_squeeze %dma_start3A_24 : memref<1x250x40xi32, #tpu.memory_space<hbm>> -> memref<250x40xi32, #tpu.memory_space<hbm>>
      tpu.enqueue_dma source(%dma_start3A_25 : memref<250x40xi32, #tpu.memory_space<hbm>>) target(%arg8 : memref<250x40xi32, #tpu.memory_space<vmem>>) target_semaphore(%run_scoped3A : memref<!tpu.dma_semaphore, #tpu.memory_space<semaphore_mem>>)
      %dma_wait3A = arith.constant 0 : i32
      %dma_wait3A_26 = arith.constant 0 : i32
      %dma_wait3A_27 = tpu.memref_slice %arg4[%add3A, %dma_wait3A, %dma_wait3A_26] : memref<32x250x40xi32, #tpu.memory_space<hbm>> -> memref<1x250x40xi32, #tpu.memory_space<hbm>>
      %dma_wait3A_28 = tpu.memref_squeeze %dma_wait3A_27 : memref<1x250x40xi32, #tpu.memory_space<hbm>> -> memref<250x40xi32, #tpu.memory_space<hbm>>
      %dma_wait3A_29 = arith.constant 0 : i32
      %dma_wait3A_30 = arith.constant 0 : i32
      %dma_wait3A_31 = tpu.memref_slice %arg4[%add3A, %dma_wait3A_29, %dma_wait3A_30] : memref<32x250x40xi32, #tpu.memory_space<hbm>> -> memref<1x250x40xi32, #tpu.memory_space<hbm>>
      %dma_wait3A_32 = tpu.memref_squeeze %dma_wait3A_31 : memref<1x250x40xi32, #tpu.memory_space<hbm>> -> memref<250x40xi32, #tpu.memory_space<hbm>>
      tpu.wait_dma2 semaphore(%run_scoped3A : memref<!tpu.dma_semaphore, #tpu.memory_space<semaphore_mem>>) src(%dma_wait3A_32 : memref<250x40xi32, #tpu.memory_space<hbm>>) dst(%arg8 : memref<250x40xi32, #tpu.memory_space<vmem>>)
      tpu.yield
    }) : () -> ()
    %mul3A_1 = arith.constant 640 : i32
    %mul3A_2 = arith.muli %arg1, %mul3A_1 : i32
    %multiple_of3A = tpu.assume_multiple %mul3A_2, 8 : i32
    "tpu.region"() ({
      %run_scoped3A = tpu.sem_alloc : memref<!tpu.dma_semaphore, #tpu.memory_space<semaphore_mem>>
      %dma_start3A_18 = arith.constant 0 : i32
      %dma_start3A_19 = tpu.memref_slice %arg14[%multiple_of3A, %dma_start3A_18] : memref<10240x128xf32, #tpu.memory_space<vmem_shared>> -> memref<640x128xf32, #tpu.memory_space<vmem_shared>>
      %dma_start3A_20 = arith.constant 0 : i32
      %dma_start3A_21 = tpu.memref_slice %arg5[%multiple_of3A, %dma_start3A_20] : memref<10240x128xf32, #tpu.memory_space<hbm>> -> memref<640x128xf32, #tpu.memory_space<hbm>>
      tpu.enqueue_dma source(%dma_start3A_21 : memref<640x128xf32, #tpu.memory_space<hbm>>) target(%dma_start3A_19 : memref<640x128xf32, #tpu.memory_space<vmem_shared>>) target_semaphore(%run_scoped3A : memref<!tpu.dma_semaphore, #tpu.memory_space<semaphore_mem>>)
      %dma_wait3A = arith.constant 0 : i32
      %dma_wait3A_22 = tpu.memref_slice %arg14[%multiple_of3A, %dma_wait3A] : memref<10240x128xf32, #tpu.memory_space<vmem_shared>> -> memref<640x128xf32, #tpu.memory_space<vmem_shared>>
      %dma_wait3A_23 = arith.constant 0 : i32
      %dma_wait3A_24 = tpu.memref_slice %arg5[%multiple_of3A, %dma_wait3A_23] : memref<10240x128xf32, #tpu.memory_space<hbm>> -> memref<640x128xf32, #tpu.memory_space<hbm>>
      tpu.wait_dma2 semaphore(%run_scoped3A : memref<!tpu.dma_semaphore, #tpu.memory_space<semaphore_mem>>) src(%dma_wait3A_24 : memref<640x128xf32, #tpu.memory_space<hbm>>) dst(%dma_wait3A_22 : memref<640x128xf32, #tpu.memory_space<vmem_shared>>)
      tpu.yield
    }) : () -> ()
    %barrier3A = arith.constant 0 : index
    tpu.barrier barrier_id(%barrier3A)
    %mul3A_3 = arith.constant 10000 : i32
    %mul3A_4 = arith.muli %add3A, %mul3A_3 : i32
    %multiple_of3A_5 = tpu.assume_multiple %mul3A_4, 8 : i32
    %dma_start3A = arith.constant 0 : i32
    %dma_start3A_6 = tpu.memref_slice %arg2[%multiple_of3A_5, %dma_start3A] : memref<320000x128xf32, #tpu.memory_space<hbm>> -> memref<80x128xf32, #tpu.memory_space<hbm>>
    %dma_start3A_7 = arith.constant 0 : i32
    %dma_start3A_8 = tpu.memref_slice %arg2[%multiple_of3A_5, %dma_start3A_7] : memref<320000x128xf32, #tpu.memory_space<hbm>> -> memref<80x128xf32, #tpu.memory_space<hbm>>
    tpu.enqueue_dma source(%dma_start3A_8 : memref<80x128xf32, #tpu.memory_space<hbm>>) target(%arg9 : memref<80x128xf32, #tpu.memory_space<vmem>>) target_semaphore(%arg11 : memref<!tpu.dma_semaphore, #tpu.memory_space<semaphore_mem>>)
    %scan3A = arith.constant 0 : i32
    %scan3A_9 = arith.constant 0 : i32
    %scan3A_10 = arith.constant 125 : i32
    %scan3A_11 = arith.addi %scan3A_9, %scan3A_10 : i32
    %scan3A_12 = arith.constant 1 : i32
    scf.for %scan3A_18 = %scan3A_9 to %scan3A_11 step %scan3A_12  : i32 {
      %dma_wait3A = arith.constant 0 : i32
      %dma_wait3A_19 = arith.constant 0 : i32
      %dma_wait3A_20 = tpu.memref_slice %arg2[%dma_wait3A, %dma_wait3A_19] : memref<320000x128xf32, #tpu.memory_space<hbm>> -> memref<80x128xf32, #tpu.memory_space<hbm>>
      %dma_wait3A_21 = arith.constant 0 : i32
      %dma_wait3A_22 = arith.constant 0 : i32
      %dma_wait3A_23 = tpu.memref_slice %arg2[%dma_wait3A_21, %dma_wait3A_22] : memref<320000x128xf32, #tpu.memory_space<hbm>> -> memref<80x128xf32, #tpu.memory_space<hbm>>
      tpu.wait_dma2 semaphore(%arg11 : memref<!tpu.dma_semaphore, #tpu.memory_space<semaphore_mem>>) src(%dma_wait3A_23 : memref<80x128xf32, #tpu.memory_space<hbm>>) dst(%arg9 : memref<80x128xf32, #tpu.memory_space<vmem>>)
      %mul3A_24 = arith.constant 2 : i32
      %mul3A_25 = arith.muli %scan3A_18, %mul3A_24 : i32
      %add3A_26 = arith.constant 0 : i32
      %add3A_27 = arith.addi %mul3A_25, %add3A_26 : i32
      %dma_start3A_28 = arith.constant 0 : i32
      %dma_start3A_29 = arith.constant 0 : i32
      %dma_start3A_30 = tpu.memref_slice %arg10[%dma_start3A_28, %dma_start3A_29] : memref<80x128xf32, #tpu.memory_space<vmem>> -> memref<40x128xf32, #tpu.memory_space<vmem>>
      %dma_start3A_31 = arith.constant 0 : i32
      %dma_start3A_32 = tpu.memref_slice %arg8[%add3A_27, %dma_start3A_31] : memref<250x40xi32, #tpu.memory_space<vmem>> -> memref<1x40xi32, #tpu.memory_space<vmem>>
      %dma_start3A_33 = tpu.memref_squeeze %dma_start3A_32 : memref<1x40xi32, #tpu.memory_space<vmem>> -> memref<40xi32, #tpu.memory_space<vmem>>
      %dma_start3A_34 = arith.constant 0 : i32
      %dma_start3A_35 = arith.constant 0 : i32
      %dma_start3A_36 = tpu.memref_slice %arg3[%dma_start3A_34, %dma_start3A_35] : memref<10000x128xf32, #tpu.memory_space<hbm>> -> memref<10000x128xf32, #tpu.memory_space<hbm>>
      tpu.enqueue_indirect_dma source(%dma_start3A_36 : memref<10000x128xf32, #tpu.memory_space<hbm>>) target(%dma_start3A_30 : memref<40x128xf32, #tpu.memory_space<vmem>>) offsets(%dma_start3A_33 : memref<40xi32, #tpu.memory_space<vmem>>) semaphore(%arg12 : memref<!tpu.dma_semaphore, #tpu.memory_space<semaphore_mem>>)
      %dma_start3A_37 = arith.constant 0 : i32
      %dma_start3A_38 = arith.constant 0 : i32
      %dma_start3A_39 = tpu.memref_slice %arg9[%dma_start3A_37, %dma_start3A_38] : memref<80x128xf32, #tpu.memory_space<vmem>> -> memref<40x128xf32, #tpu.memory_space<vmem>>
      %dma_start3A_40 = arith.constant 0 : i32
      %dma_start3A_41 = tpu.memref_slice %arg8[%add3A_27, %dma_start3A_40] : memref<250x40xi32, #tpu.memory_space<vmem>> -> memref<1x40xi32, #tpu.memory_space<vmem>>
      %dma_start3A_42 = tpu.memref_squeeze %dma_start3A_41 : memref<1x40xi32, #tpu.memory_space<vmem>> -> memref<40xi32, #tpu.memory_space<vmem>>
      %dma_start3A_43 = arith.constant 0 : i32
      %dma_start3A_44 = arith.constant 0 : i32
      %dma_start3A_45 = tpu.memref_slice %arg14[%dma_start3A_43, %dma_start3A_44] : memref<10240x128xf32, #tpu.memory_space<vmem_shared>> -> memref<10240x128xf32, #tpu.memory_space<vmem_shared>>
      tpu.enqueue_indirect_dma source(%dma_start3A_39 : memref<40x128xf32, #tpu.memory_space<vmem>>) target(%dma_start3A_45 : memref<10240x128xf32, #tpu.memory_space<vmem_shared>>) offsets(%dma_start3A_42 : memref<40xi32, #tpu.memory_space<vmem>>) semaphore(%arg13 : memref<!tpu.dma_semaphore, #tpu.memory_space<semaphore_mem>>) {add = true}
      %mul3A_46 = arith.constant 2 : i32
      %mul3A_47 = arith.muli %scan3A_18, %mul3A_46 : i32
      %add3A_48 = arith.constant 1 : i32
      %add3A_49 = arith.addi %mul3A_47, %add3A_48 : i32
      %dma_start3A_50 = arith.constant 40 : i32
      %dma_start3A_51 = arith.constant 0 : i32
      %dma_start3A_52 = tpu.memref_slice %arg10[%dma_start3A_50, %dma_start3A_51] : memref<80x128xf32, #tpu.memory_space<vmem>> -> memref<40x128xf32, #tpu.memory_space<vmem>>
      %dma_start3A_53 = arith.constant 0 : i32
      %dma_start3A_54 = tpu.memref_slice %arg8[%add3A_49, %dma_start3A_53] : memref<250x40xi32, #tpu.memory_space<vmem>> -> memref<1x40xi32, #tpu.memory_space<vmem>>
      %dma_start3A_55 = tpu.memref_squeeze %dma_start3A_54 : memref<1x40xi32, #tpu.memory_space<vmem>> -> memref<40xi32, #tpu.memory_space<vmem>>
      %dma_start3A_56 = arith.constant 0 : i32
      %dma_start3A_57 = arith.constant 0 : i32
      %dma_start3A_58 = tpu.memref_slice %arg3[%dma_start3A_56, %dma_start3A_57] : memref<10000x128xf32, #tpu.memory_space<hbm>> -> memref<10000x128xf32, #tpu.memory_space<hbm>>
      tpu.enqueue_indirect_dma source(%dma_start3A_58 : memref<10000x128xf32, #tpu.memory_space<hbm>>) target(%dma_start3A_52 : memref<40x128xf32, #tpu.memory_space<vmem>>) offsets(%dma_start3A_55 : memref<40xi32, #tpu.memory_space<vmem>>) semaphore(%arg12 : memref<!tpu.dma_semaphore, #tpu.memory_space<semaphore_mem>>)
      %dma_start3A_59 = arith.constant 40 : i32
      %dma_start3A_60 = arith.constant 0 : i32
      %dma_start3A_61 = tpu.memref_slice %arg9[%dma_start3A_59, %dma_start3A_60] : memref<80x128xf32, #tpu.memory_space<vmem>> -> memref<40x128xf32, #tpu.memory_space<vmem>>
      %dma_start3A_62 = arith.constant 0 : i32
      %dma_start3A_63 = tpu.memref_slice %arg8[%add3A_49, %dma_start3A_62] : memref<250x40xi32, #tpu.memory_space<vmem>> -> memref<1x40xi32, #tpu.memory_space<vmem>>
      %dma_start3A_64 = tpu.memref_squeeze %dma_start3A_63 : memref<1x40xi32, #tpu.memory_space<vmem>> -> memref<40xi32, #tpu.memory_space<vmem>>
      %dma_start3A_65 = arith.constant 0 : i32
      %dma_start3A_66 = arith.constant 0 : i32
      %dma_start3A_67 = tpu.memref_slice %arg14[%dma_start3A_65, %dma_start3A_66] : memref<10240x128xf32, #tpu.memory_space<vmem_shared>> -> memref<10240x128xf32, #tpu.memory_space<vmem_shared>>
      tpu.enqueue_indirect_dma source(%dma_start3A_61 : memref<40x128xf32, #tpu.memory_space<vmem>>) target(%dma_start3A_67 : memref<10240x128xf32, #tpu.memory_space<vmem_shared>>) offsets(%dma_start3A_64 : memref<40xi32, #tpu.memory_space<vmem>>) semaphore(%arg13 : memref<!tpu.dma_semaphore, #tpu.memory_space<semaphore_mem>>) {add = true}
      %dma_wait3A_68 = arith.constant 0 : i32
      %dma_wait3A_69 = arith.constant 0 : i32
      %dma_wait3A_70 = tpu.memref_slice %arg9[%dma_wait3A_68, %dma_wait3A_69] : memref<80x128xf32, #tpu.memory_space<vmem>> -> memref<40x128xf32, #tpu.memory_space<vmem>>
      %dma_wait3A_71 = arith.constant 0 : i32
      %dma_wait3A_72 = tpu.memref_slice %arg8[%add3A_27, %dma_wait3A_71] : memref<250x40xi32, #tpu.memory_space<vmem>> -> memref<1x40xi32, #tpu.memory_space<vmem>>
      %dma_wait3A_73 = tpu.memref_squeeze %dma_wait3A_72 : memref<1x40xi32, #tpu.memory_space<vmem>> -> memref<40xi32, #tpu.memory_space<vmem>>
      %dma_wait3A_74 = arith.constant 0 : i32
      %dma_wait3A_75 = arith.constant 0 : i32
      %dma_wait3A_76 = tpu.memref_slice %arg14[%dma_wait3A_74, %dma_wait3A_75] : memref<10240x128xf32, #tpu.memory_space<vmem_shared>> -> memref<10240x128xf32, #tpu.memory_space<vmem_shared>>
      tpu.wait_indirect_dma semaphore(%arg13 : memref<!tpu.dma_semaphore, #tpu.memory_space<semaphore_mem>>) src(%dma_wait3A_70 : memref<40x128xf32, #tpu.memory_space<vmem>>) dst(%dma_wait3A_76 : memref<10240x128xf32, #tpu.memory_space<vmem_shared>>)
      %dma_wait3A_77 = arith.constant 40 : i32
      %dma_wait3A_78 = arith.constant 0 : i32
      %dma_wait3A_79 = tpu.memref_slice %arg9[%dma_wait3A_77, %dma_wait3A_78] : memref<80x128xf32, #tpu.memory_space<vmem>> -> memref<40x128xf32, #tpu.memory_space<vmem>>
      %dma_wait3A_80 = arith.constant 0 : i32
      %dma_wait3A_81 = tpu.memref_slice %arg8[%add3A_49, %dma_wait3A_80] : memref<250x40xi32, #tpu.memory_space<vmem>> -> memref<1x40xi32, #tpu.memory_space<vmem>>
      %dma_wait3A_82 = tpu.memref_squeeze %dma_wait3A_81 : memref<1x40xi32, #tpu.memory_space<vmem>> -> memref<40xi32, #tpu.memory_space<vmem>>
      %dma_wait3A_83 = arith.constant 0 : i32
      %dma_wait3A_84 = arith.constant 0 : i32
      %dma_wait3A_85 = tpu.memref_slice %arg14[%dma_wait3A_83, %dma_wait3A_84] : memref<10240x128xf32, #tpu.memory_space<vmem_shared>> -> memref<10240x128xf32, #tpu.memory_space<vmem_shared>>
      tpu.wait_indirect_dma semaphore(%arg13 : memref<!tpu.dma_semaphore, #tpu.memory_space<semaphore_mem>>) src(%dma_wait3A_79 : memref<40x128xf32, #tpu.memory_space<vmem>>) dst(%dma_wait3A_85 : memref<10240x128xf32, #tpu.memory_space<vmem_shared>>)
      %add3A_86 = arith.constant 1 : i32
      %add3A_87 = arith.addi %scan3A_18, %add3A_86 : i32
      %lt3A = arith.constant 125 : i32
      %lt3A_88 = arith.cmpi slt, %add3A_87, %lt3A : i32
      %convert_element_type3A = arith.extui %lt3A_88 : i1 to i32
      %cond3A = arith.constant 0 : i32
      %cond3A_89 = arith.cmpi ne, %convert_element_type3A, %cond3A : i32
      scf.if %cond3A_89 {
        %mul3A_114 = arith.constant 10000 : i32
        %mul3A_115 = arith.muli %add3A, %mul3A_114 : i32
        %mul3A_116 = arith.constant 80 : i32
        %mul3A_117 = arith.muli %add3A_87, %mul3A_116 : i32
        %add3A_118 = arith.addi %mul3A_115, %mul3A_117 : i32
        %multiple_of3A_119 = tpu.assume_multiple %add3A_118, 8 : i32
        %dma_start3A_120 = arith.constant 0 : i32
        %dma_start3A_121 = tpu.memref_slice %arg2[%multiple_of3A_119, %dma_start3A_120] : memref<320000x128xf32, #tpu.memory_space<hbm>> -> memref<80x128xf32, #tpu.memory_space<hbm>>
        %dma_start3A_122 = arith.constant 0 : i32
        %dma_start3A_123 = tpu.memref_slice %arg2[%multiple_of3A_119, %dma_start3A_122] : memref<320000x128xf32, #tpu.memory_space<hbm>> -> memref<80x128xf32, #tpu.memory_space<hbm>>
        tpu.enqueue_dma source(%dma_start3A_123 : memref<80x128xf32, #tpu.memory_space<hbm>>) target(%arg9 : memref<80x128xf32, #tpu.memory_space<vmem>>) target_semaphore(%arg11 : memref<!tpu.dma_semaphore, #tpu.memory_space<semaphore_mem>>)
      } else {
      }
      %dma_wait3A_90 = arith.constant 0 : i32
      %dma_wait3A_91 = arith.constant 0 : i32
      %dma_wait3A_92 = tpu.memref_slice %arg10[%dma_wait3A_90, %dma_wait3A_91] : memref<80x128xf32, #tpu.memory_space<vmem>> -> memref<40x128xf32, #tpu.memory_space<vmem>>
      %dma_wait3A_93 = arith.constant 0 : i32
      %dma_wait3A_94 = tpu.memref_slice %arg8[%add3A_27, %dma_wait3A_93] : memref<250x40xi32, #tpu.memory_space<vmem>> -> memref<1x40xi32, #tpu.memory_space<vmem>>
      %dma_wait3A_95 = tpu.memref_squeeze %dma_wait3A_94 : memref<1x40xi32, #tpu.memory_space<vmem>> -> memref<40xi32, #tpu.memory_space<vmem>>
      %dma_wait3A_96 = arith.constant 0 : i32
      %dma_wait3A_97 = arith.constant 0 : i32
      %dma_wait3A_98 = tpu.memref_slice %arg3[%dma_wait3A_96, %dma_wait3A_97] : memref<10000x128xf32, #tpu.memory_space<hbm>> -> memref<10000x128xf32, #tpu.memory_space<hbm>>
      tpu.wait_indirect_dma semaphore(%arg12 : memref<!tpu.dma_semaphore, #tpu.memory_space<semaphore_mem>>) src(%dma_wait3A_98 : memref<10000x128xf32, #tpu.memory_space<hbm>>) dst(%dma_wait3A_92 : memref<40x128xf32, #tpu.memory_space<vmem>>)
      %dma_wait3A_99 = arith.constant 40 : i32
      %dma_wait3A_100 = arith.constant 0 : i32
      %dma_wait3A_101 = tpu.memref_slice %arg10[%dma_wait3A_99, %dma_wait3A_100] : memref<80x128xf32, #tpu.memory_space<vmem>> -> memref<40x128xf32, #tpu.memory_space<vmem>>
      %dma_wait3A_102 = arith.constant 0 : i32
      %dma_wait3A_103 = tpu.memref_slice %arg8[%add3A_49, %dma_wait3A_102] : memref<250x40xi32, #tpu.memory_space<vmem>> -> memref<1x40xi32, #tpu.memory_space<vmem>>
      %dma_wait3A_104 = tpu.memref_squeeze %dma_wait3A_103 : memref<1x40xi32, #tpu.memory_space<vmem>> -> memref<40xi32, #tpu.memory_space<vmem>>
      %dma_wait3A_105 = arith.constant 0 : i32
      %dma_wait3A_106 = arith.constant 0 : i32
      %dma_wait3A_107 = tpu.memref_slice %arg3[%dma_wait3A_105, %dma_wait3A_106] : memref<10000x128xf32, #tpu.memory_space<hbm>> -> memref<10000x128xf32, #tpu.memory_space<hbm>>
      tpu.wait_indirect_dma semaphore(%arg12 : memref<!tpu.dma_semaphore, #tpu.memory_space<semaphore_mem>>) src(%dma_wait3A_107 : memref<10000x128xf32, #tpu.memory_space<hbm>>) dst(%dma_wait3A_101 : memref<40x128xf32, #tpu.memory_space<vmem>>)
      %mul3A_108 = arith.constant 10000 : i32
      %mul3A_109 = arith.muli %add3A, %mul3A_108 : i32
      %mul3A_110 = arith.constant 80 : i32
      %mul3A_111 = arith.muli %scan3A_18, %mul3A_110 : i32
      %add3A_112 = arith.addi %mul3A_109, %mul3A_111 : i32
      %multiple_of3A_113 = tpu.assume_multiple %add3A_112, 8 : i32
      "tpu.region"() ({
        %run_scoped3A = tpu.sem_alloc : memref<!tpu.dma_semaphore, #tpu.memory_space<semaphore_mem>>
        %dma_start3A_114 = arith.constant 0 : i32
        %dma_start3A_115 = tpu.memref_slice %arg7[%multiple_of3A_113, %dma_start3A_114] : memref<320000x128xf32, #tpu.memory_space<hbm>> -> memref<80x128xf32, #tpu.memory_space<hbm>>
        %dma_start3A_116 = arith.constant 0 : i32
        %dma_start3A_117 = tpu.memref_slice %arg7[%multiple_of3A_113, %dma_start3A_116] : memref<320000x128xf32, #tpu.memory_space<hbm>> -> memref<80x128xf32, #tpu.memory_space<hbm>>
        tpu.enqueue_dma source(%arg10 : memref<80x128xf32, #tpu.memory_space<vmem>>) target(%dma_start3A_117 : memref<80x128xf32, #tpu.memory_space<hbm>>) target_semaphore(%run_scoped3A : memref<!tpu.dma_semaphore, #tpu.memory_space<semaphore_mem>>)
        %dma_wait3A_118 = arith.constant 0 : i32
        %dma_wait3A_119 = tpu.memref_slice %arg7[%multiple_of3A_113, %dma_wait3A_118] : memref<320000x128xf32, #tpu.memory_space<hbm>> -> memref<80x128xf32, #tpu.memory_space<hbm>>
        %dma_wait3A_120 = arith.constant 0 : i32
        %dma_wait3A_121 = tpu.memref_slice %arg7[%multiple_of3A_113, %dma_wait3A_120] : memref<320000x128xf32, #tpu.memory_space<hbm>> -> memref<80x128xf32, #tpu.memory_space<hbm>>
        tpu.wait_dma2 semaphore(%run_scoped3A : memref<!tpu.dma_semaphore, #tpu.memory_space<semaphore_mem>>) src(%arg10 : memref<80x128xf32, #tpu.memory_space<vmem>>) dst(%dma_wait3A_121 : memref<80x128xf32, #tpu.memory_space<hbm>>)
        tpu.yield
      }) : () -> ()
    }
    %scan3A_13 = arith.constant 125 : i32
    %barrier3A_14 = arith.constant 0 : index
    tpu.barrier barrier_id(%barrier3A_14)
    %mul3A_15 = arith.constant 640 : i32
    %mul3A_16 = arith.muli %arg1, %mul3A_15 : i32
    %multiple_of3A_17 = tpu.assume_multiple %mul3A_16, 8 : i32
    "tpu.region"() ({
      %run_scoped3A = tpu.sem_alloc : memref<!tpu.dma_semaphore, #tpu.memory_space<semaphore_mem>>
      %dma_start3A_18 = arith.constant 0 : i32
      %dma_start3A_19 = tpu.memref_slice %arg6[%arg0, %multiple_of3A_17, %dma_start3A_18] : memref<2x10240x128xf32, #tpu.memory_space<hbm>> -> memref<1x640x128xf32, #tpu.memory_space<hbm>>
      %dma_start3A_20 = tpu.memref_squeeze %dma_start3A_19 : memref<1x640x128xf32, #tpu.memory_space<hbm>> -> memref<640x128xf32, #tpu.memory_space<hbm>>
      %dma_start3A_21 = arith.constant 0 : i32
      %dma_start3A_22 = tpu.memref_slice %arg14[%multiple_of3A_17, %dma_start3A_21] : memref<10240x128xf32, #tpu.memory_space<vmem_shared>> -> memref<640x128xf32, #tpu.memory_space<vmem_shared>>
      tpu.enqueue_dma source(%dma_start3A_22 : memref<640x128xf32, #tpu.memory_space<vmem_shared>>) target(%dma_start3A_20 : memref<640x128xf32, #tpu.memory_space<hbm>>) target_semaphore(%run_scoped3A : memref<!tpu.dma_semaphore, #tpu.memory_space<semaphore_mem>>)
      %dma_wait3A = arith.constant 0 : i32
      %dma_wait3A_23 = tpu.memref_slice %arg6[%arg0, %multiple_of3A_17, %dma_wait3A] : memref<2x10240x128xf32, #tpu.memory_space<hbm>> -> memref<1x640x128xf32, #tpu.memory_space<hbm>>
      %dma_wait3A_24 = tpu.memref_squeeze %dma_wait3A_23 : memref<1x640x128xf32, #tpu.memory_space<hbm>> -> memref<640x128xf32, #tpu.memory_space<hbm>>
      %dma_wait3A_25 = arith.constant 0 : i32
      %dma_wait3A_26 = tpu.memref_slice %arg14[%multiple_of3A_17, %dma_wait3A_25] : memref<10240x128xf32, #tpu.memory_space<vmem_shared>> -> memref<640x128xf32, #tpu.memory_space<vmem_shared>>
      tpu.wait_dma2 semaphore(%run_scoped3A : memref<!tpu.dma_semaphore, #tpu.memory_space<semaphore_mem>>) src(%dma_wait3A_26 : memref<640x128xf32, #tpu.memory_space<vmem_shared>>) dst(%dma_wait3A_24 : memref<640x128xf32, #tpu.memory_space<hbm>>)
      tpu.yield
    }) : () -> ()
    return
  }
}

#map = affine_map<(d0, d1) -> (0, 0)>
#map1 = affine_map<(d0, d1) -> (0, 0, 0)>
module attributes {stable_mosaic.version = 14 : i64} {
  func.func @_sc_scatter_body(%arg0: i32, %arg1: i32, %arg2: memref<320000x128xf32, #tpu.memory_space<hbm>>, %arg3: memref<32x250x40xi32, #tpu.memory_space<hbm>>, %arg4: memref<10240x128xf32, #tpu.memory_space<hbm>>, %arg5: memref<2x10240x128xf32, #tpu.memory_space<hbm>>, %arg6: memref<250x40xi32, #tpu.memory_space<vmem>>, %arg7: memref<80x128xf32, #tpu.memory_space<vmem>>, %arg8: memref<80x128xf32, #tpu.memory_space<vmem>>, %arg9: memref<!tpu.dma_semaphore, #tpu.memory_space<semaphore_mem>>, %arg10: memref<!tpu.dma_semaphore, #tpu.memory_space<semaphore_mem>>, %arg11: memref<!tpu.dma_semaphore, #tpu.memory_space<semaphore_mem>>, %arg12: memref<10240x128xf32, #tpu.memory_space<vmem_shared>>) attributes {dimension_semantics = [#tpu.dimension_semantics<core_parallel>, #tpu.dimension_semantics<subcore_parallel>], iteration_bounds = array<i64: 2, 16>, scalar_prefetch = 0 : i64, scratch_operands = 7 : i64, tpu.core_type = #tpu.core_type<sc_vector_subcore>, window_params = [{transform_indices = #map}, {transform_indices = #map1}, {transform_indices = #map}, {transform_indices = #map1}]} {
    %mul3A = arith.constant 16 : i32
    %mul3A_0 = arith.muli %arg0, %mul3A : i32
    %add3A = arith.addi %mul3A_0, %arg1 : i32
    "tpu.region"() ({
      %run_scoped3A = tpu.sem_alloc : memref<!tpu.dma_semaphore, #tpu.memory_space<semaphore_mem>>
      %dma_start3A_69 = arith.constant 0 : i32
      %dma_start3A_70 = arith.constant 0 : i32
      %dma_start3A_71 = tpu.memref_slice %arg3[%add3A, %dma_start3A_69, %dma_start3A_70] : memref<32x250x40xi32, #tpu.memory_space<hbm>> -> memref<1x250x40xi32, #tpu.memory_space<hbm>>
      %dma_start3A_72 = tpu.memref_squeeze %dma_start3A_71 : memref<1x250x40xi32, #tpu.memory_space<hbm>> -> memref<250x40xi32, #tpu.memory_space<hbm>>
      %dma_start3A_73 = arith.constant 0 : i32
      %dma_start3A_74 = arith.constant 0 : i32
      %dma_start3A_75 = tpu.memref_slice %arg3[%add3A, %dma_start3A_73, %dma_start3A_74] : memref<32x250x40xi32, #tpu.memory_space<hbm>> -> memref<1x250x40xi32, #tpu.memory_space<hbm>>
      %dma_start3A_76 = tpu.memref_squeeze %dma_start3A_75 : memref<1x250x40xi32, #tpu.memory_space<hbm>> -> memref<250x40xi32, #tpu.memory_space<hbm>>
      tpu.enqueue_dma source(%dma_start3A_76 : memref<250x40xi32, #tpu.memory_space<hbm>>) target(%arg6 : memref<250x40xi32, #tpu.memory_space<vmem>>) target_semaphore(%run_scoped3A : memref<!tpu.dma_semaphore, #tpu.memory_space<semaphore_mem>>)
      %dma_wait3A_77 = arith.constant 0 : i32
      %dma_wait3A_78 = arith.constant 0 : i32
      %dma_wait3A_79 = tpu.memref_slice %arg3[%add3A, %dma_wait3A_77, %dma_wait3A_78] : memref<32x250x40xi32, #tpu.memory_space<hbm>> -> memref<1x250x40xi32, #tpu.memory_space<hbm>>
      %dma_wait3A_80 = tpu.memref_squeeze %dma_wait3A_79 : memref<1x250x40xi32, #tpu.memory_space<hbm>> -> memref<250x40xi32, #tpu.memory_space<hbm>>
      %dma_wait3A_81 = arith.constant 0 : i32
      %dma_wait3A_82 = arith.constant 0 : i32
      %dma_wait3A_83 = tpu.memref_slice %arg3[%add3A, %dma_wait3A_81, %dma_wait3A_82] : memref<32x250x40xi32, #tpu.memory_space<hbm>> -> memref<1x250x40xi32, #tpu.memory_space<hbm>>
      %dma_wait3A_84 = tpu.memref_squeeze %dma_wait3A_83 : memref<1x250x40xi32, #tpu.memory_space<hbm>> -> memref<250x40xi32, #tpu.memory_space<hbm>>
      tpu.wait_dma2 semaphore(%run_scoped3A : memref<!tpu.dma_semaphore, #tpu.memory_space<semaphore_mem>>) src(%dma_wait3A_84 : memref<250x40xi32, #tpu.memory_space<hbm>>) dst(%arg6 : memref<250x40xi32, #tpu.memory_space<vmem>>)
      tpu.yield
    }) : () -> ()
    %mul3A_1 = arith.constant 640 : i32
    %mul3A_2 = arith.muli %arg1, %mul3A_1 : i32
    %multiple_of3A = tpu.assume_multiple %mul3A_2, 8 : i32
    "tpu.region"() ({
      %run_scoped3A = tpu.sem_alloc : memref<!tpu.dma_semaphore, #tpu.memory_space<semaphore_mem>>
      %dma_start3A_69 = arith.constant 0 : i32
      %dma_start3A_70 = tpu.memref_slice %arg12[%multiple_of3A, %dma_start3A_69] : memref<10240x128xf32, #tpu.memory_space<vmem_shared>> -> memref<640x128xf32, #tpu.memory_space<vmem_shared>>
      %dma_start3A_71 = arith.constant 0 : i32
      %dma_start3A_72 = tpu.memref_slice %arg4[%multiple_of3A, %dma_start3A_71] : memref<10240x128xf32, #tpu.memory_space<hbm>> -> memref<640x128xf32, #tpu.memory_space<hbm>>
      tpu.enqueue_dma source(%dma_start3A_72 : memref<640x128xf32, #tpu.memory_space<hbm>>) target(%dma_start3A_70 : memref<640x128xf32, #tpu.memory_space<vmem_shared>>) target_semaphore(%run_scoped3A : memref<!tpu.dma_semaphore, #tpu.memory_space<semaphore_mem>>)
      %dma_wait3A_73 = arith.constant 0 : i32
      %dma_wait3A_74 = tpu.memref_slice %arg12[%multiple_of3A, %dma_wait3A_73] : memref<10240x128xf32, #tpu.memory_space<vmem_shared>> -> memref<640x128xf32, #tpu.memory_space<vmem_shared>>
      %dma_wait3A_75 = arith.constant 0 : i32
      %dma_wait3A_76 = tpu.memref_slice %arg4[%multiple_of3A, %dma_wait3A_75] : memref<10240x128xf32, #tpu.memory_space<hbm>> -> memref<640x128xf32, #tpu.memory_space<hbm>>
      tpu.wait_dma2 semaphore(%run_scoped3A : memref<!tpu.dma_semaphore, #tpu.memory_space<semaphore_mem>>) src(%dma_wait3A_76 : memref<640x128xf32, #tpu.memory_space<hbm>>) dst(%dma_wait3A_74 : memref<640x128xf32, #tpu.memory_space<vmem_shared>>)
      tpu.yield
    }) : () -> ()
    %barrier3A = arith.constant 0 : index
    tpu.barrier barrier_id(%barrier3A)
    %mul3A_3 = arith.constant 10000 : i32
    %mul3A_4 = arith.muli %add3A, %mul3A_3 : i32
    %multiple_of3A_5 = tpu.assume_multiple %mul3A_4, 8 : i32
    %dma_start3A = arith.constant 0 : i32
    %dma_start3A_6 = tpu.memref_slice %arg2[%multiple_of3A_5, %dma_start3A] : memref<320000x128xf32, #tpu.memory_space<hbm>> -> memref<80x128xf32, #tpu.memory_space<hbm>>
    %dma_start3A_7 = arith.constant 0 : i32
    %dma_start3A_8 = tpu.memref_slice %arg2[%multiple_of3A_5, %dma_start3A_7] : memref<320000x128xf32, #tpu.memory_space<hbm>> -> memref<80x128xf32, #tpu.memory_space<hbm>>
    tpu.enqueue_dma source(%dma_start3A_8 : memref<80x128xf32, #tpu.memory_space<hbm>>) target(%arg7 : memref<80x128xf32, #tpu.memory_space<vmem>>) target_semaphore(%arg9 : memref<!tpu.dma_semaphore, #tpu.memory_space<semaphore_mem>>)
    %add3A_9 = arith.constant 80 : i32
    %add3A_10 = arith.addi %multiple_of3A_5, %add3A_9 : i32
    %dma_start3A_11 = arith.constant 0 : i32
    %dma_start3A_12 = tpu.memref_slice %arg2[%add3A_10, %dma_start3A_11] : memref<320000x128xf32, #tpu.memory_space<hbm>> -> memref<80x128xf32, #tpu.memory_space<hbm>>
    %dma_start3A_13 = arith.constant 0 : i32
    %dma_start3A_14 = tpu.memref_slice %arg2[%add3A_10, %dma_start3A_13] : memref<320000x128xf32, #tpu.memory_space<hbm>> -> memref<80x128xf32, #tpu.memory_space<hbm>>
    tpu.enqueue_dma source(%dma_start3A_14 : memref<80x128xf32, #tpu.memory_space<hbm>>) target(%arg8 : memref<80x128xf32, #tpu.memory_space<vmem>>) target_semaphore(%arg10 : memref<!tpu.dma_semaphore, #tpu.memory_space<semaphore_mem>>)
    %scan3A = arith.constant 0 : i32
    %scan3A_15 = arith.constant 0 : i32
    %scan3A_16 = arith.constant 62 : i32
    %scan3A_17 = arith.addi %scan3A_15, %scan3A_16 : i32
    %scan3A_18 = arith.constant 1 : i32
    scf.for %scan3A_69 = %scan3A_15 to %scan3A_17 step %scan3A_18  : i32 {
      %mul3A_70 = arith.constant 2 : i32
      %mul3A_71 = arith.muli %mul3A_70, %scan3A_69 : i32
      %dma_wait3A_72 = arith.constant 0 : i32
      %dma_wait3A_73 = arith.constant 0 : i32
      %dma_wait3A_74 = tpu.memref_slice %arg2[%dma_wait3A_72, %dma_wait3A_73] : memref<320000x128xf32, #tpu.memory_space<hbm>> -> memref<80x128xf32, #tpu.memory_space<hbm>>
      %dma_wait3A_75 = arith.constant 0 : i32
      %dma_wait3A_76 = arith.constant 0 : i32
      %dma_wait3A_77 = tpu.memref_slice %arg2[%dma_wait3A_75, %dma_wait3A_76] : memref<320000x128xf32, #tpu.memory_space<hbm>> -> memref<80x128xf32, #tpu.memory_space<hbm>>
      tpu.wait_dma2 semaphore(%arg9 : memref<!tpu.dma_semaphore, #tpu.memory_space<semaphore_mem>>) src(%dma_wait3A_77 : memref<80x128xf32, #tpu.memory_space<hbm>>) dst(%arg7 : memref<80x128xf32, #tpu.memory_space<vmem>>)
      %mul3A_78 = arith.constant 2 : i32
      %mul3A_79 = arith.muli %mul3A_71, %mul3A_78 : i32
      %add3A_80 = arith.constant 0 : i32
      %add3A_81 = arith.addi %mul3A_79, %add3A_80 : i32
      %dma_start3A_82 = arith.constant 0 : i32
      %dma_start3A_83 = arith.constant 0 : i32
      %dma_start3A_84 = tpu.memref_slice %arg7[%dma_start3A_82, %dma_start3A_83] : memref<80x128xf32, #tpu.memory_space<vmem>> -> memref<40x128xf32, #tpu.memory_space<vmem>>
      %dma_start3A_85 = arith.constant 0 : i32
      %dma_start3A_86 = tpu.memref_slice %arg6[%add3A_81, %dma_start3A_85] : memref<250x40xi32, #tpu.memory_space<vmem>> -> memref<1x40xi32, #tpu.memory_space<vmem>>
      %dma_start3A_87 = tpu.memref_squeeze %dma_start3A_86 : memref<1x40xi32, #tpu.memory_space<vmem>> -> memref<40xi32, #tpu.memory_space<vmem>>
      %dma_start3A_88 = arith.constant 0 : i32
      %dma_start3A_89 = arith.constant 0 : i32
      %dma_start3A_90 = tpu.memref_slice %arg12[%dma_start3A_88, %dma_start3A_89] : memref<10240x128xf32, #tpu.memory_space<vmem_shared>> -> memref<10240x128xf32, #tpu.memory_space<vmem_shared>>
      tpu.enqueue_indirect_dma source(%dma_start3A_84 : memref<40x128xf32, #tpu.memory_space<vmem>>) target(%dma_start3A_90 : memref<10240x128xf32, #tpu.memory_space<vmem_shared>>) offsets(%dma_start3A_87 : memref<40xi32, #tpu.memory_space<vmem>>) semaphore(%arg11 : memref<!tpu.dma_semaphore, #tpu.memory_space<semaphore_mem>>) {add = true}
      %mul3A_91 = arith.constant 2 : i32
      %mul3A_92 = arith.muli %mul3A_71, %mul3A_91 : i32
      %add3A_93 = arith.constant 1 : i32
      %add3A_94 = arith.addi %mul3A_92, %add3A_93 : i32
      %dma_start3A_95 = arith.constant 40 : i32
      %dma_start3A_96 = arith.constant 0 : i32
      %dma_start3A_97 = tpu.memref_slice %arg7[%dma_start3A_95, %dma_start3A_96] : memref<80x128xf32, #tpu.memory_space<vmem>> -> memref<40x128xf32, #tpu.memory_space<vmem>>
      %dma_start3A_98 = arith.constant 0 : i32
      %dma_start3A_99 = tpu.memref_slice %arg6[%add3A_94, %dma_start3A_98] : memref<250x40xi32, #tpu.memory_space<vmem>> -> memref<1x40xi32, #tpu.memory_space<vmem>>
      %dma_start3A_100 = tpu.memref_squeeze %dma_start3A_99 : memref<1x40xi32, #tpu.memory_space<vmem>> -> memref<40xi32, #tpu.memory_space<vmem>>
      %dma_start3A_101 = arith.constant 0 : i32
      %dma_start3A_102 = arith.constant 0 : i32
      %dma_start3A_103 = tpu.memref_slice %arg12[%dma_start3A_101, %dma_start3A_102] : memref<10240x128xf32, #tpu.memory_space<vmem_shared>> -> memref<10240x128xf32, #tpu.memory_space<vmem_shared>>
      tpu.enqueue_indirect_dma source(%dma_start3A_97 : memref<40x128xf32, #tpu.memory_space<vmem>>) target(%dma_start3A_103 : memref<10240x128xf32, #tpu.memory_space<vmem_shared>>) offsets(%dma_start3A_100 : memref<40xi32, #tpu.memory_space<vmem>>) semaphore(%arg11 : memref<!tpu.dma_semaphore, #tpu.memory_space<semaphore_mem>>) {add = true}
      %dma_wait3A_104 = arith.constant 0 : i32
      %dma_wait3A_105 = arith.constant 0 : i32
      %dma_wait3A_106 = tpu.memref_slice %arg7[%dma_wait3A_104, %dma_wait3A_105] : memref<80x128xf32, #tpu.memory_space<vmem>> -> memref<40x128xf32, #tpu.memory_space<vmem>>
      %dma_wait3A_107 = arith.constant 0 : i32
      %dma_wait3A_108 = tpu.memref_slice %arg6[%add3A_81, %dma_wait3A_107] : memref<250x40xi32, #tpu.memory_space<vmem>> -> memref<1x40xi32, #tpu.memory_space<vmem>>
      %dma_wait3A_109 = tpu.memref_squeeze %dma_wait3A_108 : memref<1x40xi32, #tpu.memory_space<vmem>> -> memref<40xi32, #tpu.memory_space<vmem>>
      %dma_wait3A_110 = arith.constant 0 : i32
      %dma_wait3A_111 = arith.constant 0 : i32
      %dma_wait3A_112 = tpu.memref_slice %arg12[%dma_wait3A_110, %dma_wait3A_111] : memref<10240x128xf32, #tpu.memory_space<vmem_shared>> -> memref<10240x128xf32, #tpu.memory_space<vmem_shared>>
      tpu.wait_indirect_dma semaphore(%arg11 : memref<!tpu.dma_semaphore, #tpu.memory_space<semaphore_mem>>) src(%dma_wait3A_106 : memref<40x128xf32, #tpu.memory_space<vmem>>) dst(%dma_wait3A_112 : memref<10240x128xf32, #tpu.memory_space<vmem_shared>>)
      %dma_wait3A_113 = arith.constant 40 : i32
      %dma_wait3A_114 = arith.constant 0 : i32
      %dma_wait3A_115 = tpu.memref_slice %arg7[%dma_wait3A_113, %dma_wait3A_114] : memref<80x128xf32, #tpu.memory_space<vmem>> -> memref<40x128xf32, #tpu.memory_space<vmem>>
      %dma_wait3A_116 = arith.constant 0 : i32
      %dma_wait3A_117 = tpu.memref_slice %arg6[%add3A_94, %dma_wait3A_116] : memref<250x40xi32, #tpu.memory_space<vmem>> -> memref<1x40xi32, #tpu.memory_space<vmem>>
      %dma_wait3A_118 = tpu.memref_squeeze %dma_wait3A_117 : memref<1x40xi32, #tpu.memory_space<vmem>> -> memref<40xi32, #tpu.memory_space<vmem>>
      %dma_wait3A_119 = arith.constant 0 : i32
      %dma_wait3A_120 = arith.constant 0 : i32
      %dma_wait3A_121 = tpu.memref_slice %arg12[%dma_wait3A_119, %dma_wait3A_120] : memref<10240x128xf32, #tpu.memory_space<vmem_shared>> -> memref<10240x128xf32, #tpu.memory_space<vmem_shared>>
      tpu.wait_indirect_dma semaphore(%arg11 : memref<!tpu.dma_semaphore, #tpu.memory_space<semaphore_mem>>) src(%dma_wait3A_115 : memref<40x128xf32, #tpu.memory_space<vmem>>) dst(%dma_wait3A_121 : memref<10240x128xf32, #tpu.memory_space<vmem_shared>>)
      %add3A_122 = arith.constant 2 : i32
      %add3A_123 = arith.addi %mul3A_71, %add3A_122 : i32
      %lt3A = arith.constant 125 : i32
      %lt3A_124 = arith.cmpi slt, %add3A_123, %lt3A : i32
      %convert_element_type3A = arith.extui %lt3A_124 : i1 to i32
      %cond3A = arith.constant 0 : i32
      %cond3A_125 = arith.cmpi ne, %convert_element_type3A, %cond3A : i32
      scf.if %cond3A_125 {
        %mul3A_187 = arith.constant 10000 : i32
        %mul3A_188 = arith.muli %add3A, %mul3A_187 : i32
        %mul3A_189 = arith.constant 80 : i32
        %mul3A_190 = arith.muli %add3A_123, %mul3A_189 : i32
        %add3A_191 = arith.addi %mul3A_188, %mul3A_190 : i32
        %multiple_of3A_192 = tpu.assume_multiple %add3A_191, 8 : i32
        %dma_start3A_193 = arith.constant 0 : i32
        %dma_start3A_194 = tpu.memref_slice %arg2[%multiple_of3A_192, %dma_start3A_193] : memref<320000x128xf32, #tpu.memory_space<hbm>> -> memref<80x128xf32, #tpu.memory_space<hbm>>
        %dma_start3A_195 = arith.constant 0 : i32
        %dma_start3A_196 = tpu.memref_slice %arg2[%multiple_of3A_192, %dma_start3A_195] : memref<320000x128xf32, #tpu.memory_space<hbm>> -> memref<80x128xf32, #tpu.memory_space<hbm>>
        tpu.enqueue_dma source(%dma_start3A_196 : memref<80x128xf32, #tpu.memory_space<hbm>>) target(%arg7 : memref<80x128xf32, #tpu.memory_space<vmem>>) target_semaphore(%arg9 : memref<!tpu.dma_semaphore, #tpu.memory_space<semaphore_mem>>)
      } else {
      }
      %mul3A_126 = arith.constant 2 : i32
      %mul3A_127 = arith.muli %mul3A_126, %scan3A_69 : i32
      %add3A_128 = arith.constant 1 : i32
      %add3A_129 = arith.addi %mul3A_127, %add3A_128 : i32
      %dma_wait3A_130 = arith.constant 0 : i32
      %dma_wait3A_131 = arith.constant 0 : i32
      %dma_wait3A_132 = tpu.memref_slice %arg2[%dma_wait3A_130, %dma_wait3A_131] : memref<320000x128xf32, #tpu.memory_space<hbm>> -> memref<80x128xf32, #tpu.memory_space<hbm>>
      %dma_wait3A_133 = arith.constant 0 : i32
      %dma_wait3A_134 = arith.constant 0 : i32
      %dma_wait3A_135 = tpu.memref_slice %arg2[%dma_wait3A_133, %dma_wait3A_134] : memref<320000x128xf32, #tpu.memory_space<hbm>> -> memref<80x128xf32, #tpu.memory_space<hbm>>
      tpu.wait_dma2 semaphore(%arg10 : memref<!tpu.dma_semaphore, #tpu.memory_space<semaphore_mem>>) src(%dma_wait3A_135 : memref<80x128xf32, #tpu.memory_space<hbm>>) dst(%arg8 : memref<80x128xf32, #tpu.memory_space<vmem>>)
      %mul3A_136 = arith.constant 2 : i32
      %mul3A_137 = arith.muli %add3A_129, %mul3A_136 : i32
      %add3A_138 = arith.constant 0 : i32
      %add3A_139 = arith.addi %mul3A_137, %add3A_138 : i32
      %dma_start3A_140 = arith.constant 0 : i32
      %dma_start3A_141 = arith.constant 0 : i32
      %dma_start3A_142 = tpu.memref_slice %arg8[%dma_start3A_140, %dma_start3A_141] : memref<80x128xf32, #tpu.memory_space<vmem>> -> memref<40x128xf32, #tpu.memory_space<vmem>>
      %dma_start3A_143 = arith.constant 0 : i32
      %dma_start3A_144 = tpu.memref_slice %arg6[%add3A_139, %dma_start3A_143] : memref<250x40xi32, #tpu.memory_space<vmem>> -> memref<1x40xi32, #tpu.memory_space<vmem>>
      %dma_start3A_145 = tpu.memref_squeeze %dma_start3A_144 : memref<1x40xi32, #tpu.memory_space<vmem>> -> memref<40xi32, #tpu.memory_space<vmem>>
      %dma_start3A_146 = arith.constant 0 : i32
      %dma_start3A_147 = arith.constant 0 : i32
      %dma_start3A_148 = tpu.memref_slice %arg12[%dma_start3A_146, %dma_start3A_147] : memref<10240x128xf32, #tpu.memory_space<vmem_shared>> -> memref<10240x128xf32, #tpu.memory_space<vmem_shared>>
      tpu.enqueue_indirect_dma source(%dma_start3A_142 : memref<40x128xf32, #tpu.memory_space<vmem>>) target(%dma_start3A_148 : memref<10240x128xf32, #tpu.memory_space<vmem_shared>>) offsets(%dma_start3A_145 : memref<40xi32, #tpu.memory_space<vmem>>) semaphore(%arg11 : memref<!tpu.dma_semaphore, #tpu.memory_space<semaphore_mem>>) {add = true}
      %mul3A_149 = arith.constant 2 : i32
      %mul3A_150 = arith.muli %add3A_129, %mul3A_149 : i32
      %add3A_151 = arith.constant 1 : i32
      %add3A_152 = arith.addi %mul3A_150, %add3A_151 : i32
      %dma_start3A_153 = arith.constant 40 : i32
      %dma_start3A_154 = arith.constant 0 : i32
      %dma_start3A_155 = tpu.memref_slice %arg8[%dma_start3A_153, %dma_start3A_154] : memref<80x128xf32, #tpu.memory_space<vmem>> -> memref<40x128xf32, #tpu.memory_space<vmem>>
      %dma_start3A_156 = arith.constant 0 : i32
      %dma_start3A_157 = tpu.memref_slice %arg6[%add3A_152, %dma_start3A_156] : memref<250x40xi32, #tpu.memory_space<vmem>> -> memref<1x40xi32, #tpu.memory_space<vmem>>
      %dma_start3A_158 = tpu.memref_squeeze %dma_start3A_157 : memref<1x40xi32, #tpu.memory_space<vmem>> -> memref<40xi32, #tpu.memory_space<vmem>>
      %dma_start3A_159 = arith.constant 0 : i32
      %dma_start3A_160 = arith.constant 0 : i32
      %dma_start3A_161 = tpu.memref_slice %arg12[%dma_start3A_159, %dma_start3A_160] : memref<10240x128xf32, #tpu.memory_space<vmem_shared>> -> memref<10240x128xf32, #tpu.memory_space<vmem_shared>>
      tpu.enqueue_indirect_dma source(%dma_start3A_155 : memref<40x128xf32, #tpu.memory_space<vmem>>) target(%dma_start3A_161 : memref<10240x128xf32, #tpu.memory_space<vmem_shared>>) offsets(%dma_start3A_158 : memref<40xi32, #tpu.memory_space<vmem>>) semaphore(%arg11 : memref<!tpu.dma_semaphore, #tpu.memory_space<semaphore_mem>>) {add = true}
      %dma_wait3A_162 = arith.constant 0 : i32
      %dma_wait3A_163 = arith.constant 0 : i32
      %dma_wait3A_164 = tpu.memref_slice %arg8[%dma_wait3A_162, %dma_wait3A_163] : memref<80x128xf32, #tpu.memory_space<vmem>> -> memref<40x128xf32, #tpu.memory_space<vmem>>
      %dma_wait3A_165 = arith.constant 0 : i32
      %dma_wait3A_166 = tpu.memref_slice %arg6[%add3A_139, %dma_wait3A_165] : memref<250x40xi32, #tpu.memory_space<vmem>> -> memref<1x40xi32, #tpu.memory_space<vmem>>
      %dma_wait3A_167 = tpu.memref_squeeze %dma_wait3A_166 : memref<1x40xi32, #tpu.memory_space<vmem>> -> memref<40xi32, #tpu.memory_space<vmem>>
      %dma_wait3A_168 = arith.constant 0 : i32
      %dma_wait3A_169 = arith.constant 0 : i32
      %dma_wait3A_170 = tpu.memref_slice %arg12[%dma_wait3A_168, %dma_wait3A_169] : memref<10240x128xf32, #tpu.memory_space<vmem_shared>> -> memref<10240x128xf32, #tpu.memory_space<vmem_shared>>
      tpu.wait_indirect_dma semaphore(%arg11 : memref<!tpu.dma_semaphore, #tpu.memory_space<semaphore_mem>>) src(%dma_wait3A_164 : memref<40x128xf32, #tpu.memory_space<vmem>>) dst(%dma_wait3A_170 : memref<10240x128xf32, #tpu.memory_space<vmem_shared>>)
      %dma_wait3A_171 = arith.constant 40 : i32
      %dma_wait3A_172 = arith.constant 0 : i32
      %dma_wait3A_173 = tpu.memref_slice %arg8[%dma_wait3A_171, %dma_wait3A_172] : memref<80x128xf32, #tpu.memory_space<vmem>> -> memref<40x128xf32, #tpu.memory_space<vmem>>
      %dma_wait3A_174 = arith.constant 0 : i32
      %dma_wait3A_175 = tpu.memref_slice %arg6[%add3A_152, %dma_wait3A_174] : memref<250x40xi32, #tpu.memory_space<vmem>> -> memref<1x40xi32, #tpu.memory_space<vmem>>
      %dma_wait3A_176 = tpu.memref_squeeze %dma_wait3A_175 : memref<1x40xi32, #tpu.memory_space<vmem>> -> memref<40xi32, #tpu.memory_space<vmem>>
      %dma_wait3A_177 = arith.constant 0 : i32
      %dma_wait3A_178 = arith.constant 0 : i32
      %dma_wait3A_179 = tpu.memref_slice %arg12[%dma_wait3A_177, %dma_wait3A_178] : memref<10240x128xf32, #tpu.memory_space<vmem_shared>> -> memref<10240x128xf32, #tpu.memory_space<vmem_shared>>
      tpu.wait_indirect_dma semaphore(%arg11 : memref<!tpu.dma_semaphore, #tpu.memory_space<semaphore_mem>>) src(%dma_wait3A_173 : memref<40x128xf32, #tpu.memory_space<vmem>>) dst(%dma_wait3A_179 : memref<10240x128xf32, #tpu.memory_space<vmem_shared>>)
      %add3A_180 = arith.constant 2 : i32
      %add3A_181 = arith.addi %add3A_129, %add3A_180 : i32
      %lt3A_182 = arith.constant 125 : i32
      %lt3A_183 = arith.cmpi slt, %add3A_181, %lt3A_182 : i32
      %convert_element_type3A_184 = arith.extui %lt3A_183 : i1 to i32
      %cond3A_185 = arith.constant 0 : i32
      %cond3A_186 = arith.cmpi ne, %convert_element_type3A_184, %cond3A_185 : i32
      scf.if %cond3A_186 {
        %mul3A_187 = arith.constant 10000 : i32
        %mul3A_188 = arith.muli %add3A, %mul3A_187 : i32
        %mul3A_189 = arith.constant 80 : i32
        %mul3A_190 = arith.muli %add3A_181, %mul3A_189 : i32
        %add3A_191 = arith.addi %mul3A_188, %mul3A_190 : i32
        %multiple_of3A_192 = tpu.assume_multiple %add3A_191, 8 : i32
        %dma_start3A_193 = arith.constant 0 : i32
        %dma_start3A_194 = tpu.memref_slice %arg2[%multiple_of3A_192, %dma_start3A_193] : memref<320000x128xf32, #tpu.memory_space<hbm>> -> memref<80x128xf32, #tpu.memory_space<hbm>>
        %dma_start3A_195 = arith.constant 0 : i32
        %dma_start3A_196 = tpu.memref_slice %arg2[%multiple_of3A_192, %dma_start3A_195] : memref<320000x128xf32, #tpu.memory_space<hbm>> -> memref<80x128xf32, #tpu.memory_space<hbm>>
        tpu.enqueue_dma source(%dma_start3A_196 : memref<80x128xf32, #tpu.memory_space<hbm>>) target(%arg8 : memref<80x128xf32, #tpu.memory_space<vmem>>) target_semaphore(%arg10 : memref<!tpu.dma_semaphore, #tpu.memory_space<semaphore_mem>>)
      } else {
      }
    }
    %scan3A_19 = arith.constant 62 : i32
    %dma_wait3A = arith.constant 0 : i32
    %dma_wait3A_20 = arith.constant 0 : i32
    %dma_wait3A_21 = tpu.memref_slice %arg2[%dma_wait3A, %dma_wait3A_20] : memref<320000x128xf32, #tpu.memory_space<hbm>> -> memref<80x128xf32, #tpu.memory_space<hbm>>
    %dma_wait3A_22 = arith.constant 0 : i32
    %dma_wait3A_23 = arith.constant 0 : i32
    %dma_wait3A_24 = tpu.memref_slice %arg2[%dma_wait3A_22, %dma_wait3A_23] : memref<320000x128xf32, #tpu.memory_space<hbm>> -> memref<80x128xf32, #tpu.memory_space<hbm>>
    tpu.wait_dma2 semaphore(%arg9 : memref<!tpu.dma_semaphore, #tpu.memory_space<semaphore_mem>>) src(%dma_wait3A_24 : memref<80x128xf32, #tpu.memory_space<hbm>>) dst(%arg7 : memref<80x128xf32, #tpu.memory_space<vmem>>)
    %dma_start3A_25 = arith.constant 248 : i32
    %dma_start3A_26 = arith.constant 0 : i32
    %dma_start3A_27 = arith.constant 0 : i32
    %dma_start3A_28 = tpu.memref_slice %arg7[%dma_start3A_26, %dma_start3A_27] : memref<80x128xf32, #tpu.memory_space<vmem>> -> memref<40x128xf32, #tpu.memory_space<vmem>>
    %dma_start3A_29 = arith.constant 0 : i32
    %dma_start3A_30 = tpu.memref_slice %arg6[%dma_start3A_25, %dma_start3A_29] : memref<250x40xi32, #tpu.memory_space<vmem>> -> memref<1x40xi32, #tpu.memory_space<vmem>>
    %dma_start3A_31 = tpu.memref_squeeze %dma_start3A_30 : memref<1x40xi32, #tpu.memory_space<vmem>> -> memref<40xi32, #tpu.memory_space<vmem>>
    %dma_start3A_32 = arith.constant 0 : i32
    %dma_start3A_33 = arith.constant 0 : i32
    %dma_start3A_34 = tpu.memref_slice %arg12[%dma_start3A_32, %dma_start3A_33] : memref<10240x128xf32, #tpu.memory_space<vmem_shared>> -> memref<10240x128xf32, #tpu.memory_space<vmem_shared>>
    tpu.enqueue_indirect_dma source(%dma_start3A_28 : memref<40x128xf32, #tpu.memory_space<vmem>>) target(%dma_start3A_34 : memref<10240x128xf32, #tpu.memory_space<vmem_shared>>) offsets(%dma_start3A_31 : memref<40xi32, #tpu.memory_space<vmem>>) semaphore(%arg11 : memref<!tpu.dma_semaphore, #tpu.memory_space<semaphore_mem>>) {add = true}
    %dma_start3A_35 = arith.constant 249 : i32
    %dma_start3A_36 = arith.constant 40 : i32
    %dma_start3A_37 = arith.constant 0 : i32
    %dma_start3A_38 = tpu.memref_slice %arg7[%dma_start3A_36, %dma_start3A_37] : memref<80x128xf32, #tpu.memory_space<vmem>> -> memref<40x128xf32, #tpu.memory_space<vmem>>
    %dma_start3A_39 = arith.constant 0 : i32
    %dma_start3A_40 = tpu.memref_slice %arg6[%dma_start3A_35, %dma_start3A_39] : memref<250x40xi32, #tpu.memory_space<vmem>> -> memref<1x40xi32, #tpu.memory_space<vmem>>
    %dma_start3A_41 = tpu.memref_squeeze %dma_start3A_40 : memref<1x40xi32, #tpu.memory_space<vmem>> -> memref<40xi32, #tpu.memory_space<vmem>>
    %dma_start3A_42 = arith.constant 0 : i32
    %dma_start3A_43 = arith.constant 0 : i32
    %dma_start3A_44 = tpu.memref_slice %arg12[%dma_start3A_42, %dma_start3A_43] : memref<10240x128xf32, #tpu.memory_space<vmem_shared>> -> memref<10240x128xf32, #tpu.memory_space<vmem_shared>>
    tpu.enqueue_indirect_dma source(%dma_start3A_38 : memref<40x128xf32, #tpu.memory_space<vmem>>) target(%dma_start3A_44 : memref<10240x128xf32, #tpu.memory_space<vmem_shared>>) offsets(%dma_start3A_41 : memref<40xi32, #tpu.memory_space<vmem>>) semaphore(%arg11 : memref<!tpu.dma_semaphore, #tpu.memory_space<semaphore_mem>>) {add = true}
    %dma_wait3A_45 = arith.constant 248 : i32
    %dma_wait3A_46 = arith.constant 0 : i32
    %dma_wait3A_47 = arith.constant 0 : i32
    %dma_wait3A_48 = tpu.memref_slice %arg7[%dma_wait3A_46, %dma_wait3A_47] : memref<80x128xf32, #tpu.memory_space<vmem>> -> memref<40x128xf32, #tpu.memory_space<vmem>>
    %dma_wait3A_49 = arith.constant 0 : i32
    %dma_wait3A_50 = tpu.memref_slice %arg6[%dma_wait3A_45, %dma_wait3A_49] : memref<250x40xi32, #tpu.memory_space<vmem>> -> memref<1x40xi32, #tpu.memory_space<vmem>>
    %dma_wait3A_51 = tpu.memref_squeeze %dma_wait3A_50 : memref<1x40xi32, #tpu.memory_space<vmem>> -> memref<40xi32, #tpu.memory_space<vmem>>
    %dma_wait3A_52 = arith.constant 0 : i32
    %dma_wait3A_53 = arith.constant 0 : i32
    %dma_wait3A_54 = tpu.memref_slice %arg12[%dma_wait3A_52, %dma_wait3A_53] : memref<10240x128xf32, #tpu.memory_space<vmem_shared>> -> memref<10240x128xf32, #tpu.memory_space<vmem_shared>>
    tpu.wait_indirect_dma semaphore(%arg11 : memref<!tpu.dma_semaphore, #tpu.memory_space<semaphore_mem>>) src(%dma_wait3A_48 : memref<40x128xf32, #tpu.memory_space<vmem>>) dst(%dma_wait3A_54 : memref<10240x128xf32, #tpu.memory_space<vmem_shared>>)
    %dma_wait3A_55 = arith.constant 249 : i32
    %dma_wait3A_56 = arith.constant 40 : i32
    %dma_wait3A_57 = arith.constant 0 : i32
    %dma_wait3A_58 = tpu.memref_slice %arg7[%dma_wait3A_56, %dma_wait3A_57] : memref<80x128xf32, #tpu.memory_space<vmem>> -> memref<40x128xf32, #tpu.memory_space<vmem>>
    %dma_wait3A_59 = arith.constant 0 : i32
    %dma_wait3A_60 = tpu.memref_slice %arg6[%dma_wait3A_55, %dma_wait3A_59] : memref<250x40xi32, #tpu.memory_space<vmem>> -> memref<1x40xi32, #tpu.memory_space<vmem>>
    %dma_wait3A_61 = tpu.memref_squeeze %dma_wait3A_60 : memref<1x40xi32, #tpu.memory_space<vmem>> -> memref<40xi32, #tpu.memory_space<vmem>>
    %dma_wait3A_62 = arith.constant 0 : i32
    %dma_wait3A_63 = arith.constant 0 : i32
    %dma_wait3A_64 = tpu.memref_slice %arg12[%dma_wait3A_62, %dma_wait3A_63] : memref<10240x128xf32, #tpu.memory_space<vmem_shared>> -> memref<10240x128xf32, #tpu.memory_space<vmem_shared>>
    tpu.wait_indirect_dma semaphore(%arg11 : memref<!tpu.dma_semaphore, #tpu.memory_space<semaphore_mem>>) src(%dma_wait3A_58 : memref<40x128xf32, #tpu.memory_space<vmem>>) dst(%dma_wait3A_64 : memref<10240x128xf32, #tpu.memory_space<vmem_shared>>)
    %barrier3A_65 = arith.constant 0 : index
    tpu.barrier barrier_id(%barrier3A_65)
    %mul3A_66 = arith.constant 640 : i32
    %mul3A_67 = arith.muli %arg1, %mul3A_66 : i32
    %multiple_of3A_68 = tpu.assume_multiple %mul3A_67, 8 : i32
    "tpu.region"() ({
      %run_scoped3A = tpu.sem_alloc : memref<!tpu.dma_semaphore, #tpu.memory_space<semaphore_mem>>
      %dma_start3A_69 = arith.constant 0 : i32
      %dma_start3A_70 = tpu.memref_slice %arg5[%arg0, %multiple_of3A_68, %dma_start3A_69] : memref<2x10240x128xf32, #tpu.memory_space<hbm>> -> memref<1x640x128xf32, #tpu.memory_space<hbm>>
      %dma_start3A_71 = tpu.memref_squeeze %dma_start3A_70 : memref<1x640x128xf32, #tpu.memory_space<hbm>> -> memref<640x128xf32, #tpu.memory_space<hbm>>
      %dma_start3A_72 = arith.constant 0 : i32
      %dma_start3A_73 = tpu.memref_slice %arg12[%multiple_of3A_68, %dma_start3A_72] : memref<10240x128xf32, #tpu.memory_space<vmem_shared>> -> memref<640x128xf32, #tpu.memory_space<vmem_shared>>
      tpu.enqueue_dma source(%dma_start3A_73 : memref<640x128xf32, #tpu.memory_space<vmem_shared>>) target(%dma_start3A_71 : memref<640x128xf32, #tpu.memory_space<hbm>>) target_semaphore(%run_scoped3A : memref<!tpu.dma_semaphore, #tpu.memory_space<semaphore_mem>>)
      %dma_wait3A_74 = arith.constant 0 : i32
      %dma_wait3A_75 = tpu.memref_slice %arg5[%arg0, %multiple_of3A_68, %dma_wait3A_74] : memref<2x10240x128xf32, #tpu.memory_space<hbm>> -> memref<1x640x128xf32, #tpu.memory_space<hbm>>
      %dma_wait3A_76 = tpu.memref_squeeze %dma_wait3A_75 : memref<1x640x128xf32, #tpu.memory_space<hbm>> -> memref<640x128xf32, #tpu.memory_space<hbm>>
      %dma_wait3A_77 = arith.constant 0 : i32
      %dma_wait3A_78 = tpu.memref_slice %arg12[%multiple_of3A_68, %dma_wait3A_77] : memref<10240x128xf32, #tpu.memory_space<vmem_shared>> -> memref<640x128xf32, #tpu.memory_space<vmem_shared>>
      tpu.wait_dma2 semaphore(%run_scoped3A : memref<!tpu.dma_semaphore, #tpu.memory_space<semaphore_mem>>) src(%dma_wait3A_78 : memref<640x128xf32, #tpu.memory_space<vmem_shared>>) dst(%dma_wait3A_76 : memref<640x128xf32, #tpu.memory_space<hbm>>)
      tpu.yield
    }) : () -> ()
    return
  }
}

#map = affine_map<(d0, d1) -> (0, 0)>
#map1 = affine_map<(d0, d1) -> (0, 0, 0)>
module attributes {stable_mosaic.version = 14 : i64} {
  func.func @_sc_pool_body(%arg0: i32, %arg1: i32, %arg2: memref<10000x128xf32, #tpu.memory_space<hbm>>, %arg3: memref<32x3x104xi32, #tpu.memory_space<hbm>>, %arg4: memref<9984x128xf32, #tpu.memory_space<hbm>>, %arg5: memref<3x104xi32, #tpu.memory_space<vmem>>, %arg6: memref<312x128xf32, #tpu.memory_space<vmem>>, %arg7: memref<!tpu.dma_semaphore, #tpu.memory_space<semaphore_mem>>) attributes {dimension_semantics = [#tpu.dimension_semantics<core_parallel>, #tpu.dimension_semantics<subcore_parallel>], iteration_bounds = array<i64: 2, 16>, scalar_prefetch = 0 : i64, scratch_operands = 3 : i64, tpu.core_type = #tpu.core_type<sc_vector_subcore>, window_params = [{transform_indices = #map}, {transform_indices = #map1}, {transform_indices = #map}]} {
    %mul3A = arith.constant 16 : i32
    %mul3A_0 = arith.muli %arg0, %mul3A : i32
    %add3A = arith.addi %mul3A_0, %arg1 : i32
    "tpu.region"() ({
      %run_scoped3A = tpu.sem_alloc : memref<!tpu.dma_semaphore, #tpu.memory_space<semaphore_mem>>
      %dma_start3A_61 = arith.constant 0 : i32
      %dma_start3A_62 = arith.constant 0 : i32
      %dma_start3A_63 = tpu.memref_slice %arg3[%add3A, %dma_start3A_61, %dma_start3A_62] : memref<32x3x104xi32, #tpu.memory_space<hbm>> -> memref<1x3x104xi32, #tpu.memory_space<hbm>>
      %dma_start3A_64 = tpu.memref_squeeze %dma_start3A_63 : memref<1x3x104xi32, #tpu.memory_space<hbm>> -> memref<3x104xi32, #tpu.memory_space<hbm>>
      %dma_start3A_65 = arith.constant 0 : i32
      %dma_start3A_66 = arith.constant 0 : i32
      %dma_start3A_67 = tpu.memref_slice %arg3[%add3A, %dma_start3A_65, %dma_start3A_66] : memref<32x3x104xi32, #tpu.memory_space<hbm>> -> memref<1x3x104xi32, #tpu.memory_space<hbm>>
      %dma_start3A_68 = tpu.memref_squeeze %dma_start3A_67 : memref<1x3x104xi32, #tpu.memory_space<hbm>> -> memref<3x104xi32, #tpu.memory_space<hbm>>
      tpu.enqueue_dma source(%dma_start3A_68 : memref<3x104xi32, #tpu.memory_space<hbm>>) target(%arg5 : memref<3x104xi32, #tpu.memory_space<vmem>>) target_semaphore(%run_scoped3A : memref<!tpu.dma_semaphore, #tpu.memory_space<semaphore_mem>>)
      %dma_wait3A_69 = arith.constant 0 : i32
      %dma_wait3A_70 = arith.constant 0 : i32
      %dma_wait3A_71 = tpu.memref_slice %arg3[%add3A, %dma_wait3A_69, %dma_wait3A_70] : memref<32x3x104xi32, #tpu.memory_space<hbm>> -> memref<1x3x104xi32, #tpu.memory_space<hbm>>
      %dma_wait3A_72 = tpu.memref_squeeze %dma_wait3A_71 : memref<1x3x104xi32, #tpu.memory_space<hbm>> -> memref<3x104xi32, #tpu.memory_space<hbm>>
      %dma_wait3A_73 = arith.constant 0 : i32
      %dma_wait3A_74 = arith.constant 0 : i32
      %dma_wait3A_75 = tpu.memref_slice %arg3[%add3A, %dma_wait3A_73, %dma_wait3A_74] : memref<32x3x104xi32, #tpu.memory_space<hbm>> -> memref<1x3x104xi32, #tpu.memory_space<hbm>>
      %dma_wait3A_76 = tpu.memref_squeeze %dma_wait3A_75 : memref<1x3x104xi32, #tpu.memory_space<hbm>> -> memref<3x104xi32, #tpu.memory_space<hbm>>
      tpu.wait_dma2 semaphore(%run_scoped3A : memref<!tpu.dma_semaphore, #tpu.memory_space<semaphore_mem>>) src(%dma_wait3A_76 : memref<3x104xi32, #tpu.memory_space<hbm>>) dst(%arg5 : memref<3x104xi32, #tpu.memory_space<vmem>>)
      tpu.yield
    }) : () -> ()
    %dma_start3A = arith.constant 0 : i32
    %dma_start3A_1 = arith.constant 0 : i32
    %dma_start3A_2 = arith.constant 0 : i32
    %dma_start3A_3 = tpu.memref_slice %arg6[%dma_start3A_1, %dma_start3A_2] : memref<312x128xf32, #tpu.memory_space<vmem>> -> memref<104x128xf32, #tpu.memory_space<vmem>>
    %dma_start3A_4 = arith.constant 0 : i32
    %dma_start3A_5 = tpu.memref_slice %arg5[%dma_start3A, %dma_start3A_4] : memref<3x104xi32, #tpu.memory_space<vmem>> -> memref<1x104xi32, #tpu.memory_space<vmem>>
    %dma_start3A_6 = tpu.memref_squeeze %dma_start3A_5 : memref<1x104xi32, #tpu.memory_space<vmem>> -> memref<104xi32, #tpu.memory_space<vmem>>
    %dma_start3A_7 = arith.constant 0 : i32
    %dma_start3A_8 = arith.constant 0 : i32
    %dma_start3A_9 = tpu.memref_slice %arg2[%dma_start3A_7, %dma_start3A_8] : memref<10000x128xf32, #tpu.memory_space<hbm>> -> memref<10000x128xf32, #tpu.memory_space<hbm>>
    tpu.enqueue_indirect_dma source(%dma_start3A_9 : memref<10000x128xf32, #tpu.memory_space<hbm>>) target(%dma_start3A_3 : memref<104x128xf32, #tpu.memory_space<vmem>>) offsets(%dma_start3A_6 : memref<104xi32, #tpu.memory_space<vmem>>) semaphore(%arg7 : memref<!tpu.dma_semaphore, #tpu.memory_space<semaphore_mem>>)
    %dma_wait3A = arith.constant 0 : i32
    %dma_wait3A_10 = arith.constant 0 : i32
    %dma_wait3A_11 = arith.constant 0 : i32
    %dma_wait3A_12 = tpu.memref_slice %arg6[%dma_wait3A_10, %dma_wait3A_11] : memref<312x128xf32, #tpu.memory_space<vmem>> -> memref<104x128xf32, #tpu.memory_space<vmem>>
    %dma_wait3A_13 = arith.constant 0 : i32
    %dma_wait3A_14 = tpu.memref_slice %arg5[%dma_wait3A, %dma_wait3A_13] : memref<3x104xi32, #tpu.memory_space<vmem>> -> memref<1x104xi32, #tpu.memory_space<vmem>>
    %dma_wait3A_15 = tpu.memref_squeeze %dma_wait3A_14 : memref<1x104xi32, #tpu.memory_space<vmem>> -> memref<104xi32, #tpu.memory_space<vmem>>
    %dma_wait3A_16 = arith.constant 0 : i32
    %dma_wait3A_17 = arith.constant 0 : i32
    %dma_wait3A_18 = tpu.memref_slice %arg2[%dma_wait3A_16, %dma_wait3A_17] : memref<10000x128xf32, #tpu.memory_space<hbm>> -> memref<10000x128xf32, #tpu.memory_space<hbm>>
    tpu.wait_indirect_dma semaphore(%arg7 : memref<!tpu.dma_semaphore, #tpu.memory_space<semaphore_mem>>) src(%dma_wait3A_18 : memref<10000x128xf32, #tpu.memory_space<hbm>>) dst(%dma_wait3A_12 : memref<104x128xf32, #tpu.memory_space<vmem>>)
    %dma_start3A_19 = arith.constant 1 : i32
    %dma_start3A_20 = arith.constant 104 : i32
    %dma_start3A_21 = arith.constant 0 : i32
    %dma_start3A_22 = tpu.memref_slice %arg6[%dma_start3A_20, %dma_start3A_21] : memref<312x128xf32, #tpu.memory_space<vmem>> -> memref<104x128xf32, #tpu.memory_space<vmem>>
    %dma_start3A_23 = arith.constant 0 : i32
    %dma_start3A_24 = tpu.memref_slice %arg5[%dma_start3A_19, %dma_start3A_23] : memref<3x104xi32, #tpu.memory_space<vmem>> -> memref<1x104xi32, #tpu.memory_space<vmem>>
    %dma_start3A_25 = tpu.memref_squeeze %dma_start3A_24 : memref<1x104xi32, #tpu.memory_space<vmem>> -> memref<104xi32, #tpu.memory_space<vmem>>
    %dma_start3A_26 = arith.constant 0 : i32
    %dma_start3A_27 = arith.constant 0 : i32
    %dma_start3A_28 = tpu.memref_slice %arg2[%dma_start3A_26, %dma_start3A_27] : memref<10000x128xf32, #tpu.memory_space<hbm>> -> memref<10000x128xf32, #tpu.memory_space<hbm>>
    tpu.enqueue_indirect_dma source(%dma_start3A_28 : memref<10000x128xf32, #tpu.memory_space<hbm>>) target(%dma_start3A_22 : memref<104x128xf32, #tpu.memory_space<vmem>>) offsets(%dma_start3A_25 : memref<104xi32, #tpu.memory_space<vmem>>) semaphore(%arg7 : memref<!tpu.dma_semaphore, #tpu.memory_space<semaphore_mem>>)
    %dma_wait3A_29 = arith.constant 1 : i32
    %dma_wait3A_30 = arith.constant 104 : i32
    %dma_wait3A_31 = arith.constant 0 : i32
    %dma_wait3A_32 = tpu.memref_slice %arg6[%dma_wait3A_30, %dma_wait3A_31] : memref<312x128xf32, #tpu.memory_space<vmem>> -> memref<104x128xf32, #tpu.memory_space<vmem>>
    %dma_wait3A_33 = arith.constant 0 : i32
    %dma_wait3A_34 = tpu.memref_slice %arg5[%dma_wait3A_29, %dma_wait3A_33] : memref<3x104xi32, #tpu.memory_space<vmem>> -> memref<1x104xi32, #tpu.memory_space<vmem>>
    %dma_wait3A_35 = tpu.memref_squeeze %dma_wait3A_34 : memref<1x104xi32, #tpu.memory_space<vmem>> -> memref<104xi32, #tpu.memory_space<vmem>>
    %dma_wait3A_36 = arith.constant 0 : i32
    %dma_wait3A_37 = arith.constant 0 : i32
    %dma_wait3A_38 = tpu.memref_slice %arg2[%dma_wait3A_36, %dma_wait3A_37] : memref<10000x128xf32, #tpu.memory_space<hbm>> -> memref<10000x128xf32, #tpu.memory_space<hbm>>
    tpu.wait_indirect_dma semaphore(%arg7 : memref<!tpu.dma_semaphore, #tpu.memory_space<semaphore_mem>>) src(%dma_wait3A_38 : memref<10000x128xf32, #tpu.memory_space<hbm>>) dst(%dma_wait3A_32 : memref<104x128xf32, #tpu.memory_space<vmem>>)
    %dma_start3A_39 = arith.constant 2 : i32
    %dma_start3A_40 = arith.constant 208 : i32
    %dma_start3A_41 = arith.constant 0 : i32
    %dma_start3A_42 = tpu.memref_slice %arg6[%dma_start3A_40, %dma_start3A_41] : memref<312x128xf32, #tpu.memory_space<vmem>> -> memref<104x128xf32, #tpu.memory_space<vmem>>
    %dma_start3A_43 = arith.constant 0 : i32
    %dma_start3A_44 = tpu.memref_slice %arg5[%dma_start3A_39, %dma_start3A_43] : memref<3x104xi32, #tpu.memory_space<vmem>> -> memref<1x104xi32, #tpu.memory_space<vmem>>
    %dma_start3A_45 = tpu.memref_squeeze %dma_start3A_44 : memref<1x104xi32, #tpu.memory_space<vmem>> -> memref<104xi32, #tpu.memory_space<vmem>>
    %dma_start3A_46 = arith.constant 0 : i32
    %dma_start3A_47 = arith.constant 0 : i32
    %dma_start3A_48 = tpu.memref_slice %arg2[%dma_start3A_46, %dma_start3A_47] : memref<10000x128xf32, #tpu.memory_space<hbm>> -> memref<10000x128xf32, #tpu.memory_space<hbm>>
    tpu.enqueue_indirect_dma source(%dma_start3A_48 : memref<10000x128xf32, #tpu.memory_space<hbm>>) target(%dma_start3A_42 : memref<104x128xf32, #tpu.memory_space<vmem>>) offsets(%dma_start3A_45 : memref<104xi32, #tpu.memory_space<vmem>>) semaphore(%arg7 : memref<!tpu.dma_semaphore, #tpu.memory_space<semaphore_mem>>)
    %dma_wait3A_49 = arith.constant 2 : i32
    %dma_wait3A_50 = arith.constant 208 : i32
    %dma_wait3A_51 = arith.constant 0 : i32
    %dma_wait3A_52 = tpu.memref_slice %arg6[%dma_wait3A_50, %dma_wait3A_51] : memref<312x128xf32, #tpu.memory_space<vmem>> -> memref<104x128xf32, #tpu.memory_space<vmem>>
    %dma_wait3A_53 = arith.constant 0 : i32
    %dma_wait3A_54 = tpu.memref_slice %arg5[%dma_wait3A_49, %dma_wait3A_53] : memref<3x104xi32, #tpu.memory_space<vmem>> -> memref<1x104xi32, #tpu.memory_space<vmem>>
    %dma_wait3A_55 = tpu.memref_squeeze %dma_wait3A_54 : memref<1x104xi32, #tpu.memory_space<vmem>> -> memref<104xi32, #tpu.memory_space<vmem>>
    %dma_wait3A_56 = arith.constant 0 : i32
    %dma_wait3A_57 = arith.constant 0 : i32
    %dma_wait3A_58 = tpu.memref_slice %arg2[%dma_wait3A_56, %dma_wait3A_57] : memref<10000x128xf32, #tpu.memory_space<hbm>> -> memref<10000x128xf32, #tpu.memory_space<hbm>>
    tpu.wait_indirect_dma semaphore(%arg7 : memref<!tpu.dma_semaphore, #tpu.memory_space<semaphore_mem>>) src(%dma_wait3A_58 : memref<10000x128xf32, #tpu.memory_space<hbm>>) dst(%dma_wait3A_52 : memref<104x128xf32, #tpu.memory_space<vmem>>)
    %mul3A_59 = arith.constant 312 : i32
    %mul3A_60 = arith.muli %add3A, %mul3A_59 : i32
    %multiple_of3A = tpu.assume_multiple %mul3A_60, 8 : i32
    "tpu.region"() ({
      %run_scoped3A = tpu.sem_alloc : memref<!tpu.dma_semaphore, #tpu.memory_space<semaphore_mem>>
      %dma_start3A_61 = arith.constant 0 : i32
      %dma_start3A_62 = tpu.memref_slice %arg4[%multiple_of3A, %dma_start3A_61] : memref<9984x128xf32, #tpu.memory_space<hbm>> -> memref<312x128xf32, #tpu.memory_space<hbm>>
      %dma_start3A_63 = arith.constant 0 : i32
      %dma_start3A_64 = tpu.memref_slice %arg4[%multiple_of3A, %dma_start3A_63] : memref<9984x128xf32, #tpu.memory_space<hbm>> -> memref<312x128xf32, #tpu.memory_space<hbm>>
      tpu.enqueue_dma source(%arg6 : memref<312x128xf32, #tpu.memory_space<vmem>>) target(%dma_start3A_64 : memref<312x128xf32, #tpu.memory_space<hbm>>) target_semaphore(%run_scoped3A : memref<!tpu.dma_semaphore, #tpu.memory_space<semaphore_mem>>)
      %dma_wait3A_65 = arith.constant 0 : i32
      %dma_wait3A_66 = tpu.memref_slice %arg4[%multiple_of3A, %dma_wait3A_65] : memref<9984x128xf32, #tpu.memory_space<hbm>> -> memref<312x128xf32, #tpu.memory_space<hbm>>
      %dma_wait3A_67 = arith.constant 0 : i32
      %dma_wait3A_68 = tpu.memref_slice %arg4[%multiple_of3A, %dma_wait3A_67] : memref<9984x128xf32, #tpu.memory_space<hbm>> -> memref<312x128xf32, #tpu.memory_space<hbm>>
      tpu.wait_dma2 semaphore(%run_scoped3A : memref<!tpu.dma_semaphore, #tpu.memory_space<semaphore_mem>>) src(%arg6 : memref<312x128xf32, #tpu.memory_space<vmem>>) dst(%dma_wait3A_68 : memref<312x128xf32, #tpu.memory_space<hbm>>)
      tpu.yield
    }) : () -> ()
    return
  }
}

module attributes {stable_mosaic.version = 14 : i64} {
  func.func @_embed_body(%arg0: i32, %arg1: memref<1000x128xf32, #tpu.memory_space<vmem>>, %arg2: memref<128x64xf32, #tpu.memory_space<vmem>>, %arg3: memref<1x64xf32, #tpu.memory_space<vmem>>, %arg4: memref<1000x128xf32, #tpu.memory_space<vmem>>) attributes {dimension_semantics = [#tpu.dimension_semantics<arbitrary>], iteration_bounds = array<i64: 10>, scalar_prefetch = 0 : i64, scratch_operands = 0 : i64, tpu.core_type = #tpu.core_type<tc>, window_params = [{transform_indices = @transform_0, window_bounds = array<i64: 1000, 128>}, {pipeline_mode = #tpu.pipeline_mode<synchronous>, transform_indices = @transform_1, window_bounds = array<i64: 128, 64>}, {pipeline_mode = #tpu.pipeline_mode<synchronous>, transform_indices = @transform_2, window_bounds = array<i64: 1, 64>}, {transform_indices = @transform_3, window_bounds = array<i64: 1000, 128>}]} {
    %get3A = arith.constant 0 : index
    %get3A_0 = arith.constant 0 : index
    %get3A_1 = vector.load %arg1[%get3A, %get3A_0] : memref<1000x128xf32, #tpu.memory_space<vmem>>, vector<1000x128xf32>
    %get3A_2 = arith.constant 0 : index
    %get3A_3 = arith.constant 0 : index
    %get3A_4 = vector.load %arg2[%get3A_2, %get3A_3] : memref<128x64xf32, #tpu.memory_space<vmem>>, vector<128x64xf32>
    %convert_element_type3A = arith.truncf %get3A_1 : vector<1000x128xf32> to vector<1000x128xbf16>
    %convert_element_type3A_5 = arith.truncf %get3A_4 : vector<128x64xf32> to vector<128x64xbf16>
    %dot_general3A = arith.constant dense<0.000000e+00> : vector<1000x64xf32>
    %dot_general3A_6 = tpu.matmul %convert_element_type3A, %convert_element_type3A_5, %dot_general3A {dimension_numbers = #tpu.dot_dimension_numbers<[1], [0], [0], [1], [0, 0, 1, 1], [], []>, transpose_lhs_hint = false} : vector<1000x128xbf16>, vector<128x64xbf16>, vector<1000x64xf32> -> vector<1000x64xf32>
    %get3A_7 = arith.constant 0 : index
    %get3A_8 = arith.constant 0 : index
    %get3A_9 = vector.load %arg3[%get3A_7, %get3A_8] : memref<1x64xf32, #tpu.memory_space<vmem>>, vector<1x64xf32>
    %add3A = vector.broadcast %get3A_9 : vector<1x64xf32> to vector<1000x64xf32>
    %add3A_10 = arith.addf %dot_general3A_6, %add3A : vector<1000x64xf32>
    %broadcast_in_dim3A = arith.constant 0.000000e+00 : f32
    %broadcast_in_dim3A_11 = vector.broadcast %broadcast_in_dim3A : f32 to vector<1000x64xf32>
    %concatenate3A = tpu.concatenate %add3A_10, %broadcast_in_dim3A_11 in 1 : vector<1000x64xf32>, vector<1000x64xf32> -> vector<1000x128xf32>
    %swap3A = arith.constant 0 : index
    %swap3A_12 = arith.constant 0 : index
    %swap3A_13 = vector.load %arg4[%swap3A, %swap3A_12] : memref<1000x128xf32, #tpu.memory_space<vmem>>, vector<1000x128xf32>
    tpu.vector_store %arg4[%swap3A, %swap3A_12], %concatenate3A {strides = array<i32>} : memref<1000x128xf32, #tpu.memory_space<vmem>>, vector<1000x128xf32>,
    return
  }
  func.func @transform_0(%arg0: i32) -> (i32, i32) {
    %c0_i32 = arith.constant 0 : i32
    %c0_i32_0 = arith.constant 0 : i32
    return %arg0, %c0_i32 : i32, i32
  }
  func.func @transform_1(%arg0: i32) -> (i32, i32) {
    %c0_i32 = arith.constant 0 : i32
    %c0_i32_0 = arith.constant 0 : i32
    %c0_i32_1 = arith.constant 0 : i32
    return %c0_i32, %c0_i32_0 : i32, i32
  }
  func.func @transform_2(%arg0: i32) -> (i32, i32) {
    %c0_i32 = arith.constant 0 : i32
    %c0_i32_0 = arith.constant 0 : i32
    %c0_i32_1 = arith.constant 0 : i32
    return %c0_i32, %c0_i32_0 : i32, i32
  }
  func.func @transform_3(%arg0: i32) -> (i32, i32) {
    %c0_i32 = arith.constant 0 : i32
    %c0_i32_0 = arith.constant 0 : i32
    return %arg0, %c0_i32 : i32, i32
  }
}

module attributes {stable_mosaic.version = 14 : i64} {
  func.func @_edge_mlp_body(%arg0: i32, %arg1: memref<2560x16xf32, #tpu.memory_space<vmem>>, %arg2: memref<16x256xf32, #tpu.memory_space<vmem>>, %arg3: memref<1x256xf32, #tpu.memory_space<vmem>>, %arg4: memref<256x128xf32, #tpu.memory_space<vmem>>, %arg5: memref<1x128xf32, #tpu.memory_space<vmem>>, %arg6: memref<128x64xf32, #tpu.memory_space<vmem>>, %arg7: memref<1x64xf32, #tpu.memory_space<vmem>>, %arg8: memref<2560x128xf32, #tpu.memory_space<vmem>>, %arg9: memref<80x64xf32, #tpu.memory_space<vmem>>) attributes {dimension_semantics = [#tpu.dimension_semantics<arbitrary>], iteration_bounds = array<i64: 125>, scalar_prefetch = 0 : i64, scratch_operands = 0 : i64, tpu.core_type = #tpu.core_type<tc>, window_params = [{transform_indices = @transform_0, window_bounds = array<i64: 2560, 16>}, {pipeline_mode = #tpu.pipeline_mode<synchronous>, transform_indices = @transform_1, window_bounds = array<i64: 16, 256>}, {pipeline_mode = #tpu.pipeline_mode<synchronous>, transform_indices = @transform_2, window_bounds = array<i64: 1, 256>}, {pipeline_mode = #tpu.pipeline_mode<synchronous>, transform_indices = @transform_3, window_bounds = array<i64: 256, 128>}, {pipeline_mode = #tpu.pipeline_mode<synchronous>, transform_indices = @transform_4, window_bounds = array<i64: 1, 128>}, {pipeline_mode = #tpu.pipeline_mode<synchronous>, transform_indices = @transform_5, window_bounds = array<i64: 128, 64>}, {pipeline_mode = #tpu.pipeline_mode<synchronous>, transform_indices = @transform_6, window_bounds = array<i64: 1, 64>}, {transform_indices = @transform_7, window_bounds = array<i64: 2560, 128>}, {transform_indices = @transform_8, window_bounds = array<i64: 80, 64>}]} {
    %get3A = arith.constant 0 : index
    %get3A_0 = arith.constant 0 : index
    %get3A_1 = vector.load %arg1[%get3A, %get3A_0] : memref<2560x16xf32, #tpu.memory_space<vmem>>, vector<2560x16xf32>
    %get3A_2 = arith.constant 0 : index
    %get3A_3 = arith.constant 0 : index
    %get3A_4 = vector.load %arg2[%get3A_2, %get3A_3] : memref<16x256xf32, #tpu.memory_space<vmem>>, vector<16x256xf32>
    %convert_element_type3A = arith.truncf %get3A_1 : vector<2560x16xf32> to vector<2560x16xbf16>
    %convert_element_type3A_5 = arith.truncf %get3A_4 : vector<16x256xf32> to vector<16x256xbf16>
    %dot_general3A = arith.constant dense<0.000000e+00> : vector<2560x256xf32>
    %dot_general3A_6 = tpu.matmul %convert_element_type3A, %convert_element_type3A_5, %dot_general3A {dimension_numbers = #tpu.dot_dimension_numbers<[1], [0], [0], [1], [0, 0, 1, 1], [], []>, transpose_lhs_hint = false} : vector<2560x16xbf16>, vector<16x256xbf16>, vector<2560x256xf32> -> vector<2560x256xf32>
    %get3A_7 = arith.constant 0 : index
    %get3A_8 = arith.constant 0 : index
    %get3A_9 = vector.load %arg3[%get3A_7, %get3A_8] : memref<1x256xf32, #tpu.memory_space<vmem>>, vector<1x256xf32>
    %add3A = vector.broadcast %get3A_9 : vector<1x256xf32> to vector<2560x256xf32>
    %add3A_10 = arith.addf %dot_general3A_6, %add3A : vector<2560x256xf32>
    %max3A = arith.constant 0.000000e+00 : f32
    %max3A_11 = vector.broadcast %max3A : f32 to vector<2560x256xf32>
    %max3A_12 = arith.maximumf %add3A_10, %max3A_11 : vector<2560x256xf32>
    %get3A_13 = arith.constant 0 : index
    %get3A_14 = arith.constant 0 : index
    %get3A_15 = vector.load %arg4[%get3A_13, %get3A_14] : memref<256x128xf32, #tpu.memory_space<vmem>>, vector<256x128xf32>
    %convert_element_type3A_16 = arith.truncf %max3A_12 : vector<2560x256xf32> to vector<2560x256xbf16>
    %convert_element_type3A_17 = arith.truncf %get3A_15 : vector<256x128xf32> to vector<256x128xbf16>
    %dot_general3A_18 = arith.constant dense<0.000000e+00> : vector<2560x128xf32>
    %dot_general3A_19 = tpu.matmul %convert_element_type3A_16, %convert_element_type3A_17, %dot_general3A_18 {dimension_numbers = #tpu.dot_dimension_numbers<[1], [0], [0], [1], [0, 0, 1, 1], [], []>, transpose_lhs_hint = false} : vector<2560x256xbf16>, vector<256x128xbf16>, vector<2560x128xf32> -> vector<2560x128xf32>
    %get3A_20 = arith.constant 0 : index
    %get3A_21 = arith.constant 0 : index
    %get3A_22 = vector.load %arg5[%get3A_20, %get3A_21] : memref<1x128xf32, #tpu.memory_space<vmem>>, vector<1x128xf32>
    %add3A_23 = vector.broadcast %get3A_22 : vector<1x128xf32> to vector<2560x128xf32>
    %add3A_24 = arith.addf %dot_general3A_19, %add3A_23 : vector<2560x128xf32>
    %max3A_25 = arith.constant 0.000000e+00 : f32
    %max3A_26 = vector.broadcast %max3A_25 : f32 to vector<2560x128xf32>
    %max3A_27 = arith.maximumf %add3A_24, %max3A_26 : vector<2560x128xf32>
    %get3A_28 = arith.constant 0 : index
    %get3A_29 = arith.constant 0 : index
    %get3A_30 = vector.load %arg6[%get3A_28, %get3A_29] : memref<128x64xf32, #tpu.memory_space<vmem>>, vector<128x64xf32>
    %convert_element_type3A_31 = arith.truncf %max3A_27 : vector<2560x128xf32> to vector<2560x128xbf16>
    %convert_element_type3A_32 = arith.truncf %get3A_30 : vector<128x64xf32> to vector<128x64xbf16>
    %dot_general3A_33 = arith.constant dense<0.000000e+00> : vector<2560x64xf32>
    %dot_general3A_34 = tpu.matmul %convert_element_type3A_31, %convert_element_type3A_32, %dot_general3A_33 {dimension_numbers = #tpu.dot_dimension_numbers<[1], [0], [0], [1], [0, 0, 1, 1], [], []>, transpose_lhs_hint = false} : vector<2560x128xbf16>, vector<128x64xbf16>, vector<2560x64xf32> -> vector<2560x64xf32>
    %get3A_35 = arith.constant 0 : index
    %get3A_36 = arith.constant 0 : index
    %get3A_37 = vector.load %arg7[%get3A_35, %get3A_36] : memref<1x64xf32, #tpu.memory_space<vmem>>, vector<1x64xf32>
    %add3A_38 = vector.broadcast %get3A_37 : vector<1x64xf32> to vector<2560x64xf32>
    %add3A_39 = arith.addf %dot_general3A_34, %add3A_38 : vector<2560x64xf32>
    %broadcast_in_dim3A = arith.constant 0.000000e+00 : f32
    %broadcast_in_dim3A_40 = vector.broadcast %broadcast_in_dim3A : f32 to vector<2560x64xf32>
    %concatenate3A = tpu.concatenate %add3A_39, %broadcast_in_dim3A_40 in 1 : vector<2560x64xf32>, vector<2560x64xf32> -> vector<2560x128xf32>
    %swap3A = arith.constant 0 : index
    %swap3A_41 = arith.constant 0 : index
    %swap3A_42 = vector.load %arg8[%swap3A, %swap3A_41] : memref<2560x128xf32, #tpu.memory_space<vmem>>, vector<2560x128xf32>
    tpu.vector_store %arg8[%swap3A, %swap3A_41], %concatenate3A {strides = array<i32>} : memref<2560x128xf32, #tpu.memory_space<vmem>>, vector<2560x128xf32>,
    %reshape3A = vector.shape_cast %add3A_39 : vector<2560x64xf32> to vector<80x32x64xf32>
    %reduce_sum3A = arith.constant dense<0.000000e+00> : vector<80x64xf32>
    %reduce_sum3A_43 = vector.multi_reduction <add>, %reshape3A, %reduce_sum3A [1] : vector<80x32x64xf32> to vector<80x64xf32>
    %swap3A_44 = arith.constant 0 : index
    %swap3A_45 = arith.constant 0 : index
    %swap3A_46 = vector.load %arg9[%swap3A_44, %swap3A_45] : memref<80x64xf32, #tpu.memory_space<vmem>>, vector<80x64xf32>
    tpu.vector_store %arg9[%swap3A_44, %swap3A_45], %reduce_sum3A_43 {strides = array<i32>} : memref<80x64xf32, #tpu.memory_space<vmem>>, vector<80x64xf32>,
    return
  }
  func.func @transform_0(%arg0: i32) -> (i32, i32) {
    %c0_i32 = arith.constant 0 : i32
    %c0_i32_0 = arith.constant 0 : i32
    return %arg0, %c0_i32 : i32, i32
  }
  func.func @transform_1(%arg0: i32) -> (i32, i32) {
    %c0_i32 = arith.constant 0 : i32
    %c0_i32_0 = arith.constant 0 : i32
    %c0_i32_1 = arith.constant 0 : i32
    return %c0_i32, %c0_i32_0 : i32, i32
  }
  func.func @transform_2(%arg0: i32) -> (i32, i32) {
    %c0_i32 = arith.constant 0 : i32
    %c0_i32_0 = arith.constant 0 : i32
    %c0_i32_1 = arith.constant 0 : i32
    return %c0_i32, %c0_i32_0 : i32, i32
  }
  func.func @transform_3(%arg0: i32) -> (i32, i32) {
    %c0_i32 = arith.constant 0 : i32
    %c0_i32_0 = arith.constant 0 : i32
    %c0_i32_1 = arith.constant 0 : i32
    return %c0_i32, %c0_i32_0 : i32, i32
  }
  func.func @transform_4(%arg0: i32) -> (i32, i32) {
    %c0_i32 = arith.constant 0 : i32
    %c0_i32_0 = arith.constant 0 : i32
    %c0_i32_1 = arith.constant 0 : i32
    return %c0_i32, %c0_i32_0 : i32, i32
  }
  func.func @transform_5(%arg0: i32) -> (i32, i32) {
    %c0_i32 = arith.constant 0 : i32
    %c0_i32_0 = arith.constant 0 : i32
    %c0_i32_1 = arith.constant 0 : i32
    return %c0_i32, %c0_i32_0 : i32, i32
  }
  func.func @transform_6(%arg0: i32) -> (i32, i32) {
    %c0_i32 = arith.constant 0 : i32
    %c0_i32_0 = arith.constant 0 : i32
    %c0_i32_1 = arith.constant 0 : i32
    return %c0_i32, %c0_i32_0 : i32, i32
  }
  func.func @transform_7(%arg0: i32) -> (i32, i32) {
    %c0_i32 = arith.constant 0 : i32
    %c0_i32_0 = arith.constant 0 : i32
    return %arg0, %c0_i32 : i32, i32
  }
  func.func @transform_8(%arg0: i32) -> (i32, i32) {
    %c0_i32 = arith.constant 0 : i32
    %c0_i32_0 = arith.constant 0 : i32
    return %arg0, %c0_i32 : i32, i32
  }
}

module attributes {stable_mosaic.version = 14 : i64} {
  func.func @_comb_body(%arg0: memref<10000x128xf32, #tpu.memory_space<vmem>>, %arg1: memref<10000x64xf32, #tpu.memory_space<vmem>>, %arg2: memref<2x10240x128xf32, #tpu.memory_space<vmem>>, %arg3: memref<10000x64xf32, #tpu.memory_space<vmem>>) attributes {dimension_semantics = [], scalar_prefetch = 0 : i64, scratch_operands = 0 : i64, tpu.core_type = #tpu.core_type<tc>} {
    %get3A = arith.constant 0 : index
    %get3A_0 = arith.constant 0 : index
    %get3A_1 = arith.constant 0 : index
    %get3A_2 = vector.load %arg2[%get3A, %get3A_0, %get3A_1] : memref<2x10240x128xf32, #tpu.memory_space<vmem>>, vector<2x10240x128xf32>
    %get3A_3 = arith.constant 0 : index
    %get3A_4 = arith.constant 0 : index
    %get3A_5 = vector.load %arg0[%get3A_3, %get3A_4] : memref<10000x128xf32, #tpu.memory_space<vmem>>, vector<10000x128xf32>
    %slice3A = vector.extract_strided_slice %get3A_5 {offsets = [0, 0], sizes = [10000, 64], strides = [1, 1]} : vector<10000x128xf32> to vector<10000x64xf32>
    %get3A_6 = arith.constant 0 : index
    %get3A_7 = arith.constant 0 : index
    %get3A_8 = vector.load %arg1[%get3A_6, %get3A_7] : memref<10000x64xf32, #tpu.memory_space<vmem>>, vector<10000x64xf32>
    %add3A = arith.addf %slice3A, %get3A_8 : vector<10000x64xf32>
    %slice3A_9 = vector.extract_strided_slice %get3A_2 {offsets = [0, 0, 0], sizes = [1, 10000, 64], strides = [1, 1, 1]} : vector<2x10240x128xf32> to vector<1x10000x64xf32>
    %squeeze3A = vector.shape_cast %slice3A_9 : vector<1x10000x64xf32> to vector<10000x64xf32>
    %add3A_10 = arith.addf %add3A, %squeeze3A : vector<10000x64xf32>
    %slice3A_11 = vector.extract_strided_slice %get3A_2 {offsets = [1, 0, 0], sizes = [1, 10000, 64], strides = [1, 1, 1]} : vector<2x10240x128xf32> to vector<1x10000x64xf32>
    %squeeze3A_12 = vector.shape_cast %slice3A_11 : vector<1x10000x64xf32> to vector<10000x64xf32>
    %add3A_13 = arith.addf %add3A_10, %squeeze3A_12 : vector<10000x64xf32>
    %swap3A = arith.constant 0 : index
    %swap3A_14 = arith.constant 0 : index
    %swap3A_15 = vector.load %arg3[%swap3A, %swap3A_14] : memref<10000x64xf32, #tpu.memory_space<vmem>>, vector<10000x64xf32>
    tpu.vector_store %arg3[%swap3A, %swap3A_14], %add3A_13 {strides = array<i32>} : memref<10000x64xf32, #tpu.memory_space<vmem>>, vector<10000x64xf32>,
    return
  }
}

module attributes {stable_mosaic.version = 14 : i64} {
  func.func @_msg_body(%arg0: i32, %arg1: memref<2560x128xf32, #tpu.memory_space<vmem>>, %arg2: memref<80x64xf32, #tpu.memory_space<vmem>>, %arg3: memref<128x256xf32, #tpu.memory_space<vmem>>, %arg4: memref<1x256xf32, #tpu.memory_space<vmem>>, %arg5: memref<256x64xf32, #tpu.memory_space<vmem>>, %arg6: memref<1x64xf32, #tpu.memory_space<vmem>>, %arg7: memref<2560x128xf32, #tpu.memory_space<vmem>>) attributes {dimension_semantics = [#tpu.dimension_semantics<arbitrary>], iteration_bounds = array<i64: 125>, scalar_prefetch = 0 : i64, scratch_operands = 0 : i64, tpu.core_type = #tpu.core_type<tc>, window_params = [{transform_indices = @transform_0, window_bounds = array<i64: 2560, 128>}, {transform_indices = @transform_1, window_bounds = array<i64: 80, 64>}, {pipeline_mode = #tpu.pipeline_mode<synchronous>, transform_indices = @transform_2, window_bounds = array<i64: 128, 256>}, {pipeline_mode = #tpu.pipeline_mode<synchronous>, transform_indices = @transform_3, window_bounds = array<i64: 1, 256>}, {pipeline_mode = #tpu.pipeline_mode<synchronous>, transform_indices = @transform_4, window_bounds = array<i64: 256, 64>}, {pipeline_mode = #tpu.pipeline_mode<synchronous>, transform_indices = @transform_5, window_bounds = array<i64: 1, 64>}, {transform_indices = @transform_6, window_bounds = array<i64: 2560, 128>}]} {
    %get3A = arith.constant 0 : index
    %get3A_0 = arith.constant 0 : index
    %get3A_1 = vector.load %arg1[%get3A, %get3A_0] : memref<2560x128xf32, #tpu.memory_space<vmem>>, vector<2560x128xf32>
    %slice3A = vector.extract_strided_slice %get3A_1 {offsets = [0, 0], sizes = [2560, 64], strides = [1, 1]} : vector<2560x128xf32> to vector<2560x64xf32>
    %get3A_2 = arith.constant 0 : index
    %get3A_3 = arith.constant 0 : index
    %get3A_4 = vector.load %arg2[%get3A_2, %get3A_3] : memref<80x64xf32, #tpu.memory_space<vmem>>, vector<80x64xf32>
    %reshape3A = vector.shape_cast %get3A_4 : vector<80x64xf32> to vector<80x1x64xf32>
    %broadcast_in_dim3A = vector.shape_cast %reshape3A : vector<80x1x64xf32> to vector<80x1x64xf32>
    %broadcast_in_dim3A_5 = vector.broadcast %broadcast_in_dim3A : vector<80x1x64xf32> to vector<80x32x64xf32>
    %reshape3A_6 = vector.shape_cast %broadcast_in_dim3A_5 : vector<80x32x64xf32> to vector<2560x64xf32>
    %sub3A = arith.subf %reshape3A_6, %slice3A : vector<2560x64xf32>
    %concatenate3A = tpu.concatenate %slice3A, %sub3A in 1 : vector<2560x64xf32>, vector<2560x64xf32> -> vector<2560x128xf32>
    %get3A_7 = arith.constant 0 : index
    %get3A_8 = arith.constant 0 : index
    %get3A_9 = vector.load %arg3[%get3A_7, %get3A_8] : memref<128x256xf32, #tpu.memory_space<vmem>>, vector<128x256xf32>
    %convert_element_type3A = arith.truncf %concatenate3A : vector<2560x128xf32> to vector<2560x128xbf16>
    %convert_element_type3A_10 = arith.truncf %get3A_9 : vector<128x256xf32> to vector<128x256xbf16>
    %dot_general3A = arith.constant dense<0.000000e+00> : vector<2560x256xf32>
    %dot_general3A_11 = tpu.matmul %convert_element_type3A, %convert_element_type3A_10, %dot_general3A {dimension_numbers = #tpu.dot_dimension_numbers<[1], [0], [0], [1], [0, 0, 1, 1], [], []>, transpose_lhs_hint = false} : vector<2560x128xbf16>, vector<128x256xbf16>, vector<2560x256xf32> -> vector<2560x256xf32>
    %get3A_12 = arith.constant 0 : index
    %get3A_13 = arith.constant 0 : index
    %get3A_14 = vector.load %arg4[%get3A_12, %get3A_13] : memref<1x256xf32, #tpu.memory_space<vmem>>, vector<1x256xf32>
    %add3A = vector.broadcast %get3A_14 : vector<1x256xf32> to vector<2560x256xf32>
    %add3A_15 = arith.addf %dot_general3A_11, %add3A : vector<2560x256xf32>
    %max3A = arith.constant 0.000000e+00 : f32
    %max3A_16 = vector.broadcast %max3A : f32 to vector<2560x256xf32>
    %max3A_17 = arith.maximumf %add3A_15, %max3A_16 : vector<2560x256xf32>
    %get3A_18 = arith.constant 0 : index
    %get3A_19 = arith.constant 0 : index
    %get3A_20 = vector.load %arg5[%get3A_18, %get3A_19] : memref<256x64xf32, #tpu.memory_space<vmem>>, vector<256x64xf32>
    %convert_element_type3A_21 = arith.truncf %max3A_17 : vector<2560x256xf32> to vector<2560x256xbf16>
    %convert_element_type3A_22 = arith.truncf %get3A_20 : vector<256x64xf32> to vector<256x64xbf16>
    %dot_general3A_23 = arith.constant dense<0.000000e+00> : vector<2560x64xf32>
    %dot_general3A_24 = tpu.matmul %convert_element_type3A_21, %convert_element_type3A_22, %dot_general3A_23 {dimension_numbers = #tpu.dot_dimension_numbers<[1], [0], [0], [1], [0, 0, 1, 1], [], []>, transpose_lhs_hint = false} : vector<2560x256xbf16>, vector<256x64xbf16>, vector<2560x64xf32> -> vector<2560x64xf32>
    %get3A_25 = arith.constant 0 : index
    %get3A_26 = arith.constant 0 : index
    %get3A_27 = vector.load %arg6[%get3A_25, %get3A_26] : memref<1x64xf32, #tpu.memory_space<vmem>>, vector<1x64xf32>
    %add3A_28 = vector.broadcast %get3A_27 : vector<1x64xf32> to vector<2560x64xf32>
    %add3A_29 = arith.addf %dot_general3A_24, %add3A_28 : vector<2560x64xf32>
    %broadcast_in_dim3A_30 = arith.constant 0.000000e+00 : f32
    %broadcast_in_dim3A_31 = vector.broadcast %broadcast_in_dim3A_30 : f32 to vector<2560x64xf32>
    %concatenate3A_32 = tpu.concatenate %add3A_29, %broadcast_in_dim3A_31 in 1 : vector<2560x64xf32>, vector<2560x64xf32> -> vector<2560x128xf32>
    %swap3A = arith.constant 0 : index
    %swap3A_33 = arith.constant 0 : index
    %swap3A_34 = vector.load %arg7[%swap3A, %swap3A_33] : memref<2560x128xf32, #tpu.memory_space<vmem>>, vector<2560x128xf32>
    tpu.vector_store %arg7[%swap3A, %swap3A_33], %concatenate3A_32 {strides = array<i32>} : memref<2560x128xf32, #tpu.memory_space<vmem>>, vector<2560x128xf32>,
    return
  }
  func.func @transform_0(%arg0: i32) -> (i32, i32) {
    %c0_i32 = arith.constant 0 : i32
    %c0_i32_0 = arith.constant 0 : i32
    return %arg0, %c0_i32 : i32, i32
  }
  func.func @transform_1(%arg0: i32) -> (i32, i32) {
    %c0_i32 = arith.constant 0 : i32
    %c0_i32_0 = arith.constant 0 : i32
    return %arg0, %c0_i32 : i32, i32
  }
  func.func @transform_2(%arg0: i32) -> (i32, i32) {
    %c0_i32 = arith.constant 0 : i32
    %c0_i32_0 = arith.constant 0 : i32
    %c0_i32_1 = arith.constant 0 : i32
    return %c0_i32, %c0_i32_0 : i32, i32
  }
  func.func @transform_3(%arg0: i32) -> (i32, i32) {
    %c0_i32 = arith.constant 0 : i32
    %c0_i32_0 = arith.constant 0 : i32
    %c0_i32_1 = arith.constant 0 : i32
    return %c0_i32, %c0_i32_0 : i32, i32
  }
  func.func @transform_4(%arg0: i32) -> (i32, i32) {
    %c0_i32 = arith.constant 0 : i32
    %c0_i32_0 = arith.constant 0 : i32
    %c0_i32_1 = arith.constant 0 : i32
    return %c0_i32, %c0_i32_0 : i32, i32
  }
  func.func @transform_5(%arg0: i32) -> (i32, i32) {
    %c0_i32 = arith.constant 0 : i32
    %c0_i32_0 = arith.constant 0 : i32
    %c0_i32_1 = arith.constant 0 : i32
    return %c0_i32, %c0_i32_0 : i32, i32
  }
  func.func @transform_6(%arg0: i32) -> (i32, i32) {
    %c0_i32 = arith.constant 0 : i32
    %c0_i32_0 = arith.constant 0 : i32
    return %arg0, %c0_i32 : i32, i32
  }
}

module attributes {stable_mosaic.version = 14 : i64} {
  func.func @_tail_body(%arg0: memref<2x10240x128xf32, #tpu.memory_space<vmem>>, %arg1: memref<2x10240x16xf32, #tpu.memory_space<vmem>>, %arg2: memref<10000x64xf32, #tpu.memory_space<vmem>>, %arg3: memref<10000x128xf32, #tpu.memory_space<vmem>>) attributes {dimension_semantics = [], scalar_prefetch = 0 : i64, scratch_operands = 0 : i64, tpu.core_type = #tpu.core_type<tc>} {
    %get3A = arith.constant 0 : index
    %get3A_0 = arith.constant 0 : index
    %get3A_1 = arith.constant 0 : index
    %get3A_2 = vector.load %arg1[%get3A, %get3A_0, %get3A_1] : memref<2x10240x16xf32, #tpu.memory_space<vmem>>, vector<2x10240x16xf32>
    %slice3A = vector.extract_strided_slice %get3A_2 {offsets = [0, 0, 0], sizes = [1, 10000, 1], strides = [1, 1, 1]} : vector<2x10240x16xf32> to vector<1x10000x1xf32>
    %squeeze3A = vector.shape_cast %slice3A : vector<1x10000x1xf32> to vector<10000x1xf32>
    %slice3A_3 = vector.extract_strided_slice %get3A_2 {offsets = [1, 0, 0], sizes = [1, 10000, 1], strides = [1, 1, 1]} : vector<2x10240x16xf32> to vector<1x10000x1xf32>
    %squeeze3A_4 = vector.shape_cast %slice3A_3 : vector<1x10000x1xf32> to vector<10000x1xf32>
    %add3A = arith.addf %squeeze3A, %squeeze3A_4 : vector<10000x1xf32>
    %max3A = arith.constant 1.000000e+00 : f32
    %max3A_5 = vector.broadcast %max3A : f32 to vector<10000x1xf32>
    %max3A_6 = arith.maximumf %add3A, %max3A_5 : vector<10000x1xf32>
    %get3A_7 = arith.constant 0 : index
    %get3A_8 = arith.constant 0 : index
    %get3A_9 = arith.constant 0 : index
    %get3A_10 = vector.load %arg0[%get3A_7, %get3A_8, %get3A_9] : memref<2x10240x128xf32, #tpu.memory_space<vmem>>, vector<2x10240x128xf32>
    %slice3A_11 = vector.extract_strided_slice %get3A_10 {offsets = [0, 0, 0], sizes = [1, 10000, 64], strides = [1, 1, 1]} : vector<2x10240x128xf32> to vector<1x10000x64xf32>
    %squeeze3A_12 = vector.shape_cast %slice3A_11 : vector<1x10000x64xf32> to vector<10000x64xf32>
    %slice3A_13 = vector.extract_strided_slice %get3A_10 {offsets = [1, 0, 0], sizes = [1, 10000, 64], strides = [1, 1, 1]} : vector<2x10240x128xf32> to vector<1x10000x64xf32>
    %squeeze3A_14 = vector.shape_cast %slice3A_13 : vector<1x10000x64xf32> to vector<10000x64xf32>
    %add3A_15 = arith.addf %squeeze3A_12, %squeeze3A_14 : vector<10000x64xf32>
    %div3A = vector.broadcast %max3A_6 : vector<10000x1xf32> to vector<10000x64xf32>
    %div3A_16 = arith.divf %add3A_15, %div3A : vector<10000x64xf32>
    %reduce_sum3A = arith.constant dense<0.000000e+00> : vector<64xf32>
    %reduce_sum3A_17 = vector.multi_reduction <add>, %div3A_16, %reduce_sum3A [0] : vector<10000x64xf32> to vector<64xf32>
    %broadcast_in_dim3A = vector.shape_cast %reduce_sum3A_17 : vector<64xf32> to vector<1x64xf32>
    %div3A_18 = arith.constant 1.000000e+04 : f32
    %div3A_19 = vector.broadcast %div3A_18 : f32 to vector<1x64xf32>
    %div3A_20 = arith.divf %broadcast_in_dim3A, %div3A_19 : vector<1x64xf32>
    %sub3A = vector.broadcast %div3A_20 : vector<1x64xf32> to vector<10000x64xf32>
    %sub3A_21 = arith.subf %div3A_16, %sub3A : vector<10000x64xf32>
    %sub3A_22 = vector.broadcast %div3A_20 : vector<1x64xf32> to vector<10000x64xf32>
    %sub3A_23 = arith.subf %div3A_16, %sub3A_22 : vector<10000x64xf32>
    %mul3A = arith.mulf %sub3A_21, %sub3A_23 : vector<10000x64xf32>
    %reduce_sum3A_24 = arith.constant dense<0.000000e+00> : vector<64xf32>
    %reduce_sum3A_25 = vector.multi_reduction <add>, %mul3A, %reduce_sum3A_24 [0] : vector<10000x64xf32> to vector<64xf32>
    %broadcast_in_dim3A_26 = vector.shape_cast %reduce_sum3A_25 : vector<64xf32> to vector<1x64xf32>
    %div3A_27 = arith.constant 1.000000e+04 : f32
    %div3A_28 = vector.broadcast %div3A_27 : f32 to vector<1x64xf32>
    %div3A_29 = arith.divf %broadcast_in_dim3A_26, %div3A_28 : vector<1x64xf32>
    %sub3A_30 = vector.broadcast %div3A_20 : vector<1x64xf32> to vector<10000x64xf32>
    %sub3A_31 = arith.subf %div3A_16, %sub3A_30 : vector<10000x64xf32>
    %add3A_32 = arith.constant 9.99999974E-6 : f32
    %add3A_33 = vector.broadcast %add3A_32 : f32 to vector<1x64xf32>
    %add3A_34 = arith.addf %div3A_29, %add3A_33 : vector<1x64xf32>
    %rsqrt3A = math.rsqrt %add3A_34 : vector<1x64xf32>
    %mul3A_35 = vector.broadcast %rsqrt3A : vector<1x64xf32> to vector<10000x64xf32>
    %mul3A_36 = arith.mulf %sub3A_31, %mul3A_35 : vector<10000x64xf32>
    %get3A_37 = arith.constant 0 : index
    %get3A_38 = arith.constant 0 : index
    %get3A_39 = vector.load %arg2[%get3A_37, %get3A_38] : memref<10000x64xf32, #tpu.memory_space<vmem>>, vector<10000x64xf32>
    %add3A_40 = arith.addf %mul3A_36, %get3A_39 : vector<10000x64xf32>
    %broadcast_in_dim3A_41 = arith.constant 0.000000e+00 : f32
    %broadcast_in_dim3A_42 = vector.broadcast %broadcast_in_dim3A_41 : f32 to vector<10000x64xf32>
    %concatenate3A = tpu.concatenate %add3A_40, %broadcast_in_dim3A_42 in 1 : vector<10000x64xf32>, vector<10000x64xf32> -> vector<10000x128xf32>
    %swap3A = arith.constant 0 : index
    %swap3A_43 = arith.constant 0 : index
    %swap3A_44 = vector.load %arg3[%swap3A, %swap3A_43] : memref<10000x128xf32, #tpu.memory_space<vmem>>, vector<10000x128xf32>
    tpu.vector_store %arg3[%swap3A, %swap3A_43], %concatenate3A {strides = array<i32>} : memref<10000x128xf32, #tpu.memory_space<vmem>>, vector<10000x128xf32>,
    return
  }
}

module attributes {stable_mosaic.version = 14 : i64} {
  func.func @_head_body(%arg0: memref<128x78x128xf32, #tpu.memory_space<vmem>>, %arg1: memref<64x256xf32, #tpu.memory_space<vmem>>, %arg2: memref<1x256xf32, #tpu.memory_space<vmem>>, %arg3: memref<256x128xf32, #tpu.memory_space<vmem>>, %arg4: memref<1x128xf32, #tpu.memory_space<vmem>>, %arg5: memref<128x64xf32, #tpu.memory_space<vmem>>, %arg6: memref<1x64xf32, #tpu.memory_space<vmem>>, %arg7: memref<64x1xf32, #tpu.memory_space<vmem>>, %arg8: memref<1x1xf32, #tpu.memory_space<vmem>>, %arg9: memref<128x1xf32, #tpu.memory_space<vmem>>) attributes {dimension_semantics = [], scalar_prefetch = 0 : i64, scratch_operands = 0 : i64, tpu.core_type = #tpu.core_type<tc>} {
    %get3A = arith.constant 0 : index
    %get3A_0 = arith.constant 0 : index
    %get3A_1 = arith.constant 0 : index
    %get3A_2 = vector.load %arg0[%get3A, %get3A_0, %get3A_1] : memref<128x78x128xf32, #tpu.memory_space<vmem>>, vector<128x78x128xf32>
    %slice3A = vector.extract_strided_slice %get3A_2 {offsets = [0, 0, 0], sizes = [128, 78, 64], strides = [1, 1, 1]} : vector<128x78x128xf32> to vector<128x78x64xf32>
    %reduce_sum3A = arith.constant dense<0.000000e+00> : vector<128x64xf32>
    %reduce_sum3A_3 = vector.multi_reduction <add>, %slice3A, %reduce_sum3A [1] : vector<128x78x64xf32> to vector<128x64xf32>
    %div3A = arith.constant 7.800000e+01 : f32
    %div3A_4 = vector.broadcast %div3A : f32 to vector<128x64xf32>
    %div3A_5 = arith.divf %reduce_sum3A_3, %div3A_4 : vector<128x64xf32>
    %get3A_6 = arith.constant 0 : index
    %get3A_7 = arith.constant 0 : index
    %get3A_8 = vector.load %arg1[%get3A_6, %get3A_7] : memref<64x256xf32, #tpu.memory_space<vmem>>, vector<64x256xf32>
    %convert_element_type3A = arith.truncf %div3A_5 : vector<128x64xf32> to vector<128x64xbf16>
    %convert_element_type3A_9 = arith.truncf %get3A_8 : vector<64x256xf32> to vector<64x256xbf16>
    %dot_general3A = arith.constant dense<0.000000e+00> : vector<128x256xf32>
    %dot_general3A_10 = tpu.matmul %convert_element_type3A, %convert_element_type3A_9, %dot_general3A {dimension_numbers = #tpu.dot_dimension_numbers<[1], [0], [0], [1], [0, 0, 1, 1], [], []>, transpose_lhs_hint = false} : vector<128x64xbf16>, vector<64x256xbf16>, vector<128x256xf32> -> vector<128x256xf32>
    %get3A_11 = arith.constant 0 : index
    %get3A_12 = arith.constant 0 : index
    %get3A_13 = vector.load %arg2[%get3A_11, %get3A_12] : memref<1x256xf32, #tpu.memory_space<vmem>>, vector<1x256xf32>
    %add3A = vector.broadcast %get3A_13 : vector<1x256xf32> to vector<128x256xf32>
    %add3A_14 = arith.addf %dot_general3A_10, %add3A : vector<128x256xf32>
    %get3A_15 = arith.constant 0 : index
    %get3A_16 = arith.constant 0 : index
    %get3A_17 = vector.load %arg3[%get3A_15, %get3A_16] : memref<256x128xf32, #tpu.memory_space<vmem>>, vector<256x128xf32>
    %convert_element_type3A_18 = arith.truncf %add3A_14 : vector<128x256xf32> to vector<128x256xbf16>
    %convert_element_type3A_19 = arith.truncf %get3A_17 : vector<256x128xf32> to vector<256x128xbf16>
    %dot_general3A_20 = arith.constant dense<0.000000e+00> : vector<128x128xf32>
    %dot_general3A_21 = tpu.matmul %convert_element_type3A_18, %convert_element_type3A_19, %dot_general3A_20 {dimension_numbers = #tpu.dot_dimension_numbers<[1], [0], [0], [1], [0, 0, 1, 1], [], []>, transpose_lhs_hint = false} : vector<128x256xbf16>, vector<256x128xbf16>, vector<128x128xf32> -> vector<128x128xf32>
    %get3A_22 = arith.constant 0 : index
    %get3A_23 = arith.constant 0 : index
    %get3A_24 = vector.load %arg4[%get3A_22, %get3A_23] : memref<1x128xf32, #tpu.memory_space<vmem>>, vector<1x128xf32>
    %add3A_25 = vector.broadcast %get3A_24 : vector<1x128xf32> to vector<128x128xf32>
    %add3A_26 = arith.addf %dot_general3A_21, %add3A_25 : vector<128x128xf32>
    %max3A = arith.constant 0.000000e+00 : f32
    %max3A_27 = vector.broadcast %max3A : f32 to vector<128x128xf32>
    %max3A_28 = arith.maximumf %add3A_26, %max3A_27 : vector<128x128xf32>
    %get3A_29 = arith.constant 0 : index
    %get3A_30 = arith.constant 0 : index
    %get3A_31 = vector.load %arg5[%get3A_29, %get3A_30] : memref<128x64xf32, #tpu.memory_space<vmem>>, vector<128x64xf32>
    %convert_element_type3A_32 = arith.truncf %max3A_28 : vector<128x128xf32> to vector<128x128xbf16>
    %convert_element_type3A_33 = arith.truncf %get3A_31 : vector<128x64xf32> to vector<128x64xbf16>
    %dot_general3A_34 = arith.constant dense<0.000000e+00> : vector<128x64xf32>
    %dot_general3A_35 = tpu.matmul %convert_element_type3A_32, %convert_element_type3A_33, %dot_general3A_34 {dimension_numbers = #tpu.dot_dimension_numbers<[1], [0], [0], [1], [0, 0, 1, 1], [], []>, transpose_lhs_hint = false} : vector<128x128xbf16>, vector<128x64xbf16>, vector<128x64xf32> -> vector<128x64xf32>
    %get3A_36 = arith.constant 0 : index
    %get3A_37 = arith.constant 0 : index
    %get3A_38 = vector.load %arg6[%get3A_36, %get3A_37] : memref<1x64xf32, #tpu.memory_space<vmem>>, vector<1x64xf32>
    %add3A_39 = vector.broadcast %get3A_38 : vector<1x64xf32> to vector<128x64xf32>
    %add3A_40 = arith.addf %dot_general3A_35, %add3A_39 : vector<128x64xf32>
    %max3A_41 = arith.constant 0.000000e+00 : f32
    %max3A_42 = vector.broadcast %max3A_41 : f32 to vector<128x64xf32>
    %max3A_43 = arith.maximumf %add3A_40, %max3A_42 : vector<128x64xf32>
    %get3A_44 = arith.constant 0 : index
    %get3A_45 = arith.constant 0 : index
    %get3A_46 = vector.load %arg7[%get3A_44, %get3A_45] : memref<64x1xf32, #tpu.memory_space<vmem>>, vector<64x1xf32>
    %convert_element_type3A_47 = arith.truncf %max3A_43 : vector<128x64xf32> to vector<128x64xbf16>
    %convert_element_type3A_48 = arith.truncf %get3A_46 : vector<64x1xf32> to vector<64x1xbf16>
    %dot_general3A_49 = arith.constant dense<0.000000e+00> : vector<128x1xf32>
    %dot_general3A_50 = tpu.matmul %convert_element_type3A_47, %convert_element_type3A_48, %dot_general3A_49 {dimension_numbers = #tpu.dot_dimension_numbers<[1], [0], [0], [1], [0, 0, 1, 1], [], []>, transpose_lhs_hint = false} : vector<128x64xbf16>, vector<64x1xbf16>, vector<128x1xf32> -> vector<128x1xf32>
    %get3A_51 = arith.constant 0 : index
    %get3A_52 = arith.constant 0 : index
    %get3A_53 = vector.load %arg8[%get3A_51, %get3A_52] : memref<1x1xf32, #tpu.memory_space<vmem>>, vector<1x1xf32>
    %add3A_54 = vector.broadcast %get3A_53 : vector<1x1xf32> to vector<128x1xf32>
    %add3A_55 = arith.addf %dot_general3A_50, %add3A_54 : vector<128x1xf32>
    %swap3A = arith.constant 0 : index
    %swap3A_56 = arith.constant 0 : index
    %swap3A_57 = vector.load %arg9[%swap3A, %swap3A_56] : memref<128x1xf32, #tpu.memory_space<vmem>>, vector<128x1xf32>
    tpu.vector_store %arg9[%swap3A, %swap3A_56], %add3A_55 {strides = array<i32>} : memref<128x1xf32, #tpu.memory_space<vmem>>, vector<128x1xf32>,
    return
  }
}

</mosaic_0001>

<sc_bundles>
// kernel: kernel.24.cloned.1.call-start
scs
__scs_entry_jumppad:
0x0: {  	(pc) =	sbr.rel $0x88, $3  }
0x1: {  	(tag) =	ssettag $0x0;
	lr =	simm.s32 $0x1  }
0x2: {  	[smem:$0x3F75] =	sst lr;
	_ =	strace $0xD0000000  }
0x3: {  	_ = 	snop  }
0x4: {  	_ = 	snop  }
0x5: {  	_ = 	snop  }
0x6: {  	_ = 	snop  }
0x7: {  	_ = 	snop  }
__scs_overlays_trampoline_lowered:
0x8: {  	[smem:$0x3F84] =	sst s0  }
0x9: {  	[smem:$0x3F85] =	sst s1  }
0xa: {  	[smem:$0x3F86] =	sst s2  }
0xb: {  	[smem:$0x3F87] =	sst s3  }
0xc: {  	[smem:$0x3F88] =	sst s4  }
0xd: {  	[smem:$0x3F89] =	sst s5  }
0xe: {  	[smem:$0x3F8A] =	sst s6  }
0xf: {  	[smem:$0x3F8B] =	sst s7  }
0x10: {  	[smem:$0x3F8C] =	sst s8  }
0x11: {  	[smem:$0x3F8D] =	sst s9;
	s0 =	simm.s32 @!p0 $0x0  }
0x12: {  	s1 =	sld [smem:$0x3F73];
	s0 =	simm.s32 @p0 $0x1  }
0x13: {  	[smem:$0x3F8E] =	sst s0;
	s0 =	simm.s32 @!p1 $0x0  }
0x14: {  	s2 =	sld [smem:$0x3F72];
	s0 =	simm.s32 @p1 $0x1  }
0x15: {  	[smem:$0x3F8F] =	sst s0;
	s0 =	simm.s32 @!p2 $0x0  }
0x16: {  	s3 =	sld [smem:$0x3FDB];
	s0 =	simm.s32 @p2 $0x1  }
0x17: {  	s4 =	simm.s32 $0x1BF5;
	[smem:$0x3F91] =	sst s0  }
0x18: {  	s0 =	sld [smem:$0x3F74];
	_ =	swait.ge [sflag:s4], $0x0  }
0x19: {  	s7 =	sld [smem:$0x3F75]  }
0x1a: {  	s8 =	sadd.s32 $0xFFFFE003, lr  }
0x1b: {  	s9 =	sadd.s32 $0xFFFFFEF7, lr;
	s5 =	simm.s32 $0xFFFFFFFF;
	p2 =	slt.u32 s8, $0xFFFFF086  }
0x1c: {  	p1 =	slt.u32 s9, $0xF7A;
	s5 =	simm.s32 @!p2 $0x0  }
0x1d: {  	s5 =	simm.s32 @p1 $0x1;
	p0 =	seq.s32 s7, s2  }
0x1e: {  	s7 =	smul.u32 @!p0 $0xF7A, s2;
	p2 =	seq.s32 @!p0 s5, $0x0  }
0x1f: {  	s9 =	smul.u32 $0xF7A, s1;
	s8 =	simm.s32 @!p0 $0x1BF5;
	p2 =	por !p2, p0  }
0x20: {  	[sflag:s8] =	ssyncset.s32 @!p0 $0xFFFFF086;
	s6 =	sadd.s32 @!p0 s3, s7;
	s7 =	simm.s32 @!p0 $0x108  }
0x21: {  	s3 =	sadd.s32 s3, s9;
	s6 =	sadd.s32 @!p0 $0x88, s6;
	s7 =	simm.s32 @p2 $0x1082  }
0x22: {  	[simem:s7], [sflag:s8] =	dma.local @!p0 [hbm:s6], $0xF7A  }
0x23: {  	s9 =	sor.u32 $0xD0000000, s2;
	s6 =	simm.s32 $0x108;
	_ =	swait.ge @!p0 [sflag:s8], $0x0  }
0x24: {  	s3 =	sadd.s32 $0x88, s3;
	s6 =	simm.s32 @!p1 $0x1082;
	[sflag:s4] =	ssyncset.s32 $0xFFFFF086  }
0x25: {  	[simem:s6], [sflag:s4] =	dma.local [hbm:s3], $0xF7A  }
0x26: {  	[smem:$0x3F75] =	sst s1;
	(tag) =	ssettag s2;
	_ =	strace s9  }
0x27: {  	s1 =	sld [smem:$0x3F85]  }
0x28: {  	s2 =	sld [smem:$0x3F86]  }
0x29: {  	s4 =	sld [smem:$0x3F88]  }
0x2a: {  	p0 =	seq.s32 s5, $0x0;
	s5 =	sld [smem:$0x3F89]  }
0x2b: {  	s6 =	sld [smem:$0x3F8A]  }
0x2c: {  	s7 =	sld [smem:$0x3F8B]  }
0x2d: {  	s3 =	simm.s32 $0x108;
	s8 =	sld [smem:$0x3F8C]  }
0x2e: {  	s3 =	simm.s32 @!p0 $0x1082;
	s9 =	sld [smem:$0x3F8D]  }
0x2f: {  	lr =	sadd.s32 s0, s3;
	s0 =	sld [smem:$0x3F84]  }
0x30: {  	s3 =	sld [smem:$0x3F87]  }
0x31: {  	[smem:$0x3F90] =	sst s10  }
0x32: {  	s10 =	sld [smem:$0x3F8E];
	_ =	sdelay $0x3  }
0x33: {  	p0 =	seq.s32 s10, $0x1;
	s10 =	sld [smem:$0x3F90];
	_ =	sdelay $0x3  }
0x34: {  	[smem:$0x3F90] =	sst s10  }
0x35: {  	s10 =	sld [smem:$0x3F8F];
	_ =	sdelay $0x3  }
0x36: {  	p1 =	seq.s32 s10, $0x1;
	s10 =	sld [smem:$0x3F90];
	_ =	sdelay $0x3  }
0x37: {  	[smem:$0x3F90] =	sst s10  }
0x38: {  	s10 =	sld [smem:$0x3F91]  }
0x39: {  	_ = 	snop;
	(pc) =	sbr.ind lr, $3  }
0x3a: {  	_ = 	snop  }
0x3b: {  	_ = 	snop  }
0x3c: {  	p2 =	seq.s32 s10, $0x1;
	s10 =	sld [smem:$0x3F90]  }
0x3d: {  	_ =	shalt  }
0x3e: {  	_ =	shalt  }
0x3f: {  	_ =	shalt  }
0x40: {  	_ =	shalt  }
0x41: {  	_ =	shalt  }
0x42: {  	_ =	shalt  }
0x43: {  	_ =	shalt  }
0x44: {  	_ =	shalt  }
0x45: {  	_ =	shalt  }
0x46: {  	_ =	shalt  }
0x47: {  	_ =	shalt  }
0x48: {  	_ =	shalt  }
0x49: {  	_ =	shalt  }
0x4a: {  	_ =	shalt  }
0x4b: {  	_ =	shalt  }
0x4c: {  	_ =	shalt  }
0x4d: {  	_ =	shalt  }
0x4e: {  	_ =	shalt  }
0x4f: {  	_ =	shalt  }
0x50: {  	_ =	shalt  }
0x51: {  	_ =	shalt  }
0x52: {  	_ =	shalt  }
0x53: {  	_ =	shalt  }
0x54: {  	_ =	shalt  }
0x55: {  	_ =	shalt  }
0x56: {  	_ =	shalt  }
0x57: {  	_ =	shalt  }
0x58: {  	_ =	shalt  }
0x59: {  	_ =	shalt  }
0x5a: {  	_ =	shalt  }
0x5b: {  	_ =	shalt  }
0x5c: {  	_ =	shalt  }
0x5d: {  	_ =	shalt  }
0x5e: {  	_ =	shalt  }
0x5f: {  	_ =	shalt  }
0x60: {  	_ =	shalt  }
0x61: {  	_ =	shalt  }
0x62: {  	_ =	shalt  }
0x63: {  	_ =	shalt  }
0x64: {  	_ =	shalt  }
0x65: {  	_ =	shalt  }
0x66: {  	_ =	shalt  }
0x67: {  	_ =	shalt  }
0x68: {  	_ =	shalt  }
0x69: {  	_ =	shalt  }
0x6a: {  	_ =	shalt  }
0x6b: {  	_ =	shalt  }
0x6c: {  	_ =	shalt  }
0x6d: {  	_ =	shalt  }
0x6e: {  	_ =	shalt  }
0x6f: {  	_ =	shalt  }
0x70: {  	_ =	shalt  }
0x71: {  	_ =	shalt  }
0x72: {  	_ =	shalt  }
0x73: {  	_ =	shalt  }
0x74: {  	_ =	shalt  }
0x75: {  	_ =	shalt  }
0x76: {  	_ =	shalt  }
0x77: {  	_ =	shalt  }
0x78: {  	_ =	shalt  }
0x79: {  	_ =	shalt  }
0x7a: {  	_ =	shalt  }
0x7b: {  	_ =	shalt  }
0x7c: {  	_ =	shalt  }
0x7d: {  	_ =	shalt  }
0x7e: {  	_ =	shalt  }
0x7f: {  	_ =	shalt  }
0x80: {  	_ =	shalt  }
0x81: {  	_ =	shalt  }
0x82: {  	_ =	shalt  }
0x83: {  	_ =	shalt  }
0x84: {  	_ =	shalt  }
0x85: {  	_ =	shalt  }
0x86: {  	_ =	shalt  }
0x87: {  	_ =	shalt  }
.Lfunc_end0:
.L_simem_size_0:
called_computation_lowered:
.L_overlay_start_0:
0x88: {  	s2 =	sld [smem:$0x3FD9]  }
0x89: {  	s3 =	sld [smem:$0x3FFE];
	_ =	sdelay $0x1  }
0x8a: {  	s1 =	srdreg.scid  }
0x8b: {  	s0 =	sand.u32 $0x1, s1  }
0x8c: {  	s17 =	sshll.u32 s0, $0xA;
	s2 =	sadd.s32 s3, s2  }
0x8d: {  	s2 =	sadd.s32 s2, s17  }
0x8e: {  	[smem:$0x3F9C] =	sst s2  }
0x8f: {  	_ = 	snop  }
0x90: {  	(tm) =	ssettm $0x1  }
0x91: {  	s18 =	sld [smem:$0x3FFB];
	_ =	sdelay $0x3  }
0x92: {  	_ =	strace s18  }
0x93: {  	s2 =	sld [smem:$0x3FFC];
	_ =	sdelay $0x3  }
0x94: {  	_ =	strace s2  }
0x95: {  	s2 =	sld [smem:$0x3FFD];
	_ =	sdelay $0x3  }
0x96: {  	_ =	strace s2  }
0x97: {  	_ =	strace $0x8FFFFFFF  }
0x98: {  	s19 =	sld [smem:$0x3FDB];
	_ =	sdelay $0x1  }
0x99: {  	s20 =	simm.s32 $_scs_section_size  }
0x9a: {  	s4 =	simm.s32 $_size__tile_overlayer_lowered;
	s5 =	simm.s32 $_tile_overlayer_lowered  }
0x9b: {  	s6 =	simm.s32 $0x1BFF;
	s21 =	sshll.u32 s5, $0x1;
	s3 =	sadd.s32 s20, s19  }
0x9c: {  	s22 =	simm.s32 $0x0;
	s4 =	sshll.u32 s4, $0x1;
	s5 =	sadd.s32 s21, s3  }
0x9d: {  	[timem:s22], [sflag:s6] =	dma.local [hbm:s5], s4  }
0x9e: {  	_ =	swait.ge [sflag:s6], s4  }
0x9f: {  	s4 =	ssub.s32 $0x0, s4;
	[sflag:s6] =	ssyncset.done $0x0  }
0xa0: {  	[sflag:s6] =	ssyncadd.s32 s4;
	_ =	sdelay $0x1  }
0xa1: {  	s23 =	simm.s32 $0x1B8B  }
0xa2: {  	_ =	swait.ge [sflag:s23], $0x1  }
0xa3: {  	[sflag:s23] =	ssyncset.done $0x0  }
0xa4: {  	[sflag:s23] =	ssyncadd.s32 $0xFFFFFFFF  }
0xa5: {  	s4 =	sld [smem:$0x0]  }
0xa6: {  	s5 =	sand.u32 $0xFFFFFFFE, s1  }
0xa7: {  	p0 =	sne.s32 s1, s5  }
0xa8: {  	s5 =	sshll.u32 @p0 s5, $0xE  }
0xa9: {  	s5 =	sadd.s32 @p0 $0x11B8D, s5;
	s6 =	sshll.u32 @p0 s4, $0x11  }
0xaa: {  	s5 =	sor.u32 @p0 s6, s5  }
0xab: {  	[sflag:s5] =	ssyncadd.remote.s32 @p0 $0x1;
	_ =	sdelay $0x1  }
0xac: {  	s5 =	simm.s32 @p0 $0x1B8D  }
0xad: {  	_ =	swait.eq @p0 [sflag:s5], $0x1  }
0xae: {  	[sflag:s5] =	ssyncadd.s32 @p0 $0xFFFFFFFF  }
0xaf: {  	s6 =	sshll.u32 @!p0 s1, $0xE  }
0xb0: {  	s6 =	sor.u32 @!p0 $0x4000, s6;
	s5 =	simm.s32 @!p0 $0x1B8D  }
0xb1: {  	s4 =	sshll.u32 @!p0 s4, $0x11;
	s6 =	sadd.s32 @!p0 $0x11B8D, s6;
	_ =	swait.eq @!p0 [sflag:s5], $0x1  }
0xb2: {  	s4 =	sor.u32 @!p0 s4, s6;
	[sflag:s5] =	ssyncadd.s32 @!p0 $0xFFFFFFFF  }
0xb3: {  	s25 =	simm.s32 $0x1B8E;
	s24 =	sld [smem:$0x3FFE];
	[sflag:s4] =	ssyncadd.remote.s32 @!p0 $0x1  }
0xb4: {  	s26 =	simm.s32 $execute0_lowered;
	[smem:$0x3FD2] =	sst s25  }
0xb5: {  	s5 =	sshll.u32 s26, $0x1;
	_ =	strace $0x80000049;
	[dreg:$0x1] =	wrdreg $0xFFFFFFFF  }
0xb6: {  	s28 =	simm.s32 $_size_execute0_lowered;
	s3 =	sadd.s32 s3, s5;
	[dreg:$0x0] =	wrdreg $0x0  }
0xb7: {  	s5 =	sshll.u32 s28, $0x1;
	[dreg:$0x2] =	wrdreg s3  }
0xb8: {  	[dreg:$0x3] =	wrdreg s5  }
0xb9: {  	[dreg:$0x4] =	wrdreg $0xC0  }
0xba: {  	_ =	task [dreg:s22], $0x5FFFF  }
0xbb: {  	[dreg:$0x1] =	wrdreg $0xFFFFFFFF  }
0xbc: {  	[dreg:$0x0] =	wrdreg $0x60  }
0xbd: {  	[dreg:$0x2] =	wrdreg s24  }
0xbe: {  	[dreg:$0x3] =	wrdreg $0x29900  }
0xbf: {  	[dreg:$0x4] =	wrdreg $0x9  }
0xc0: {  	_ =	task.clear_ibuf [dreg:s22], $0x5FFFF;
	_ =	strace $0x90000049  }
0xc1: {  	s29 =	simm.s32 $0x9;
	_ =	strace $0x8000004B  }
0xc2: {  	_ =	swait.ge [sflag:s29], $0x1  }
0xc3: {  	[sflag:s29] =	ssyncadd.s32 $0xFFFFFFFF  }
0xc4: {  	_ =	strace $0x9000004B  }
0xc5: {  	_ =	sfence  }
0xc6: {  	s30 =	sld [smem:$0x0];
	_ =	sdelay $0x2  }
0xc7: {  	s31 =	sshll.u32 s1, $0xD;
	s1 =	sshrl.u32 s1, $0x2  }
0xc8: {  	s4 =	sand.u32 $0x4000, s31;
	s1 =	sadd.s32 s1, s30  }
0xc9: {  	s0 =	sor.u32 s4, s0;
	s1 =	sshll.u32 s1, $0x11  }
0xca: {  	s0 =	sor.u32 s1, s0  }
0xcb: {  	s0 =	sadd.s32 $0x8F2B, s0  }
0xcc: {  	[sflag:s0] =	ssyncadd.remote.s32 $0x1  }
0xcd: {  	_ =	sfence.sel $0xFFFF  }
0xce: {  	[dreg:$0x0] =	wrdreg $0xFFFFFFFF;
	(pc) =	sbr.abs _section_cstart, $3  }
0xcf: {  	[dreg:$0x1] =	wrdreg $0xFFFFFFFF  }
0xd0: {  	_ =	task.clear_ibuf [dreg:s22], $0x2FFFF;
	_ =	strace $0x9FFFFFFF  }
0xd1: {  	(tm) =	ssettm $0x7FFFFFFF  }
tec
execute0_lowered:
.L_overlay_start_1:
0x0: {  	(tag) =	ssettag $0x1  }
0x1: {  	s5 =	rddreg [dreg:$0x0]  }
0x2: {  	s0 =	srdreg.scid;
	s2 =	rddreg [dreg:$0x1];
	s3 =	simm.s32 $0x0  }
0x3: {  	s13 =	simm.s32 $0x28;
	s4 =	sand.u32 $0x1, s0;
	s0 =	stileid.u32  }
0x4: {  	s14 =	simm.s32 $0x1;
	s15 =	simm.s32 $0x0;
	s7 =	smul.u32 $0x2800, s0  }
0x5: {  	[smem:$0x7FF] =	sst s3;
	s1 =	sshll.u32 s4, $0x4;
	s8 =	smul.u32 $0x28000, s4  }
0x6: {  	s10 =	ssub.s32 $0x2, s4;
	s4 =	sadd.s32 $0xF85400, s5;
	s1 =	sor.u32 s0, s1  }
0x7: {  	s31 =	sshll.u32 s0, $0x6;
	s11 =	sshrl.u32 s10, $0x1;
	s6 =	smul.u32 $0x4E2, s1  }
0x8: {  	s1 =	rddreg [dreg:$0x2];
	_ =	strace $0x8000004A;
	s9 =	sshrl.u32 s7, $0x3  }
0x9: {  	s8 =	sadd.s32 s7, s8;
	s10 =	ssub.s32 s10, s11;
	s12 =	sadd.s32 s7, s2  }
0xa: {  	s11 =	sor.u32 $0x1C02, s31;
	s8 =	sshrl.u32 s8, $0x3;
	s6 =	sadd.s32 s6, s5  }
0xb: {  	s9 =	sadd.s32 s9, s5;
	s8 =	sadd.s32 s8, s5;
	s5 =	sadd.s32 $0x31400, s6  }
0xc: {  	s12 =	sshrl.u32 s12, $0x3;
	s6 =	sadd.s32 $0xF80400, s9;
	s7 =	sadd.s32 $0xF85600, s8  }
0xd: {  	s8 =	smax.u32 s10, $0x1;
	s9 =	simm.s32 $0x2;
	s10 =	simm.s32 $0x2710  }
.LBB2_1:
0xe: {  	[tilespmem:s3], [sflag:$0x2] =	stream.linear.gather [hbm4b:s5+s3], $0x2710, $0x38;
	[tilespmem:$0x5190] =	vst v63  }
0xf: {  	_ =	swait.ge [sflag:s9], $0x2710  }
0x10: {  	[sflag:s9] =	ssyncset.done $0x0  }
0x11: {  	[sflag:s9] =	ssyncadd.s32 $0xFFFFD8F0  }
0x12: {  	[tilespmem:s10], [sflag:$0x2] =	stream.linear.gather [hbm4b:s4+s3], $0x280, $0x38;
	[tilespmem:$0x5190] =	vst v63  }
0x13: {  	_ =	swait.ge [sflag:s9], $0x280  }
0x14: {  	[sflag:s9] =	ssyncset.done $0x0  }
0x15: {  	[sflag:s9] =	ssyncadd.s32 $0xFFFFFD80  }
0x16: {  	[spmem:s12], [sflag:s11] =	dma.local [hbm:s6], $0x500  }
0x17: {  	_ =	swait.ge [sflag:s9], $0x500  }
0x18: {  	[sflag:s9] =	ssyncset.done $0x0  }
0x19: {  	[sflag:s9] =	ssyncadd.s32 $0xFFFFFB00  }
0x1a: {  	s16 =	simm.s32 $0x0;
	[bflag:$0x0] =	sbarrier.arrive $0xFFFF  }
0x1b: {  	[spmem:s2] =	stream.indirect.scatter.add.f32 [tilespmem:s10], [sflag:$0x1], $0x10, s16, s13, $0xb8;
	[tilespmem:$0x5190] =	vst v63  }
0x1c: {  	s31 =	simm.s32 $0x28  }
0x1d: {  	[spmem:s2] =	stream.indirect.scatter.add.f32 [tilespmem:s10], [sflag:$0x1], $0x10, s31, s13, $0xb8;
	[tilespmem:$0x5190] =	vst v63  }
0x1e: {  	_ =	swait.ge [sflag:s14], $0x280  }
0x1f: {  	[sflag:s14] =	ssyncset.done $0x0  }
0x20: {  	[sflag:s14] =	ssyncadd.s32 $0xFFFFFD80  }
0x21: {  	_ =	swait.ge [sflag:s14], $0x280  }
0x22: {  	s17 =	simm.s32 $0x280;
	s16 =	simm.s32 $0x140;
	[sflag:s14] =	ssyncset.done $0x0  }
.LBB2_2:
0x23: {  	s18 =	sshra.s32 s16, $0x2  }
0x24: {  	[sflag:s14] =	ssyncadd.s32 $0xFFFFFD80;
	s16 =	smov.u32 s17;
	s19 =	sadd.s32 $0x140, s17  }
0x25: {  	[spmem:s2] =	stream.indirect.scatter.add.f32 [tilespmem:s10], [sflag:$0x1], $0x10, s18, s13, $0xb8;
	[tilespmem:$0x5190] =	vst v63  }
0x26: {  	p0 =	sne.s32 s17, $0x9B00;
	s17 =	sadd.s32 $0x28, s18  }
0x27: {  	[spmem:s2] =	stream.indirect.scatter.add.f32 [tilespmem:s10], [sflag:$0x1], $0x10, s17, s13, $0xb8;
	[tilespmem:$0x5190] =	vst v63  }
.Ltmp0:
0x28: {  	_ =	swait.ge [sflag:s14], $0x280;
	(pc) =	sbr.rel @p0 .LBB2_2-.Ltmp0, $4  }
0x29: {  	[sflag:s14] =	ssyncset.done $0x0  }
0x2a: {  	[sflag:s14] =	ssyncadd.s32 $0xFFFFFD80  }
0x2b: {  	_ =	swait.ge [sflag:s14], $0x280  }
0x2c: {  	s17 =	smov.u32 s19;
	[sflag:s14] =	ssyncset.done $0x0  }
0x2d: {  	s16 =	sshra.s32 s16, $0x2;
	[sflag:s14] =	ssyncadd.s32 $0xFFFFFD80  }
0x2e: {  	[spmem:s2] =	stream.indirect.scatter.add.f32 [tilespmem:s10], [sflag:$0x1], $0x10, s16, s13, $0xb8;
	[tilespmem:$0x5190] =	vst v63  }
0x2f: {  	s16 =	sadd.s32 $0x28, s16  }
0x30: {  	[spmem:s2] =	stream.indirect.scatter.add.f32 [tilespmem:s10], [sflag:$0x1], $0x10, s16, s13, $0xb8;
	[tilespmem:$0x5190] =	vst v63  }
0x31: {  	_ =	swait.ge [sflag:s14], $0x280  }
0x32: {  	[sflag:s14] =	ssyncset.done $0x0  }
0x33: {  	[sflag:s14] =	ssyncadd.s32 $0xFFFFFD80  }
0x34: {  	_ =	swait.ge [sflag:s14], $0x280  }
0x35: {  	s15 =	sadd.s32 $0x1, s15;
	[sflag:s14] =	ssyncset.done $0x0  }
0x36: {  	p0 =	sne.s32 s15, s8;
	[sflag:s14] =	ssyncadd.s32 $0xFFFFFD80  }
.Ltmp1:
0x37: {  	[bflag:$0x0] =	sbarrier.arrive $0xFFFF;
	(pc) =	sbr.rel @p0 .LBB2_1-.Ltmp1, $4  }
0x38: {  	[hbm:s7], [sflag:s11] =	dma.local [spmem:s12], $0x500  }
0x39: {  	_ =	swait.ge [sflag:s9], $0x500  }
0x3a: {  	[sflag:s9] =	ssyncset.done $0x0  }
0x3b: {  	[sflag:s9] =	ssyncadd.s32 $0xFFFFFB00  }
0x3c: {  	_ =	sfence.sel $0x180000  }
0x3d: {  	[bflag:$0x0] =	sbarrier.arrive $0xFFFF  }
0x3e: {  	p0 =	sne.s32 s0, $0x0;
	_ =	strace $0x9000004A  }
0x3f: {  	s0 =	sadd.s32 @!p0 $0x100000, s1;
	[bflag:$0x2] =	sbarrier.arrive $0xFFFF  }
0x40: {  	[sflag:s0] =	ssyncadd.tile.s32 @!p0 $0x1;
	_ =	shalt  }
.Lfunc_end2:
_tile_overlayer_lowered:
.L_overlay_start_2:
0x41: {  	(tag) =	ssettag $0x2  }
0x42: {  	s0 =	rddreg [dreg:$0x0];
	s2 =	stileid.u32  }
0x43: {  	s1 =	rddreg [dreg:$0x1];
	p0 =	sne.s32 s2, $0x0  }
0x44: {  	s3 =	rddreg [dreg:$0x2];
	[bflag:$0x3] =	sbarrier.arrive $0xFFFF;
	s2 =	simm.s32 @!p0 $0x1C02  }
0x45: {  	[timem:s3], [sflag:s2] =	dma.local @!p0 [hbm:s0], s1  }
0x46: {  	s0 =	simm.s32 @!p0 $0x2  }
0x47: {  	_ =	swait.ge @!p0 [sflag:s0], s1  }
0x48: {  	s1 =	ssub.s32 @!p0 $0x0, s1;
	[sflag:s0] =	ssyncset.done @!p0 $0x0  }
0x49: {  	[sflag:s0] =	ssyncadd.s32 @!p0 s1  }
0x4a: {  	[bflag:$0x3] =	sbarrier.arrive $0xFFFF  }
0x4b: {  	_ =	shalt  }

// kernel: kernel.27.cloned.1.call-start
scs
__scs_entry_jumppad:
0x0: {  	(pc) =	sbr.rel $0x88, $3  }
0x1: {  	(tag) =	ssettag $0x0;
	lr =	simm.s32 $0x1  }
0x2: {  	[smem:$0x3F75] =	sst lr;
	_ =	strace $0xD0000000  }
0x3: {  	_ = 	snop  }
0x4: {  	_ = 	snop  }
0x5: {  	_ = 	snop  }
0x6: {  	_ = 	snop  }
0x7: {  	_ = 	snop  }
__scs_overlays_trampoline_lowered:
0x8: {  	[smem:$0x3F84] =	sst s0  }
0x9: {  	[smem:$0x3F85] =	sst s1  }
0xa: {  	[smem:$0x3F86] =	sst s2  }
0xb: {  	[smem:$0x3F87] =	sst s3  }
0xc: {  	[smem:$0x3F88] =	sst s4  }
0xd: {  	[smem:$0x3F89] =	sst s5  }
0xe: {  	[smem:$0x3F8A] =	sst s6  }
0xf: {  	[smem:$0x3F8B] =	sst s7  }
0x10: {  	[smem:$0x3F8C] =	sst s8  }
0x11: {  	[smem:$0x3F8D] =	sst s9;
	s0 =	simm.s32 @!p0 $0x0  }
0x12: {  	s1 =	sld [smem:$0x3F73];
	s0 =	simm.s32 @p0 $0x1  }
0x13: {  	[smem:$0x3F8E] =	sst s0;
	s0 =	simm.s32 @!p1 $0x0  }
0x14: {  	s2 =	sld [smem:$0x3F72];
	s0 =	simm.s32 @p1 $0x1  }
0x15: {  	[smem:$0x3F8F] =	sst s0;
	s0 =	simm.s32 @!p2 $0x0  }
0x16: {  	s3 =	sld [smem:$0x3FDB];
	s0 =	simm.s32 @p2 $0x1  }
0x17: {  	s4 =	simm.s32 $0x1BF5;
	[smem:$0x3F91] =	sst s0  }
0x18: {  	s0 =	sld [smem:$0x3F74];
	_ =	swait.ge [sflag:s4], $0x0  }
0x19: {  	s7 =	sld [smem:$0x3F75]  }
0x1a: {  	s8 =	sadd.s32 $0xFFFFE003, lr  }
0x1b: {  	s9 =	sadd.s32 $0xFFFFFEF7, lr;
	s5 =	simm.s32 $0xFFFFFFFF;
	p2 =	slt.u32 s8, $0xFFFFF086  }
0x1c: {  	p1 =	slt.u32 s9, $0xF7A;
	s5 =	simm.s32 @!p2 $0x0  }
0x1d: {  	s5 =	simm.s32 @p1 $0x1;
	p0 =	seq.s32 s7, s2  }
0x1e: {  	s7 =	smul.u32 @!p0 $0xF7A, s2;
	p2 =	seq.s32 @!p0 s5, $0x0  }
0x1f: {  	s9 =	smul.u32 $0xF7A, s1;
	s8 =	simm.s32 @!p0 $0x1BF5;
	p2 =	por !p2, p0  }
0x20: {  	[sflag:s8] =	ssyncset.s32 @!p0 $0xFFFFF086;
	s6 =	sadd.s32 @!p0 s3, s7;
	s7 =	simm.s32 @!p0 $0x108  }
0x21: {  	s3 =	sadd.s32 s3, s9;
	s6 =	sadd.s32 @!p0 $0x88, s6;
	s7 =	simm.s32 @p2 $0x1082  }
0x22: {  	[simem:s7], [sflag:s8] =	dma.local @!p0 [hbm:s6], $0xF7A  }
0x23: {  	s9 =	sor.u32 $0xD0000000, s2;
	s6 =	simm.s32 $0x108;
	_ =	swait.ge @!p0 [sflag:s8], $0x0  }
0x24: {  	s3 =	sadd.s32 $0x88, s3;
	s6 =	simm.s32 @!p1 $0x1082;
	[sflag:s4] =	ssyncset.s32 $0xFFFFF086  }
0x25: {  	[simem:s6], [sflag:s4] =	dma.local [hbm:s3], $0xF7A  }
0x26: {  	[smem:$0x3F75] =	sst s1;
	(tag) =	ssettag s2;
	_ =	strace s9  }
0x27: {  	s1 =	sld [smem:$0x3F85]  }
0x28: {  	s2 =	sld [smem:$0x3F86]  }
0x29: {  	s4 =	sld [smem:$0x3F88]  }
0x2a: {  	p0 =	seq.s32 s5, $0x0;
	s5 =	sld [smem:$0x3F89]  }
0x2b: {  	s6 =	sld [smem:$0x3F8A]  }
0x2c: {  	s7 =	sld [smem:$0x3F8B]  }
0x2d: {  	s3 =	simm.s32 $0x108;
	s8 =	sld [smem:$0x3F8C]  }
0x2e: {  	s3 =	simm.s32 @!p0 $0x1082;
	s9 =	sld [smem:$0x3F8D]  }
0x2f: {  	lr =	sadd.s32 s0, s3;
	s0 =	sld [smem:$0x3F84]  }
0x30: {  	s3 =	sld [smem:$0x3F87]  }
0x31: {  	[smem:$0x3F90] =	sst s10  }
0x32: {  	s10 =	sld [smem:$0x3F8E];
	_ =	sdelay $0x3  }
0x33: {  	p0 =	seq.s32 s10, $0x1;
	s10 =	sld [smem:$0x3F90];
	_ =	sdelay $0x3  }
0x34: {  	[smem:$0x3F90] =	sst s10  }
0x35: {  	s10 =	sld [smem:$0x3F8F];
	_ =	sdelay $0x3  }
0x36: {  	p1 =	seq.s32 s10, $0x1;
	s10 =	sld [smem:$0x3F90];
	_ =	sdelay $0x3  }
0x37: {  	[smem:$0x3F90] =	sst s10  }
0x38: {  	s10 =	sld [smem:$0x3F91]  }
0x39: {  	_ = 	snop;
	(pc) =	sbr.ind lr, $3  }
0x3a: {  	_ = 	snop  }
0x3b: {  	_ = 	snop  }
0x3c: {  	p2 =	seq.s32 s10, $0x1;
	s10 =	sld [smem:$0x3F90]  }
0x3d: {  	_ =	shalt  }
0x3e: {  	_ =	shalt  }
0x3f: {  	_ =	shalt  }
0x40: {  	_ =	shalt  }
0x41: {  	_ =	shalt  }
0x42: {  	_ =	shalt  }
0x43: {  	_ =	shalt  }
0x44: {  	_ =	shalt  }
0x45: {  	_ =	shalt  }
0x46: {  	_ =	shalt  }
0x47: {  	_ =	shalt  }
0x48: {  	_ =	shalt  }
0x49: {  	_ =	shalt  }
0x4a: {  	_ =	shalt  }
0x4b: {  	_ =	shalt  }
0x4c: {  	_ =	shalt  }
0x4d: {  	_ =	shalt  }
0x4e: {  	_ =	shalt  }
0x4f: {  	_ =	shalt  }
0x50: {  	_ =	shalt  }
0x51: {  	_ =	shalt  }
0x52: {  	_ =	shalt  }
0x53: {  	_ =	shalt  }
0x54: {  	_ =	shalt  }
0x55: {  	_ =	shalt  }
0x56: {  	_ =	shalt  }
0x57: {  	_ =	shalt  }
0x58: {  	_ =	shalt  }
0x59: {  	_ =	shalt  }
0x5a: {  	_ =	shalt  }
0x5b: {  	_ =	shalt  }
0x5c: {  	_ =	shalt  }
0x5d: {  	_ =	shalt  }
0x5e: {  	_ =	shalt  }
0x5f: {  	_ =	shalt  }
0x60: {  	_ =	shalt  }
0x61: {  	_ =	shalt  }
0x62: {  	_ =	shalt  }
0x63: {  	_ =	shalt  }
0x64: {  	_ =	shalt  }
0x65: {  	_ =	shalt  }
0x66: {  	_ =	shalt  }
0x67: {  	_ =	shalt  }
0x68: {  	_ =	shalt  }
0x69: {  	_ =	shalt  }
0x6a: {  	_ =	shalt  }
0x6b: {  	_ =	shalt  }
0x6c: {  	_ =	shalt  }
0x6d: {  	_ =	shalt  }
0x6e: {  	_ =	shalt  }
0x6f: {  	_ =	shalt  }
0x70: {  	_ =	shalt  }
0x71: {  	_ =	shalt  }
0x72: {  	_ =	shalt  }
0x73: {  	_ =	shalt  }
0x74: {  	_ =	shalt  }
0x75: {  	_ =	shalt  }
0x76: {  	_ =	shalt  }
0x77: {  	_ =	shalt  }
0x78: {  	_ =	shalt  }
0x79: {  	_ =	shalt  }
0x7a: {  	_ =	shalt  }
0x7b: {  	_ =	shalt  }
0x7c: {  	_ =	shalt  }
0x7d: {  	_ =	shalt  }
0x7e: {  	_ =	shalt  }
0x7f: {  	_ =	shalt  }
0x80: {  	_ =	shalt  }
0x81: {  	_ =	shalt  }
0x82: {  	_ =	shalt  }
0x83: {  	_ =	shalt  }
0x84: {  	_ =	shalt  }
0x85: {  	_ =	shalt  }
0x86: {  	_ =	shalt  }
0x87: {  	_ =	shalt  }
.Lfunc_end0:
.L_simem_size_0:
called_computation.1_lowered:
.L_overlay_start_0:
0x88: {  	s2 =	sld [smem:$0x3FD9]  }
0x89: {  	s3 =	sld [smem:$0x3FFE];
	_ =	sdelay $0x1  }
0x8a: {  	s1 =	srdreg.scid  }
0x8b: {  	s0 =	sand.u32 $0x1, s1  }
0x8c: {  	s16 =	sshll.u32 s0, $0xA;
	s2 =	sadd.s32 s3, s2  }
0x8d: {  	s2 =	sadd.s32 s2, s16  }
0x8e: {  	[smem:$0x3F9C] =	sst s2  }
0x8f: {  	_ = 	snop  }
0x90: {  	(tm) =	ssettm $0x1  }
0x91: {  	s17 =	sld [smem:$0x3FFB];
	_ =	sdelay $0x3  }
0x92: {  	_ =	strace s17  }
0x93: {  	s2 =	sld [smem:$0x3FFC];
	_ =	sdelay $0x3  }
0x94: {  	_ =	strace s2  }
0x95: {  	s2 =	sld [smem:$0x3FFD];
	_ =	sdelay $0x3  }
0x96: {  	_ =	strace s2  }
0x97: {  	_ =	strace $0x8FFFFFFF  }
0x98: {  	s18 =	sld [smem:$0x3FDB];
	_ =	sdelay $0x1  }
0x99: {  	s19 =	simm.s32 $_scs_section_size  }
0x9a: {  	s4 =	simm.s32 $_size__tile_overlayer_lowered;
	s5 =	simm.s32 $_tile_overlayer_lowered  }
0x9b: {  	s22 =	simm.s32 $0x1BFF;
	s21 =	sshll.u32 s5, $0x1;
	s2 =	sadd.s32 s19, s18  }
0x9c: {  	s6 =	simm.s32 $0x0;
	s20 =	sshll.u32 s4, $0x1;
	s4 =	sadd.s32 s21, s2  }
0x9d: {  	[timem:s6], [sflag:s22] =	dma.local [hbm:s4], s20  }
0x9e: {  	_ =	swait.ge [sflag:s22], s20  }
0x9f: {  	s3 =	ssub.s32 $0x0, s20;
	[sflag:s22] =	ssyncset.done $0x0  }
0xa0: {  	[sflag:s22] =	ssyncadd.s32 s3;
	_ =	sdelay $0x1  }
0xa1: {  	s23 =	simm.s32 $0x1B8B  }
0xa2: {  	_ =	swait.ge [sflag:s23], $0x1  }
0xa3: {  	[sflag:s23] =	ssyncset.done $0x0  }
0xa4: {  	s25 =	simm.s32 $0x1B8E;
	s24 =	sld [smem:$0x3FFE];
	[sflag:s23] =	ssyncadd.s32 $0xFFFFFFFF  }
0xa5: {  	s26 =	simm.s32 $execute0_lowered;
	[smem:$0x3FD2] =	sst s25  }
0xa6: {  	s4 =	sshll.u32 s26, $0x1;
	_ =	strace $0x80000046;
	[dreg:$0x1] =	wrdreg $0xFFFFFFFF  }
0xa7: {  	s28 =	simm.s32 $_size_execute0_lowered;
	s2 =	sadd.s32 s2, s4;
	[dreg:$0x0] =	wrdreg $0x0  }
0xa8: {  	s4 =	sshll.u32 s28, $0x1;
	[dreg:$0x2] =	wrdreg s2  }
0xa9: {  	[dreg:$0x3] =	wrdreg s4  }
0xaa: {  	[dreg:$0x4] =	wrdreg $0xC0  }
0xab: {  	_ =	task [dreg:s6], $0x5FFFF  }
0xac: {  	[dreg:$0x1] =	wrdreg $0xFFFFFFFF  }
0xad: {  	[dreg:$0x0] =	wrdreg $0x60  }
0xae: {  	[dreg:$0x2] =	wrdreg s24  }
0xaf: {  	[dreg:$0x3] =	wrdreg $0x77100  }
0xb0: {  	[dreg:$0x4] =	wrdreg $0xA  }
0xb1: {  	_ =	task.clear_ibuf [dreg:s6], $0x5FFFF;
	_ =	strace $0x90000046  }
0xb2: {  	s29 =	simm.s32 $0xA;
	_ =	strace $0x80000048  }
0xb3: {  	_ =	swait.ge [sflag:s29], $0x1  }
0xb4: {  	[sflag:s29] =	ssyncadd.s32 $0xFFFFFFFF  }
0xb5: {  	_ =	strace $0x90000048  }
0xb6: {  	_ =	sfence  }
0xb7: {  	s30 =	sld [smem:$0x0];
	_ =	sdelay $0x2  }
0xb8: {  	s31 =	sshll.u32 s1, $0xD;
	s1 =	sshrl.u32 s1, $0x2  }
0xb9: {  	s3 =	sand.u32 $0x4000, s31;
	s1 =	sadd.s32 s1, s30  }
0xba: {  	s0 =	sor.u32 s3, s0;
	s1 =	sshll.u32 s1, $0x11  }
0xbb: {  	s0 =	sor.u32 s1, s0  }
0xbc: {  	s0 =	sadd.s32 $0x8F2B, s0  }
0xbd: {  	[sflag:s0] =	ssyncadd.remote.s32 $0x1  }
0xbe: {  	_ =	sfence.sel $0xFFFF  }
0xbf: {  	[dreg:$0x0] =	wrdreg $0xFFFFFFFF;
	(pc) =	sbr.abs _section_cstart, $3  }
0xc0: {  	[dreg:$0x1] =	wrdreg $0xFFFFFFFF  }
0xc1: {  	_ =	task.clear_ibuf [dreg:s6], $0x2FFFF;
	_ =	strace $0x9FFFFFFF  }
0xc2: {  	(tm) =	ssettm $0x7FFFFFFF  }
0xc3: {  	_ =	shalt  }
tec
execute0_lowered:
.L_overlay_start_1:
0x0: {  	(tag) =	ssettag $0x1  }
0x1: {  	s5 =	rddreg [dreg:$0x0]  }
0x2: {  	s0 =	srdreg.scid;
	s2 =	rddreg [dreg:$0x1];
	s3 =	simm.s32 $0x0  }
0x3: {  	s18 =	simm.s32 $0x28;
	s10 =	sand.u32 $0x1, s0;
	s0 =	stileid.u32  }
0x4: {  	s19 =	simm.s32 $0x4F10;
	s20 =	simm.s32 $0x6310;
	s7 =	smul.u32 $0x14000, s0  }
0x5: {  	s21 =	simm.s32 $0x3B10;
	s22 =	simm.s32 $0x3;
	s8 =	smul.u32 $0x140000, s10  }
0x6: {  	s23 =	simm.s32 $0x2;
	s12 =	sadd.s32 $0x51D200, s5;
	s17 =	smul.u32 $0x27100, s10  }
0x7: {  	[smem:$0x7FF] =	sst s3;
	s15 =	sadd.s32 $0xA9E400, s5;
	s25 =	smul.u32 $0x2710, s0  }
0x8: {  	s1 =	sshll.u32 s10, $0x4;
	s13 =	ssub.s32 $0x2, s10;
	s26 =	smul.u32 $0x271000, s10  }
0x9: {  	s29 =	smul.u32 $0x27100, s0;
	s31 =	sshll.u32 s0, $0x6;
	s6 =	sor.u32 s0, s1  }
0xa: {  	s1 =	rddreg [dreg:$0x2];
	_ =	strace $0x80000047;
	s14 =	sshrl.u32 s13, $0x1  }
0xb: {  	s4 =	smul.u32 $0x2710, s6;
	s8 =	sadd.s32 s7, s8;
	s11 =	sshrl.u32 s7, $0x3  }
0xc: {  	s13 =	ssub.s32 s13, s14;
	s24 =	smul.u32 $0x27100, s6;
	s16 =	sadd.s32 s7, s2  }
0xd: {  	s14 =	sor.u32 $0x1C04, s31;
	s8 =	sshrl.u32 s8, $0x3;
	s11 =	sadd.s32 s11, s5  }
0xe: {  	s9 =	sshrl.u32 s4, $0x3;
	s4 =	sadd.s32 $0xA200, s5;
	s8 =	sadd.s32 s8, s5  }
0xf: {  	s6 =	sadd.s32 $0xA26400, s11;
	s7 =	sadd.s32 s12, s24;
	s28 =	sadd.s32 s15, s24  }
0x10: {  	s11 =	sadd.s32 s25, s17;
	s17 =	simm.s32 $0x1;
	s24 =	simm.s32 $0x26C0  }
0x11: {  	s25 =	simm.s32 $0x26E8;
	s9 =	sadd.s32 s9, s5;
	s8 =	sadd.s32 $0xA4E400, s8  }
0x12: {  	s10 =	sadd.s32 $0x26C00, s28;
	s30 =	sshll.u32 s11, $0x4;
	s5 =	sadd.s32 $0x31400, s9  }
0x13: {  	s9 =	smax.u32 s13, $0x1;
	s13 =	sadd.s32 s26, s15;
	s12 =	sadd.s32 s12, s30  }
0x14: {  	s15 =	sshrl.u32 s16, $0x3;
	s16 =	simm.s32 $0x2710;
	s26 =	simm.s32 $0x0  }
0x15: {  	s11 =	sadd.s32 s29, s13;
	s12 =	sadd.s32 $0x500, s12;
	s13 =	simm.s32 $0x4  }
.LBB2_1:
0x16: {  	[tilespmem:s3], [sflag:$0x4] =	stream.linear.gather [hbm4b:s5+s3], $0x2710, $0x38;
	[tilespmem:$0x1B710] =	vst v63  }
0x17: {  	_ =	swait.ge [sflag:s13], $0x2710  }
0x18: {  	[sflag:s13] =	ssyncset.done $0x0  }
0x19: {  	[sflag:s13] =	ssyncadd.s32 $0xFFFFD8F0  }
0x1a: {  	[spmem:s15], [sflag:s14] =	dma.local [hbm:s6], $0x2800  }
0x1b: {  	_ =	swait.ge [sflag:s13], $0x2800  }
0x1c: {  	[sflag:s13] =	ssyncset.done $0x0  }
0x1d: {  	[sflag:s13] =	ssyncadd.s32 $0xFFFFD800  }
0x1e: {  	[bflag:$0x0] =	sbarrier.arrive $0xFFFF  }
0x1f: {  	[tilespmem:s16], [sflag:$0x1] =	stream.linear.gather [hbm4b:s7+s3], $0x2800, $0x38;
	[tilespmem:$0x1B710] =	vst v63  }
0x20: {  	_ =	swait.ge [sflag:s17], $0x2800  }
0x21: {  	[sflag:s17] =	ssyncset.done $0x0  }
0x22: {  	s28 =	simm.s32 $0x0;
	[sflag:s17] =	ssyncadd.s32 $0xFFFFD800  }
0x23: {  	[tilespmem:s19], [sflag:$0x2] =	stream.indirect.gather [hbm4b:s4+s18], $0x80, s28, s18, $0xb8;
	[tilespmem:$0x1B710] =	vst v63  }
0x24: {  	_ = 	snop  }
0x25: {  	[spmem:s2] =	stream.indirect.scatter.add.f32 [tilespmem:s16], [sflag:$0x3], $0x80, s28, s18, $0xb8;
	[tilespmem:$0x1B710] =	vst v63  }
0x26: {  	_ = 	snop  }
0x27: {  	[tilespmem:s20], [sflag:$0x2] =	stream.indirect.gather [hbm4b:s4+s18], $0x80, s18, s18, $0xb8;
	[tilespmem:$0x1B710] =	vst v63  }
0x28: {  	_ = 	snop  }
0x29: {  	[spmem:s2] =	stream.indirect.scatter.add.f32 [tilespmem:s21], [sflag:$0x3], $0x80, s18, s18, $0xb8;
	[tilespmem:$0x1B710] =	vst v63  }
0x2a: {  	_ =	swait.ge [sflag:s22], $0x1400  }
0x2b: {  	[sflag:s22] =	ssyncset.done $0x0  }
0x2c: {  	[sflag:s22] =	ssyncadd.s32 $0xFFFFEC00  }
0x2d: {  	_ =	swait.ge [sflag:s22], $0x1400  }
0x2e: {  	[sflag:s22] =	ssyncset.done $0x0  }
0x2f: {  	s28 =	sadd.s32 $0x0, s12;
	[sflag:s22] =	ssyncadd.s32 $0xFFFFEC00  }
0x30: {  	[tilespmem:s16], [sflag:$0x1] =	stream.linear.gather [hbm4b:s28+s3], $0x2800, $0x38;
	[tilespmem:$0x1B710] =	vst v63  }
0x31: {  	_ =	swait.ge [sflag:s23], $0x1400  }
0x32: {  	[sflag:s23] =	ssyncset.done $0x0  }
0x33: {  	[sflag:s23] =	ssyncadd.s32 $0xFFFFEC00  }
0x34: {  	_ =	swait.ge [sflag:s23], $0x1400  }
0x35: {  	[sflag:s23] =	ssyncset.done $0x0  }
0x36: {  	s28 =	sadd.s32 $0x0, s11;
	[sflag:s23] =	ssyncadd.s32 $0xFFFFEC00  }
0x37: {  	[hbm4b:s28+s3] =	stream.linear.scatter [tilespmem:s19], [sflag:$0x4], $0x2800, $0x38;
	[tilespmem:$0x1B710] =	vst v63  }
0x38: {  	_ =	swait.ge [sflag:s13], $0x2800  }
0x39: {  	s29 =	simm.s32 $0x28;
	s28 =	simm.s32 $0x500;
	[sflag:s13] =	ssyncset.done $0x0  }
.LBB2_2:
0x3a: {  	p0 =	sne.s32 s28, $0x26700;
	[sflag:s13] =	ssyncadd.s32 $0xFFFFD800;
	s29 =	sadd.s32 $0x50, s29  }
0x3b: {  	s30 =	smov.u32 s28;
	s28 =	sadd.s32 $0x500, s28;
	_ =	swait.ge [sflag:s17], $0x2800  }
0x3c: {  	[sflag:s17] =	ssyncset.done $0x0  }
0x3d: {  	s31 =	sadd.s32 $0xFFFFFFD8, s29;
	[sflag:s17] =	ssyncadd.s32 $0xFFFFD800  }
0x3e: {  	[tilespmem:s19], [sflag:$0x2] =	stream.indirect.gather [hbm4b:s4+s18], $0x80, s31, s18, $0xb8;
	[tilespmem:$0x1B710] =	vst v63  }
0x3f: {  	_ = 	snop  }
0x40: {  	[spmem:s2] =	stream.indirect.scatter.add.f32 [tilespmem:s16], [sflag:$0x3], $0x80, s31, s18, $0xb8;
	[tilespmem:$0x1B710] =	vst v63  }
0x41: {  	_ = 	snop  }
0x42: {  	[tilespmem:s20], [sflag:$0x2] =	stream.indirect.gather [hbm4b:s4+s18], $0x80, s29, s18, $0xb8;
	[tilespmem:$0x1B710] =	vst v63  }
0x43: {  	_ = 	snop  }
0x44: {  	[spmem:s2] =	stream.indirect.scatter.add.f32 [tilespmem:s21], [sflag:$0x3], $0x80, s29, s18, $0xb8;
	[tilespmem:$0x1B710] =	vst v63  }
0x45: {  	_ =	swait.ge [sflag:s22], $0x1400  }
0x46: {  	[sflag:s22] =	ssyncset.done $0x0  }
0x47: {  	[sflag:s22] =	ssyncadd.s32 $0xFFFFEC00  }
0x48: {  	_ =	swait.ge [sflag:s22], $0x1400  }
0x49: {  	[sflag:s22] =	ssyncset.done $0x0  }
0x4a: {  	s31 =	sadd.s32 s30, s12;
	[sflag:s22] =	ssyncadd.s32 $0xFFFFEC00  }
0x4b: {  	[tilespmem:s16], [sflag:$0x1] =	stream.linear.gather [hbm4b:s31+s3], $0x2800, $0x38;
	[tilespmem:$0x1B710] =	vst v63  }
0x4c: {  	_ =	swait.ge [sflag:s23], $0x1400  }
0x4d: {  	[sflag:s23] =	ssyncset.done $0x0  }
0x4e: {  	[sflag:s23] =	ssyncadd.s32 $0xFFFFEC00  }
0x4f: {  	_ =	swait.ge [sflag:s23], $0x1400  }
.Ltmp0:
0x50: {  	[sflag:s23] =	ssyncset.done $0x0;
	(pc) =	sbr.rel @p0 .LBB2_2-.Ltmp0, $4  }
0x51: {  	s30 =	sadd.s32 s30, s11;
	[sflag:s23] =	ssyncadd.s32 $0xFFFFEC00  }
0x52: {  	[hbm4b:s30+s3] =	stream.linear.scatter [tilespmem:s19], [sflag:$0x4], $0x2800, $0x38;
	[tilespmem:$0x1B710] =	vst v63  }
0x53: {  	_ =	swait.ge [sflag:s13], $0x2800  }
0x54: {  	[sflag:s13] =	ssyncset.done $0x0  }
0x55: {  	[sflag:s13] =	ssyncadd.s32 $0xFFFFD800  }
0x56: {  	_ =	swait.ge [sflag:s17], $0x2800  }
0x57: {  	[sflag:s17] =	ssyncset.done $0x0  }
0x58: {  	[sflag:s17] =	ssyncadd.s32 $0xFFFFD800  }
0x59: {  	[tilespmem:s19], [sflag:$0x2] =	stream.indirect.gather [hbm4b:s4+s18], $0x80, s24, s18, $0xb8;
	[tilespmem:$0x1B710] =	vst v63  }
0x5a: {  	_ = 	snop  }
0x5b: {  	[spmem:s2] =	stream.indirect.scatter.add.f32 [tilespmem:s16], [sflag:$0x3], $0x80, s24, s18, $0xb8;
	[tilespmem:$0x1B710] =	vst v63  }
0x5c: {  	_ = 	snop  }
0x5d: {  	[tilespmem:s20], [sflag:$0x2] =	stream.indirect.gather [hbm4b:s4+s18], $0x80, s25, s18, $0xb8;
	[tilespmem:$0x1B710] =	vst v63  }
0x5e: {  	_ = 	snop  }
0x5f: {  	[spmem:s2] =	stream.indirect.scatter.add.f32 [tilespmem:s21], [sflag:$0x3], $0x80, s25, s18, $0xb8;
	[tilespmem:$0x1B710] =	vst v63  }
0x60: {  	_ =	swait.ge [sflag:s22], $0x1400  }
0x61: {  	[sflag:s22] =	ssyncset.done $0x0  }
0x62: {  	[sflag:s22] =	ssyncadd.s32 $0xFFFFEC00  }
0x63: {  	_ =	swait.ge [sflag:s22], $0x1400  }
0x64: {  	[sflag:s22] =	ssyncset.done $0x0  }
0x65: {  	[sflag:s22] =	ssyncadd.s32 $0xFFFFEC00  }
0x66: {  	_ =	swait.ge [sflag:s23], $0x1400  }
0x67: {  	[sflag:s23] =	ssyncset.done $0x0  }
0x68: {  	[sflag:s23] =	ssyncadd.s32 $0xFFFFEC00  }
0x69: {  	_ =	swait.ge [sflag:s23], $0x1400  }
0x6a: {  	[sflag:s23] =	ssyncset.done $0x0  }
0x6b: {  	[sflag:s23] =	ssyncadd.s32 $0xFFFFEC00  }
0x6c: {  	[hbm4b:s10+s3] =	stream.linear.scatter [tilespmem:s19], [sflag:$0x4], $0x2800, $0x38;
	[tilespmem:$0x1B710] =	vst v63  }
0x6d: {  	_ =	swait.ge [sflag:s13], $0x2800  }
0x6e: {  	s26 =	sadd.s32 $0x1, s26;
	[sflag:s13] =	ssyncset.done $0x0  }
0x6f: {  	p0 =	sne.s32 s26, s9;
	[sflag:s13] =	ssyncadd.s32 $0xFFFFD800  }
.Ltmp1:
0x70: {  	[bflag:$0x0] =	sbarrier.arrive $0xFFFF;
	(pc) =	sbr.rel @p0 .LBB2_1-.Ltmp1, $4  }
0x71: {  	[hbm:s8], [sflag:s14] =	dma.local [spmem:s15], $0x2800  }
0x72: {  	_ =	swait.ge [sflag:s13], $0x2800  }
0x73: {  	[sflag:s13] =	ssyncset.done $0x0  }
0x74: {  	[sflag:s13] =	ssyncadd.s32 $0xFFFFD800  }
0x75: {  	_ =	sfence.sel $0x180000  }
0x76: {  	[bflag:$0x0] =	sbarrier.arrive $0xFFFF  }
0x77: {  	p0 =	sne.s32 s0, $0x0;
	_ =	strace $0x90000047  }
0x78: {  	s0 =	sadd.s32 @!p0 $0x100000, s1;
	[bflag:$0x2] =	sbarrier.arrive $0xFFFF  }
0x79: {  	[sflag:s0] =	ssyncadd.tile.s32 @!p0 $0x1;
	_ =	shalt  }
.Lfunc_end2:
_tile_overlayer_lowered:
.L_overlay_start_2:
0x7a: {  	(tag) =	ssettag $0x2  }
0x7b: {  	s0 =	rddreg [dreg:$0x0];
	s2 =	stileid.u32  }
0x7c: {  	s1 =	rddreg [dreg:$0x1];
	p0 =	sne.s32 s2, $0x0  }
0x7d: {  	s3 =	rddreg [dreg:$0x2];
	[bflag:$0x3] =	sbarrier.arrive $0xFFFF;
	s2 =	simm.s32 @!p0 $0x1C04  }
0x7e: {  	[timem:s3], [sflag:s2] =	dma.local @!p0 [hbm:s0], s1  }
0x7f: {  	s0 =	simm.s32 @!p0 $0x4  }
0x80: {  	_ =	swait.ge @!p0 [sflag:s0], s1  }
0x81: {  	s1 =	ssub.s32 @!p0 $0x0, s1;
	[sflag:s0] =	ssyncset.done @!p0 $0x0  }
0x82: {  	[sflag:s0] =	ssyncadd.s32 @!p0 s1  }
0x83: {  	[bflag:$0x3] =	sbarrier.arrive $0xFFFF  }
0x84: {  	_ =	shalt  }

// kernel: kernel.30.cloned.1.call-start
scs
__scs_entry_jumppad:
0x0: {  	(pc) =	sbr.rel $0x88, $3  }
0x1: {  	(tag) =	ssettag $0x0;
	lr =	simm.s32 $0x1  }
0x2: {  	[smem:$0x3F75] =	sst lr;
	_ =	strace $0xD0000000  }
0x3: {  	_ = 	snop  }
0x4: {  	_ = 	snop  }
0x5: {  	_ = 	snop  }
0x6: {  	_ = 	snop  }
0x7: {  	_ = 	snop  }
__scs_overlays_trampoline_lowered:
0x8: {  	[smem:$0x3F84] =	sst s0  }
0x9: {  	[smem:$0x3F85] =	sst s1  }
0xa: {  	[smem:$0x3F86] =	sst s2  }
0xb: {  	[smem:$0x3F87] =	sst s3  }
0xc: {  	[smem:$0x3F88] =	sst s4  }
0xd: {  	[smem:$0x3F89] =	sst s5  }
0xe: {  	[smem:$0x3F8A] =	sst s6  }
0xf: {  	[smem:$0x3F8B] =	sst s7  }
0x10: {  	[smem:$0x3F8C] =	sst s8  }
0x11: {  	[smem:$0x3F8D] =	sst s9;
	s0 =	simm.s32 @!p0 $0x0  }
0x12: {  	s1 =	sld [smem:$0x3F73];
	s0 =	simm.s32 @p0 $0x1  }
0x13: {  	[smem:$0x3F8E] =	sst s0;
	s0 =	simm.s32 @!p1 $0x0  }
0x14: {  	s2 =	sld [smem:$0x3F72];
	s0 =	simm.s32 @p1 $0x1  }
0x15: {  	[smem:$0x3F8F] =	sst s0;
	s0 =	simm.s32 @!p2 $0x0  }
0x16: {  	s3 =	sld [smem:$0x3FDB];
	s0 =	simm.s32 @p2 $0x1  }
0x17: {  	s4 =	simm.s32 $0x1BF5;
	[smem:$0x3F91] =	sst s0  }
0x18: {  	s0 =	sld [smem:$0x3F74];
	_ =	swait.ge [sflag:s4], $0x0  }
0x19: {  	s7 =	sld [smem:$0x3F75]  }
0x1a: {  	s8 =	sadd.s32 $0xFFFFE003, lr  }
0x1b: {  	s9 =	sadd.s32 $0xFFFFFEF7, lr;
	s5 =	simm.s32 $0xFFFFFFFF;
	p2 =	slt.u32 s8, $0xFFFFF086  }
0x1c: {  	p1 =	slt.u32 s9, $0xF7A;
	s5 =	simm.s32 @!p2 $0x0  }
0x1d: {  	s5 =	simm.s32 @p1 $0x1;
	p0 =	seq.s32 s7, s2  }
0x1e: {  	s7 =	smul.u32 @!p0 $0xF7A, s2;
	p2 =	seq.s32 @!p0 s5, $0x0  }
0x1f: {  	s9 =	smul.u32 $0xF7A, s1;
	s8 =	simm.s32 @!p0 $0x1BF5;
	p2 =	por !p2, p0  }
0x20: {  	[sflag:s8] =	ssyncset.s32 @!p0 $0xFFFFF086;
	s6 =	sadd.s32 @!p0 s3, s7;
	s7 =	simm.s32 @!p0 $0x108  }
0x21: {  	s3 =	sadd.s32 s3, s9;
	s6 =	sadd.s32 @!p0 $0x88, s6;
	s7 =	simm.s32 @p2 $0x1082  }
0x22: {  	[simem:s7], [sflag:s8] =	dma.local @!p0 [hbm:s6], $0xF7A  }
0x23: {  	s9 =	sor.u32 $0xD0000000, s2;
	s6 =	simm.s32 $0x108;
	_ =	swait.ge @!p0 [sflag:s8], $0x0  }
0x24: {  	s3 =	sadd.s32 $0x88, s3;
	s6 =	simm.s32 @!p1 $0x1082;
	[sflag:s4] =	ssyncset.s32 $0xFFFFF086  }
0x25: {  	[simem:s6], [sflag:s4] =	dma.local [hbm:s3], $0xF7A  }
0x26: {  	[smem:$0x3F75] =	sst s1;
	(tag) =	ssettag s2;
	_ =	strace s9  }
0x27: {  	s1 =	sld [smem:$0x3F85]  }
0x28: {  	s2 =	sld [smem:$0x3F86]  }
0x29: {  	s4 =	sld [smem:$0x3F88]  }
0x2a: {  	p0 =	seq.s32 s5, $0x0;
	s5 =	sld [smem:$0x3F89]  }
0x2b: {  	s6 =	sld [smem:$0x3F8A]  }
0x2c: {  	s7 =	sld [smem:$0x3F8B]  }
0x2d: {  	s3 =	simm.s32 $0x108;
	s8 =	sld [smem:$0x3F8C]  }
0x2e: {  	s3 =	simm.s32 @!p0 $0x1082;
	s9 =	sld [smem:$0x3F8D]  }
0x2f: {  	lr =	sadd.s32 s0, s3;
	s0 =	sld [smem:$0x3F84]  }
0x30: {  	s3 =	sld [smem:$0x3F87]  }
0x31: {  	[smem:$0x3F90] =	sst s10  }
0x32: {  	s10 =	sld [smem:$0x3F8E];
	_ =	sdelay $0x3  }
0x33: {  	p0 =	seq.s32 s10, $0x1;
	s10 =	sld [smem:$0x3F90];
	_ =	sdelay $0x3  }
0x34: {  	[smem:$0x3F90] =	sst s10  }
0x35: {  	s10 =	sld [smem:$0x3F8F];
	_ =	sdelay $0x3  }
0x36: {  	p1 =	seq.s32 s10, $0x1;
	s10 =	sld [smem:$0x3F90];
	_ =	sdelay $0x3  }
0x37: {  	[smem:$0x3F90] =	sst s10  }
0x38: {  	s10 =	sld [smem:$0x3F91]  }
0x39: {  	_ = 	snop;
	(pc) =	sbr.ind lr, $3  }
0x3a: {  	_ = 	snop  }
0x3b: {  	_ = 	snop  }
0x3c: {  	p2 =	seq.s32 s10, $0x1;
	s10 =	sld [smem:$0x3F90]  }
0x3d: {  	_ =	shalt  }
0x3e: {  	_ =	shalt  }
0x3f: {  	_ =	shalt  }
0x40: {  	_ =	shalt  }
0x41: {  	_ =	shalt  }
0x42: {  	_ =	shalt  }
0x43: {  	_ =	shalt  }
0x44: {  	_ =	shalt  }
0x45: {  	_ =	shalt  }
0x46: {  	_ =	shalt  }
0x47: {  	_ =	shalt  }
0x48: {  	_ =	shalt  }
0x49: {  	_ =	shalt  }
0x4a: {  	_ =	shalt  }
0x4b: {  	_ =	shalt  }
0x4c: {  	_ =	shalt  }
0x4d: {  	_ =	shalt  }
0x4e: {  	_ =	shalt  }
0x4f: {  	_ =	shalt  }
0x50: {  	_ =	shalt  }
0x51: {  	_ =	shalt  }
0x52: {  	_ =	shalt  }
0x53: {  	_ =	shalt  }
0x54: {  	_ =	shalt  }
0x55: {  	_ =	shalt  }
0x56: {  	_ =	shalt  }
0x57: {  	_ =	shalt  }
0x58: {  	_ =	shalt  }
0x59: {  	_ =	shalt  }
0x5a: {  	_ =	shalt  }
0x5b: {  	_ =	shalt  }
0x5c: {  	_ =	shalt  }
0x5d: {  	_ =	shalt  }
0x5e: {  	_ =	shalt  }
0x5f: {  	_ =	shalt  }
0x60: {  	_ =	shalt  }
0x61: {  	_ =	shalt  }
0x62: {  	_ =	shalt  }
0x63: {  	_ =	shalt  }
0x64: {  	_ =	shalt  }
0x65: {  	_ =	shalt  }
0x66: {  	_ =	shalt  }
0x67: {  	_ =	shalt  }
0x68: {  	_ =	shalt  }
0x69: {  	_ =	shalt  }
0x6a: {  	_ =	shalt  }
0x6b: {  	_ =	shalt  }
0x6c: {  	_ =	shalt  }
0x6d: {  	_ =	shalt  }
0x6e: {  	_ =	shalt  }
0x6f: {  	_ =	shalt  }
0x70: {  	_ =	shalt  }
0x71: {  	_ =	shalt  }
0x72: {  	_ =	shalt  }
0x73: {  	_ =	shalt  }
0x74: {  	_ =	shalt  }
0x75: {  	_ =	shalt  }
0x76: {  	_ =	shalt  }
0x77: {  	_ =	shalt  }
0x78: {  	_ =	shalt  }
0x79: {  	_ =	shalt  }
0x7a: {  	_ =	shalt  }
0x7b: {  	_ =	shalt  }
0x7c: {  	_ =	shalt  }
0x7d: {  	_ =	shalt  }
0x7e: {  	_ =	shalt  }
0x7f: {  	_ =	shalt  }
0x80: {  	_ =	shalt  }
0x81: {  	_ =	shalt  }
0x82: {  	_ =	shalt  }
0x83: {  	_ =	shalt  }
0x84: {  	_ =	shalt  }
0x85: {  	_ =	shalt  }
0x86: {  	_ =	shalt  }
0x87: {  	_ =	shalt  }
.Lfunc_end0:
.L_simem_size_0:
called_computation.2_lowered:
.L_overlay_start_0:
0x88: {  	s2 =	sld [smem:$0x3FD9]  }
0x89: {  	s3 =	sld [smem:$0x3FFE];
	_ =	sdelay $0x1  }
0x8a: {  	s1 =	srdreg.scid  }
0x8b: {  	s0 =	sand.u32 $0x1, s1  }
0x8c: {  	s17 =	sshll.u32 s0, $0xA;
	s2 =	sadd.s32 s3, s2  }
0x8d: {  	s2 =	sadd.s32 s2, s17  }
0x8e: {  	[smem:$0x3F9C] =	sst s2  }
0x8f: {  	_ = 	snop  }
0x90: {  	(tm) =	ssettm $0x1  }
0x91: {  	s18 =	sld [smem:$0x3FFB];
	_ =	sdelay $0x3  }
0x92: {  	_ =	strace s18  }
0x93: {  	s2 =	sld [smem:$0x3FFC];
	_ =	sdelay $0x3  }
0x94: {  	_ =	strace s2  }
0x95: {  	s2 =	sld [smem:$0x3FFD];
	_ =	sdelay $0x3  }
0x96: {  	_ =	strace s2  }
0x97: {  	_ =	strace $0x8FFFFFFF  }
0x98: {  	s19 =	sld [smem:$0x3FDB];
	_ =	sdelay $0x1  }
0x99: {  	s20 =	simm.s32 $_scs_section_size  }
0x9a: {  	s4 =	simm.s32 $_size__tile_overlayer_lowered;
	s5 =	simm.s32 $_tile_overlayer_lowered  }
0x9b: {  	s6 =	simm.s32 $0x1BFF;
	s21 =	sshll.u32 s5, $0x1;
	s3 =	sadd.s32 s20, s19  }
0x9c: {  	s22 =	simm.s32 $0x0;
	s4 =	sshll.u32 s4, $0x1;
	s5 =	sadd.s32 s21, s3  }
0x9d: {  	[timem:s22], [sflag:s6] =	dma.local [hbm:s5], s4  }
0x9e: {  	_ =	swait.ge [sflag:s6], s4  }
0x9f: {  	s4 =	ssub.s32 $0x0, s4;
	[sflag:s6] =	ssyncset.done $0x0  }
0xa0: {  	[sflag:s6] =	ssyncadd.s32 s4;
	_ =	sdelay $0x1  }
0xa1: {  	s23 =	simm.s32 $0x1B8B  }
0xa2: {  	_ =	swait.ge [sflag:s23], $0x1  }
0xa3: {  	[sflag:s23] =	ssyncset.done $0x0  }
0xa4: {  	[sflag:s23] =	ssyncadd.s32 $0xFFFFFFFF  }
0xa5: {  	s4 =	sld [smem:$0x0]  }
0xa6: {  	s5 =	sand.u32 $0xFFFFFFFE, s1  }
0xa7: {  	p0 =	sne.s32 s1, s5  }
0xa8: {  	s5 =	sshll.u32 @p0 s5, $0xE  }
0xa9: {  	s5 =	sadd.s32 @p0 $0x11B8D, s5;
	s6 =	sshll.u32 @p0 s4, $0x11  }
0xaa: {  	s5 =	sor.u32 @p0 s6, s5  }
0xab: {  	[sflag:s5] =	ssyncadd.remote.s32 @p0 $0x1;
	_ =	sdelay $0x1  }
0xac: {  	s5 =	simm.s32 @p0 $0x1B8D  }
0xad: {  	_ =	swait.eq @p0 [sflag:s5], $0x1  }
0xae: {  	[sflag:s5] =	ssyncadd.s32 @p0 $0xFFFFFFFF  }
0xaf: {  	s6 =	sshll.u32 @!p0 s1, $0xE  }
0xb0: {  	s6 =	sor.u32 @!p0 $0x4000, s6;
	s5 =	simm.s32 @!p0 $0x1B8D  }
0xb1: {  	s4 =	sshll.u32 @!p0 s4, $0x11;
	s6 =	sadd.s32 @!p0 $0x11B8D, s6;
	_ =	swait.eq @!p0 [sflag:s5], $0x1  }
0xb2: {  	s4 =	sor.u32 @!p0 s4, s6;
	[sflag:s5] =	ssyncadd.s32 @!p0 $0xFFFFFFFF  }
0xb3: {  	s25 =	simm.s32 $0x1B8E;
	s24 =	sld [smem:$0x3FFE];
	[sflag:s4] =	ssyncadd.remote.s32 @!p0 $0x1  }
0xb4: {  	s26 =	simm.s32 $execute0_lowered;
	[smem:$0x3FD2] =	sst s25  }
0xb5: {  	s5 =	sshll.u32 s26, $0x1;
	_ =	strace $0x8000004C;
	[dreg:$0x1] =	wrdreg $0xFFFFFFFF  }
0xb6: {  	s28 =	simm.s32 $_size_execute0_lowered;
	s3 =	sadd.s32 s3, s5;
	[dreg:$0x0] =	wrdreg $0x0  }
0xb7: {  	s5 =	sshll.u32 s28, $0x1;
	[dreg:$0x2] =	wrdreg s3  }
0xb8: {  	[dreg:$0x3] =	wrdreg s5  }
0xb9: {  	[dreg:$0x4] =	wrdreg $0xC0  }
0xba: {  	_ =	task [dreg:s22], $0x5FFFF  }
0xbb: {  	[dreg:$0x1] =	wrdreg $0xFFFFFFFF  }
0xbc: {  	[dreg:$0x0] =	wrdreg $0x60  }
0xbd: {  	[dreg:$0x2] =	wrdreg s24  }
0xbe: {  	[dreg:$0x3] =	wrdreg $0x77100  }
0xbf: {  	[dreg:$0x4] =	wrdreg $0xA  }
0xc0: {  	_ =	task.clear_ibuf [dreg:s22], $0x5FFFF;
	_ =	strace $0x9000004C  }
0xc1: {  	s29 =	simm.s32 $0xA;
	_ =	strace $0x8000004E  }
0xc2: {  	_ =	swait.ge [sflag:s29], $0x1  }
0xc3: {  	[sflag:s29] =	ssyncadd.s32 $0xFFFFFFFF  }
0xc4: {  	_ =	strace $0x9000004E  }
0xc5: {  	_ =	sfence  }
0xc6: {  	s30 =	sld [smem:$0x0];
	_ =	sdelay $0x2  }
0xc7: {  	s31 =	sshll.u32 s1, $0xD;
	s1 =	sshrl.u32 s1, $0x2  }
0xc8: {  	s4 =	sand.u32 $0x4000, s31;
	s1 =	sadd.s32 s1, s30  }
0xc9: {  	s0 =	sor.u32 s4, s0;
	s1 =	sshll.u32 s1, $0x11  }
0xca: {  	s0 =	sor.u32 s1, s0  }
0xcb: {  	s0 =	sadd.s32 $0x8F2B, s0  }
0xcc: {  	[sflag:s0] =	ssyncadd.remote.s32 $0x1  }
0xcd: {  	_ =	sfence.sel $0xFFFF  }
0xce: {  	[dreg:$0x0] =	wrdreg $0xFFFFFFFF;
	(pc) =	sbr.abs _section_cstart, $3  }
0xcf: {  	[dreg:$0x1] =	wrdreg $0xFFFFFFFF  }
0xd0: {  	_ =	task.clear_ibuf [dreg:s22], $0x2FFFF;
	_ =	strace $0x9FFFFFFF  }
0xd1: {  	(tm) =	ssettm $0x7FFFFFFF  }
tec
execute0_lowered:
.L_overlay_start_1:
0x0: {  	(tag) =	ssettag $0x1  }
0x1: {  	s0 =	srdreg.scid;
	s1 =	rddreg [dreg:$0x0]  }
0x2: {  	s13 =	stileid.u32;
	s2 =	rddreg [dreg:$0x1]  }
0x3: {  	s16 =	simm.s32 $0x2710;
	s17 =	simm.s32 $0x4F10;
	s18 =	simm.s32 $0x1  }
0x4: {  	s19 =	simm.s32 $0x28;
	s20 =	simm.s32 $0x3B10;
	s21 =	simm.s32 $0x3  }
0x5: {  	s22 =	simm.s32 $0x2;
	s23 =	simm.s32 $0x6310;
	s29 =	simm.s32 $0x26C0  }
0x6: {  	s30 =	simm.s32 $0x26E8;
	s31 =	simm.s32 $0x0;
	s6 =	smul.u32 $0x14000, s13  }
0x7: {  	s0 =	sand.u32 $0x1, s0;
	s11 =	sadd.s32 $0x51D200, s1;
	s25 =	smul.u32 $0x2710, s13  }
0x8: {  	s28 =	sshll.u32 s13, $0x6;
	s3 =	sshll.u32 s0, $0x4;
	s7 =	smul.u32 $0x140000, s0  }
0x9: {  	s10 =	ssub.s32 $0x2, s0;
	s0 =	smul.u32 $0x27100, s0;
	s14 =	sor.u32 $0x1C04, s28  }
0xa: {  	s4 =	sor.u32 s13, s3;
	s3 =	simm.s32 $0x0;
	s8 =	sshrl.u32 s6, $0x3  }
0xb: {  	s24 =	sshrl.u32 s10, $0x1;
	s15 =	sadd.s32 s6, s2;
	s5 =	smul.u32 $0x2710, s4  }
0xc: {  	s13 =	simm.s32 $0x4;
	[smem:$0x7FF] =	sst s3;
	s9 =	smul.u32 $0x27100, s4  }
0xd: {  	s8 =	sadd.s32 s8, s1;
	s7 =	sadd.s32 s6, s7;
	s12 =	smul.u32 $0x138800, s4  }
0xe: {  	s10 =	ssub.s32 s10, s24;
	s0 =	sadd.s32 s25, s0;
	s15 =	sshrl.u32 s15, $0x3  }
0xf: {  	_ =	strace $0x8000004D;
	s7 =	sshrl.u32 s7, $0x3;
	s0 =	sshll.u32 s0, $0x4  }
0x10: {  	s5 =	sshrl.u32 s5, $0x3;
	s26 =	sshrl.u32 s12, $0x3;
	s6 =	sadd.s32 s11, s9  }
0x11: {  	s9 =	smax.u32 s10, $0x1;
	s0 =	sadd.s32 s11, s0;
	s5 =	sadd.s32 s5, s1  }
0x12: {  	s1 =	sadd.s32 s7, s1;
	s10 =	sadd.s32 $0x26C00, s6;
	s25 =	sadd.s32 $0xF00, s0  }
0x13: {  	s4 =	sadd.s32 $0x31400, s5;
	s5 =	sadd.s32 $0xA26400, s8;
	s8 =	sadd.s32 s11, s26  }
0x14: {  	s12 =	sadd.s32 $0xA00, s0;
	s7 =	sadd.s32 $0x500, s8;
	s8 =	sadd.s32 $0xA4E400, s1  }
.LBB2_1:
0x15: {  	[tilespmem:s3], [sflag:$0x4] =	stream.linear.gather [hbm4b:s4+s3], $0x2710, $0x38;
	[tilespmem:$0x1B710] =	vst v63  }
0x16: {  	_ =	swait.ge [sflag:s13], $0x2710  }
0x17: {  	[sflag:s13] =	ssyncset.done $0x0  }
0x18: {  	[sflag:s13] =	ssyncadd.s32 $0xFFFFD8F0  }
0x19: {  	[spmem:s15], [sflag:s14] =	dma.local [hbm:s5], $0x2800  }
0x1a: {  	_ =	swait.ge [sflag:s13], $0x2800  }
0x1b: {  	[sflag:s13] =	ssyncset.done $0x0  }
0x1c: {  	[sflag:s13] =	ssyncadd.s32 $0xFFFFD800  }
0x1d: {  	[bflag:$0x0] =	sbarrier.arrive $0xFFFF  }
0x1e: {  	[tilespmem:s16], [sflag:$0x1] =	stream.linear.gather [hbm4b:s6+s3], $0x2800, $0x38;
	[tilespmem:$0x1B710] =	vst v63  }
0x1f: {  	_ = 	snop  }
0x20: {  	[tilespmem:s17], [sflag:$0x2] =	stream.linear.gather [hbm4b:s7+s3], $0x2800, $0x38;
	[tilespmem:$0x1B710] =	vst v63  }
0x21: {  	_ =	swait.ge [sflag:s18], $0x2800  }
0x22: {  	[sflag:s18] =	ssyncset.done $0x0  }
0x23: {  	s0 =	simm.s32 $0x0;
	[sflag:s18] =	ssyncadd.s32 $0xFFFFD800  }
0x24: {  	[spmem:s2] =	stream.indirect.scatter.add.f32 [tilespmem:s16], [sflag:$0x3], $0x80, s0, s19, $0xb8;
	[tilespmem:$0x1B710] =	vst v63  }
0x25: {  	s24 =	simm.s32 $0x28  }
0x26: {  	[spmem:s2] =	stream.indirect.scatter.add.f32 [tilespmem:s20], [sflag:$0x3], $0x80, s24, s19, $0xb8;
	[tilespmem:$0x1B710] =	vst v63  }
0x27: {  	_ =	swait.ge [sflag:s21], $0x1400  }
0x28: {  	[sflag:s21] =	ssyncset.done $0x0  }
0x29: {  	[sflag:s21] =	ssyncadd.s32 $0xFFFFEC00  }
0x2a: {  	_ =	swait.ge [sflag:s21], $0x1400  }
0x2b: {  	[sflag:s21] =	ssyncset.done $0x0  }
0x2c: {  	[sflag:s21] =	ssyncadd.s32 $0xFFFFEC00  }
0x2d: {  	[tilespmem:s16], [sflag:$0x1] =	stream.linear.gather [hbm4b:s12+s3], $0x2800, $0x38;
	[tilespmem:$0x1B710] =	vst v63  }
0x2e: {  	_ =	swait.ge [sflag:s22], $0x2800  }
0x2f: {  	[sflag:s22] =	ssyncset.done $0x0  }
0x30: {  	s26 =	simm.s32 $0x50;
	[sflag:s22] =	ssyncadd.s32 $0xFFFFD800  }
0x31: {  	[spmem:s2] =	stream.indirect.scatter.add.f32 [tilespmem:s17], [sflag:$0x3], $0x80, s26, s19, $0xb8;
	[tilespmem:$0x1B710] =	vst v63  }
0x32: {  	s28 =	simm.s32 $0x78  }
0x33: {  	[spmem:s2] =	stream.indirect.scatter.add.f32 [tilespmem:s23], [sflag:$0x3], $0x80, s28, s19, $0xb8;
	[tilespmem:$0x1B710] =	vst v63  }
0x34: {  	_ =	swait.ge [sflag:s21], $0x1400  }
0x35: {  	[sflag:s21] =	ssyncset.done $0x0  }
0x36: {  	[sflag:s21] =	ssyncadd.s32 $0xFFFFEC00  }
0x37: {  	_ =	swait.ge [sflag:s21], $0x1400  }
0x38: {  	s1 =	simm.s32 $0x280;
	s11 =	smov.u32 s25;
	[sflag:s21] =	ssyncset.done $0x0  }
0x39: {  	s0 =	sadd.s32 $0xA00, s25;
	s24 =	sadd.s32 $0xA00, s12;
	[sflag:s21] =	ssyncadd.s32 $0xFFFFEC00  }
.LBB2_2:
0x3a: {  	[tilespmem:s17], [sflag:$0x2] =	stream.linear.gather [hbm4b:s11+s3], $0x2800, $0x38;
	[tilespmem:$0x1B710] =	vst v63  }
0x3b: {  	s26 =	smov.u32 s1;
	s11 =	smov.u32 s0  }
0x3c: {  	p0 =	sne.s32 s1, $0x9600;
	s1 =	sadd.s32 $0x280, s1;
	_ =	swait.ge [sflag:s18], $0x2800  }
0x3d: {  	[sflag:s18] =	ssyncset.done $0x0  }
0x3e: {  	s26 =	sshra.s32 s26, $0x2;
	[sflag:s18] =	ssyncadd.s32 $0xFFFFD800  }
0x3f: {  	[spmem:s2] =	stream.indirect.scatter.add.f32 [tilespmem:s16], [sflag:$0x3], $0x80, s26, s19, $0xb8;
	[tilespmem:$0x1B710] =	vst v63  }
0x40: {  	s28 =	sadd.s32 $0x28, s26  }
0x41: {  	[spmem:s2] =	stream.indirect.scatter.add.f32 [tilespmem:s20], [sflag:$0x3], $0x80, s28, s19, $0xb8;
	[tilespmem:$0x1B710] =	vst v63  }
0x42: {  	_ =	swait.ge [sflag:s21], $0x1400  }
0x43: {  	[sflag:s21] =	ssyncset.done $0x0  }
0x44: {  	[sflag:s21] =	ssyncadd.s32 $0xFFFFEC00  }
0x45: {  	_ =	swait.ge [sflag:s21], $0x1400  }
0x46: {  	[sflag:s21] =	ssyncset.done $0x0  }
0x47: {  	[sflag:s21] =	ssyncadd.s32 $0xFFFFEC00  }
0x48: {  	[tilespmem:s16], [sflag:$0x1] =	stream.linear.gather [hbm4b:s24+s3], $0x2800, $0x38;
	[tilespmem:$0x1B710] =	vst v63  }
0x49: {  	_ =	swait.ge [sflag:s22], $0x2800  }
0x4a: {  	[sflag:s22] =	ssyncset.done $0x0  }
0x4b: {  	s28 =	sadd.s32 $0x50, s26;
	[sflag:s22] =	ssyncadd.s32 $0xFFFFD800  }
0x4c: {  	[spmem:s2] =	stream.indirect.scatter.add.f32 [tilespmem:s17], [sflag:$0x3], $0x80, s28, s19, $0xb8;
	[tilespmem:$0x1B710] =	vst v63  }
0x4d: {  	s26 =	sadd.s32 $0x78, s26  }
0x4e: {  	[spmem:s2] =	stream.indirect.scatter.add.f32 [tilespmem:s23], [sflag:$0x3], $0x80, s26, s19, $0xb8;
	[tilespmem:$0x1B710] =	vst v63  }
0x4f: {  	_ =	swait.ge [sflag:s21], $0x1400  }
.Ltmp0:
0x50: {  	[sflag:s21] =	ssyncset.done $0x0;
	(pc) =	sbr.rel @p0 .LBB2_2-.Ltmp0, $4  }
0x51: {  	[sflag:s21] =	ssyncadd.s32 $0xFFFFEC00  }
0x52: {  	_ =	swait.ge [sflag:s21], $0x1400  }
0x53: {  	[sflag:s21] =	ssyncset.done $0x0  }
0x54: {  	s0 =	sadd.s32 $0xA00, s0;
	s24 =	sadd.s32 $0xA00, s24;
	[sflag:s21] =	ssyncadd.s32 $0xFFFFEC00  }
0x55: {  	[tilespmem:s17], [sflag:$0x2] =	stream.linear.gather [hbm4b:s11+s3], $0x2800, $0x38;
	[tilespmem:$0x1B710] =	vst v63  }
0x56: {  	_ =	swait.ge [sflag:s18], $0x2800  }
0x57: {  	[sflag:s18] =	ssyncset.done $0x0  }
0x58: {  	s0 =	simm.s32 $0x2620;
	[sflag:s18] =	ssyncadd.s32 $0xFFFFD800  }
0x59: {  	[spmem:s2] =	stream.indirect.scatter.add.f32 [tilespmem:s16], [sflag:$0x3], $0x80, s0, s19, $0xb8;
	[tilespmem:$0x1B710] =	vst v63  }
0x5a: {  	s24 =	simm.s32 $0x2648  }
0x5b: {  	[spmem:s2] =	stream.indirect.scatter.add.f32 [tilespmem:s20], [sflag:$0x3], $0x80, s24, s19, $0xb8;
	[tilespmem:$0x1B710] =	vst v63  }
0x5c: {  	_ =	swait.ge [sflag:s21], $0x1400  }
0x5d: {  	[sflag:s21] =	ssyncset.done $0x0  }
0x5e: {  	[sflag:s21] =	ssyncadd.s32 $0xFFFFEC00  }
0x5f: {  	_ =	swait.ge [sflag:s21], $0x1400  }
0x60: {  	[sflag:s21] =	ssyncset.done $0x0  }
0x61: {  	[sflag:s21] =	ssyncadd.s32 $0xFFFFEC00  }
0x62: {  	[tilespmem:s16], [sflag:$0x1] =	stream.linear.gather [hbm4b:s10+s3], $0x2800, $0x38;
	[tilespmem:$0x1B710] =	vst v63  }
0x63: {  	_ =	swait.ge [sflag:s22], $0x2800  }
0x64: {  	[sflag:s22] =	ssyncset.done $0x0  }
0x65: {  	s26 =	simm.s32 $0x2670;
	[sflag:s22] =	ssyncadd.s32 $0xFFFFD800  }
0x66: {  	[spmem:s2] =	stream.indirect.scatter.add.f32 [tilespmem:s17], [sflag:$0x3], $0x80, s26, s19, $0xb8;
	[tilespmem:$0x1B710] =	vst v63  }
0x67: {  	s28 =	simm.s32 $0x2698  }
0x68: {  	[spmem:s2] =	stream.indirect.scatter.add.f32 [tilespmem:s23], [sflag:$0x3], $0x80, s28, s19, $0xb8;
	[tilespmem:$0x1B710] =	vst v63  }
0x69: {  	_ =	swait.ge [sflag:s21], $0x1400  }
0x6a: {  	[sflag:s21] =	ssyncset.done $0x0  }
0x6b: {  	[sflag:s21] =	ssyncadd.s32 $0xFFFFEC00  }
0x6c: {  	_ =	swait.ge [sflag:s21], $0x1400  }
0x6d: {  	[sflag:s21] =	ssyncset.done $0x0  }
0x6e: {  	[sflag:s21] =	ssyncadd.s32 $0xFFFFEC00  }
0x6f: {  	_ =	swait.ge [sflag:s18], $0x2800  }
0x70: {  	[sflag:s18] =	ssyncset.done $0x0  }
0x71: {  	[sflag:s18] =	ssyncadd.s32 $0xFFFFD800  }
0x72: {  	[spmem:s2] =	stream.indirect.scatter.add.f32 [tilespmem:s16], [sflag:$0x3], $0x80, s29, s19, $0xb8;
	[tilespmem:$0x1B710] =	vst v63  }
0x73: {  	_ = 	snop  }
0x74: {  	[spmem:s2] =	stream.indirect.scatter.add.f32 [tilespmem:s20], [sflag:$0x3], $0x80, s30, s19, $0xb8;
	[tilespmem:$0x1B710] =	vst v63  }
0x75: {  	_ =	swait.ge [sflag:s21], $0x1400  }
0x76: {  	[sflag:s21] =	ssyncset.done $0x0  }
0x77: {  	[sflag:s21] =	ssyncadd.s32 $0xFFFFEC00  }
0x78: {  	_ =	swait.ge [sflag:s21], $0x1400  }
0x79: {  	s31 =	sadd.s32 $0x1, s31;
	[sflag:s21] =	ssyncset.done $0x0  }
0x7a: {  	p0 =	sne.s32 s31, s9;
	[sflag:s21] =	ssyncadd.s32 $0xFFFFEC00  }
.Ltmp1:
0x7b: {  	[bflag:$0x0] =	sbarrier.arrive $0xFFFF;
	(pc) =	sbr.rel @p0 .LBB2_1-.Ltmp1, $4  }
0x7c: {  	[hbm:s8], [sflag:s14] =	dma.local [spmem:s15], $0x2800  }
0x7d: {  	_ =	swait.ge [sflag:s13], $0x2800  }
0x7e: {  	[sflag:s13] =	ssyncset.done $0x0  }
0x7f: {  	[sflag:s13] =	ssyncadd.s32 $0xFFFFD800  }
0x80: {  	_ =	sfence.sel $0x180000  }
0x81: {  	[bflag:$0x0] =	sbarrier.arrive $0xFFFF  }
0x82: {  	_ =	strace $0x9000004D  }
0x83: {  	s0 =	stileid.u32;
	[bflag:$0x2] =	sbarrier.arrive $0xFFFF  }
0x84: {  	p0 =	sne.s32 s0, $0x0;
	s0 =	rddreg [dreg:$0x2]  }
0x85: {  	s0 =	sadd.s32 @!p0 $0x100000, s0  }
0x86: {  	[sflag:s0] =	ssyncadd.tile.s32 @!p0 $0x1;
	_ =	shalt  }
.Lfunc_end2:
_tile_overlayer_lowered:
.L_overlay_start_2:
0x87: {  	(tag) =	ssettag $0x2  }
0x88: {  	s0 =	rddreg [dreg:$0x0];
	s2 =	stileid.u32  }
0x89: {  	s1 =	rddreg [dreg:$0x1];
	p0 =	sne.s32 s2, $0x0  }
0x8a: {  	s3 =	rddreg [dreg:$0x2];
	[bflag:$0x3] =	sbarrier.arrive $0xFFFF;
	s2 =	simm.s32 @!p0 $0x1C04  }
0x8b: {  	[timem:s3], [sflag:s2] =	dma.local @!p0 [hbm:s0], s1  }
0x8c: {  	s0 =	simm.s32 @!p0 $0x4  }
0x8d: {  	_ =	swait.ge @!p0 [sflag:s0], s1  }
0x8e: {  	s1 =	ssub.s32 @!p0 $0x0, s1;
	[sflag:s0] =	ssyncset.done @!p0 $0x0  }
0x8f: {  	[sflag:s0] =	ssyncadd.s32 @!p0 s1  }
0x90: {  	[bflag:$0x3] =	sbarrier.arrive $0xFFFF  }
0x91: {  	_ =	shalt  }

// kernel: kernel.33.cloned.1.call-start
scs
__scs_entry_jumppad:
0x0: {  	(pc) =	sbr.rel $0x88, $3  }
0x1: {  	(tag) =	ssettag $0x0;
	lr =	simm.s32 $0x1  }
0x2: {  	[smem:$0x3F75] =	sst lr;
	_ =	strace $0xD0000000  }
0x3: {  	_ = 	snop  }
0x4: {  	_ = 	snop  }
0x5: {  	_ = 	snop  }
0x6: {  	_ = 	snop  }
0x7: {  	_ = 	snop  }
__scs_overlays_trampoline_lowered:
0x8: {  	[smem:$0x3F84] =	sst s0  }
0x9: {  	[smem:$0x3F85] =	sst s1  }
0xa: {  	[smem:$0x3F86] =	sst s2  }
0xb: {  	[smem:$0x3F87] =	sst s3  }
0xc: {  	[smem:$0x3F88] =	sst s4  }
0xd: {  	[smem:$0x3F89] =	sst s5  }
0xe: {  	[smem:$0x3F8A] =	sst s6  }
0xf: {  	[smem:$0x3F8B] =	sst s7  }
0x10: {  	[smem:$0x3F8C] =	sst s8  }
0x11: {  	[smem:$0x3F8D] =	sst s9;
	s0 =	simm.s32 @!p0 $0x0  }
0x12: {  	s1 =	sld [smem:$0x3F73];
	s0 =	simm.s32 @p0 $0x1  }
0x13: {  	[smem:$0x3F8E] =	sst s0;
	s0 =	simm.s32 @!p1 $0x0  }
0x14: {  	s2 =	sld [smem:$0x3F72];
	s0 =	simm.s32 @p1 $0x1  }
0x15: {  	[smem:$0x3F8F] =	sst s0;
	s0 =	simm.s32 @!p2 $0x0  }
0x16: {  	s3 =	sld [smem:$0x3FDB];
	s0 =	simm.s32 @p2 $0x1  }
0x17: {  	s4 =	simm.s32 $0x1BF5;
	[smem:$0x3F91] =	sst s0  }
0x18: {  	s0 =	sld [smem:$0x3F74];
	_ =	swait.ge [sflag:s4], $0x0  }
0x19: {  	s7 =	sld [smem:$0x3F75]  }
0x1a: {  	s8 =	sadd.s32 $0xFFFFE003, lr  }
0x1b: {  	s9 =	sadd.s32 $0xFFFFFEF7, lr;
	s5 =	simm.s32 $0xFFFFFFFF;
	p2 =	slt.u32 s8, $0xFFFFF086  }
0x1c: {  	p1 =	slt.u32 s9, $0xF7A;
	s5 =	simm.s32 @!p2 $0x0  }
0x1d: {  	s5 =	simm.s32 @p1 $0x1;
	p0 =	seq.s32 s7, s2  }
0x1e: {  	s7 =	smul.u32 @!p0 $0xF7A, s2;
	p2 =	seq.s32 @!p0 s5, $0x0  }
0x1f: {  	s9 =	smul.u32 $0xF7A, s1;
	s8 =	simm.s32 @!p0 $0x1BF5;
	p2 =	por !p2, p0  }
0x20: {  	[sflag:s8] =	ssyncset.s32 @!p0 $0xFFFFF086;
	s6 =	sadd.s32 @!p0 s3, s7;
	s7 =	simm.s32 @!p0 $0x108  }
0x21: {  	s3 =	sadd.s32 s3, s9;
	s6 =	sadd.s32 @!p0 $0x88, s6;
	s7 =	simm.s32 @p2 $0x1082  }
0x22: {  	[simem:s7], [sflag:s8] =	dma.local @!p0 [hbm:s6], $0xF7A  }
0x23: {  	s9 =	sor.u32 $0xD0000000, s2;
	s6 =	simm.s32 $0x108;
	_ =	swait.ge @!p0 [sflag:s8], $0x0  }
0x24: {  	s3 =	sadd.s32 $0x88, s3;
	s6 =	simm.s32 @!p1 $0x1082;
	[sflag:s4] =	ssyncset.s32 $0xFFFFF086  }
0x25: {  	[simem:s6], [sflag:s4] =	dma.local [hbm:s3], $0xF7A  }
0x26: {  	[smem:$0x3F75] =	sst s1;
	(tag) =	ssettag s2;
	_ =	strace s9  }
0x27: {  	s1 =	sld [smem:$0x3F85]  }
0x28: {  	s2 =	sld [smem:$0x3F86]  }
0x29: {  	s4 =	sld [smem:$0x3F88]  }
0x2a: {  	p0 =	seq.s32 s5, $0x0;
	s5 =	sld [smem:$0x3F89]  }
0x2b: {  	s6 =	sld [smem:$0x3F8A]  }
0x2c: {  	s7 =	sld [smem:$0x3F8B]  }
0x2d: {  	s3 =	simm.s32 $0x108;
	s8 =	sld [smem:$0x3F8C]  }
0x2e: {  	s3 =	simm.s32 @!p0 $0x1082;
	s9 =	sld [smem:$0x3F8D]  }
0x2f: {  	lr =	sadd.s32 s0, s3;
	s0 =	sld [smem:$0x3F84]  }
0x30: {  	s3 =	sld [smem:$0x3F87]  }
0x31: {  	[smem:$0x3F90] =	sst s10  }
0x32: {  	s10 =	sld [smem:$0x3F8E];
	_ =	sdelay $0x3  }
0x33: {  	p0 =	seq.s32 s10, $0x1;
	s10 =	sld [smem:$0x3F90];
	_ =	sdelay $0x3  }
0x34: {  	[smem:$0x3F90] =	sst s10  }
0x35: {  	s10 =	sld [smem:$0x3F8F];
	_ =	sdelay $0x3  }
0x36: {  	p1 =	seq.s32 s10, $0x1;
	s10 =	sld [smem:$0x3F90];
	_ =	sdelay $0x3  }
0x37: {  	[smem:$0x3F90] =	sst s10  }
0x38: {  	s10 =	sld [smem:$0x3F91]  }
0x39: {  	_ = 	snop;
	(pc) =	sbr.ind lr, $3  }
0x3a: {  	_ = 	snop  }
0x3b: {  	_ = 	snop  }
0x3c: {  	p2 =	seq.s32 s10, $0x1;
	s10 =	sld [smem:$0x3F90]  }
0x3d: {  	_ =	shalt  }
0x3e: {  	_ =	shalt  }
0x3f: {  	_ =	shalt  }
0x40: {  	_ =	shalt  }
0x41: {  	_ =	shalt  }
0x42: {  	_ =	shalt  }
0x43: {  	_ =	shalt  }
0x44: {  	_ =	shalt  }
0x45: {  	_ =	shalt  }
0x46: {  	_ =	shalt  }
0x47: {  	_ =	shalt  }
0x48: {  	_ =	shalt  }
0x49: {  	_ =	shalt  }
0x4a: {  	_ =	shalt  }
0x4b: {  	_ =	shalt  }
0x4c: {  	_ =	shalt  }
0x4d: {  	_ =	shalt  }
0x4e: {  	_ =	shalt  }
0x4f: {  	_ =	shalt  }
0x50: {  	_ =	shalt  }
0x51: {  	_ =	shalt  }
0x52: {  	_ =	shalt  }
0x53: {  	_ =	shalt  }
0x54: {  	_ =	shalt  }
0x55: {  	_ =	shalt  }
0x56: {  	_ =	shalt  }
0x57: {  	_ =	shalt  }
0x58: {  	_ =	shalt  }
0x59: {  	_ =	shalt  }
0x5a: {  	_ =	shalt  }
0x5b: {  	_ =	shalt  }
0x5c: {  	_ =	shalt  }
0x5d: {  	_ =	shalt  }
0x5e: {  	_ =	shalt  }
0x5f: {  	_ =	shalt  }
0x60: {  	_ =	shalt  }
0x61: {  	_ =	shalt  }
0x62: {  	_ =	shalt  }
0x63: {  	_ =	shalt  }
0x64: {  	_ =	shalt  }
0x65: {  	_ =	shalt  }
0x66: {  	_ =	shalt  }
0x67: {  	_ =	shalt  }
0x68: {  	_ =	shalt  }
0x69: {  	_ =	shalt  }
0x6a: {  	_ =	shalt  }
0x6b: {  	_ =	shalt  }
0x6c: {  	_ =	shalt  }
0x6d: {  	_ =	shalt  }
0x6e: {  	_ =	shalt  }
0x6f: {  	_ =	shalt  }
0x70: {  	_ =	shalt  }
0x71: {  	_ =	shalt  }
0x72: {  	_ =	shalt  }
0x73: {  	_ =	shalt  }
0x74: {  	_ =	shalt  }
0x75: {  	_ =	shalt  }
0x76: {  	_ =	shalt  }
0x77: {  	_ =	shalt  }
0x78: {  	_ =	shalt  }
0x79: {  	_ =	shalt  }
0x7a: {  	_ =	shalt  }
0x7b: {  	_ =	shalt  }
0x7c: {  	_ =	shalt  }
0x7d: {  	_ =	shalt  }
0x7e: {  	_ =	shalt  }
0x7f: {  	_ =	shalt  }
0x80: {  	_ =	shalt  }
0x81: {  	_ =	shalt  }
0x82: {  	_ =	shalt  }
0x83: {  	_ =	shalt  }
0x84: {  	_ =	shalt  }
0x85: {  	_ =	shalt  }
0x86: {  	_ =	shalt  }
0x87: {  	_ =	shalt  }
.Lfunc_end0:
.L_simem_size_0:
called_computation.3_lowered:
.L_overlay_start_0:
0x88: {  	s2 =	sld [smem:$0x3FD9]  }
0x89: {  	s3 =	sld [smem:$0x3FFE];
	_ =	sdelay $0x1  }
0x8a: {  	s1 =	srdreg.scid  }
0x8b: {  	s0 =	sand.u32 $0x1, s1  }
0x8c: {  	s16 =	sshll.u32 s0, $0xA;
	s2 =	sadd.s32 s3, s2  }
0x8d: {  	s2 =	sadd.s32 s2, s16  }
0x8e: {  	[smem:$0x3F9C] =	sst s2  }
0x8f: {  	_ = 	snop  }
0x90: {  	(tm) =	ssettm $0x1  }
0x91: {  	s17 =	sld [smem:$0x3FFB];
	_ =	sdelay $0x3  }
0x92: {  	_ =	strace s17  }
0x93: {  	s2 =	sld [smem:$0x3FFC];
	_ =	sdelay $0x3  }
0x94: {  	_ =	strace s2  }
0x95: {  	s2 =	sld [smem:$0x3FFD];
	_ =	sdelay $0x3  }
0x96: {  	_ =	strace s2  }
0x97: {  	_ =	strace $0x8FFFFFFF  }
0x98: {  	s18 =	sld [smem:$0x3FDB];
	_ =	sdelay $0x1  }
0x99: {  	s19 =	simm.s32 $_scs_section_size  }
0x9a: {  	s4 =	simm.s32 $_size__tile_overlayer_lowered;
	s5 =	simm.s32 $_tile_overlayer_lowered  }
0x9b: {  	s22 =	simm.s32 $0x1BFF;
	s21 =	sshll.u32 s5, $0x1;
	s2 =	sadd.s32 s19, s18  }
0x9c: {  	s6 =	simm.s32 $0x0;
	s20 =	sshll.u32 s4, $0x1;
	s4 =	sadd.s32 s21, s2  }
0x9d: {  	[timem:s6], [sflag:s22] =	dma.local [hbm:s4], s20  }
0x9e: {  	_ =	swait.ge [sflag:s22], s20  }
0x9f: {  	s3 =	ssub.s32 $0x0, s20;
	[sflag:s22] =	ssyncset.done $0x0  }
0xa0: {  	[sflag:s22] =	ssyncadd.s32 s3;
	_ =	sdelay $0x1  }
0xa1: {  	s23 =	simm.s32 $0x1B8B  }
0xa2: {  	_ =	swait.ge [sflag:s23], $0x1  }
0xa3: {  	[sflag:s23] =	ssyncset.done $0x0  }
0xa4: {  	s25 =	simm.s32 $0x1B8E;
	s24 =	sld [smem:$0x3FFE];
	[sflag:s23] =	ssyncadd.s32 $0xFFFFFFFF  }
0xa5: {  	s26 =	simm.s32 $execute0_lowered;
	[smem:$0x3FD2] =	sst s25  }
0xa6: {  	s4 =	sshll.u32 s26, $0x1;
	_ =	strace $0x8000004F;
	[dreg:$0x1] =	wrdreg $0xFFFFFFFF  }
0xa7: {  	s28 =	simm.s32 $_size_execute0_lowered;
	s2 =	sadd.s32 s2, s4;
	[dreg:$0x0] =	wrdreg $0x0  }
0xa8: {  	s4 =	sshll.u32 s28, $0x1;
	[dreg:$0x2] =	wrdreg s2  }
0xa9: {  	[dreg:$0x3] =	wrdreg s4  }
0xaa: {  	[dreg:$0x4] =	wrdreg $0xC0  }
0xab: {  	_ =	task [dreg:s6], $0x5FFFF  }
0xac: {  	[dreg:$0x1] =	wrdreg $0xFFFFFFFF  }
0xad: {  	[dreg:$0x0] =	wrdreg $0x60  }
0xae: {  	[dreg:$0x2] =	wrdreg s24  }
0xaf: {  	[dreg:$0x3] =	wrdreg $0x77100  }
0xb0: {  	[dreg:$0x4] =	wrdreg $0x9  }
0xb1: {  	_ =	task.clear_ibuf [dreg:s6], $0x5FFFF;
	_ =	strace $0x9000004F  }
0xb2: {  	s29 =	simm.s32 $0x9;
	_ =	strace $0x80000051  }
0xb3: {  	_ =	swait.ge [sflag:s29], $0x1  }
0xb4: {  	[sflag:s29] =	ssyncadd.s32 $0xFFFFFFFF  }
0xb5: {  	_ =	strace $0x90000051  }
0xb6: {  	_ =	sfence  }
0xb7: {  	s30 =	sld [smem:$0x0];
	_ =	sdelay $0x2  }
0xb8: {  	s31 =	sshll.u32 s1, $0xD;
	s1 =	sshrl.u32 s1, $0x2  }
0xb9: {  	s3 =	sand.u32 $0x4000, s31;
	s1 =	sadd.s32 s1, s30  }
0xba: {  	s0 =	sor.u32 s3, s0;
	s1 =	sshll.u32 s1, $0x11  }
0xbb: {  	s0 =	sor.u32 s1, s0  }
0xbc: {  	s0 =	sadd.s32 $0x8F2B, s0  }
0xbd: {  	[sflag:s0] =	ssyncadd.remote.s32 $0x1  }
0xbe: {  	_ =	sfence.sel $0xFFFF  }
0xbf: {  	[dreg:$0x0] =	wrdreg $0xFFFFFFFF;
	(pc) =	sbr.abs _section_cstart, $3  }
0xc0: {  	[dreg:$0x1] =	wrdreg $0xFFFFFFFF  }
0xc1: {  	_ =	task.clear_ibuf [dreg:s6], $0x2FFFF;
	_ =	strace $0x9FFFFFFF  }
0xc2: {  	(tm) =	ssettm $0x7FFFFFFF  }
0xc3: {  	_ =	shalt  }
tec
execute0_lowered:
.L_overlay_start_1:
0x0: {  	(tag) =	ssettag $0x1  }
0x1: {  	s5 =	rddreg [dreg:$0x0]  }
0x2: {  	s0 =	srdreg.scid;
	s2 =	rddreg [dreg:$0x1];
	s3 =	simm.s32 $0x0  }
0x3: {  	s18 =	simm.s32 $0x28;
	s10 =	sand.u32 $0x1, s0;
	s0 =	stileid.u32  }
0x4: {  	s19 =	simm.s32 $0x4F10;
	s20 =	simm.s32 $0x6310;
	s7 =	smul.u32 $0x14000, s0  }
0x5: {  	s21 =	simm.s32 $0x3B10;
	s22 =	simm.s32 $0x3;
	s8 =	smul.u32 $0x140000, s10  }
0x6: {  	s23 =	simm.s32 $0x2;
	s12 =	sadd.s32 $0xA9E400, s5;
	s17 =	smul.u32 $0x27100, s10  }
0x7: {  	[smem:$0x7FF] =	sst s3;
	s15 =	sadd.s32 $0x51D200, s5;
	s25 =	smul.u32 $0x2710, s0  }
0x8: {  	s1 =	sshll.u32 s10, $0x4;
	s13 =	ssub.s32 $0x2, s10;
	s26 =	smul.u32 $0x271000, s10  }
0x9: {  	s29 =	smul.u32 $0x27100, s0;
	s31 =	sshll.u32 s0, $0x6;
	s6 =	sor.u32 s0, s1  }
0xa: {  	s1 =	rddreg [dreg:$0x2];
	_ =	strace $0x80000050;
	s14 =	sshrl.u32 s13, $0x1  }
0xb: {  	s4 =	smul.u32 $0x2710, s6;
	s8 =	sadd.s32 s7, s8;
	s11 =	sshrl.u32 s7, $0x3  }
0xc: {  	s13 =	ssub.s32 s13, s14;
	s24 =	smul.u32 $0x27100, s6;
	s16 =	sadd.s32 s7, s2  }
0xd: {  	s14 =	sor.u32 $0x1C04, s31;
	s8 =	sshrl.u32 s8, $0x3;
	s11 =	sadd.s32 s11, s5  }
0xe: {  	s9 =	sshrl.u32 s4, $0x3;
	s4 =	sadd.s32 $0xA200, s5;
	s8 =	sadd.s32 s8, s5  }
0xf: {  	s6 =	sadd.s32 $0xA26400, s11;
	s7 =	sadd.s32 s12, s24;
	s28 =	sadd.s32 s15, s24  }
0x10: {  	s11 =	sadd.s32 s25, s17;
	s17 =	simm.s32 $0x1;
	s24 =	simm.s32 $0x26C0  }
0x11: {  	s25 =	simm.s32 $0x26E8;
	s9 =	sadd.s32 s9, s5;
	s8 =	sadd.s32 $0xA4E400, s8  }
0x12: {  	s10 =	sadd.s32 $0x26C00, s28;
	s30 =	sshll.u32 s11, $0x4;
	s5 =	sadd.s32 $0x31400, s9  }
0x13: {  	s9 =	smax.u32 s13, $0x1;
	s13 =	sadd.s32 s26, s15;
	s12 =	sadd.s32 s12, s30  }
0x14: {  	s15 =	sshrl.u32 s16, $0x3;
	s16 =	simm.s32 $0x2710;
	s26 =	simm.s32 $0x0  }
0x15: {  	s11 =	sadd.s32 s29, s13;
	s12 =	sadd.s32 $0x500, s12;
	s13 =	simm.s32 $0x4  }
.LBB2_1:
0x16: {  	[tilespmem:s3], [sflag:$0x4] =	stream.linear.gather [hbm4b:s5+s3], $0x2710, $0x38;
	[tilespmem:$0x1B710] =	vst v63  }
0x17: {  	_ =	swait.ge [sflag:s13], $0x2710  }
0x18: {  	[sflag:s13] =	ssyncset.done $0x0  }
0x19: {  	[sflag:s13] =	ssyncadd.s32 $0xFFFFD8F0  }
0x1a: {  	[spmem:s15], [sflag:s14] =	dma.local [hbm:s6], $0x2800  }
0x1b: {  	_ =	swait.ge [sflag:s13], $0x2800  }
0x1c: {  	[sflag:s13] =	ssyncset.done $0x0  }
0x1d: {  	[sflag:s13] =	ssyncadd.s32 $0xFFFFD800  }
0x1e: {  	[bflag:$0x0] =	sbarrier.arrive $0xFFFF  }
0x1f: {  	[tilespmem:s16], [sflag:$0x1] =	stream.linear.gather [hbm4b:s7+s3], $0x2800, $0x38;
	[tilespmem:$0x1B710] =	vst v63  }
0x20: {  	_ =	swait.ge [sflag:s17], $0x2800  }
0x21: {  	[sflag:s17] =	ssyncset.done $0x0  }
0x22: {  	s28 =	simm.s32 $0x0;
	[sflag:s17] =	ssyncadd.s32 $0xFFFFD800  }
0x23: {  	[tilespmem:s19], [sflag:$0x2] =	stream.indirect.gather [hbm4b:s4+s18], $0x80, s28, s18, $0xb8;
	[tilespmem:$0x1B710] =	vst v63  }
0x24: {  	_ = 	snop  }
0x25: {  	[spmem:s2] =	stream.indirect.scatter.add.f32 [tilespmem:s16], [sflag:$0x3], $0x80, s28, s18, $0xb8;
	[tilespmem:$0x1B710] =	vst v63  }
0x26: {  	_ = 	snop  }
0x27: {  	[tilespmem:s20], [sflag:$0x2] =	stream.indirect.gather [hbm4b:s4+s18], $0x80, s18, s18, $0xb8;
	[tilespmem:$0x1B710] =	vst v63  }
0x28: {  	_ = 	snop  }
0x29: {  	[spmem:s2] =	stream.indirect.scatter.add.f32 [tilespmem:s21], [sflag:$0x3], $0x80, s18, s18, $0xb8;
	[tilespmem:$0x1B710] =	vst v63  }
0x2a: {  	_ =	swait.ge [sflag:s22], $0x1400  }
0x2b: {  	[sflag:s22] =	ssyncset.done $0x0  }
0x2c: {  	[sflag:s22] =	ssyncadd.s32 $0xFFFFEC00  }
0x2d: {  	_ =	swait.ge [sflag:s22], $0x1400  }
0x2e: {  	[sflag:s22] =	ssyncset.done $0x0  }
0x2f: {  	s28 =	sadd.s32 $0x0, s12;
	[sflag:s22] =	ssyncadd.s32 $0xFFFFEC00  }
0x30: {  	[tilespmem:s16], [sflag:$0x1] =	stream.linear.gather [hbm4b:s28+s3], $0x2800, $0x38;
	[tilespmem:$0x1B710] =	vst v63  }
0x31: {  	_ =	swait.ge [sflag:s23], $0x1400  }
0x32: {  	[sflag:s23] =	ssyncset.done $0x0  }
0x33: {  	[sflag:s23] =	ssyncadd.s32 $0xFFFFEC00  }
0x34: {  	_ =	swait.ge [sflag:s23], $0x1400  }
0x35: {  	[sflag:s23] =	ssyncset.done $0x0  }
0x36: {  	s28 =	sadd.s32 $0x0, s11;
	[sflag:s23] =	ssyncadd.s32 $0xFFFFEC00  }
0x37: {  	[hbm4b:s28+s3] =	stream.linear.scatter [tilespmem:s19], [sflag:$0x4], $0x2800, $0x38;
	[tilespmem:$0x1B710] =	vst v63  }
0x38: {  	_ =	swait.ge [sflag:s13], $0x2800  }
0x39: {  	s29 =	simm.s32 $0x28;
	s28 =	simm.s32 $0x500;
	[sflag:s13] =	ssyncset.done $0x0  }
.LBB2_2:
0x3a: {  	p0 =	sne.s32 s28, $0x26700;
	[sflag:s13] =	ssyncadd.s32 $0xFFFFD800;
	s29 =	sadd.s32 $0x50, s29  }
0x3b: {  	s30 =	smov.u32 s28;
	s28 =	sadd.s32 $0x500, s28;
	_ =	swait.ge [sflag:s17], $0x2800  }
0x3c: {  	[sflag:s17] =	ssyncset.done $0x0  }
0x3d: {  	s31 =	sadd.s32 $0xFFFFFFD8, s29;
	[sflag:s17] =	ssyncadd.s32 $0xFFFFD800  }
0x3e: {  	[tilespmem:s19], [sflag:$0x2] =	stream.indirect.gather [hbm4b:s4+s18], $0x80, s31, s18, $0xb8;
	[tilespmem:$0x1B710] =	vst v63  }
0x3f: {  	_ = 	snop  }
0x40: {  	[spmem:s2] =	stream.indirect.scatter.add.f32 [tilespmem:s16], [sflag:$0x3], $0x80, s31, s18, $0xb8;
	[tilespmem:$0x1B710] =	vst v63  }
0x41: {  	_ = 	snop  }
0x42: {  	[tilespmem:s20], [sflag:$0x2] =	stream.indirect.gather [hbm4b:s4+s18], $0x80, s29, s18, $0xb8;
	[tilespmem:$0x1B710] =	vst v63  }
0x43: {  	_ = 	snop  }
0x44: {  	[spmem:s2] =	stream.indirect.scatter.add.f32 [tilespmem:s21], [sflag:$0x3], $0x80, s29, s18, $0xb8;
	[tilespmem:$0x1B710] =	vst v63  }
0x45: {  	_ =	swait.ge [sflag:s22], $0x1400  }
0x46: {  	[sflag:s22] =	ssyncset.done $0x0  }
0x47: {  	[sflag:s22] =	ssyncadd.s32 $0xFFFFEC00  }
0x48: {  	_ =	swait.ge [sflag:s22], $0x1400  }
0x49: {  	[sflag:s22] =	ssyncset.done $0x0  }
0x4a: {  	s31 =	sadd.s32 s30, s12;
	[sflag:s22] =	ssyncadd.s32 $0xFFFFEC00  }
0x4b: {  	[tilespmem:s16], [sflag:$0x1] =	stream.linear.gather [hbm4b:s31+s3], $0x2800, $0x38;
	[tilespmem:$0x1B710] =	vst v63  }
0x4c: {  	_ =	swait.ge [sflag:s23], $0x1400  }
0x4d: {  	[sflag:s23] =	ssyncset.done $0x0  }
0x4e: {  	[sflag:s23] =	ssyncadd.s32 $0xFFFFEC00  }
0x4f: {  	_ =	swait.ge [sflag:s23], $0x1400  }
.Ltmp0:
0x50: {  	[sflag:s23] =	ssyncset.done $0x0;
	(pc) =	sbr.rel @p0 .LBB2_2-.Ltmp0, $4  }
0x51: {  	s30 =	sadd.s32 s30, s11;
	[sflag:s23] =	ssyncadd.s32 $0xFFFFEC00  }
0x52: {  	[hbm4b:s30+s3] =	stream.linear.scatter [tilespmem:s19], [sflag:$0x4], $0x2800, $0x38;
	[tilespmem:$0x1B710] =	vst v63  }
0x53: {  	_ =	swait.ge [sflag:s13], $0x2800  }
0x54: {  	[sflag:s13] =	ssyncset.done $0x0  }
0x55: {  	[sflag:s13] =	ssyncadd.s32 $0xFFFFD800  }
0x56: {  	_ =	swait.ge [sflag:s17], $0x2800  }
0x57: {  	[sflag:s17] =	ssyncset.done $0x0  }
0x58: {  	[sflag:s17] =	ssyncadd.s32 $0xFFFFD800  }
0x59: {  	[tilespmem:s19], [sflag:$0x2] =	stream.indirect.gather [hbm4b:s4+s18], $0x80, s24, s18, $0xb8;
	[tilespmem:$0x1B710] =	vst v63  }
0x5a: {  	_ = 	snop  }
0x5b: {  	[spmem:s2] =	stream.indirect.scatter.add.f32 [tilespmem:s16], [sflag:$0x3], $0x80, s24, s18, $0xb8;
	[tilespmem:$0x1B710] =	vst v63  }
0x5c: {  	_ = 	snop  }
0x5d: {  	[tilespmem:s20], [sflag:$0x2] =	stream.indirect.gather [hbm4b:s4+s18], $0x80, s25, s18, $0xb8;
	[tilespmem:$0x1B710] =	vst v63  }
0x5e: {  	_ = 	snop  }
0x5f: {  	[spmem:s2] =	stream.indirect.scatter.add.f32 [tilespmem:s21], [sflag:$0x3], $0x80, s25, s18, $0xb8;
	[tilespmem:$0x1B710] =	vst v63  }
0x60: {  	_ =	swait.ge [sflag:s22], $0x1400  }
0x61: {  	[sflag:s22] =	ssyncset.done $0x0  }
0x62: {  	[sflag:s22] =	ssyncadd.s32 $0xFFFFEC00  }
0x63: {  	_ =	swait.ge [sflag:s22], $0x1400  }
0x64: {  	[sflag:s22] =	ssyncset.done $0x0  }
0x65: {  	[sflag:s22] =	ssyncadd.s32 $0xFFFFEC00  }
0x66: {  	_ =	swait.ge [sflag:s23], $0x1400  }
0x67: {  	[sflag:s23] =	ssyncset.done $0x0  }
0x68: {  	[sflag:s23] =	ssyncadd.s32 $0xFFFFEC00  }
0x69: {  	_ =	swait.ge [sflag:s23], $0x1400  }
0x6a: {  	[sflag:s23] =	ssyncset.done $0x0  }
0x6b: {  	[sflag:s23] =	ssyncadd.s32 $0xFFFFEC00  }
0x6c: {  	[hbm4b:s10+s3] =	stream.linear.scatter [tilespmem:s19], [sflag:$0x4], $0x2800, $0x38;
	[tilespmem:$0x1B710] =	vst v63  }
0x6d: {  	_ =	swait.ge [sflag:s13], $0x2800  }
0x6e: {  	s26 =	sadd.s32 $0x1, s26;
	[sflag:s13] =	ssyncset.done $0x0  }
0x6f: {  	p0 =	sne.s32 s26, s9;
	[sflag:s13] =	ssyncadd.s32 $0xFFFFD800  }
.Ltmp1:
0x70: {  	[bflag:$0x0] =	sbarrier.arrive $0xFFFF;
	(pc) =	sbr.rel @p0 .LBB2_1-.Ltmp1, $4  }
0x71: {  	[hbm:s8], [sflag:s14] =	dma.local [spmem:s15], $0x2800  }
0x72: {  	_ =	swait.ge [sflag:s13], $0x2800  }
0x73: {  	[sflag:s13] =	ssyncset.done $0x0  }
0x74: {  	[sflag:s13] =	ssyncadd.s32 $0xFFFFD800  }
0x75: {  	_ =	sfence.sel $0x180000  }
0x76: {  	[bflag:$0x0] =	sbarrier.arrive $0xFFFF  }
0x77: {  	p0 =	sne.s32 s0, $0x0;
	_ =	strace $0x90000050  }
0x78: {  	s0 =	sadd.s32 @!p0 $0x100000, s1;
	[bflag:$0x2] =	sbarrier.arrive $0xFFFF  }
0x79: {  	[sflag:s0] =	ssyncadd.tile.s32 @!p0 $0x1;
	_ =	shalt  }
.Lfunc_end2:
_tile_overlayer_lowered:
.L_overlay_start_2:
0x7a: {  	(tag) =	ssettag $0x2  }
0x7b: {  	s0 =	rddreg [dreg:$0x0];
	s2 =	stileid.u32  }
0x7c: {  	s1 =	rddreg [dreg:$0x1];
	p0 =	sne.s32 s2, $0x0  }
0x7d: {  	s3 =	rddreg [dreg:$0x2];
	[bflag:$0x3] =	sbarrier.arrive $0xFFFF;
	s2 =	simm.s32 @!p0 $0x1C04  }
0x7e: {  	[timem:s3], [sflag:s2] =	dma.local @!p0 [hbm:s0], s1  }
0x7f: {  	s0 =	simm.s32 @!p0 $0x4  }
0x80: {  	_ =	swait.ge @!p0 [sflag:s0], s1  }
0x81: {  	s1 =	ssub.s32 @!p0 $0x0, s1;
	[sflag:s0] =	ssyncset.done @!p0 $0x0  }
0x82: {  	[sflag:s0] =	ssyncadd.s32 @!p0 s1  }
0x83: {  	[bflag:$0x3] =	sbarrier.arrive $0xFFFF  }
0x84: {  	_ =	shalt  }

// kernel: kernel.36.cloned.1.call-start
scs
__scs_entry_jumppad:
0x0: {  	(pc) =	sbr.rel $0x88, $3  }
0x1: {  	(tag) =	ssettag $0x0;
	lr =	simm.s32 $0x1  }
0x2: {  	[smem:$0x3F75] =	sst lr;
	_ =	strace $0xD0000000  }
0x3: {  	_ = 	snop  }
0x4: {  	_ = 	snop  }
0x5: {  	_ = 	snop  }
0x6: {  	_ = 	snop  }
0x7: {  	_ = 	snop  }
__scs_overlays_trampoline_lowered:
0x8: {  	[smem:$0x3F84] =	sst s0  }
0x9: {  	[smem:$0x3F85] =	sst s1  }
0xa: {  	[smem:$0x3F86] =	sst s2  }
0xb: {  	[smem:$0x3F87] =	sst s3  }
0xc: {  	[smem:$0x3F88] =	sst s4  }
0xd: {  	[smem:$0x3F89] =	sst s5  }
0xe: {  	[smem:$0x3F8A] =	sst s6  }
0xf: {  	[smem:$0x3F8B] =	sst s7  }
0x10: {  	[smem:$0x3F8C] =	sst s8  }
0x11: {  	[smem:$0x3F8D] =	sst s9;
	s0 =	simm.s32 @!p0 $0x0  }
0x12: {  	s1 =	sld [smem:$0x3F73];
	s0 =	simm.s32 @p0 $0x1  }
0x13: {  	[smem:$0x3F8E] =	sst s0;
	s0 =	simm.s32 @!p1 $0x0  }
0x14: {  	s2 =	sld [smem:$0x3F72];
	s0 =	simm.s32 @p1 $0x1  }
0x15: {  	[smem:$0x3F8F] =	sst s0;
	s0 =	simm.s32 @!p2 $0x0  }
0x16: {  	s3 =	sld [smem:$0x3FDB];
	s0 =	simm.s32 @p2 $0x1  }
0x17: {  	s4 =	simm.s32 $0x1BF5;
	[smem:$0x3F91] =	sst s0  }
0x18: {  	s0 =	sld [smem:$0x3F74];
	_ =	swait.ge [sflag:s4], $0x0  }
0x19: {  	s7 =	sld [smem:$0x3F75]  }
0x1a: {  	s8 =	sadd.s32 $0xFFFFE003, lr  }
0x1b: {  	s9 =	sadd.s32 $0xFFFFFEF7, lr;
	s5 =	simm.s32 $0xFFFFFFFF;
	p2 =	slt.u32 s8, $0xFFFFF086  }
0x1c: {  	p1 =	slt.u32 s9, $0xF7A;
	s5 =	simm.s32 @!p2 $0x0  }
0x1d: {  	s5 =	simm.s32 @p1 $0x1;
	p0 =	seq.s32 s7, s2  }
0x1e: {  	s7 =	smul.u32 @!p0 $0xF7A, s2;
	p2 =	seq.s32 @!p0 s5, $0x0  }
0x1f: {  	s9 =	smul.u32 $0xF7A, s1;
	s8 =	simm.s32 @!p0 $0x1BF5;
	p2 =	por !p2, p0  }
0x20: {  	[sflag:s8] =	ssyncset.s32 @!p0 $0xFFFFF086;
	s6 =	sadd.s32 @!p0 s3, s7;
	s7 =	simm.s32 @!p0 $0x108  }
0x21: {  	s3 =	sadd.s32 s3, s9;
	s6 =	sadd.s32 @!p0 $0x88, s6;
	s7 =	simm.s32 @p2 $0x1082  }
0x22: {  	[simem:s7], [sflag:s8] =	dma.local @!p0 [hbm:s6], $0xF7A  }
0x23: {  	s9 =	sor.u32 $0xD0000000, s2;
	s6 =	simm.s32 $0x108;
	_ =	swait.ge @!p0 [sflag:s8], $0x0  }
0x24: {  	s3 =	sadd.s32 $0x88, s3;
	s6 =	simm.s32 @!p1 $0x1082;
	[sflag:s4] =	ssyncset.s32 $0xFFFFF086  }
0x25: {  	[simem:s6], [sflag:s4] =	dma.local [hbm:s3], $0xF7A  }
0x26: {  	[smem:$0x3F75] =	sst s1;
	(tag) =	ssettag s2;
	_ =	strace s9  }
0x27: {  	s1 =	sld [smem:$0x3F85]  }
0x28: {  	s2 =	sld [smem:$0x3F86]  }
0x29: {  	s4 =	sld [smem:$0x3F88]  }
0x2a: {  	p0 =	seq.s32 s5, $0x0;
	s5 =	sld [smem:$0x3F89]  }
0x2b: {  	s6 =	sld [smem:$0x3F8A]  }
0x2c: {  	s7 =	sld [smem:$0x3F8B]  }
0x2d: {  	s3 =	simm.s32 $0x108;
	s8 =	sld [smem:$0x3F8C]  }
0x2e: {  	s3 =	simm.s32 @!p0 $0x1082;
	s9 =	sld [smem:$0x3F8D]  }
0x2f: {  	lr =	sadd.s32 s0, s3;
	s0 =	sld [smem:$0x3F84]  }
0x30: {  	s3 =	sld [smem:$0x3F87]  }
0x31: {  	[smem:$0x3F90] =	sst s10  }
0x32: {  	s10 =	sld [smem:$0x3F8E];
	_ =	sdelay $0x3  }
0x33: {  	p0 =	seq.s32 s10, $0x1;
	s10 =	sld [smem:$0x3F90];
	_ =	sdelay $0x3  }
0x34: {  	[smem:$0x3F90] =	sst s10  }
0x35: {  	s10 =	sld [smem:$0x3F8F];
	_ =	sdelay $0x3  }
0x36: {  	p1 =	seq.s32 s10, $0x1;
	s10 =	sld [smem:$0x3F90];
	_ =	sdelay $0x3  }
0x37: {  	[smem:$0x3F90] =	sst s10  }
0x38: {  	s10 =	sld [smem:$0x3F91]  }
0x39: {  	_ = 	snop;
	(pc) =	sbr.ind lr, $3  }
0x3a: {  	_ = 	snop  }
0x3b: {  	_ = 	snop  }
0x3c: {  	p2 =	seq.s32 s10, $0x1;
	s10 =	sld [smem:$0x3F90]  }
0x3d: {  	_ =	shalt  }
0x3e: {  	_ =	shalt  }
0x3f: {  	_ =	shalt  }
0x40: {  	_ =	shalt  }
0x41: {  	_ =	shalt  }
0x42: {  	_ =	shalt  }
0x43: {  	_ =	shalt  }
0x44: {  	_ =	shalt  }
0x45: {  	_ =	shalt  }
0x46: {  	_ =	shalt  }
0x47: {  	_ =	shalt  }
0x48: {  	_ =	shalt  }
0x49: {  	_ =	shalt  }
0x4a: {  	_ =	shalt  }
0x4b: {  	_ =	shalt  }
0x4c: {  	_ =	shalt  }
0x4d: {  	_ =	shalt  }
0x4e: {  	_ =	shalt  }
0x4f: {  	_ =	shalt  }
0x50: {  	_ =	shalt  }
0x51: {  	_ =	shalt  }
0x52: {  	_ =	shalt  }
0x53: {  	_ =	shalt  }
0x54: {  	_ =	shalt  }
0x55: {  	_ =	shalt  }
0x56: {  	_ =	shalt  }
0x57: {  	_ =	shalt  }
0x58: {  	_ =	shalt  }
0x59: {  	_ =	shalt  }
0x5a: {  	_ =	shalt  }
0x5b: {  	_ =	shalt  }
0x5c: {  	_ =	shalt  }
0x5d: {  	_ =	shalt  }
0x5e: {  	_ =	shalt  }
0x5f: {  	_ =	shalt  }
0x60: {  	_ =	shalt  }
0x61: {  	_ =	shalt  }
0x62: {  	_ =	shalt  }
0x63: {  	_ =	shalt  }
0x64: {  	_ =	shalt  }
0x65: {  	_ =	shalt  }
0x66: {  	_ =	shalt  }
0x67: {  	_ =	shalt  }
0x68: {  	_ =	shalt  }
0x69: {  	_ =	shalt  }
0x6a: {  	_ =	shalt  }
0x6b: {  	_ =	shalt  }
0x6c: {  	_ =	shalt  }
0x6d: {  	_ =	shalt  }
0x6e: {  	_ =	shalt  }
0x6f: {  	_ =	shalt  }
0x70: {  	_ =	shalt  }
0x71: {  	_ =	shalt  }
0x72: {  	_ =	shalt  }
0x73: {  	_ =	shalt  }
0x74: {  	_ =	shalt  }
0x75: {  	_ =	shalt  }
0x76: {  	_ =	shalt  }
0x77: {  	_ =	shalt  }
0x78: {  	_ =	shalt  }
0x79: {  	_ =	shalt  }
0x7a: {  	_ =	shalt  }
0x7b: {  	_ =	shalt  }
0x7c: {  	_ =	shalt  }
0x7d: {  	_ =	shalt  }
0x7e: {  	_ =	shalt  }
0x7f: {  	_ =	shalt  }
0x80: {  	_ =	shalt  }
0x81: {  	_ =	shalt  }
0x82: {  	_ =	shalt  }
0x83: {  	_ =	shalt  }
0x84: {  	_ =	shalt  }
0x85: {  	_ =	shalt  }
0x86: {  	_ =	shalt  }
0x87: {  	_ =	shalt  }
.Lfunc_end0:
.L_simem_size_0:
called_computation.4_lowered:
.L_overlay_start_0:
0x88: {  	s2 =	sld [smem:$0x3FD9]  }
0x89: {  	s3 =	sld [smem:$0x3FFE];
	_ =	sdelay $0x1  }
0x8a: {  	s1 =	srdreg.scid  }
0x8b: {  	s0 =	sand.u32 $0x1, s1  }
0x8c: {  	s16 =	sshll.u32 s0, $0xA;
	s2 =	sadd.s32 s3, s2  }
0x8d: {  	s2 =	sadd.s32 s2, s16  }
0x8e: {  	[smem:$0x3F9C] =	sst s2  }
0x8f: {  	_ = 	snop  }
0x90: {  	(tm) =	ssettm $0x1  }
0x91: {  	s17 =	sld [smem:$0x3FFB];
	_ =	sdelay $0x3  }
0x92: {  	_ =	strace s17  }
0x93: {  	s2 =	sld [smem:$0x3FFC];
	_ =	sdelay $0x3  }
0x94: {  	_ =	strace s2  }
0x95: {  	s2 =	sld [smem:$0x3FFD];
	_ =	sdelay $0x3  }
0x96: {  	_ =	strace s2  }
0x97: {  	_ =	strace $0x8FFFFFFF  }
0x98: {  	s18 =	sld [smem:$0x3FDB];
	_ =	sdelay $0x1  }
0x99: {  	s19 =	simm.s32 $_scs_section_size  }
0x9a: {  	s4 =	simm.s32 $_size__tile_overlayer_lowered;
	s5 =	simm.s32 $_tile_overlayer_lowered  }
0x9b: {  	s22 =	simm.s32 $0x1BFF;
	s21 =	sshll.u32 s5, $0x1;
	s2 =	sadd.s32 s19, s18  }
0x9c: {  	s6 =	simm.s32 $0x0;
	s20 =	sshll.u32 s4, $0x1;
	s4 =	sadd.s32 s21, s2  }
0x9d: {  	[timem:s6], [sflag:s22] =	dma.local [hbm:s4], s20  }
0x9e: {  	_ =	swait.ge [sflag:s22], s20  }
0x9f: {  	s3 =	ssub.s32 $0x0, s20;
	[sflag:s22] =	ssyncset.done $0x0  }
0xa0: {  	[sflag:s22] =	ssyncadd.s32 s3;
	_ =	sdelay $0x1  }
0xa1: {  	s23 =	simm.s32 $0x1B8B  }
0xa2: {  	_ =	swait.ge [sflag:s23], $0x1  }
0xa3: {  	[sflag:s23] =	ssyncset.done $0x0  }
0xa4: {  	s25 =	simm.s32 $0x1B8E;
	s24 =	sld [smem:$0x3FFE];
	[sflag:s23] =	ssyncadd.s32 $0xFFFFFFFF  }
0xa5: {  	s26 =	simm.s32 $execute0_lowered;
	[smem:$0x3FD2] =	sst s25  }
0xa6: {  	s4 =	sshll.u32 s26, $0x1;
	_ =	strace $0x80000052;
	[dreg:$0x1] =	wrdreg $0xFFFFFFFF  }
0xa7: {  	s28 =	simm.s32 $_size_execute0_lowered;
	s2 =	sadd.s32 s2, s4;
	[dreg:$0x0] =	wrdreg $0x0  }
0xa8: {  	s4 =	sshll.u32 s28, $0x1;
	[dreg:$0x2] =	wrdreg s2  }
0xa9: {  	[dreg:$0x3] =	wrdreg s4  }
0xaa: {  	[dreg:$0x4] =	wrdreg $0xC0  }
0xab: {  	_ =	task [dreg:s6], $0x5FFFF  }
0xac: {  	[dreg:$0x1] =	wrdreg $0xFFFFFFFF  }
0xad: {  	[dreg:$0x0] =	wrdreg $0x60  }
0xae: {  	[dreg:$0x2] =	wrdreg s24  }
0xaf: {  	[dreg:$0x3] =	wrdreg $0x77100  }
0xb0: {  	[dreg:$0x4] =	wrdreg $0x9  }
0xb1: {  	_ =	task.clear_ibuf [dreg:s6], $0x5FFFF;
	_ =	strace $0x90000052  }
0xb2: {  	s29 =	simm.s32 $0x9;
	_ =	strace $0x80000054  }
0xb3: {  	_ =	swait.ge [sflag:s29], $0x1  }
0xb4: {  	[sflag:s29] =	ssyncadd.s32 $0xFFFFFFFF  }
0xb5: {  	_ =	strace $0x90000054  }
0xb6: {  	_ =	sfence  }
0xb7: {  	s30 =	sld [smem:$0x0];
	_ =	sdelay $0x2  }
0xb8: {  	s31 =	sshll.u32 s1, $0xD;
	s1 =	sshrl.u32 s1, $0x2  }
0xb9: {  	s3 =	sand.u32 $0x4000, s31;
	s1 =	sadd.s32 s1, s30  }
0xba: {  	s0 =	sor.u32 s3, s0;
	s1 =	sshll.u32 s1, $0x11  }
0xbb: {  	s0 =	sor.u32 s1, s0  }
0xbc: {  	s0 =	sadd.s32 $0x8F2B, s0  }
0xbd: {  	[sflag:s0] =	ssyncadd.remote.s32 $0x1  }
0xbe: {  	_ =	sfence.sel $0xFFFF  }
0xbf: {  	[dreg:$0x0] =	wrdreg $0xFFFFFFFF;
	(pc) =	sbr.abs _section_cstart, $3  }
0xc0: {  	[dreg:$0x1] =	wrdreg $0xFFFFFFFF  }
0xc1: {  	_ =	task.clear_ibuf [dreg:s6], $0x2FFFF;
	_ =	strace $0x9FFFFFFF  }
0xc2: {  	(tm) =	ssettm $0x7FFFFFFF  }
0xc3: {  	_ =	shalt  }
tec
execute0_lowered:
.L_overlay_start_1:
0x0: {  	(tag) =	ssettag $0x1  }
0x1: {  	s0 =	srdreg.scid;
	s1 =	rddreg [dreg:$0x0]  }
0x2: {  	s13 =	stileid.u32;
	s2 =	rddreg [dreg:$0x1]  }
0x3: {  	s16 =	simm.s32 $0x2710;
	s17 =	simm.s32 $0x4F10;
	s18 =	simm.s32 $0x1  }
0x4: {  	s19 =	simm.s32 $0x28;
	s20 =	simm.s32 $0x3B10;
	s21 =	simm.s32 $0x3  }
0x5: {  	s22 =	simm.s32 $0x2;
	s23 =	simm.s32 $0x6310;
	s29 =	simm.s32 $0x26C0  }
0x6: {  	s30 =	simm.s32 $0x26E8;
	s31 =	simm.s32 $0x0;
	s6 =	smul.u32 $0x14000, s13  }
0x7: {  	s0 =	sand.u32 $0x1, s0;
	s11 =	sadd.s32 $0xA4E400, s1;
	s25 =	smul.u32 $0x2710, s13  }
0x8: {  	s28 =	sshll.u32 s13, $0x6;
	s3 =	sshll.u32 s0, $0x4;
	s7 =	smul.u32 $0x140000, s0  }
0x9: {  	s10 =	ssub.s32 $0x2, s0;
	s0 =	smul.u32 $0x27100, s0;
	s14 =	sor.u32 $0x1C04, s28  }
0xa: {  	s4 =	sor.u32 s13, s3;
	s3 =	simm.s32 $0x0;
	s8 =	sshrl.u32 s6, $0x3  }
0xb: {  	s24 =	sshrl.u32 s10, $0x1;
	s15 =	sadd.s32 s6, s2;
	s5 =	smul.u32 $0x2710, s4  }
0xc: {  	s13 =	simm.s32 $0x4;
	[smem:$0x7FF] =	sst s3;
	s9 =	smul.u32 $0x27100, s4  }
0xd: {  	s8 =	sadd.s32 s8, s1;
	s7 =	sadd.s32 s6, s7;
	s12 =	smul.u32 $0x138800, s4  }
0xe: {  	s10 =	ssub.s32 s10, s24;
	s0 =	sadd.s32 s25, s0;
	s15 =	sshrl.u32 s15, $0x3  }
0xf: {  	_ =	strace $0x80000053;
	s7 =	sshrl.u32 s7, $0x3;
	s0 =	sshll.u32 s0, $0x4  }
0x10: {  	s5 =	sshrl.u32 s5, $0x3;
	s26 =	sshrl.u32 s12, $0x3;
	s6 =	sadd.s32 s11, s9  }
0x11: {  	s9 =	smax.u32 s10, $0x1;
	s0 =	sadd.s32 s11, s0;
	s5 =	sadd.s32 s5, s1  }
0x12: {  	s1 =	sadd.s32 s7, s1;
	s10 =	sadd.s32 $0x26C00, s6;
	s25 =	sadd.s32 $0xF00, s0  }
0x13: {  	s4 =	sadd.s32 $0x31400, s5;
	s5 =	sadd.s32 $0xA26400, s8;
	s8 =	sadd.s32 s11, s26  }
0x14: {  	s12 =	sadd.s32 $0xA00, s0;
	s7 =	sadd.s32 $0x500, s8;
	s8 =	sadd.s32 $0xF30400, s1  }
.LBB2_1:
0x15: {  	[tilespmem:s3], [sflag:$0x4] =	stream.linear.gather [hbm4b:s4+s3], $0x2710, $0x38;
	[tilespmem:$0x1B710] =	vst v63  }
0x16: {  	_ =	swait.ge [sflag:s13], $0x2710  }
0x17: {  	[sflag:s13] =	ssyncset.done $0x0  }
0x18: {  	[sflag:s13] =	ssyncadd.s32 $0xFFFFD8F0  }
0x19: {  	[spmem:s15], [sflag:s14] =	dma.local [hbm:s5], $0x2800  }
0x1a: {  	_ =	swait.ge [sflag:s13], $0x2800  }
0x1b: {  	[sflag:s13] =	ssyncset.done $0x0  }
0x1c: {  	[sflag:s13] =	ssyncadd.s32 $0xFFFFD800  }
0x1d: {  	[bflag:$0x0] =	sbarrier.arrive $0xFFFF  }
0x1e: {  	[tilespmem:s16], [sflag:$0x1] =	stream.linear.gather [hbm4b:s6+s3], $0x2800, $0x38;
	[tilespmem:$0x1B710] =	vst v63  }
0x1f: {  	_ = 	snop  }
0x20: {  	[tilespmem:s17], [sflag:$0x2] =	stream.linear.gather [hbm4b:s7+s3], $0x2800, $0x38;
	[tilespmem:$0x1B710] =	vst v63  }
0x21: {  	_ =	swait.ge [sflag:s18], $0x2800  }
0x22: {  	[sflag:s18] =	ssyncset.done $0x0  }
0x23: {  	s0 =	simm.s32 $0x0;
	[sflag:s18] =	ssyncadd.s32 $0xFFFFD800  }
0x24: {  	[spmem:s2] =	stream.indirect.scatter.add.f32 [tilespmem:s16], [sflag:$0x3], $0x80, s0, s19, $0xb8;
	[tilespmem:$0x1B710] =	vst v63  }
0x25: {  	s24 =	simm.s32 $0x28  }
0x26: {  	[spmem:s2] =	stream.indirect.scatter.add.f32 [tilespmem:s20], [sflag:$0x3], $0x80, s24, s19, $0xb8;
	[tilespmem:$0x1B710] =	vst v63  }
0x27: {  	_ =	swait.ge [sflag:s21], $0x1400  }
0x28: {  	[sflag:s21] =	ssyncset.done $0x0  }
0x29: {  	[sflag:s21] =	ssyncadd.s32 $0xFFFFEC00  }
0x2a: {  	_ =	swait.ge [sflag:s21], $0x1400  }
0x2b: {  	[sflag:s21] =	ssyncset.done $0x0  }
0x2c: {  	[sflag:s21] =	ssyncadd.s32 $0xFFFFEC00  }
0x2d: {  	[tilespmem:s16], [sflag:$0x1] =	stream.linear.gather [hbm4b:s12+s3], $0x2800, $0x38;
	[tilespmem:$0x1B710] =	vst v63  }
0x2e: {  	_ =	swait.ge [sflag:s22], $0x2800  }
0x2f: {  	[sflag:s22] =	ssyncset.done $0x0  }
0x30: {  	s26 =	simm.s32 $0x50;
	[sflag:s22] =	ssyncadd.s32 $0xFFFFD800  }
0x31: {  	[spmem:s2] =	stream.indirect.scatter.add.f32 [tilespmem:s17], [sflag:$0x3], $0x80, s26, s19, $0xb8;
	[tilespmem:$0x1B710] =	vst v63  }
0x32: {  	s28 =	simm.s32 $0x78  }
0x33: {  	[spmem:s2] =	stream.indirect.scatter.add.f32 [tilespmem:s23], [sflag:$0x3], $0x80, s28, s19, $0xb8;
	[tilespmem:$0x1B710] =	vst v63  }
0x34: {  	_ =	swait.ge [sflag:s21], $0x1400  }
0x35: {  	[sflag:s21] =	ssyncset.done $0x0  }
0x36: {  	[sflag:s21] =	ssyncadd.s32 $0xFFFFEC00  }
0x37: {  	_ =	swait.ge [sflag:s21], $0x1400  }
0x38: {  	s1 =	simm.s32 $0x280;
	s11 =	smov.u32 s25;
	[sflag:s21] =	ssyncset.done $0x0  }
0x39: {  	s0 =	sadd.s32 $0xA00, s25;
	s24 =	sadd.s32 $0xA00, s12;
	[sflag:s21] =	ssyncadd.s32 $0xFFFFEC00  }
.LBB2_2:
0x3a: {  	[tilespmem:s17], [sflag:$0x2] =	stream.linear.gather [hbm4b:s11+s3], $0x2800, $0x38;
	[tilespmem:$0x1B710] =	vst v63  }
0x3b: {  	s26 =	smov.u32 s1;
	s11 =	smov.u32 s0  }
0x3c: {  	p0 =	sne.s32 s1, $0x9600;
	s1 =	sadd.s32 $0x280, s1;
	_ =	swait.ge [sflag:s18], $0x2800  }
0x3d: {  	[sflag:s18] =	ssyncset.done $0x0  }
0x3e: {  	s26 =	sshra.s32 s26, $0x2;
	[sflag:s18] =	ssyncadd.s32 $0xFFFFD800  }
0x3f: {  	[spmem:s2] =	stream.indirect.scatter.add.f32 [tilespmem:s16], [sflag:$0x3], $0x80, s26, s19, $0xb8;
	[tilespmem:$0x1B710] =	vst v63  }
0x40: {  	s28 =	sadd.s32 $0x28, s26  }
0x41: {  	[spmem:s2] =	stream.indirect.scatter.add.f32 [tilespmem:s20], [sflag:$0x3], $0x80, s28, s19, $0xb8;
	[tilespmem:$0x1B710] =	vst v63  }
0x42: {  	_ =	swait.ge [sflag:s21], $0x1400  }
0x43: {  	[sflag:s21] =	ssyncset.done $0x0  }
0x44: {  	[sflag:s21] =	ssyncadd.s32 $0xFFFFEC00  }
0x45: {  	_ =	swait.ge [sflag:s21], $0x1400  }
0x46: {  	[sflag:s21] =	ssyncset.done $0x0  }
0x47: {  	[sflag:s21] =	ssyncadd.s32 $0xFFFFEC00  }
0x48: {  	[tilespmem:s16], [sflag:$0x1] =	stream.linear.gather [hbm4b:s24+s3], $0x2800, $0x38;
	[tilespmem:$0x1B710] =	vst v63  }
0x49: {  	_ =	swait.ge [sflag:s22], $0x2800  }
0x4a: {  	[sflag:s22] =	ssyncset.done $0x0  }
0x4b: {  	s28 =	sadd.s32 $0x50, s26;
	[sflag:s22] =	ssyncadd.s32 $0xFFFFD800  }
0x4c: {  	[spmem:s2] =	stream.indirect.scatter.add.f32 [tilespmem:s17], [sflag:$0x3], $0x80, s28, s19, $0xb8;
	[tilespmem:$0x1B710] =	vst v63  }
0x4d: {  	s26 =	sadd.s32 $0x78, s26  }
0x4e: {  	[spmem:s2] =	stream.indirect.scatter.add.f32 [tilespmem:s23], [sflag:$0x3], $0x80, s26, s19, $0xb8;
	[tilespmem:$0x1B710] =	vst v63  }
0x4f: {  	_ =	swait.ge [sflag:s21], $0x1400  }
.Ltmp0:
0x50: {  	[sflag:s21] =	ssyncset.done $0x0;
	(pc) =	sbr.rel @p0 .LBB2_2-.Ltmp0, $4  }
0x51: {  	[sflag:s21] =	ssyncadd.s32 $0xFFFFEC00  }
0x52: {  	_ =	swait.ge [sflag:s21], $0x1400  }
0x53: {  	[sflag:s21] =	ssyncset.done $0x0  }
0x54: {  	s0 =	sadd.s32 $0xA00, s0;
	s24 =	sadd.s32 $0xA00, s24;
	[sflag:s21] =	ssyncadd.s32 $0xFFFFEC00  }
0x55: {  	[tilespmem:s17], [sflag:$0x2] =	stream.linear.gather [hbm4b:s11+s3], $0x2800, $0x38;
	[tilespmem:$0x1B710] =	vst v63  }
0x56: {  	_ =	swait.ge [sflag:s18], $0x2800  }
0x57: {  	[sflag:s18] =	ssyncset.done $0x0  }
0x58: {  	s0 =	simm.s32 $0x2620;
	[sflag:s18] =	ssyncadd.s32 $0xFFFFD800  }
0x59: {  	[spmem:s2] =	stream.indirect.scatter.add.f32 [tilespmem:s16], [sflag:$0x3], $0x80, s0, s19, $0xb8;
	[tilespmem:$0x1B710] =	vst v63  }
0x5a: {  	s24 =	simm.s32 $0x2648  }
0x5b: {  	[spmem:s2] =	stream.indirect.scatter.add.f32 [tilespmem:s20], [sflag:$0x3], $0x80, s24, s19, $0xb8;
	[tilespmem:$0x1B710] =	vst v63  }
0x5c: {  	_ =	swait.ge [sflag:s21], $0x1400  }
0x5d: {  	[sflag:s21] =	ssyncset.done $0x0  }
0x5e: {  	[sflag:s21] =	ssyncadd.s32 $0xFFFFEC00  }
0x5f: {  	_ =	swait.ge [sflag:s21], $0x1400  }
0x60: {  	[sflag:s21] =	ssyncset.done $0x0  }
0x61: {  	[sflag:s21] =	ssyncadd.s32 $0xFFFFEC00  }
0x62: {  	[tilespmem:s16], [sflag:$0x1] =	stream.linear.gather [hbm4b:s10+s3], $0x2800, $0x38;
	[tilespmem:$0x1B710] =	vst v63  }
0x63: {  	_ =	swait.ge [sflag:s22], $0x2800  }
0x64: {  	[sflag:s22] =	ssyncset.done $0x0  }
0x65: {  	s26 =	simm.s32 $0x2670;
	[sflag:s22] =	ssyncadd.s32 $0xFFFFD800  }
0x66: {  	[spmem:s2] =	stream.indirect.scatter.add.f32 [tilespmem:s17], [sflag:$0x3], $0x80, s26, s19, $0xb8;
	[tilespmem:$0x1B710] =	vst v63  }
0x67: {  	s28 =	simm.s32 $0x2698  }
0x68: {  	[spmem:s2] =	stream.indirect.scatter.add.f32 [tilespmem:s23], [sflag:$0x3], $0x80, s28, s19, $0xb8;
	[tilespmem:$0x1B710] =	vst v63  }
0x69: {  	_ =	swait.ge [sflag:s21], $0x1400  }
0x6a: {  	[sflag:s21] =	ssyncset.done $0x0  }
0x6b: {  	[sflag:s21] =	ssyncadd.s32 $0xFFFFEC00  }
0x6c: {  	_ =	swait.ge [sflag:s21], $0x1400  }
0x6d: {  	[sflag:s21] =	ssyncset.done $0x0  }
0x6e: {  	[sflag:s21] =	ssyncadd.s32 $0xFFFFEC00  }
0x6f: {  	_ =	swait.ge [sflag:s18], $0x2800  }
0x70: {  	[sflag:s18] =	ssyncset.done $0x0  }
0x71: {  	[sflag:s18] =	ssyncadd.s32 $0xFFFFD800  }
0x72: {  	[spmem:s2] =	stream.indirect.scatter.add.f32 [tilespmem:s16], [sflag:$0x3], $0x80, s29, s19, $0xb8;
	[tilespmem:$0x1B710] =	vst v63  }
0x73: {  	_ = 	snop  }
0x74: {  	[spmem:s2] =	stream.indirect.scatter.add.f32 [tilespmem:s20], [sflag:$0x3], $0x80, s30, s19, $0xb8;
	[tilespmem:$0x1B710] =	vst v63  }
0x75: {  	_ =	swait.ge [sflag:s21], $0x1400  }
0x76: {  	[sflag:s21] =	ssyncset.done $0x0  }
0x77: {  	[sflag:s21] =	ssyncadd.s32 $0xFFFFEC00  }
0x78: {  	_ =	swait.ge [sflag:s21], $0x1400  }
0x79: {  	s31 =	sadd.s32 $0x1, s31;
	[sflag:s21] =	ssyncset.done $0x0  }
0x7a: {  	p0 =	sne.s32 s31, s9;
	[sflag:s21] =	ssyncadd.s32 $0xFFFFEC00  }
.Ltmp1:
0x7b: {  	[bflag:$0x0] =	sbarrier.arrive $0xFFFF;
	(pc) =	sbr.rel @p0 .LBB2_1-.Ltmp1, $4  }
0x7c: {  	[hbm:s8], [sflag:s14] =	dma.local [spmem:s15], $0x2800  }
0x7d: {  	_ =	swait.ge [sflag:s13], $0x2800  }
0x7e: {  	[sflag:s13] =	ssyncset.done $0x0  }
0x7f: {  	[sflag:s13] =	ssyncadd.s32 $0xFFFFD800  }
0x80: {  	_ =	sfence.sel $0x180000  }
0x81: {  	[bflag:$0x0] =	sbarrier.arrive $0xFFFF  }
0x82: {  	_ =	strace $0x90000053  }
0x83: {  	s0 =	stileid.u32;
	[bflag:$0x2] =	sbarrier.arrive $0xFFFF  }
0x84: {  	p0 =	sne.s32 s0, $0x0;
	s0 =	rddreg [dreg:$0x2]  }
0x85: {  	s0 =	sadd.s32 @!p0 $0x100000, s0  }
0x86: {  	[sflag:s0] =	ssyncadd.tile.s32 @!p0 $0x1;
	_ =	shalt  }
.Lfunc_end2:
_tile_overlayer_lowered:
.L_overlay_start_2:
0x87: {  	(tag) =	ssettag $0x2  }
0x88: {  	s0 =	rddreg [dreg:$0x0];
	s2 =	stileid.u32  }
0x89: {  	s1 =	rddreg [dreg:$0x1];
	p0 =	sne.s32 s2, $0x0  }
0x8a: {  	s3 =	rddreg [dreg:$0x2];
	[bflag:$0x3] =	sbarrier.arrive $0xFFFF;
	s2 =	simm.s32 @!p0 $0x1C04  }
0x8b: {  	[timem:s3], [sflag:s2] =	dma.local @!p0 [hbm:s0], s1  }
0x8c: {  	s0 =	simm.s32 @!p0 $0x4  }
0x8d: {  	_ =	swait.ge @!p0 [sflag:s0], s1  }
0x8e: {  	s1 =	ssub.s32 @!p0 $0x0, s1;
	[sflag:s0] =	ssyncset.done @!p0 $0x0  }
0x8f: {  	[sflag:s0] =	ssyncadd.s32 @!p0 s1  }
0x90: {  	[bflag:$0x3] =	sbarrier.arrive $0xFFFF  }
0x91: {  	_ =	shalt  }

// kernel: kernel.39.cloned.1.call-start
scs
__scs_entry_jumppad:
0x0: {  	(pc) =	sbr.rel $0x88, $3  }
0x1: {  	(tag) =	ssettag $0x0;
	lr =	simm.s32 $0x1  }
0x2: {  	[smem:$0x3F75] =	sst lr;
	_ =	strace $0xD0000000  }
0x3: {  	_ = 	snop  }
0x4: {  	_ = 	snop  }
0x5: {  	_ = 	snop  }
0x6: {  	_ = 	snop  }
0x7: {  	_ = 	snop  }
__scs_overlays_trampoline_lowered:
0x8: {  	[smem:$0x3F84] =	sst s0  }
0x9: {  	[smem:$0x3F85] =	sst s1  }
0xa: {  	[smem:$0x3F86] =	sst s2  }
0xb: {  	[smem:$0x3F87] =	sst s3  }
0xc: {  	[smem:$0x3F88] =	sst s4  }
0xd: {  	[smem:$0x3F89] =	sst s5  }
0xe: {  	[smem:$0x3F8A] =	sst s6  }
0xf: {  	[smem:$0x3F8B] =	sst s7  }
0x10: {  	[smem:$0x3F8C] =	sst s8  }
0x11: {  	[smem:$0x3F8D] =	sst s9;
	s0 =	simm.s32 @!p0 $0x0  }
0x12: {  	s1 =	sld [smem:$0x3F73];
	s0 =	simm.s32 @p0 $0x1  }
0x13: {  	[smem:$0x3F8E] =	sst s0;
	s0 =	simm.s32 @!p1 $0x0  }
0x14: {  	s2 =	sld [smem:$0x3F72];
	s0 =	simm.s32 @p1 $0x1  }
0x15: {  	[smem:$0x3F8F] =	sst s0;
	s0 =	simm.s32 @!p2 $0x0  }
0x16: {  	s3 =	sld [smem:$0x3FDB];
	s0 =	simm.s32 @p2 $0x1  }
0x17: {  	s4 =	simm.s32 $0x1BF5;
	[smem:$0x3F91] =	sst s0  }
0x18: {  	s0 =	sld [smem:$0x3F74];
	_ =	swait.ge [sflag:s4], $0x0  }
0x19: {  	s7 =	sld [smem:$0x3F75]  }
0x1a: {  	s8 =	sadd.s32 $0xFFFFE003, lr  }
0x1b: {  	s9 =	sadd.s32 $0xFFFFFEF7, lr;
	s5 =	simm.s32 $0xFFFFFFFF;
	p2 =	slt.u32 s8, $0xFFFFF086  }
0x1c: {  	p1 =	slt.u32 s9, $0xF7A;
	s5 =	simm.s32 @!p2 $0x0  }
0x1d: {  	s5 =	simm.s32 @p1 $0x1;
	p0 =	seq.s32 s7, s2  }
0x1e: {  	s7 =	smul.u32 @!p0 $0xF7A, s2;
	p2 =	seq.s32 @!p0 s5, $0x0  }
0x1f: {  	s9 =	smul.u32 $0xF7A, s1;
	s8 =	simm.s32 @!p0 $0x1BF5;
	p2 =	por !p2, p0  }
0x20: {  	[sflag:s8] =	ssyncset.s32 @!p0 $0xFFFFF086;
	s6 =	sadd.s32 @!p0 s3, s7;
	s7 =	simm.s32 @!p0 $0x108  }
0x21: {  	s3 =	sadd.s32 s3, s9;
	s6 =	sadd.s32 @!p0 $0x88, s6;
	s7 =	simm.s32 @p2 $0x1082  }
0x22: {  	[simem:s7], [sflag:s8] =	dma.local @!p0 [hbm:s6], $0xF7A  }
0x23: {  	s9 =	sor.u32 $0xD0000000, s2;
	s6 =	simm.s32 $0x108;
	_ =	swait.ge @!p0 [sflag:s8], $0x0  }
0x24: {  	s3 =	sadd.s32 $0x88, s3;
	s6 =	simm.s32 @!p1 $0x1082;
	[sflag:s4] =	ssyncset.s32 $0xFFFFF086  }
0x25: {  	[simem:s6], [sflag:s4] =	dma.local [hbm:s3], $0xF7A  }
0x26: {  	[smem:$0x3F75] =	sst s1;
	(tag) =	ssettag s2;
	_ =	strace s9  }
0x27: {  	s1 =	sld [smem:$0x3F85]  }
0x28: {  	s2 =	sld [smem:$0x3F86]  }
0x29: {  	s4 =	sld [smem:$0x3F88]  }
0x2a: {  	p0 =	seq.s32 s5, $0x0;
	s5 =	sld [smem:$0x3F89]  }
0x2b: {  	s6 =	sld [smem:$0x3F8A]  }
0x2c: {  	s7 =	sld [smem:$0x3F8B]  }
0x2d: {  	s3 =	simm.s32 $0x108;
	s8 =	sld [smem:$0x3F8C]  }
0x2e: {  	s3 =	simm.s32 @!p0 $0x1082;
	s9 =	sld [smem:$0x3F8D]  }
0x2f: {  	lr =	sadd.s32 s0, s3;
	s0 =	sld [smem:$0x3F84]  }
0x30: {  	s3 =	sld [smem:$0x3F87]  }
0x31: {  	[smem:$0x3F90] =	sst s10  }
0x32: {  	s10 =	sld [smem:$0x3F8E];
	_ =	sdelay $0x3  }
0x33: {  	p0 =	seq.s32 s10, $0x1;
	s10 =	sld [smem:$0x3F90];
	_ =	sdelay $0x3  }
0x34: {  	[smem:$0x3F90] =	sst s10  }
0x35: {  	s10 =	sld [smem:$0x3F8F];
	_ =	sdelay $0x3  }
0x36: {  	p1 =	seq.s32 s10, $0x1;
	s10 =	sld [smem:$0x3F90];
	_ =	sdelay $0x3  }
0x37: {  	[smem:$0x3F90] =	sst s10  }
0x38: {  	s10 =	sld [smem:$0x3F91]  }
0x39: {  	_ = 	snop;
	(pc) =	sbr.ind lr, $3  }
0x3a: {  	_ = 	snop  }
0x3b: {  	_ = 	snop  }
0x3c: {  	p2 =	seq.s32 s10, $0x1;
	s10 =	sld [smem:$0x3F90]  }
0x3d: {  	_ =	shalt  }
0x3e: {  	_ =	shalt  }
0x3f: {  	_ =	shalt  }
0x40: {  	_ =	shalt  }
0x41: {  	_ =	shalt  }
0x42: {  	_ =	shalt  }
0x43: {  	_ =	shalt  }
0x44: {  	_ =	shalt  }
0x45: {  	_ =	shalt  }
0x46: {  	_ =	shalt  }
0x47: {  	_ =	shalt  }
0x48: {  	_ =	shalt  }
0x49: {  	_ =	shalt  }
0x4a: {  	_ =	shalt  }
0x4b: {  	_ =	shalt  }
0x4c: {  	_ =	shalt  }
0x4d: {  	_ =	shalt  }
0x4e: {  	_ =	shalt  }
0x4f: {  	_ =	shalt  }
0x50: {  	_ =	shalt  }
0x51: {  	_ =	shalt  }
0x52: {  	_ =	shalt  }
0x53: {  	_ =	shalt  }
0x54: {  	_ =	shalt  }
0x55: {  	_ =	shalt  }
0x56: {  	_ =	shalt  }
0x57: {  	_ =	shalt  }
0x58: {  	_ =	shalt  }
0x59: {  	_ =	shalt  }
0x5a: {  	_ =	shalt  }
0x5b: {  	_ =	shalt  }
0x5c: {  	_ =	shalt  }
0x5d: {  	_ =	shalt  }
0x5e: {  	_ =	shalt  }
0x5f: {  	_ =	shalt  }
0x60: {  	_ =	shalt  }
0x61: {  	_ =	shalt  }
0x62: {  	_ =	shalt  }
0x63: {  	_ =	shalt  }
0x64: {  	_ =	shalt  }
0x65: {  	_ =	shalt  }
0x66: {  	_ =	shalt  }
0x67: {  	_ =	shalt  }
0x68: {  	_ =	shalt  }
0x69: {  	_ =	shalt  }
0x6a: {  	_ =	shalt  }
0x6b: {  	_ =	shalt  }
0x6c: {  	_ =	shalt  }
0x6d: {  	_ =	shalt  }
0x6e: {  	_ =	shalt  }
0x6f: {  	_ =	shalt  }
0x70: {  	_ =	shalt  }
0x71: {  	_ =	shalt  }
0x72: {  	_ =	shalt  }
0x73: {  	_ =	shalt  }
0x74: {  	_ =	shalt  }
0x75: {  	_ =	shalt  }
0x76: {  	_ =	shalt  }
0x77: {  	_ =	shalt  }
0x78: {  	_ =	shalt  }
0x79: {  	_ =	shalt  }
0x7a: {  	_ =	shalt  }
0x7b: {  	_ =	shalt  }
0x7c: {  	_ =	shalt  }
0x7d: {  	_ =	shalt  }
0x7e: {  	_ =	shalt  }
0x7f: {  	_ =	shalt  }
0x80: {  	_ =	shalt  }
0x81: {  	_ =	shalt  }
0x82: {  	_ =	shalt  }
0x83: {  	_ =	shalt  }
0x84: {  	_ =	shalt  }
0x85: {  	_ =	shalt  }
0x86: {  	_ =	shalt  }
0x87: {  	_ =	shalt  }
.Lfunc_end0:
.L_simem_size_0:
called_computation.5_lowered:
.L_overlay_start_0:
0x88: {  	s2 =	sld [smem:$0x3FD9]  }
0x89: {  	s3 =	sld [smem:$0x3FFE];
	_ =	sdelay $0x1  }
0x8a: {  	s1 =	srdreg.scid  }
0x8b: {  	s0 =	sand.u32 $0x1, s1  }
0x8c: {  	s16 =	sshll.u32 s0, $0xA;
	s2 =	sadd.s32 s3, s2  }
0x8d: {  	s2 =	sadd.s32 s2, s16  }
0x8e: {  	[smem:$0x3F9C] =	sst s2  }
0x8f: {  	_ = 	snop  }
0x90: {  	(tm) =	ssettm $0x1  }
0x91: {  	s17 =	sld [smem:$0x3FFB];
	_ =	sdelay $0x3  }
0x92: {  	_ =	strace s17  }
0x93: {  	s2 =	sld [smem:$0x3FFC];
	_ =	sdelay $0x3  }
0x94: {  	_ =	strace s2  }
0x95: {  	s2 =	sld [smem:$0x3FFD];
	_ =	sdelay $0x3  }
0x96: {  	_ =	strace s2  }
0x97: {  	_ =	strace $0x8FFFFFFF  }
0x98: {  	s18 =	sld [smem:$0x3FDB];
	_ =	sdelay $0x1  }
0x99: {  	s19 =	simm.s32 $_scs_section_size  }
0x9a: {  	s4 =	simm.s32 $_size__tile_overlayer_lowered;
	s5 =	simm.s32 $_tile_overlayer_lowered  }
0x9b: {  	s22 =	simm.s32 $0x1BFF;
	s21 =	sshll.u32 s5, $0x1;
	s2 =	sadd.s32 s19, s18  }
0x9c: {  	s6 =	simm.s32 $0x0;
	s20 =	sshll.u32 s4, $0x1;
	s4 =	sadd.s32 s21, s2  }
0x9d: {  	[timem:s6], [sflag:s22] =	dma.local [hbm:s4], s20  }
0x9e: {  	_ =	swait.ge [sflag:s22], s20  }
0x9f: {  	s3 =	ssub.s32 $0x0, s20;
	[sflag:s22] =	ssyncset.done $0x0  }
0xa0: {  	[sflag:s22] =	ssyncadd.s32 s3;
	_ =	sdelay $0x1  }
0xa1: {  	s23 =	simm.s32 $0x1B8B  }
0xa2: {  	_ =	swait.ge [sflag:s23], $0x1  }
0xa3: {  	[sflag:s23] =	ssyncset.done $0x0  }
0xa4: {  	s25 =	simm.s32 $0x1B8E;
	s24 =	sld [smem:$0x3FFE];
	[sflag:s23] =	ssyncadd.s32 $0xFFFFFFFF  }
0xa5: {  	s26 =	simm.s32 $execute0_lowered;
	[smem:$0x3FD2] =	sst s25  }
0xa6: {  	s4 =	sshll.u32 s26, $0x1;
	_ =	strace $0x80000055;
	[dreg:$0x1] =	wrdreg $0xFFFFFFFF  }
0xa7: {  	s28 =	simm.s32 $_size_execute0_lowered;
	s2 =	sadd.s32 s2, s4;
	[dreg:$0x0] =	wrdreg $0x0  }
0xa8: {  	s4 =	sshll.u32 s28, $0x1;
	[dreg:$0x2] =	wrdreg s2  }
0xa9: {  	[dreg:$0x3] =	wrdreg s4  }
0xaa: {  	[dreg:$0x4] =	wrdreg $0xC0  }
0xab: {  	_ =	task [dreg:s6], $0x5FFFF  }
0xac: {  	[dreg:$0x1] =	wrdreg $0xFFFFFFFF  }
0xad: {  	[dreg:$0x0] =	wrdreg $0x60  }
0xae: {  	[dreg:$0x2] =	wrdreg s24  }
0xaf: {  	[dreg:$0x3] =	wrdreg $0x77100  }
0xb0: {  	[dreg:$0x4] =	wrdreg $0x9  }
0xb1: {  	_ =	task.clear_ibuf [dreg:s6], $0x5FFFF;
	_ =	strace $0x90000055  }
0xb2: {  	s29 =	simm.s32 $0x9;
	_ =	strace $0x80000057  }
0xb3: {  	_ =	swait.ge [sflag:s29], $0x1  }
0xb4: {  	[sflag:s29] =	ssyncadd.s32 $0xFFFFFFFF  }
0xb5: {  	_ =	strace $0x90000057  }
0xb6: {  	_ =	sfence  }
0xb7: {  	s30 =	sld [smem:$0x0];
	_ =	sdelay $0x2  }
0xb8: {  	s31 =	sshll.u32 s1, $0xD;
	s1 =	sshrl.u32 s1, $0x2  }
0xb9: {  	s3 =	sand.u32 $0x4000, s31;
	s1 =	sadd.s32 s1, s30  }
0xba: {  	s0 =	sor.u32 s3, s0;
	s1 =	sshll.u32 s1, $0x11  }
0xbb: {  	s0 =	sor.u32 s1, s0  }
0xbc: {  	s0 =	sadd.s32 $0x8F2B, s0  }
0xbd: {  	[sflag:s0] =	ssyncadd.remote.s32 $0x1  }
0xbe: {  	_ =	sfence.sel $0xFFFF  }
0xbf: {  	[dreg:$0x0] =	wrdreg $0xFFFFFFFF;
	(pc) =	sbr.abs _section_cstart, $3  }
0xc0: {  	[dreg:$0x1] =	wrdreg $0xFFFFFFFF  }
0xc1: {  	_ =	task.clear_ibuf [dreg:s6], $0x2FFFF;
	_ =	strace $0x9FFFFFFF  }
0xc2: {  	(tm) =	ssettm $0x7FFFFFFF  }
0xc3: {  	_ =	shalt  }
tec
execute0_lowered:
.L_overlay_start_1:
0x0: {  	(tag) =	ssettag $0x1  }
0x1: {  	s5 =	rddreg [dreg:$0x0]  }
0x2: {  	s0 =	srdreg.scid;
	s2 =	rddreg [dreg:$0x1];
	s3 =	simm.s32 $0x0  }
0x3: {  	s18 =	simm.s32 $0x28;
	s10 =	sand.u32 $0x1, s0;
	s0 =	stileid.u32  }
0x4: {  	s19 =	simm.s32 $0x4F10;
	s20 =	simm.s32 $0x6310;
	s7 =	smul.u32 $0x14000, s0  }
0x5: {  	s21 =	simm.s32 $0x3B10;
	s22 =	simm.s32 $0x3;
	s8 =	smul.u32 $0x140000, s10  }
0x6: {  	s23 =	simm.s32 $0x2;
	s12 =	sadd.s32 $0x51D200, s5;
	s17 =	smul.u32 $0x27100, s10  }
0x7: {  	[smem:$0x7FF] =	sst s3;
	s15 =	sadd.s32 $0xA4E400, s5;
	s25 =	smul.u32 $0x2710, s0  }
0x8: {  	s1 =	sshll.u32 s10, $0x4;
	s13 =	ssub.s32 $0x2, s10;
	s26 =	smul.u32 $0x271000, s10  }
0x9: {  	s29 =	smul.u32 $0x27100, s0;
	s31 =	sshll.u32 s0, $0x6;
	s6 =	sor.u32 s0, s1  }
0xa: {  	s1 =	rddreg [dreg:$0x2];
	_ =	strace $0x80000056;
	s14 =	sshrl.u32 s13, $0x1  }
0xb: {  	s4 =	smul.u32 $0x2710, s6;
	s8 =	sadd.s32 s7, s8;
	s11 =	sshrl.u32 s7, $0x3  }
0xc: {  	s13 =	ssub.s32 s13, s14;
	s24 =	smul.u32 $0x27100, s6;
	s16 =	sadd.s32 s7, s2  }
0xd: {  	s14 =	sor.u32 $0x1C04, s31;
	s8 =	sshrl.u32 s8, $0x3;
	s11 =	sadd.s32 s11, s5  }
0xe: {  	s9 =	sshrl.u32 s4, $0x3;
	s4 =	sadd.s32 $0xA200, s5;
	s8 =	sadd.s32 s8, s5  }
0xf: {  	s6 =	sadd.s32 $0xA26400, s11;
	s7 =	sadd.s32 s12, s24;
	s28 =	sadd.s32 s15, s24  }
0x10: {  	s11 =	sadd.s32 s25, s17;
	s17 =	simm.s32 $0x1;
	s24 =	simm.s32 $0x26C0  }
0x11: {  	s25 =	simm.s32 $0x26E8;
	s9 =	sadd.s32 s9, s5;
	s8 =	sadd.s32 $0x3B200, s8  }
0x12: {  	s10 =	sadd.s32 $0x26C00, s28;
	s30 =	sshll.u32 s11, $0x4;
	s5 =	sadd.s32 $0x31400, s9  }
0x13: {  	s9 =	smax.u32 s13, $0x1;
	s13 =	sadd.s32 s26, s15;
	s12 =	sadd.s32 s12, s30  }
0x14: {  	s15 =	sshrl.u32 s16, $0x3;
	s16 =	simm.s32 $0x2710;
	s26 =	simm.s32 $0x0  }
0x15: {  	s11 =	sadd.s32 s29, s13;
	s12 =	sadd.s32 $0x500, s12;
	s13 =	simm.s32 $0x4  }
.LBB2_1:
0x16: {  	[tilespmem:s3], [sflag:$0x4] =	stream.linear.gather [hbm4b:s5+s3], $0x2710, $0x38;
	[tilespmem:$0x1B710] =	vst v63  }
0x17: {  	_ =	swait.ge [sflag:s13], $0x2710  }
0x18: {  	[sflag:s13] =	ssyncset.done $0x0  }
0x19: {  	[sflag:s13] =	ssyncadd.s32 $0xFFFFD8F0  }
0x1a: {  	[spmem:s15], [sflag:s14] =	dma.local [hbm:s6], $0x2800  }
0x1b: {  	_ =	swait.ge [sflag:s13], $0x2800  }
0x1c: {  	[sflag:s13] =	ssyncset.done $0x0  }
0x1d: {  	[sflag:s13] =	ssyncadd.s32 $0xFFFFD800  }
0x1e: {  	[bflag:$0x0] =	sbarrier.arrive $0xFFFF  }
0x1f: {  	[tilespmem:s16], [sflag:$0x1] =	stream.linear.gather [hbm4b:s7+s3], $0x2800, $0x38;
	[tilespmem:$0x1B710] =	vst v63  }
0x20: {  	_ =	swait.ge [sflag:s17], $0x2800  }
0x21: {  	[sflag:s17] =	ssyncset.done $0x0  }
0x22: {  	s28 =	simm.s32 $0x0;
	[sflag:s17] =	ssyncadd.s32 $0xFFFFD800  }
0x23: {  	[tilespmem:s19], [sflag:$0x2] =	stream.indirect.gather [hbm4b:s4+s18], $0x80, s28, s18, $0xb8;
	[tilespmem:$0x1B710] =	vst v63  }
0x24: {  	_ = 	snop  }
0x25: {  	[spmem:s2] =	stream.indirect.scatter.add.f32 [tilespmem:s16], [sflag:$0x3], $0x80, s28, s18, $0xb8;
	[tilespmem:$0x1B710] =	vst v63  }
0x26: {  	_ = 	snop  }
0x27: {  	[tilespmem:s20], [sflag:$0x2] =	stream.indirect.gather [hbm4b:s4+s18], $0x80, s18, s18, $0xb8;
	[tilespmem:$0x1B710] =	vst v63  }
0x28: {  	_ = 	snop  }
0x29: {  	[spmem:s2] =	stream.indirect.scatter.add.f32 [tilespmem:s21], [sflag:$0x3], $0x80, s18, s18, $0xb8;
	[tilespmem:$0x1B710] =	vst v63  }
0x2a: {  	_ =	swait.ge [sflag:s22], $0x1400  }
0x2b: {  	[sflag:s22] =	ssyncset.done $0x0  }
0x2c: {  	[sflag:s22] =	ssyncadd.s32 $0xFFFFEC00  }
0x2d: {  	_ =	swait.ge [sflag:s22], $0x1400  }
0x2e: {  	[sflag:s22] =	ssyncset.done $0x0  }
0x2f: {  	s28 =	sadd.s32 $0x0, s12;
	[sflag:s22] =	ssyncadd.s32 $0xFFFFEC00  }
0x30: {  	[tilespmem:s16], [sflag:$0x1] =	stream.linear.gather [hbm4b:s28+s3], $0x2800, $0x38;
	[tilespmem:$0x1B710] =	vst v63  }
0x31: {  	_ =	swait.ge [sflag:s23], $0x1400  }
0x32: {  	[sflag:s23] =	ssyncset.done $0x0  }
0x33: {  	[sflag:s23] =	ssyncadd.s32 $0xFFFFEC00  }
0x34: {  	_ =	swait.ge [sflag:s23], $0x1400  }
0x35: {  	[sflag:s23] =	ssyncset.done $0x0  }
0x36: {  	s28 =	sadd.s32 $0x0, s11;
	[sflag:s23] =	ssyncadd.s32 $0xFFFFEC00  }
0x37: {  	[hbm4b:s28+s3] =	stream.linear.scatter [tilespmem:s19], [sflag:$0x4], $0x2800, $0x38;
	[tilespmem:$0x1B710] =	vst v63  }
0x38: {  	_ =	swait.ge [sflag:s13], $0x2800  }
0x39: {  	s29 =	simm.s32 $0x28;
	s28 =	simm.s32 $0x500;
	[sflag:s13] =	ssyncset.done $0x0  }
.LBB2_2:
0x3a: {  	p0 =	sne.s32 s28, $0x26700;
	[sflag:s13] =	ssyncadd.s32 $0xFFFFD800;
	s29 =	sadd.s32 $0x50, s29  }
0x3b: {  	s30 =	smov.u32 s28;
	s28 =	sadd.s32 $0x500, s28;
	_ =	swait.ge [sflag:s17], $0x2800  }
0x3c: {  	[sflag:s17] =	ssyncset.done $0x0  }
0x3d: {  	s31 =	sadd.s32 $0xFFFFFFD8, s29;
	[sflag:s17] =	ssyncadd.s32 $0xFFFFD800  }
0x3e: {  	[tilespmem:s19], [sflag:$0x2] =	stream.indirect.gather [hbm4b:s4+s18], $0x80, s31, s18, $0xb8;
	[tilespmem:$0x1B710] =	vst v63  }
0x3f: {  	_ = 	snop  }
0x40: {  	[spmem:s2] =	stream.indirect.scatter.add.f32 [tilespmem:s16], [sflag:$0x3], $0x80, s31, s18, $0xb8;
	[tilespmem:$0x1B710] =	vst v63  }
0x41: {  	_ = 	snop  }
0x42: {  	[tilespmem:s20], [sflag:$0x2] =	stream.indirect.gather [hbm4b:s4+s18], $0x80, s29, s18, $0xb8;
	[tilespmem:$0x1B710] =	vst v63  }
0x43: {  	_ = 	snop  }
0x44: {  	[spmem:s2] =	stream.indirect.scatter.add.f32 [tilespmem:s21], [sflag:$0x3], $0x80, s29, s18, $0xb8;
	[tilespmem:$0x1B710] =	vst v63  }
0x45: {  	_ =	swait.ge [sflag:s22], $0x1400  }
0x46: {  	[sflag:s22] =	ssyncset.done $0x0  }
0x47: {  	[sflag:s22] =	ssyncadd.s32 $0xFFFFEC00  }
0x48: {  	_ =	swait.ge [sflag:s22], $0x1400  }
0x49: {  	[sflag:s22] =	ssyncset.done $0x0  }
0x4a: {  	s31 =	sadd.s32 s30, s12;
	[sflag:s22] =	ssyncadd.s32 $0xFFFFEC00  }
0x4b: {  	[tilespmem:s16], [sflag:$0x1] =	stream.linear.gather [hbm4b:s31+s3], $0x2800, $0x38;
	[tilespmem:$0x1B710] =	vst v63  }
0x4c: {  	_ =	swait.ge [sflag:s23], $0x1400  }
0x4d: {  	[sflag:s23] =	ssyncset.done $0x0  }
0x4e: {  	[sflag:s23] =	ssyncadd.s32 $0xFFFFEC00  }
0x4f: {  	_ =	swait.ge [sflag:s23], $0x1400  }
.Ltmp0:
0x50: {  	[sflag:s23] =	ssyncset.done $0x0;
	(pc) =	sbr.rel @p0 .LBB2_2-.Ltmp0, $4  }
0x51: {  	s30 =	sadd.s32 s30, s11;
	[sflag:s23] =	ssyncadd.s32 $0xFFFFEC00  }
0x52: {  	[hbm4b:s30+s3] =	stream.linear.scatter [tilespmem:s19], [sflag:$0x4], $0x2800, $0x38;
	[tilespmem:$0x1B710] =	vst v63  }
0x53: {  	_ =	swait.ge [sflag:s13], $0x2800  }
0x54: {  	[sflag:s13] =	ssyncset.done $0x0  }
0x55: {  	[sflag:s13] =	ssyncadd.s32 $0xFFFFD800  }
0x56: {  	_ =	swait.ge [sflag:s17], $0x2800  }
0x57: {  	[sflag:s17] =	ssyncset.done $0x0  }
0x58: {  	[sflag:s17] =	ssyncadd.s32 $0xFFFFD800  }
0x59: {  	[tilespmem:s19], [sflag:$0x2] =	stream.indirect.gather [hbm4b:s4+s18], $0x80, s24, s18, $0xb8;
	[tilespmem:$0x1B710] =	vst v63  }
0x5a: {  	_ = 	snop  }
0x5b: {  	[spmem:s2] =	stream.indirect.scatter.add.f32 [tilespmem:s16], [sflag:$0x3], $0x80, s24, s18, $0xb8;
	[tilespmem:$0x1B710] =	vst v63  }
0x5c: {  	_ = 	snop  }
0x5d: {  	[tilespmem:s20], [sflag:$0x2] =	stream.indirect.gather [hbm4b:s4+s18], $0x80, s25, s18, $0xb8;
	[tilespmem:$0x1B710] =	vst v63  }
0x5e: {  	_ = 	snop  }
0x5f: {  	[spmem:s2] =	stream.indirect.scatter.add.f32 [tilespmem:s21], [sflag:$0x3], $0x80, s25, s18, $0xb8;
	[tilespmem:$0x1B710] =	vst v63  }
0x60: {  	_ =	swait.ge [sflag:s22], $0x1400  }
0x61: {  	[sflag:s22] =	ssyncset.done $0x0  }
0x62: {  	[sflag:s22] =	ssyncadd.s32 $0xFFFFEC00  }
0x63: {  	_ =	swait.ge [sflag:s22], $0x1400  }
0x64: {  	[sflag:s22] =	ssyncset.done $0x0  }
0x65: {  	[sflag:s22] =	ssyncadd.s32 $0xFFFFEC00  }
0x66: {  	_ =	swait.ge [sflag:s23], $0x1400  }
0x67: {  	[sflag:s23] =	ssyncset.done $0x0  }
0x68: {  	[sflag:s23] =	ssyncadd.s32 $0xFFFFEC00  }
0x69: {  	_ =	swait.ge [sflag:s23], $0x1400  }
0x6a: {  	[sflag:s23] =	ssyncset.done $0x0  }
0x6b: {  	[sflag:s23] =	ssyncadd.s32 $0xFFFFEC00  }
0x6c: {  	[hbm4b:s10+s3] =	stream.linear.scatter [tilespmem:s19], [sflag:$0x4], $0x2800, $0x38;
	[tilespmem:$0x1B710] =	vst v63  }
0x6d: {  	_ =	swait.ge [sflag:s13], $0x2800  }
0x6e: {  	s26 =	sadd.s32 $0x1, s26;
	[sflag:s13] =	ssyncset.done $0x0  }
0x6f: {  	p0 =	sne.s32 s26, s9;
	[sflag:s13] =	ssyncadd.s32 $0xFFFFD800  }
.Ltmp1:
0x70: {  	[bflag:$0x0] =	sbarrier.arrive $0xFFFF;
	(pc) =	sbr.rel @p0 .LBB2_1-.Ltmp1, $4  }
0x71: {  	[hbm:s8], [sflag:s14] =	dma.local [spmem:s15], $0x2800  }
0x72: {  	_ =	swait.ge [sflag:s13], $0x2800  }
0x73: {  	[sflag:s13] =	ssyncset.done $0x0  }
0x74: {  	[sflag:s13] =	ssyncadd.s32 $0xFFFFD800  }
0x75: {  	_ =	sfence.sel $0x180000  }
0x76: {  	[bflag:$0x0] =	sbarrier.arrive $0xFFFF  }
0x77: {  	p0 =	sne.s32 s0, $0x0;
	_ =	strace $0x90000056  }
0x78: {  	s0 =	sadd.s32 @!p0 $0x100000, s1;
	[bflag:$0x2] =	sbarrier.arrive $0xFFFF  }
0x79: {  	[sflag:s0] =	ssyncadd.tile.s32 @!p0 $0x1;
	_ =	shalt  }
.Lfunc_end2:
_tile_overlayer_lowered:
.L_overlay_start_2:
0x7a: {  	(tag) =	ssettag $0x2  }
0x7b: {  	s0 =	rddreg [dreg:$0x0];
	s2 =	stileid.u32  }
0x7c: {  	s1 =	rddreg [dreg:$0x1];
	p0 =	sne.s32 s2, $0x0  }
0x7d: {  	s3 =	rddreg [dreg:$0x2];
	[bflag:$0x3] =	sbarrier.arrive $0xFFFF;
	s2 =	simm.s32 @!p0 $0x1C04  }
0x7e: {  	[timem:s3], [sflag:s2] =	dma.local @!p0 [hbm:s0], s1  }
0x7f: {  	s0 =	simm.s32 @!p0 $0x4  }
0x80: {  	_ =	swait.ge @!p0 [sflag:s0], s1  }
0x81: {  	s1 =	ssub.s32 @!p0 $0x0, s1;
	[sflag:s0] =	ssyncset.done @!p0 $0x0  }
0x82: {  	[sflag:s0] =	ssyncadd.s32 @!p0 s1  }
0x83: {  	[bflag:$0x3] =	sbarrier.arrive $0xFFFF  }
0x84: {  	_ =	shalt  }

// kernel: kernel.42.cloned.1.call-start
scs
__scs_entry_jumppad:
0x0: {  	(pc) =	sbr.rel $0x88, $3  }
0x1: {  	(tag) =	ssettag $0x0;
	lr =	simm.s32 $0x1  }
0x2: {  	[smem:$0x3F75] =	sst lr;
	_ =	strace $0xD0000000  }
0x3: {  	_ = 	snop  }
0x4: {  	_ = 	snop  }
0x5: {  	_ = 	snop  }
0x6: {  	_ = 	snop  }
0x7: {  	_ = 	snop  }
__scs_overlays_trampoline_lowered:
0x8: {  	[smem:$0x3F84] =	sst s0  }
0x9: {  	[smem:$0x3F85] =	sst s1  }
0xa: {  	[smem:$0x3F86] =	sst s2  }
0xb: {  	[smem:$0x3F87] =	sst s3  }
0xc: {  	[smem:$0x3F88] =	sst s4  }
0xd: {  	[smem:$0x3F89] =	sst s5  }
0xe: {  	[smem:$0x3F8A] =	sst s6  }
0xf: {  	[smem:$0x3F8B] =	sst s7  }
0x10: {  	[smem:$0x3F8C] =	sst s8  }
0x11: {  	[smem:$0x3F8D] =	sst s9;
	s0 =	simm.s32 @!p0 $0x0  }
0x12: {  	s1 =	sld [smem:$0x3F73];
	s0 =	simm.s32 @p0 $0x1  }
0x13: {  	[smem:$0x3F8E] =	sst s0;
	s0 =	simm.s32 @!p1 $0x0  }
0x14: {  	s2 =	sld [smem:$0x3F72];
	s0 =	simm.s32 @p1 $0x1  }
0x15: {  	[smem:$0x3F8F] =	sst s0;
	s0 =	simm.s32 @!p2 $0x0  }
0x16: {  	s3 =	sld [smem:$0x3FDB];
	s0 =	simm.s32 @p2 $0x1  }
0x17: {  	s4 =	simm.s32 $0x1BF5;
	[smem:$0x3F91] =	sst s0  }
0x18: {  	s0 =	sld [smem:$0x3F74];
	_ =	swait.ge [sflag:s4], $0x0  }
0x19: {  	s7 =	sld [smem:$0x3F75]  }
0x1a: {  	s8 =	sadd.s32 $0xFFFFE003, lr  }
0x1b: {  	s9 =	sadd.s32 $0xFFFFFEF7, lr;
	s5 =	simm.s32 $0xFFFFFFFF;
	p2 =	slt.u32 s8, $0xFFFFF086  }
0x1c: {  	p1 =	slt.u32 s9, $0xF7A;
	s5 =	simm.s32 @!p2 $0x0  }
0x1d: {  	s5 =	simm.s32 @p1 $0x1;
	p0 =	seq.s32 s7, s2  }
0x1e: {  	s7 =	smul.u32 @!p0 $0xF7A, s2;
	p2 =	seq.s32 @!p0 s5, $0x0  }
0x1f: {  	s9 =	smul.u32 $0xF7A, s1;
	s8 =	simm.s32 @!p0 $0x1BF5;
	p2 =	por !p2, p0  }
0x20: {  	[sflag:s8] =	ssyncset.s32 @!p0 $0xFFFFF086;
	s6 =	sadd.s32 @!p0 s3, s7;
	s7 =	simm.s32 @!p0 $0x108  }
0x21: {  	s3 =	sadd.s32 s3, s9;
	s6 =	sadd.s32 @!p0 $0x88, s6;
	s7 =	simm.s32 @p2 $0x1082  }
0x22: {  	[simem:s7], [sflag:s8] =	dma.local @!p0 [hbm:s6], $0xF7A  }
0x23: {  	s9 =	sor.u32 $0xD0000000, s2;
	s6 =	simm.s32 $0x108;
	_ =	swait.ge @!p0 [sflag:s8], $0x0  }
0x24: {  	s3 =	sadd.s32 $0x88, s3;
	s6 =	simm.s32 @!p1 $0x1082;
	[sflag:s4] =	ssyncset.s32 $0xFFFFF086  }
0x25: {  	[simem:s6], [sflag:s4] =	dma.local [hbm:s3], $0xF7A  }
0x26: {  	[smem:$0x3F75] =	sst s1;
	(tag) =	ssettag s2;
	_ =	strace s9  }
0x27: {  	s1 =	sld [smem:$0x3F85]  }
0x28: {  	s2 =	sld [smem:$0x3F86]  }
0x29: {  	s4 =	sld [smem:$0x3F88]  }
0x2a: {  	p0 =	seq.s32 s5, $0x0;
	s5 =	sld [smem:$0x3F89]  }
0x2b: {  	s6 =	sld [smem:$0x3F8A]  }
0x2c: {  	s7 =	sld [smem:$0x3F8B]  }
0x2d: {  	s3 =	simm.s32 $0x108;
	s8 =	sld [smem:$0x3F8C]  }
0x2e: {  	s3 =	simm.s32 @!p0 $0x1082;
	s9 =	sld [smem:$0x3F8D]  }
0x2f: {  	lr =	sadd.s32 s0, s3;
	s0 =	sld [smem:$0x3F84]  }
0x30: {  	s3 =	sld [smem:$0x3F87]  }
0x31: {  	[smem:$0x3F90] =	sst s10  }
0x32: {  	s10 =	sld [smem:$0x3F8E];
	_ =	sdelay $0x3  }
0x33: {  	p0 =	seq.s32 s10, $0x1;
	s10 =	sld [smem:$0x3F90];
	_ =	sdelay $0x3  }
0x34: {  	[smem:$0x3F90] =	sst s10  }
0x35: {  	s10 =	sld [smem:$0x3F8F];
	_ =	sdelay $0x3  }
0x36: {  	p1 =	seq.s32 s10, $0x1;
	s10 =	sld [smem:$0x3F90];
	_ =	sdelay $0x3  }
0x37: {  	[smem:$0x3F90] =	sst s10  }
0x38: {  	s10 =	sld [smem:$0x3F91]  }
0x39: {  	_ = 	snop;
	(pc) =	sbr.ind lr, $3  }
0x3a: {  	_ = 	snop  }
0x3b: {  	_ = 	snop  }
0x3c: {  	p2 =	seq.s32 s10, $0x1;
	s10 =	sld [smem:$0x3F90]  }
0x3d: {  	_ =	shalt  }
0x3e: {  	_ =	shalt  }
0x3f: {  	_ =	shalt  }
0x40: {  	_ =	shalt  }
0x41: {  	_ =	shalt  }
0x42: {  	_ =	shalt  }
0x43: {  	_ =	shalt  }
0x44: {  	_ =	shalt  }
0x45: {  	_ =	shalt  }
0x46: {  	_ =	shalt  }
0x47: {  	_ =	shalt  }
0x48: {  	_ =	shalt  }
0x49: {  	_ =	shalt  }
0x4a: {  	_ =	shalt  }
0x4b: {  	_ =	shalt  }
0x4c: {  	_ =	shalt  }
0x4d: {  	_ =	shalt  }
0x4e: {  	_ =	shalt  }
0x4f: {  	_ =	shalt  }
0x50: {  	_ =	shalt  }
0x51: {  	_ =	shalt  }
0x52: {  	_ =	shalt  }
0x53: {  	_ =	shalt  }
0x54: {  	_ =	shalt  }
0x55: {  	_ =	shalt  }
0x56: {  	_ =	shalt  }
0x57: {  	_ =	shalt  }
0x58: {  	_ =	shalt  }
0x59: {  	_ =	shalt  }
0x5a: {  	_ =	shalt  }
0x5b: {  	_ =	shalt  }
0x5c: {  	_ =	shalt  }
0x5d: {  	_ =	shalt  }
0x5e: {  	_ =	shalt  }
0x5f: {  	_ =	shalt  }
0x60: {  	_ =	shalt  }
0x61: {  	_ =	shalt  }
0x62: {  	_ =	shalt  }
0x63: {  	_ =	shalt  }
0x64: {  	_ =	shalt  }
0x65: {  	_ =	shalt  }
0x66: {  	_ =	shalt  }
0x67: {  	_ =	shalt  }
0x68: {  	_ =	shalt  }
0x69: {  	_ =	shalt  }
0x6a: {  	_ =	shalt  }
0x6b: {  	_ =	shalt  }
0x6c: {  	_ =	shalt  }
0x6d: {  	_ =	shalt  }
0x6e: {  	_ =	shalt  }
0x6f: {  	_ =	shalt  }
0x70: {  	_ =	shalt  }
0x71: {  	_ =	shalt  }
0x72: {  	_ =	shalt  }
0x73: {  	_ =	shalt  }
0x74: {  	_ =	shalt  }
0x75: {  	_ =	shalt  }
0x76: {  	_ =	shalt  }
0x77: {  	_ =	shalt  }
0x78: {  	_ =	shalt  }
0x79: {  	_ =	shalt  }
0x7a: {  	_ =	shalt  }
0x7b: {  	_ =	shalt  }
0x7c: {  	_ =	shalt  }
0x7d: {  	_ =	shalt  }
0x7e: {  	_ =	shalt  }
0x7f: {  	_ =	shalt  }
0x80: {  	_ =	shalt  }
0x81: {  	_ =	shalt  }
0x82: {  	_ =	shalt  }
0x83: {  	_ =	shalt  }
0x84: {  	_ =	shalt  }
0x85: {  	_ =	shalt  }
0x86: {  	_ =	shalt  }
0x87: {  	_ =	shalt  }
.Lfunc_end0:
.L_simem_size_0:
called_computation.6_lowered:
.L_overlay_start_0:
0x88: {  	s2 =	sld [smem:$0x3FD9]  }
0x89: {  	s3 =	sld [smem:$0x3FFE];
	_ =	sdelay $0x1  }
0x8a: {  	s1 =	srdreg.scid  }
0x8b: {  	s0 =	sand.u32 $0x1, s1  }
0x8c: {  	s16 =	sshll.u32 s0, $0xA;
	s2 =	sadd.s32 s3, s2  }
0x8d: {  	s2 =	sadd.s32 s2, s16  }
0x8e: {  	[smem:$0x3F9C] =	sst s2  }
0x8f: {  	_ = 	snop  }
0x90: {  	(tm) =	ssettm $0x1  }
0x91: {  	s17 =	sld [smem:$0x3FFB];
	_ =	sdelay $0x3  }
0x92: {  	_ =	strace s17  }
0x93: {  	s2 =	sld [smem:$0x3FFC];
	_ =	sdelay $0x3  }
0x94: {  	_ =	strace s2  }
0x95: {  	s2 =	sld [smem:$0x3FFD];
	_ =	sdelay $0x3  }
0x96: {  	_ =	strace s2  }
0x97: {  	_ =	strace $0x8FFFFFFF  }
0x98: {  	s18 =	sld [smem:$0x3FDB];
	_ =	sdelay $0x1  }
0x99: {  	s19 =	simm.s32 $_scs_section_size  }
0x9a: {  	s4 =	simm.s32 $_size__tile_overlayer_lowered;
	s5 =	simm.s32 $_tile_overlayer_lowered  }
0x9b: {  	s22 =	simm.s32 $0x1BFF;
	s21 =	sshll.u32 s5, $0x1;
	s2 =	sadd.s32 s19, s18  }
0x9c: {  	s6 =	simm.s32 $0x0;
	s20 =	sshll.u32 s4, $0x1;
	s4 =	sadd.s32 s21, s2  }
0x9d: {  	[timem:s6], [sflag:s22] =	dma.local [hbm:s4], s20  }
0x9e: {  	_ =	swait.ge [sflag:s22], s20  }
0x9f: {  	s3 =	ssub.s32 $0x0, s20;
	[sflag:s22] =	ssyncset.done $0x0  }
0xa0: {  	[sflag:s22] =	ssyncadd.s32 s3;
	_ =	sdelay $0x1  }
0xa1: {  	s23 =	simm.s32 $0x1B8B  }
0xa2: {  	_ =	swait.ge [sflag:s23], $0x1  }
0xa3: {  	[sflag:s23] =	ssyncset.done $0x0  }
0xa4: {  	s25 =	simm.s32 $0x1B8E;
	s24 =	sld [smem:$0x3FFE];
	[sflag:s23] =	ssyncadd.s32 $0xFFFFFFFF  }
0xa5: {  	s26 =	simm.s32 $execute0_lowered;
	[smem:$0x3FD2] =	sst s25  }
0xa6: {  	s4 =	sshll.u32 s26, $0x1;
	_ =	strace $0x80000058;
	[dreg:$0x1] =	wrdreg $0xFFFFFFFF  }
0xa7: {  	s28 =	simm.s32 $_size_execute0_lowered;
	s2 =	sadd.s32 s2, s4;
	[dreg:$0x0] =	wrdreg $0x0  }
0xa8: {  	s4 =	sshll.u32 s28, $0x1;
	[dreg:$0x2] =	wrdreg s2  }
0xa9: {  	[dreg:$0x3] =	wrdreg s4  }
0xaa: {  	[dreg:$0x4] =	wrdreg $0xC0  }
0xab: {  	_ =	task [dreg:s6], $0x5FFFF  }
0xac: {  	[dreg:$0x1] =	wrdreg $0xFFFFFFFF  }
0xad: {  	[dreg:$0x0] =	wrdreg $0x60  }
0xae: {  	[dreg:$0x2] =	wrdreg s24  }
0xaf: {  	[dreg:$0x3] =	wrdreg $0x77100  }
0xb0: {  	[dreg:$0x4] =	wrdreg $0x9  }
0xb1: {  	_ =	task.clear_ibuf [dreg:s6], $0x5FFFF;
	_ =	strace $0x90000058  }
0xb2: {  	s29 =	simm.s32 $0x9;
	_ =	strace $0x8000005A  }
0xb3: {  	_ =	swait.ge [sflag:s29], $0x1  }
0xb4: {  	[sflag:s29] =	ssyncadd.s32 $0xFFFFFFFF  }
0xb5: {  	_ =	strace $0x9000005A  }
0xb6: {  	_ =	sfence  }
0xb7: {  	s30 =	sld [smem:$0x0];
	_ =	sdelay $0x2  }
0xb8: {  	s31 =	sshll.u32 s1, $0xD;
	s1 =	sshrl.u32 s1, $0x2  }
0xb9: {  	s3 =	sand.u32 $0x4000, s31;
	s1 =	sadd.s32 s1, s30  }
0xba: {  	s0 =	sor.u32 s3, s0;
	s1 =	sshll.u32 s1, $0x11  }
0xbb: {  	s0 =	sor.u32 s1, s0  }
0xbc: {  	s0 =	sadd.s32 $0x8F2B, s0  }
0xbd: {  	[sflag:s0] =	ssyncadd.remote.s32 $0x1  }
0xbe: {  	_ =	sfence.sel $0xFFFF  }
0xbf: {  	[dreg:$0x0] =	wrdreg $0xFFFFFFFF;
	(pc) =	sbr.abs _section_cstart, $3  }
0xc0: {  	[dreg:$0x1] =	wrdreg $0xFFFFFFFF  }
0xc1: {  	_ =	task.clear_ibuf [dreg:s6], $0x2FFFF;
	_ =	strace $0x9FFFFFFF  }
0xc2: {  	(tm) =	ssettm $0x7FFFFFFF  }
0xc3: {  	_ =	shalt  }
tec
execute0_lowered:
.L_overlay_start_1:
0x0: {  	(tag) =	ssettag $0x1  }
0x1: {  	s0 =	srdreg.scid;
	s1 =	rddreg [dreg:$0x0]  }
0x2: {  	s13 =	stileid.u32;
	s2 =	rddreg [dreg:$0x1]  }
0x3: {  	s16 =	simm.s32 $0x2710;
	s17 =	simm.s32 $0x4F10;
	s18 =	simm.s32 $0x1  }
0x4: {  	s19 =	simm.s32 $0x28;
	s20 =	simm.s32 $0x3B10;
	s21 =	simm.s32 $0x3  }
0x5: {  	s22 =	simm.s32 $0x2;
	s23 =	simm.s32 $0x6310;
	s29 =	simm.s32 $0x26C0  }
0x6: {  	s30 =	simm.s32 $0x26E8;
	s31 =	simm.s32 $0x0;
	s6 =	smul.u32 $0x14000, s13  }
0x7: {  	s0 =	sand.u32 $0x1, s0;
	s11 =	sadd.s32 $0x3B200, s1;
	s25 =	smul.u32 $0x2710, s13  }
0x8: {  	s28 =	sshll.u32 s13, $0x6;
	s3 =	sshll.u32 s0, $0x4;
	s7 =	smul.u32 $0x140000, s0  }
0x9: {  	s10 =	ssub.s32 $0x2, s0;
	s0 =	smul.u32 $0x27100, s0;
	s14 =	sor.u32 $0x1C04, s28  }
0xa: {  	s4 =	sor.u32 s13, s3;
	s3 =	simm.s32 $0x0;
	s8 =	sshrl.u32 s6, $0x3  }
0xb: {  	s24 =	sshrl.u32 s10, $0x1;
	s15 =	sadd.s32 s6, s2;
	s5 =	smul.u32 $0x2710, s4  }
0xc: {  	s13 =	simm.s32 $0x4;
	[smem:$0x7FF] =	sst s3;
	s9 =	smul.u32 $0x27100, s4  }
0xd: {  	s8 =	sadd.s32 s8, s1;
	s7 =	sadd.s32 s6, s7;
	s12 =	smul.u32 $0x138800, s4  }
0xe: {  	s10 =	ssub.s32 s10, s24;
	s0 =	sadd.s32 s25, s0;
	s15 =	sshrl.u32 s15, $0x3  }
0xf: {  	_ =	strace $0x80000059;
	s7 =	sshrl.u32 s7, $0x3;
	s0 =	sshll.u32 s0, $0x4  }
0x10: {  	s5 =	sshrl.u32 s5, $0x3;
	s26 =	sshrl.u32 s12, $0x3;
	s6 =	sadd.s32 s11, s9  }
0x11: {  	s9 =	smax.u32 s10, $0x1;
	s0 =	sadd.s32 s11, s0;
	s5 =	sadd.s32 s5, s1  }
0x12: {  	s1 =	sadd.s32 s7, s1;
	s10 =	sadd.s32 $0x26C00, s6;
	s25 =	sadd.s32 $0xF00, s0  }
0x13: {  	s4 =	sadd.s32 $0x31400, s5;
	s5 =	sadd.s32 $0xA26400, s8;
	s8 =	sadd.s32 s11, s26  }
0x14: {  	s12 =	sadd.s32 $0xA00, s0;
	s7 =	sadd.s32 $0x500, s8;
	s8 =	sadd.s32 $0x51D200, s1  }
.LBB2_1:
0x15: {  	[tilespmem:s3], [sflag:$0x4] =	stream.linear.gather [hbm4b:s4+s3], $0x2710, $0x38;
	[tilespmem:$0x1B710] =	vst v63  }
0x16: {  	_ =	swait.ge [sflag:s13], $0x2710  }
0x17: {  	[sflag:s13] =	ssyncset.done $0x0  }
0x18: {  	[sflag:s13] =	ssyncadd.s32 $0xFFFFD8F0  }
0x19: {  	[spmem:s15], [sflag:s14] =	dma.local [hbm:s5], $0x2800  }
0x1a: {  	_ =	swait.ge [sflag:s13], $0x2800  }
0x1b: {  	[sflag:s13] =	ssyncset.done $0x0  }
0x1c: {  	[sflag:s13] =	ssyncadd.s32 $0xFFFFD800  }
0x1d: {  	[bflag:$0x0] =	sbarrier.arrive $0xFFFF  }
0x1e: {  	[tilespmem:s16], [sflag:$0x1] =	stream.linear.gather [hbm4b:s6+s3], $0x2800, $0x38;
	[tilespmem:$0x1B710] =	vst v63  }
0x1f: {  	_ = 	snop  }
0x20: {  	[tilespmem:s17], [sflag:$0x2] =	stream.linear.gather [hbm4b:s7+s3], $0x2800, $0x38;
	[tilespmem:$0x1B710] =	vst v63  }
0x21: {  	_ =	swait.ge [sflag:s18], $0x2800  }
0x22: {  	[sflag:s18] =	ssyncset.done $0x0  }
0x23: {  	s0 =	simm.s32 $0x0;
	[sflag:s18] =	ssyncadd.s32 $0xFFFFD800  }
0x24: {  	[spmem:s2] =	stream.indirect.scatter.add.f32 [tilespmem:s16], [sflag:$0x3], $0x80, s0, s19, $0xb8;
	[tilespmem:$0x1B710] =	vst v63  }
0x25: {  	s24 =	simm.s32 $0x28  }
0x26: {  	[spmem:s2] =	stream.indirect.scatter.add.f32 [tilespmem:s20], [sflag:$0x3], $0x80, s24, s19, $0xb8;
	[tilespmem:$0x1B710] =	vst v63  }
0x27: {  	_ =	swait.ge [sflag:s21], $0x1400  }
0x28: {  	[sflag:s21] =	ssyncset.done $0x0  }
0x29: {  	[sflag:s21] =	ssyncadd.s32 $0xFFFFEC00  }
0x2a: {  	_ =	swait.ge [sflag:s21], $0x1400  }
0x2b: {  	[sflag:s21] =	ssyncset.done $0x0  }
0x2c: {  	[sflag:s21] =	ssyncadd.s32 $0xFFFFEC00  }
0x2d: {  	[tilespmem:s16], [sflag:$0x1] =	stream.linear.gather [hbm4b:s12+s3], $0x2800, $0x38;
	[tilespmem:$0x1B710] =	vst v63  }
0x2e: {  	_ =	swait.ge [sflag:s22], $0x2800  }
0x2f: {  	[sflag:s22] =	ssyncset.done $0x0  }
0x30: {  	s26 =	simm.s32 $0x50;
	[sflag:s22] =	ssyncadd.s32 $0xFFFFD800  }
0x31: {  	[spmem:s2] =	stream.indirect.scatter.add.f32 [tilespmem:s17], [sflag:$0x3], $0x80, s26, s19, $0xb8;
	[tilespmem:$0x1B710] =	vst v63  }
0x32: {  	s28 =	simm.s32 $0x78  }
0x33: {  	[spmem:s2] =	stream.indirect.scatter.add.f32 [tilespmem:s23], [sflag:$0x3], $0x80, s28, s19, $0xb8;
	[tilespmem:$0x1B710] =	vst v63  }
0x34: {  	_ =	swait.ge [sflag:s21], $0x1400  }
0x35: {  	[sflag:s21] =	ssyncset.done $0x0  }
0x36: {  	[sflag:s21] =	ssyncadd.s32 $0xFFFFEC00  }
0x37: {  	_ =	swait.ge [sflag:s21], $0x1400  }
0x38: {  	s1 =	simm.s32 $0x280;
	s11 =	smov.u32 s25;
	[sflag:s21] =	ssyncset.done $0x0  }
0x39: {  	s0 =	sadd.s32 $0xA00, s25;
	s24 =	sadd.s32 $0xA00, s12;
	[sflag:s21] =	ssyncadd.s32 $0xFFFFEC00  }
.LBB2_2:
0x3a: {  	[tilespmem:s17], [sflag:$0x2] =	stream.linear.gather [hbm4b:s11+s3], $0x2800, $0x38;
	[tilespmem:$0x1B710] =	vst v63  }
0x3b: {  	s26 =	smov.u32 s1;
	s11 =	smov.u32 s0  }
0x3c: {  	p0 =	sne.s32 s1, $0x9600;
	s1 =	sadd.s32 $0x280, s1;
	_ =	swait.ge [sflag:s18], $0x2800  }
0x3d: {  	[sflag:s18] =	ssyncset.done $0x0  }
0x3e: {  	s26 =	sshra.s32 s26, $0x2;
	[sflag:s18] =	ssyncadd.s32 $0xFFFFD800  }
0x3f: {  	[spmem:s2] =	stream.indirect.scatter.add.f32 [tilespmem:s16], [sflag:$0x3], $0x80, s26, s19, $0xb8;
	[tilespmem:$0x1B710] =	vst v63  }
0x40: {  	s28 =	sadd.s32 $0x28, s26  }
0x41: {  	[spmem:s2] =	stream.indirect.scatter.add.f32 [tilespmem:s20], [sflag:$0x3], $0x80, s28, s19, $0xb8;
	[tilespmem:$0x1B710] =	vst v63  }
0x42: {  	_ =	swait.ge [sflag:s21], $0x1400  }
0x43: {  	[sflag:s21] =	ssyncset.done $0x0  }
0x44: {  	[sflag:s21] =	ssyncadd.s32 $0xFFFFEC00  }
0x45: {  	_ =	swait.ge [sflag:s21], $0x1400  }
0x46: {  	[sflag:s21] =	ssyncset.done $0x0  }
0x47: {  	[sflag:s21] =	ssyncadd.s32 $0xFFFFEC00  }
0x48: {  	[tilespmem:s16], [sflag:$0x1] =	stream.linear.gather [hbm4b:s24+s3], $0x2800, $0x38;
	[tilespmem:$0x1B710] =	vst v63  }
0x49: {  	_ =	swait.ge [sflag:s22], $0x2800  }
0x4a: {  	[sflag:s22] =	ssyncset.done $0x0  }
0x4b: {  	s28 =	sadd.s32 $0x50, s26;
	[sflag:s22] =	ssyncadd.s32 $0xFFFFD800  }
0x4c: {  	[spmem:s2] =	stream.indirect.scatter.add.f32 [tilespmem:s17], [sflag:$0x3], $0x80, s28, s19, $0xb8;
	[tilespmem:$0x1B710] =	vst v63  }
0x4d: {  	s26 =	sadd.s32 $0x78, s26  }
0x4e: {  	[spmem:s2] =	stream.indirect.scatter.add.f32 [tilespmem:s23], [sflag:$0x3], $0x80, s26, s19, $0xb8;
	[tilespmem:$0x1B710] =	vst v63  }
0x4f: {  	_ =	swait.ge [sflag:s21], $0x1400  }
.Ltmp0:
0x50: {  	[sflag:s21] =	ssyncset.done $0x0;
	(pc) =	sbr.rel @p0 .LBB2_2-.Ltmp0, $4  }
0x51: {  	[sflag:s21] =	ssyncadd.s32 $0xFFFFEC00  }
0x52: {  	_ =	swait.ge [sflag:s21], $0x1400  }
0x53: {  	[sflag:s21] =	ssyncset.done $0x0  }
0x54: {  	s0 =	sadd.s32 $0xA00, s0;
	s24 =	sadd.s32 $0xA00, s24;
	[sflag:s21] =	ssyncadd.s32 $0xFFFFEC00  }
0x55: {  	[tilespmem:s17], [sflag:$0x2] =	stream.linear.gather [hbm4b:s11+s3], $0x2800, $0x38;
	[tilespmem:$0x1B710] =	vst v63  }
0x56: {  	_ =	swait.ge [sflag:s18], $0x2800  }
0x57: {  	[sflag:s18] =	ssyncset.done $0x0  }
0x58: {  	s0 =	simm.s32 $0x2620;
	[sflag:s18] =	ssyncadd.s32 $0xFFFFD800  }
0x59: {  	[spmem:s2] =	stream.indirect.scatter.add.f32 [tilespmem:s16], [sflag:$0x3], $0x80, s0, s19, $0xb8;
	[tilespmem:$0x1B710] =	vst v63  }
0x5a: {  	s24 =	simm.s32 $0x2648  }
0x5b: {  	[spmem:s2] =	stream.indirect.scatter.add.f32 [tilespmem:s20], [sflag:$0x3], $0x80, s24, s19, $0xb8;
	[tilespmem:$0x1B710] =	vst v63  }
0x5c: {  	_ =	swait.ge [sflag:s21], $0x1400  }
0x5d: {  	[sflag:s21] =	ssyncset.done $0x0  }
0x5e: {  	[sflag:s21] =	ssyncadd.s32 $0xFFFFEC00  }
0x5f: {  	_ =	swait.ge [sflag:s21], $0x1400  }
0x60: {  	[sflag:s21] =	ssyncset.done $0x0  }
0x61: {  	[sflag:s21] =	ssyncadd.s32 $0xFFFFEC00  }
0x62: {  	[tilespmem:s16], [sflag:$0x1] =	stream.linear.gather [hbm4b:s10+s3], $0x2800, $0x38;
	[tilespmem:$0x1B710] =	vst v63  }
0x63: {  	_ =	swait.ge [sflag:s22], $0x2800  }
0x64: {  	[sflag:s22] =	ssyncset.done $0x0  }
0x65: {  	s26 =	simm.s32 $0x2670;
	[sflag:s22] =	ssyncadd.s32 $0xFFFFD800  }
0x66: {  	[spmem:s2] =	stream.indirect.scatter.add.f32 [tilespmem:s17], [sflag:$0x3], $0x80, s26, s19, $0xb8;
	[tilespmem:$0x1B710] =	vst v63  }
0x67: {  	s28 =	simm.s32 $0x2698  }
0x68: {  	[spmem:s2] =	stream.indirect.scatter.add.f32 [tilespmem:s23], [sflag:$0x3], $0x80, s28, s19, $0xb8;
	[tilespmem:$0x1B710] =	vst v63  }
0x69: {  	_ =	swait.ge [sflag:s21], $0x1400  }
0x6a: {  	[sflag:s21] =	ssyncset.done $0x0  }
0x6b: {  	[sflag:s21] =	ssyncadd.s32 $0xFFFFEC00  }
0x6c: {  	_ =	swait.ge [sflag:s21], $0x1400  }
0x6d: {  	[sflag:s21] =	ssyncset.done $0x0  }
0x6e: {  	[sflag:s21] =	ssyncadd.s32 $0xFFFFEC00  }
0x6f: {  	_ =	swait.ge [sflag:s18], $0x2800  }
0x70: {  	[sflag:s18] =	ssyncset.done $0x0  }
0x71: {  	[sflag:s18] =	ssyncadd.s32 $0xFFFFD800  }
0x72: {  	[spmem:s2] =	stream.indirect.scatter.add.f32 [tilespmem:s16], [sflag:$0x3], $0x80, s29, s19, $0xb8;
	[tilespmem:$0x1B710] =	vst v63  }
0x73: {  	_ = 	snop  }
0x74: {  	[spmem:s2] =	stream.indirect.scatter.add.f32 [tilespmem:s20], [sflag:$0x3], $0x80, s30, s19, $0xb8;
	[tilespmem:$0x1B710] =	vst v63  }
0x75: {  	_ =	swait.ge [sflag:s21], $0x1400  }
0x76: {  	[sflag:s21] =	ssyncset.done $0x0  }
0x77: {  	[sflag:s21] =	ssyncadd.s32 $0xFFFFEC00  }
0x78: {  	_ =	swait.ge [sflag:s21], $0x1400  }
0x79: {  	s31 =	sadd.s32 $0x1, s31;
	[sflag:s21] =	ssyncset.done $0x0  }
0x7a: {  	p0 =	sne.s32 s31, s9;
	[sflag:s21] =	ssyncadd.s32 $0xFFFFEC00  }
.Ltmp1:
0x7b: {  	[bflag:$0x0] =	sbarrier.arrive $0xFFFF;
	(pc) =	sbr.rel @p0 .LBB2_1-.Ltmp1, $4  }
0x7c: {  	[hbm:s8], [sflag:s14] =	dma.local [spmem:s15], $0x2800  }
0x7d: {  	_ =	swait.ge [sflag:s13], $0x2800  }
0x7e: {  	[sflag:s13] =	ssyncset.done $0x0  }
0x7f: {  	[sflag:s13] =	ssyncadd.s32 $0xFFFFD800  }
0x80: {  	_ =	sfence.sel $0x180000  }
0x81: {  	[bflag:$0x0] =	sbarrier.arrive $0xFFFF  }
0x82: {  	_ =	strace $0x90000059  }
0x83: {  	s0 =	stileid.u32;
	[bflag:$0x2] =	sbarrier.arrive $0xFFFF  }
0x84: {  	p0 =	sne.s32 s0, $0x0;
	s0 =	rddreg [dreg:$0x2]  }
0x85: {  	s0 =	sadd.s32 @!p0 $0x100000, s0  }
0x86: {  	[sflag:s0] =	ssyncadd.tile.s32 @!p0 $0x1;
	_ =	shalt  }
.Lfunc_end2:
_tile_overlayer_lowered:
.L_overlay_start_2:
0x87: {  	(tag) =	ssettag $0x2  }
0x88: {  	s0 =	rddreg [dreg:$0x0];
	s2 =	stileid.u32  }
0x89: {  	s1 =	rddreg [dreg:$0x1];
	p0 =	sne.s32 s2, $0x0  }
0x8a: {  	s3 =	rddreg [dreg:$0x2];
	[bflag:$0x3] =	sbarrier.arrive $0xFFFF;
	s2 =	simm.s32 @!p0 $0x1C04  }
0x8b: {  	[timem:s3], [sflag:s2] =	dma.local @!p0 [hbm:s0], s1  }
0x8c: {  	s0 =	simm.s32 @!p0 $0x4  }
0x8d: {  	_ =	swait.ge @!p0 [sflag:s0], s1  }
0x8e: {  	s1 =	ssub.s32 @!p0 $0x0, s1;
	[sflag:s0] =	ssyncset.done @!p0 $0x0  }
0x8f: {  	[sflag:s0] =	ssyncadd.s32 @!p0 s1  }
0x90: {  	[bflag:$0x3] =	sbarrier.arrive $0xFFFF  }
0x91: {  	_ =	shalt  }

// kernel: kernel.45.cloned.1.call-start
scs
__scs_entry_jumppad:
0x0: {  	(pc) =	sbr.rel $0x88, $3  }
0x1: {  	(tag) =	ssettag $0x0;
	lr =	simm.s32 $0x1  }
0x2: {  	[smem:$0x3F75] =	sst lr;
	_ =	strace $0xD0000000  }
0x3: {  	_ = 	snop  }
0x4: {  	_ = 	snop  }
0x5: {  	_ = 	snop  }
0x6: {  	_ = 	snop  }
0x7: {  	_ = 	snop  }
__scs_overlays_trampoline_lowered:
0x8: {  	[smem:$0x3F84] =	sst s0  }
0x9: {  	[smem:$0x3F85] =	sst s1  }
0xa: {  	[smem:$0x3F86] =	sst s2  }
0xb: {  	[smem:$0x3F87] =	sst s3  }
0xc: {  	[smem:$0x3F88] =	sst s4  }
0xd: {  	[smem:$0x3F89] =	sst s5  }
0xe: {  	[smem:$0x3F8A] =	sst s6  }
0xf: {  	[smem:$0x3F8B] =	sst s7  }
0x10: {  	[smem:$0x3F8C] =	sst s8  }
0x11: {  	[smem:$0x3F8D] =	sst s9;
	s0 =	simm.s32 @!p0 $0x0  }
0x12: {  	s1 =	sld [smem:$0x3F73];
	s0 =	simm.s32 @p0 $0x1  }
0x13: {  	[smem:$0x3F8E] =	sst s0;
	s0 =	simm.s32 @!p1 $0x0  }
0x14: {  	s2 =	sld [smem:$0x3F72];
	s0 =	simm.s32 @p1 $0x1  }
0x15: {  	[smem:$0x3F8F] =	sst s0;
	s0 =	simm.s32 @!p2 $0x0  }
0x16: {  	s3 =	sld [smem:$0x3FDB];
	s0 =	simm.s32 @p2 $0x1  }
0x17: {  	s4 =	simm.s32 $0x1BF5;
	[smem:$0x3F91] =	sst s0  }
0x18: {  	s0 =	sld [smem:$0x3F74];
	_ =	swait.ge [sflag:s4], $0x0  }
0x19: {  	s7 =	sld [smem:$0x3F75]  }
0x1a: {  	s8 =	sadd.s32 $0xFFFFE003, lr  }
0x1b: {  	s9 =	sadd.s32 $0xFFFFFEF7, lr;
	s5 =	simm.s32 $0xFFFFFFFF;
	p2 =	slt.u32 s8, $0xFFFFF086  }
0x1c: {  	p1 =	slt.u32 s9, $0xF7A;
	s5 =	simm.s32 @!p2 $0x0  }
0x1d: {  	s5 =	simm.s32 @p1 $0x1;
	p0 =	seq.s32 s7, s2  }
0x1e: {  	s7 =	smul.u32 @!p0 $0xF7A, s2;
	p2 =	seq.s32 @!p0 s5, $0x0  }
0x1f: {  	s9 =	smul.u32 $0xF7A, s1;
	s8 =	simm.s32 @!p0 $0x1BF5;
	p2 =	por !p2, p0  }
0x20: {  	[sflag:s8] =	ssyncset.s32 @!p0 $0xFFFFF086;
	s6 =	sadd.s32 @!p0 s3, s7;
	s7 =	simm.s32 @!p0 $0x108  }
0x21: {  	s3 =	sadd.s32 s3, s9;
	s6 =	sadd.s32 @!p0 $0x88, s6;
	s7 =	simm.s32 @p2 $0x1082  }
0x22: {  	[simem:s7], [sflag:s8] =	dma.local @!p0 [hbm:s6], $0xF7A  }
0x23: {  	s9 =	sor.u32 $0xD0000000, s2;
	s6 =	simm.s32 $0x108;
	_ =	swait.ge @!p0 [sflag:s8], $0x0  }
0x24: {  	s3 =	sadd.s32 $0x88, s3;
	s6 =	simm.s32 @!p1 $0x1082;
	[sflag:s4] =	ssyncset.s32 $0xFFFFF086  }
0x25: {  	[simem:s6], [sflag:s4] =	dma.local [hbm:s3], $0xF7A  }
0x26: {  	[smem:$0x3F75] =	sst s1;
	(tag) =	ssettag s2;
	_ =	strace s9  }
0x27: {  	s1 =	sld [smem:$0x3F85]  }
0x28: {  	s2 =	sld [smem:$0x3F86]  }
0x29: {  	s4 =	sld [smem:$0x3F88]  }
0x2a: {  	p0 =	seq.s32 s5, $0x0;
	s5 =	sld [smem:$0x3F89]  }
0x2b: {  	s6 =	sld [smem:$0x3F8A]  }
0x2c: {  	s7 =	sld [smem:$0x3F8B]  }
0x2d: {  	s3 =	simm.s32 $0x108;
	s8 =	sld [smem:$0x3F8C]  }
0x2e: {  	s3 =	simm.s32 @!p0 $0x1082;
	s9 =	sld [smem:$0x3F8D]  }
0x2f: {  	lr =	sadd.s32 s0, s3;
	s0 =	sld [smem:$0x3F84]  }
0x30: {  	s3 =	sld [smem:$0x3F87]  }
0x31: {  	[smem:$0x3F90] =	sst s10  }
0x32: {  	s10 =	sld [smem:$0x3F8E];
	_ =	sdelay $0x3  }
0x33: {  	p0 =	seq.s32 s10, $0x1;
	s10 =	sld [smem:$0x3F90];
	_ =	sdelay $0x3  }
0x34: {  	[smem:$0x3F90] =	sst s10  }
0x35: {  	s10 =	sld [smem:$0x3F8F];
	_ =	sdelay $0x3  }
0x36: {  	p1 =	seq.s32 s10, $0x1;
	s10 =	sld [smem:$0x3F90];
	_ =	sdelay $0x3  }
0x37: {  	[smem:$0x3F90] =	sst s10  }
0x38: {  	s10 =	sld [smem:$0x3F91]  }
0x39: {  	_ = 	snop;
	(pc) =	sbr.ind lr, $3  }
0x3a: {  	_ = 	snop  }
0x3b: {  	_ = 	snop  }
0x3c: {  	p2 =	seq.s32 s10, $0x1;
	s10 =	sld [smem:$0x3F90]  }
0x3d: {  	_ =	shalt  }
0x3e: {  	_ =	shalt  }
0x3f: {  	_ =	shalt  }
0x40: {  	_ =	shalt  }
0x41: {  	_ =	shalt  }
0x42: {  	_ =	shalt  }
0x43: {  	_ =	shalt  }
0x44: {  	_ =	shalt  }
0x45: {  	_ =	shalt  }
0x46: {  	_ =	shalt  }
0x47: {  	_ =	shalt  }
0x48: {  	_ =	shalt  }
0x49: {  	_ =	shalt  }
0x4a: {  	_ =	shalt  }
0x4b: {  	_ =	shalt  }
0x4c: {  	_ =	shalt  }
0x4d: {  	_ =	shalt  }
0x4e: {  	_ =	shalt  }
0x4f: {  	_ =	shalt  }
0x50: {  	_ =	shalt  }
0x51: {  	_ =	shalt  }
0x52: {  	_ =	shalt  }
0x53: {  	_ =	shalt  }
0x54: {  	_ =	shalt  }
0x55: {  	_ =	shalt  }
0x56: {  	_ =	shalt  }
0x57: {  	_ =	shalt  }
0x58: {  	_ =	shalt  }
0x59: {  	_ =	shalt  }
0x5a: {  	_ =	shalt  }
0x5b: {  	_ =	shalt  }
0x5c: {  	_ =	shalt  }
0x5d: {  	_ =	shalt  }
0x5e: {  	_ =	shalt  }
0x5f: {  	_ =	shalt  }
0x60: {  	_ =	shalt  }
0x61: {  	_ =	shalt  }
0x62: {  	_ =	shalt  }
0x63: {  	_ =	shalt  }
0x64: {  	_ =	shalt  }
0x65: {  	_ =	shalt  }
0x66: {  	_ =	shalt  }
0x67: {  	_ =	shalt  }
0x68: {  	_ =	shalt  }
0x69: {  	_ =	shalt  }
0x6a: {  	_ =	shalt  }
0x6b: {  	_ =	shalt  }
0x6c: {  	_ =	shalt  }
0x6d: {  	_ =	shalt  }
0x6e: {  	_ =	shalt  }
0x6f: {  	_ =	shalt  }
0x70: {  	_ =	shalt  }
0x71: {  	_ =	shalt  }
0x72: {  	_ =	shalt  }
0x73: {  	_ =	shalt  }
0x74: {  	_ =	shalt  }
0x75: {  	_ =	shalt  }
0x76: {  	_ =	shalt  }
0x77: {  	_ =	shalt  }
0x78: {  	_ =	shalt  }
0x79: {  	_ =	shalt  }
0x7a: {  	_ =	shalt  }
0x7b: {  	_ =	shalt  }
0x7c: {  	_ =	shalt  }
0x7d: {  	_ =	shalt  }
0x7e: {  	_ =	shalt  }
0x7f: {  	_ =	shalt  }
0x80: {  	_ =	shalt  }
0x81: {  	_ =	shalt  }
0x82: {  	_ =	shalt  }
0x83: {  	_ =	shalt  }
0x84: {  	_ =	shalt  }
0x85: {  	_ =	shalt  }
0x86: {  	_ =	shalt  }
0x87: {  	_ =	shalt  }
.Lfunc_end0:
.L_simem_size_0:
called_computation.7_lowered:
.L_overlay_start_0:
0x88: {  	s2 =	sld [smem:$0x3FD9]  }
0x89: {  	s3 =	sld [smem:$0x3FFE];
	_ =	sdelay $0x1  }
0x8a: {  	s1 =	srdreg.scid  }
0x8b: {  	s0 =	sand.u32 $0x1, s1  }
0x8c: {  	s16 =	sshll.u32 s0, $0xA;
	s2 =	sadd.s32 s3, s2  }
0x8d: {  	s2 =	sadd.s32 s2, s16  }
0x8e: {  	[smem:$0x3F9C] =	sst s2  }
0x8f: {  	_ = 	snop  }
0x90: {  	(tm) =	ssettm $0x1  }
0x91: {  	s17 =	sld [smem:$0x3FFB];
	_ =	sdelay $0x3  }
0x92: {  	_ =	strace s17  }
0x93: {  	s2 =	sld [smem:$0x3FFC];
	_ =	sdelay $0x3  }
0x94: {  	_ =	strace s2  }
0x95: {  	s2 =	sld [smem:$0x3FFD];
	_ =	sdelay $0x3  }
0x96: {  	_ =	strace s2  }
0x97: {  	_ =	strace $0x8FFFFFFF  }
0x98: {  	s18 =	sld [smem:$0x3FDB];
	_ =	sdelay $0x1  }
0x99: {  	s19 =	simm.s32 $_scs_section_size  }
0x9a: {  	s4 =	simm.s32 $_size__tile_overlayer_lowered;
	s5 =	simm.s32 $_tile_overlayer_lowered  }
0x9b: {  	s22 =	simm.s32 $0x1BFF;
	s21 =	sshll.u32 s5, $0x1;
	s2 =	sadd.s32 s19, s18  }
0x9c: {  	s6 =	simm.s32 $0x0;
	s20 =	sshll.u32 s4, $0x1;
	s4 =	sadd.s32 s21, s2  }
0x9d: {  	[timem:s6], [sflag:s22] =	dma.local [hbm:s4], s20  }
0x9e: {  	_ =	swait.ge [sflag:s22], s20  }
0x9f: {  	s3 =	ssub.s32 $0x0, s20;
	[sflag:s22] =	ssyncset.done $0x0  }
0xa0: {  	[sflag:s22] =	ssyncadd.s32 s3;
	_ =	sdelay $0x1  }
0xa1: {  	s23 =	simm.s32 $0x1B8B  }
0xa2: {  	_ =	swait.ge [sflag:s23], $0x1  }
0xa3: {  	[sflag:s23] =	ssyncset.done $0x0  }
0xa4: {  	s25 =	simm.s32 $0x1B8E;
	s24 =	sld [smem:$0x3FFE];
	[sflag:s23] =	ssyncadd.s32 $0xFFFFFFFF  }
0xa5: {  	s26 =	simm.s32 $execute0_lowered;
	[smem:$0x3FD2] =	sst s25  }
0xa6: {  	s4 =	sshll.u32 s26, $0x1;
	_ =	strace $0x8000005B;
	[dreg:$0x1] =	wrdreg $0xFFFFFFFF  }
0xa7: {  	s28 =	simm.s32 $_size_execute0_lowered;
	s2 =	sadd.s32 s2, s4;
	[dreg:$0x0] =	wrdreg $0x0  }
0xa8: {  	s4 =	sshll.u32 s28, $0x1;
	[dreg:$0x2] =	wrdreg s2  }
0xa9: {  	[dreg:$0x3] =	wrdreg s4  }
0xaa: {  	[dreg:$0x4] =	wrdreg $0xC0  }
0xab: {  	_ =	task [dreg:s6], $0x5FFFF  }
0xac: {  	[dreg:$0x1] =	wrdreg $0xFFFFFFFF  }
0xad: {  	[dreg:$0x0] =	wrdreg $0x60  }
0xae: {  	[dreg:$0x2] =	wrdreg s24  }
0xaf: {  	[dreg:$0x3] =	wrdreg $0x9  }
0xb0: {  	_ =	task.clear_ibuf [dreg:s6], $0x4FFFF;
	_ =	strace $0x9000005B  }
0xb1: {  	s29 =	simm.s32 $0x9;
	_ =	strace $0x8000005D  }
0xb2: {  	_ =	swait.ge [sflag:s29], $0x1  }
0xb3: {  	[sflag:s29] =	ssyncadd.s32 $0xFFFFFFFF  }
0xb4: {  	_ =	strace $0x9000005D  }
0xb5: {  	_ =	sfence  }
0xb6: {  	s30 =	sld [smem:$0x0];
	_ =	sdelay $0x2  }
0xb7: {  	s31 =	sshll.u32 s1, $0xD;
	s1 =	sshrl.u32 s1, $0x2  }
0xb8: {  	s3 =	sand.u32 $0x4000, s31;
	s1 =	sadd.s32 s1, s30  }
0xb9: {  	s0 =	sor.u32 s3, s0;
	s1 =	sshll.u32 s1, $0x11  }
0xba: {  	s0 =	sor.u32 s1, s0  }
0xbb: {  	s0 =	sadd.s32 $0x8F2B, s0  }
0xbc: {  	[sflag:s0] =	ssyncadd.remote.s32 $0x1  }
0xbd: {  	_ =	sfence.sel $0xFFFF  }
0xbe: {  	[dreg:$0x0] =	wrdreg $0xFFFFFFFF;
	(pc) =	sbr.abs _section_cstart, $3  }
0xbf: {  	[dreg:$0x1] =	wrdreg $0xFFFFFFFF  }
0xc0: {  	_ =	task.clear_ibuf [dreg:s6], $0x2FFFF;
	_ =	strace $0x9FFFFFFF  }
0xc1: {  	(tm) =	ssettm $0x7FFFFFFF  }
tec
execute0_lowered:
.L_overlay_start_1:
0x0: {  	(tag) =	ssettag $0x1  }
0x1: {  	s0 =	srdreg.scid  }
0x2: {  	s10 =	sand.u32 $0x1, s0  }
0x3: {  	s0 =	stileid.u32;
	s1 =	sshll.u32 s10, $0x4  }
0x4: {  	s11 =	sor.u32 s0, s1  }
0x5: {  	s12 =	rddreg [dreg:$0x0];
	s2 =	simm.s32 $0x0;
	s3 =	smul.u32 $0x27, s11  }
0x6: {  	[smem:$0x7FF] =	sst s2  }
0x7: {  	s1 =	rddreg [dreg:$0x1];
	s3 =	sadd.s32 s3, s12  }
0x8: {  	_ =	strace $0x8000005C;
	s4 =	sadd.s32 $0x56D200, s3;
	s3 =	simm.s32 $0x2  }
0x9: {  	[tilespmem:s2], [sflag:$0x2] =	stream.linear.gather [hbm4b:s4+s2], $0x138, $0x38;
	[tilespmem:$0x9D38] =	vst v63  }
0xa: {  	_ =	swait.ge [sflag:s3], $0x138  }
0xb: {  	s6 =	simm.s32 $0x68;
	s7 =	simm.s32 $0x138;
	[sflag:s3] =	ssyncset.done $0x0  }
0xc: {  	s8 =	simm.s32 $0x1;
	s5 =	sadd.s32 $0xA200, s12;
	[sflag:s3] =	ssyncadd.s32 $0xFFFFFEC8  }
0xd: {  	[tilespmem:s7], [sflag:$0x1] =	stream.indirect.gather [hbm4b:s5+s6], $0x80, s2, s6, $0xb8;
	[tilespmem:$0x9D38] =	vst v63  }
0xe: {  	_ =	swait.ge [sflag:s8], $0x3400  }
0xf: {  	s9 =	simm.s32 $0x3538;
	[sflag:s8] =	ssyncset.done $0x0  }
0x10: {  	s14 =	ssub.s32 $0x2, s10;
	s10 =	simm.s32 $0xD0;
	[sflag:s8] =	ssyncadd.s32 $0xFFFFCC00  }
0x11: {  	[tilespmem:s9], [sflag:$0x1] =	stream.indirect.gather [hbm4b:s5+s6], $0x80, s6, s6, $0xb8;
	[tilespmem:$0x9D38] =	vst v63  }
0x12: {  	s15 =	sshrl.u32 s14, $0x1;
	s13 =	smul.u32 $0x1380, s11;
	_ =	swait.ge [sflag:s8], $0x3400  }
0x13: {  	s11 =	simm.s32 $0x6938;
	s31 =	ssub.s32 s14, s15;
	[sflag:s8] =	ssyncset.done $0x0  }
0x14: {  	s12 =	sadd.s32 s13, s12;
	s13 =	smax.u32 s31, $0x1;
	[sflag:s8] =	ssyncadd.s32 $0xFFFFCC00  }
0x15: {  	[tilespmem:s11], [sflag:$0x1] =	stream.indirect.gather [hbm4b:s5+s6], $0x80, s10, s6, $0xb8;
	[tilespmem:$0x9D38] =	vst v63  }
0x16: {  	p0 =	sne.s32 s13, $0x1;
	_ =	swait.ge [sflag:s8], $0x3400  }
.Ltmp0:
0x17: {  	[sflag:s8] =	ssyncset.done $0x0;
	(pc) =	sbr.rel @!p0 .LBB2_2-.Ltmp0, $4  }
0x18: {  	s12 =	sadd.s32 $0x31400, s12;
	[sflag:s8] =	ssyncadd.s32 $0xFFFFCC00  }
0x19: {  	[hbm4b:s12+s2] =	stream.linear.scatter [tilespmem:s7], [sflag:$0x2], $0x9C00, $0x38;
	[tilespmem:$0x9D38] =	vst v63  }
0x1a: {  	_ =	swait.ge [sflag:s3], $0x9C00  }
0x1b: {  	s13 =	sadd.s32 $0xFFFFFFFF, s13;
	[sflag:s3] =	ssyncset.done $0x0  }
.LBB2_1:
0x1c: {  	p0 =	sne.s32 s13, $0x1;
	s13 =	sadd.s32 $0xFFFFFFFF, s13;
	[sflag:s3] =	ssyncadd.s32 $0xFFFF6400  }
0x1d: {  	[tilespmem:s2], [sflag:$0x2] =	stream.linear.gather [hbm4b:s4+s2], $0x138, $0x38;
	[tilespmem:$0x9D38] =	vst v63  }
0x1e: {  	_ =	swait.ge [sflag:s3], $0x138  }
0x1f: {  	[sflag:s3] =	ssyncset.done $0x0  }
0x20: {  	[sflag:s3] =	ssyncadd.s32 $0xFFFFFEC8  }
0x21: {  	[tilespmem:s7], [sflag:$0x1] =	stream.indirect.gather [hbm4b:s5+s6], $0x80, s2, s6, $0xb8;
	[tilespmem:$0x9D38] =	vst v63  }
0x22: {  	_ =	swait.ge [sflag:s8], $0x3400  }
0x23: {  	[sflag:s8] =	ssyncset.done $0x0  }
0x24: {  	[sflag:s8] =	ssyncadd.s32 $0xFFFFCC00  }
0x25: {  	[tilespmem:s9], [sflag:$0x1] =	stream.indirect.gather [hbm4b:s5+s6], $0x80, s6, s6, $0xb8;
	[tilespmem:$0x9D38] =	vst v63  }
0x26: {  	_ =	swait.ge [sflag:s8], $0x3400  }
0x27: {  	[sflag:s8] =	ssyncset.done $0x0  }
0x28: {  	[sflag:s8] =	ssyncadd.s32 $0xFFFFCC00  }
0x29: {  	[tilespmem:s11], [sflag:$0x1] =	stream.indirect.gather [hbm4b:s5+s6], $0x80, s10, s6, $0xb8;
	[tilespmem:$0x9D38] =	vst v63  }
0x2a: {  	_ =	swait.ge [sflag:s8], $0x3400  }
.Ltmp1:
0x2b: {  	[sflag:s8] =	ssyncset.done $0x0;
	(pc) =	sbr.rel @p0 .LBB2_1-.Ltmp1, $4  }
0x2c: {  	[sflag:s8] =	ssyncadd.s32 $0xFFFFCC00  }
0x2d: {  	[hbm4b:s12+s2] =	stream.linear.scatter [tilespmem:s7], [sflag:$0x2], $0x9C00, $0x38;
	[tilespmem:$0x9D38] =	vst v63  }
0x2e: {  	_ =	swait.ge [sflag:s3], $0x9C00  }
0x2f: {  	[sflag:s3] =	ssyncset.done $0x0  }
.LBB2_2:
0x30: {  	[sflag:s3] =	ssyncadd.s32 $0xFFFF6400  }
0x31: {  	_ =	sfence.sel $0x180000  }
0x32: {  	[bflag:$0x0] =	sbarrier.arrive $0xFFFF  }
0x33: {  	p0 =	sne.s32 s0, $0x0;
	_ =	strace $0x9000005C  }
0x34: {  	s0 =	sadd.s32 @!p0 $0x100000, s1;
	[bflag:$0x2] =	sbarrier.arrive $0xFFFF  }
0x35: {  	[sflag:s0] =	ssyncadd.tile.s32 @!p0 $0x1;
	_ =	shalt  }
.Lfunc_end2:
_tile_overlayer_lowered:
.L_overlay_start_2:
0x36: {  	(tag) =	ssettag $0x2  }
0x37: {  	s0 =	rddreg [dreg:$0x0];
	s2 =	stileid.u32  }
0x38: {  	s1 =	rddreg [dreg:$0x1];
	p0 =	sne.s32 s2, $0x0  }
0x39: {  	s3 =	rddreg [dreg:$0x2];
	[bflag:$0x3] =	sbarrier.arrive $0xFFFF;
	s2 =	simm.s32 @!p0 $0x1C02  }
0x3a: {  	[timem:s3], [sflag:s2] =	dma.local @!p0 [hbm:s0], s1  }
0x3b: {  	s0 =	simm.s32 @!p0 $0x2  }
0x3c: {  	_ =	swait.ge @!p0 [sflag:s0], s1  }
0x3d: {  	s1 =	ssub.s32 @!p0 $0x0, s1;
	[sflag:s0] =	ssyncset.done @!p0 $0x0  }
0x3e: {  	[sflag:s0] =	ssyncadd.s32 @!p0 s1  }
0x3f: {  	[bflag:$0x3] =	sbarrier.arrive $0xFFFF  }
0x40: {  	_ =	shalt  }

</sc_bundles>
